<compile_context>
chip_gen: v7x
topology: tpu7x:2x2x1
jax: 0.10.2.dev20260603
libtpu: 0.0.44.dev20260713+nightly
codegen_flags: <defaults>
</compile_context>

<pallas_src>
import functools

import jax
import jax.numpy as jnp
from jax import lax
from jax.experimental import pallas as pl
from jax.experimental.pallas import tpu as pltpu
from jax.experimental.pallas import tpu_sc as plsc

N = 10000
E = 320000
D = 128
H = 128
HH = H // 2
L = 65536
BN_EPS = 1e-5

NP = 10240
NC = 2
NS = 16
NW = NC * NS
SLAB = NP // NS

EPW = E // NW
CK = 125
NCH = EPW // CK
NBC = 40
NB = NCH // NBC
CKD = 125
NCHD = EPW // CKD
DGRP = 8

LH = L // 2
LPW = LH // NW
CKL = 128
NCHL = LPW // CKL

_SC_MESH = plsc.VectorSubcoreMesh(
    core_axis_name="c", subcore_axis_name="s", num_cores=NC, num_subcores=NS)



@functools.partial(
    pl.kernel,
    mesh=_SC_MESH,
    out_type=jax.ShapeDtypeStruct((NC, NP), jnp.float32),
    scratch_types=[
        pltpu.VMEM((NCHD, CKD), jnp.int32),
        pltpu.VMEM((CKD,), jnp.float32),
        pltpu.VMEM_SHARED((NP,), jnp.float32),
        pltpu.SemaphoreType.DMA,
    ],
)
def _deg_kernel(dst_hbm, zero_hbm, ones_hbm, out_hbm, dst_v, ones_v, acc, sem):
    c = lax.axis_index("c")
    s = lax.axis_index("s")
    tid = c * NS + s
    pltpu.sync_copy(dst_hbm.at[tid], dst_v)
    pltpu.sync_copy(ones_hbm, ones_v)
    slab = pl.ds(s * SLAB, SLAB)
    pltpu.sync_copy(zero_hbm.at[slab], acc.at[slab])
    plsc.subcore_barrier()

    def body(g, carry):
        j0 = g * DGRP
        for t in range(DGRP):
            pltpu.async_copy(ones_v, acc.at[dst_v.at[j0 + t]], sem, add=True)
        for t in range(DGRP):
            pltpu.make_async_copy(ones_v, acc.at[dst_v.at[j0 + t]],
                                  sem).wait()
        return carry

    lax.fori_loop(0, NCHD // DGRP, body, 0)
    plsc.subcore_barrier()
    pltpu.sync_copy(acc.at[slab], out_hbm.at[c, slab])


@functools.partial(
    pl.kernel,
    mesh=_SC_MESH,
    out_type=jax.ShapeDtypeStruct((NC, NP, D), jnp.float32),
    scratch_types=[
        pltpu.VMEM((NBC, CK), jnp.int32),
        pltpu.VMEM((NBC, CK), jnp.int32),
        pltpu.VMEM((CK, D), jnp.float32),
        pltpu.VMEM((CK, D), jnp.float32),
        pltpu.VMEM_SHARED((NP, D), jnp.float32),
        pltpu.SemaphoreType.DMA,
        pltpu.SemaphoreType.DMA,
    ],
)
def _agg_kernel(p_hbm, src_hbm, dst_hbm, zero_hbm, out_hbm,
                src_v, dst_v, buf0, buf1, acc, sem0, sem1):
    c = lax.axis_index("c")
    s = lax.axis_index("s")
    tid = c * NS + s
    slab = pl.ds(s * SLAB, SLAB)

    @pl.when(c == 0)
    def _():
        pltpu.sync_copy(p_hbm.at[slab], acc.at[slab])

    @pl.when(c == 1)
    def _():
        pltpu.sync_copy(zero_hbm.at[slab], acc.at[slab])

    plsc.subcore_barrier()

    def block(b, carry):
        rows = pl.ds(b * NBC, NBC)
        pltpu.sync_copy(src_hbm.at[tid, rows], src_v)
        pltpu.sync_copy(dst_hbm.at[tid, rows], dst_v)
        pltpu.async_copy(p_hbm.at[src_v.at[0]], buf0, sem0)

        def body(k, carry2):
            j0 = 2 * k
            g1 = pltpu.async_copy(p_hbm.at[src_v.at[j0 + 1]], buf1, sem1)
            pltpu.make_async_copy(p_hbm.at[src_v.at[j0]], buf0, sem0).wait()
            pltpu.sync_copy(buf0, acc.at[dst_v.at[j0]], add=True)
            pltpu.async_copy(p_hbm.at[src_v.at[j0 + 2]], buf0, sem0)
            g1.wait()
            pltpu.sync_copy(buf1, acc.at[dst_v.at[j0 + 1]], add=True)
            return carry2

        lax.fori_loop(0, NBC // 2 - 1, body, 0)
        gl = pltpu.async_copy(p_hbm.at[src_v.at[NBC - 1]], buf1, sem1)
        pltpu.make_async_copy(p_hbm.at[src_v.at[NBC - 2]], buf0, sem0).wait()
        pltpu.sync_copy(buf0, acc.at[dst_v.at[NBC - 2]], add=True)
        gl.wait()
        pltpu.sync_copy(buf1, acc.at[dst_v.at[NBC - 1]], add=True)
        return carry

    lax.fori_loop(0, NB, block, 0)
    plsc.subcore_barrier()
    pltpu.sync_copy(acc.at[slab], out_hbm.at[c, slab])


@functools.partial(
    pl.kernel,
    mesh=_SC_MESH,
    out_type=(jax.ShapeDtypeStruct((LH, D), jnp.float32),
              jax.ShapeDtypeStruct((LH, D), jnp.float32)),
    scratch_types=[
        pltpu.VMEM((NCHL, CKL), jnp.int32),
        pltpu.VMEM((NCHL, CKL), jnp.int32),
        pltpu.VMEM((CKL, D), jnp.float32),
        pltpu.VMEM((CKL, D), jnp.float32),
        pltpu.VMEM((CKL, D), jnp.float32),
        pltpu.VMEM((CKL, D), jnp.float32),
        pltpu.SemaphoreType.DMA,
        pltpu.SemaphoreType.DMA,
        pltpu.SemaphoreType.DMA,
        pltpu.SemaphoreType.DMA,
    ],
)
def _decode_gather_kernel(zs_hbm, zd_hbm, src_hbm, dst_hbm, es_hbm, ed_hbm,
                          src_v, dst_v, bufa0, bufb0, bufa1, bufb1,
                          sa0, sb0, sa1, sb1):
    c = lax.axis_index("c")
    s = lax.axis_index("s")
    tid = c * NS + s
    base = tid * LPW
    pltpu.sync_copy(src_hbm.at[tid], src_v)
    pltpu.sync_copy(dst_hbm.at[tid], dst_v)

    pltpu.async_copy(zs_hbm.at[src_v.at[0]], bufa0, sa0)
    pltpu.async_copy(zd_hbm.at[dst_v.at[0]], bufb0, sb0)

    def emit(j, bufa, bufb, sa, sb):
        rows = pl.ds(base + j * CKL, CKL)
        pltpu.make_async_copy(zs_hbm.at[src_v.at[j]], bufa, sa).wait()
        pltpu.sync_copy(bufa, es_hbm.at[rows])
        pltpu.make_async_copy(zd_hbm.at[dst_v.at[j]], bufb, sb).wait()
        pltpu.sync_copy(bufb, ed_hbm.at[rows])

    def body(k, carry):
        j0 = 2 * k
        pltpu.async_copy(zs_hbm.at[src_v.at[j0 + 1]], bufa1, sa1)
        pltpu.async_copy(zd_hbm.at[dst_v.at[j0 + 1]], bufb1, sb1)
        emit(j0, bufa0, bufb0, sa0, sb0)
        pltpu.async_copy(zs_hbm.at[src_v.at[j0 + 2]], bufa0, sa0)
        pltpu.async_copy(zd_hbm.at[dst_v.at[j0 + 2]], bufb0, sb0)
        emit(j0 + 1, bufa1, bufb1, sa1, sb1)
        return carry

    lax.fori_loop(0, NCHL // 2 - 1, body, 0)
    pltpu.async_copy(zs_hbm.at[src_v.at[NCHL - 1]], bufa1, sa1)
    pltpu.async_copy(zd_hbm.at[dst_v.at[NCHL - 1]], bufb1, sb1)
    emit(NCHL - 2, bufa0, bufb0, sa0, sb0)
    emit(NCHL - 1, bufa1, bufb1, sa1, sb1)



_R = 2048


def _tc_mm0_body(x_ref, w_ref, h_ref):
    h_ref[...] = jnp.dot(x_ref[...], w_ref[...],
                         preferred_element_type=jnp.float32)


_tc_mm0 = pl.pallas_call(
    _tc_mm0_body,
    grid=(NP // _R,),
    in_specs=[
        pl.BlockSpec((_R, D), lambda i: (i, 0)),
        pl.BlockSpec((D, H), lambda i: (0, 0)),
    ],
    out_specs=pl.BlockSpec((_R, H), lambda i: (i, 0)),
    out_shape=jax.ShapeDtypeStruct((NP, H), jnp.float32),
)


def _tc_scale_body(h_ref, degt_ref, p_ref):
    deg = degt_ref[:, 0:1] + degt_ref[:, 1:2] + 1.0
    di = lax.rsqrt(deg)
    p_ref[...] = di * h_ref[...]


_tc_scale = pl.pallas_call(
    _tc_scale_body,
    grid=(NP // _R,),
    in_specs=[
        pl.BlockSpec((_R, H), lambda i: (i, 0)),
        pl.BlockSpec((_R, 2), lambda i: (i, 0)),
    ],
    out_specs=pl.BlockSpec((_R, H), lambda i: (i, 0)),
    out_shape=jax.ShapeDtypeStruct((NP, H), jnp.float32),
)


def _tc_layer_body(a_ref, degt_ref, b_ref, g_ref, be_ref, w_ref, p_ref):
    di = lax.rsqrt(degt_ref[:, 0:1] + degt_ref[:, 1:2] + 1.0)
    blk = a_ref[...]
    conv = di * (blk[0] + blk[1]) + b_ref[...]
    bn_scale = g_ref[...] * (1.0 / (1.0 + BN_EPS) ** 0.5)
    r = jnp.maximum(conv * bn_scale + be_ref[...], 0.0)
    p_ref[...] = di * jnp.dot(r, w_ref[...],
                              preferred_element_type=jnp.float32)


_tc_layer = pl.pallas_call(
    _tc_layer_body,
    grid=(NP // _R,),
    in_specs=[
        pl.BlockSpec((NC, _R, D), lambda i: (0, i, 0)),
        pl.BlockSpec((_R, 2), lambda i: (i, 0)),
        pl.BlockSpec((1, H), lambda i: (0, 0)),
        pl.BlockSpec((1, H), lambda i: (0, 0)),
        pl.BlockSpec((1, H), lambda i: (0, 0)),
        pl.BlockSpec((H, H), lambda i: (0, 0)),
    ],
    out_specs=pl.BlockSpec((_R, H), lambda i: (i, 0)),
    out_shape=jax.ShapeDtypeStruct((NP, H), jnp.float32),
)


def _tc_z_body(a_ref, degt_ref, b_ref, wa_ref, wb_ref, lpb1_ref,
               zs_ref, zd_ref):
    di = lax.rsqrt(degt_ref[:, 0:1] + degt_ref[:, 1:2] + 1.0)
    blk = a_ref[...]
    z = di * (blk[0] + blk[1]) + b_ref[...]
    zs_ref[...] = jnp.dot(z, wa_ref[...],
                          preferred_element_type=jnp.float32) + lpb1_ref[...]
    zd_ref[...] = jnp.dot(z, wb_ref[...], preferred_element_type=jnp.float32)


_tc_z = pl.pallas_call(
    _tc_z_body,
    grid=(NP // _R,),
    in_specs=[
        pl.BlockSpec((NC, _R, D), lambda i: (0, i, 0)),
        pl.BlockSpec((_R, 2), lambda i: (i, 0)),
        pl.BlockSpec((1, H), lambda i: (0, 0)),
        pl.BlockSpec((H, H), lambda i: (0, 0)),
        pl.BlockSpec((H, H), lambda i: (0, 0)),
        pl.BlockSpec((1, H), lambda i: (0, 0)),
    ],
    out_specs=[
        pl.BlockSpec((_R, H), lambda i: (i, 0)),
        pl.BlockSpec((_R, H), lambda i: (i, 0)),
    ],
    out_shape=[
        jax.ShapeDtypeStruct((NP, H), jnp.float32),
        jax.ShapeDtypeStruct((NP, H), jnp.float32),
    ],
)

_RL = 8192


def _dec_mlp_body(es_ref, ed_ref, w2_ref, b2_ref, w3t_ref, b3_ref, out_ref):
    t = jnp.maximum(es_ref[...] + ed_ref[...], 0.0)
    t2 = jnp.maximum(
        jnp.dot(t, w2_ref[...], preferred_element_type=jnp.float32)
        + b2_ref[...], 0.0)
    out_ref[...] = jnp.sum(t2 * w3t_ref[...], axis=1) + b3_ref[0, 0]


_dec_mlp = pl.pallas_call(
    _dec_mlp_body,
    grid=(LH // _RL,),
    in_specs=[
        pl.BlockSpec((_RL, D), lambda i: (i, 0)),
        pl.BlockSpec((_RL, D), lambda i: (i, 0)),
        pl.BlockSpec((H, HH), lambda i: (0, 0)),
        pl.BlockSpec((1, HH), lambda i: (0, 0)),
        pl.BlockSpec((1, HH), lambda i: (0, 0)),
        pl.BlockSpec((1, 1), lambda i: (0, 0)),
    ],
    out_specs=pl.BlockSpec((_RL,), lambda i: (i,)),
    out_shape=jax.ShapeDtypeStruct((LH,), jnp.float32),
)



def kernel(x, edge_index, edge_label_index, W0, b0, W1, b1, W2, b2,
           g0, be0, g1, be1, lpW1, lpb1, lpW2, lpb2, lpW3, lpb3):
    x_p = jnp.zeros((NP, D), jnp.float32).at[:N].set(x)
    src3 = edge_index[0].reshape(NW, NCH, CK)
    dst3 = edge_index[1].reshape(NW, NCH, CK)
    dst3d = edge_index[1].reshape(NW, NCHD, CKD)
    srcl4 = edge_label_index[0].reshape(2, NW, NCHL, CKL)
    dstl4 = edge_label_index[1].reshape(2, NW, NCHL, CKL)

    zero_np = jnp.zeros((NP,), jnp.float32)
    zero_nd = jnp.zeros((NP, D), jnp.float32)
    ones_ck = jnp.ones((CKD,), jnp.float32)

    h0 = _tc_mm0(x_p, W0)
    degp = _deg_kernel(dst3d, zero_np, ones_ck)
    degt = degp.T

    p0 = _tc_scale(h0, degt)
    a = _agg_kernel(p0, src3, dst3, zero_nd)
    p1 = _tc_layer(a, degt, b0.reshape(1, H), g0.reshape(1, H),
                   be0.reshape(1, H), W1)
    a = _agg_kernel(p1, src3, dst3, zero_nd)
    p2 = _tc_layer(a, degt, b1.reshape(1, H), g1.reshape(1, H),
                   be1.reshape(1, H), W2)
    a = _agg_kernel(p2, src3, dst3, zero_nd)
    zs, zd = _tc_z(a, degt, b2.reshape(1, H), lpW1[:H], lpW1[H:],
                   lpb1.reshape(1, H))

    lpb2r = lpb2.reshape(1, HH)
    lpW3t = lpW3.reshape(1, HH)
    lpb3r = lpb3.reshape(1, 1)
    es0, ed0 = _decode_gather_kernel(zs, zd, srcl4[0], dstl4[0])
    es1, ed1 = _decode_gather_kernel(zs, zd, srcl4[1], dstl4[1])
    out0 = _dec_mlp(es0, ed0, lpW2, lpb2r, lpW3t, lpb3r)
    out1 = _dec_mlp(es1, ed1, lpW2, lpb2r, lpW3t, lpb3r)
    return jnp.concatenate([out0, out1])

# --- scband reference (transcript-rebuilt; emitter-appended) ---
"""Pipeline reference for scband-link-prediction-gnn-47845935677476 (READ-ONLY COPY).

The authoritative reference and input builder live on the scoring server;
editing this copy changes nothing except your own understanding.
"""

import jax, jax.numpy as jnp
import numpy as np

N = 10000
E = 320000
D = 128
H = 128
L = 65536
BN_EPS = 1e-5


def _gcn_conv(x, edge_index, W, b):
    # PyG GCNConv: add self-loops, symmetric normalization D^-1/2 (A+I) D^-1/2 X W + b
    n = x.shape[0]
    src = edge_index[0]
    dst = edge_index[1]
    loop = jnp.arange(n, dtype=src.dtype)
    src2 = jnp.concatenate([src, loop])
    dst2 = jnp.concatenate([dst, loop])
    deg = jnp.zeros((n,), jnp.float32).at[dst2].add(1.0)
    dinv = jax.lax.rsqrt(deg)
    norm = dinv[src2] * dinv[dst2]
    h = x @ W
    msg = h[src2] * norm[:, None]
    out = jnp.zeros((n, W.shape[1]), jnp.float32).at[dst2].add(msg)
    return out + b


def _bn_eval(x, gamma, beta):
    # BatchNorm1d in eval mode with running_mean=0, running_var=1
    return gamma * x / jnp.sqrt(1.0 + BN_EPS) + beta


def setup_inputs(seed: int = 0) -> dict:
    key = jax.random.key(seed)
    ks = jax.random.split(key, 20)
    inp = {}
    inp["x"] = jax.random.normal(ks[0], (N, D), dtype=jnp.float32)
    inp["edge_index"] = jax.random.randint(ks[1], (2, E), 0, N, dtype=jnp.int32)
    inp["edge_label_index"] = jax.random.randint(ks[2], (2, L), 0, N, dtype=jnp.int32)
    # GCN layer weights
    inp["W0"] = jax.random.normal(ks[3], (D, H), dtype=jnp.float32) * 0.05
    inp["b0"] = jnp.zeros((H,), jnp.float32)
    inp["W1"] = jax.random.normal(ks[4], (H, H), dtype=jnp.float32) * 0.05
    inp["b1"] = jnp.zeros((H,), jnp.float32)
    inp["W2"] = jax.random.normal(ks[5], (H, H), dtype=jnp.float32) * 0.05
    inp["b2"] = jnp.zeros((H,), jnp.float32)
    # BatchNorm affine params (torch defaults: gamma=1, beta=0)
    inp["g0"] = jnp.ones((H,), jnp.float32)
    inp["be0"] = jnp.zeros((H,), jnp.float32)
    inp["g1"] = jnp.ones((H,), jnp.float32)
    inp["be1"] = jnp.zeros((H,), jnp.float32)
    # Link predictor MLP: (2H -> H) -> (H -> H//2) -> (H//2 -> 1)
    inp["lpW1"] = jax.random.normal(ks[6], (2 * H, H), dtype=jnp.float32) * 0.05
    inp["lpb1"] = jnp.zeros((H,), jnp.float32)
    inp["lpW2"] = jax.random.normal(ks[7], (H, H // 2), dtype=jnp.float32) * 0.05
    inp["lpb2"] = jnp.zeros((H // 2,), jnp.float32)
    inp["lpW3"] = jax.random.normal(ks[8], (H // 2, 1), dtype=jnp.float32) * 0.05
    inp["lpb3"] = jnp.zeros((1,), jnp.float32)
    return inp


def reference(x, edge_index, edge_label_index, W0, b0, W1, b1, W2, b2, g0, be0, g1, be1, lpW1, lpb1, lpW2, lpb2, lpW3, lpb3):
    # encode
    h = _gcn_conv(x, edge_index, W0, b0)
    h = _bn_eval(h, g0, be0)
    h = jax.nn.relu(h)
    h = _gcn_conv(h, edge_index, W1, b1)
    h = _bn_eval(h, g1, be1)
    h = jax.nn.relu(h)
    z = _gcn_conv(h, edge_index, W2, b2)
    # decode
    src_emb = z[edge_label_index[0]]
    dst_emb = z[edge_label_index[1]]
    e = jnp.concatenate([src_emb, dst_emb], axis=1)
    t = jax.nn.relu(e @ lpW1 + lpb1)
    t = jax.nn.relu(t @ lpW2 + lpb2)
    out = t @ lpW3 + lpb3
    return jnp.squeeze(out, axis=-1)

if __name__ == "__main__":
    import jax
    _d = setup_inputs()
    print(jax.jit(kernel)(*tuple(_d.values())))

</pallas_src>

<mosaic_0001>
#map = affine_map<(d0, d1) -> (0, 0, 0)>
#map1 = affine_map<(d0, d1) -> (0)>
#map2 = affine_map<(d0, d1) -> (0, 0)>
module attributes {stable_mosaic.version = 14 : i64} {
  func.func @_deg_kernel(%arg0: i32, %arg1: i32, %arg2: memref<32x80x125xi32, #tpu.memory_space<hbm>>, %arg3: memref<10240xf32, #tpu.memory_space<hbm>>, %arg4: memref<125xf32, #tpu.memory_space<hbm>>, %arg5: memref<2x10240xf32, #tpu.memory_space<hbm>>, %arg6: memref<80x125xi32, #tpu.memory_space<vmem>>, %arg7: memref<125xf32, #tpu.memory_space<vmem>>, %arg8: memref<10240xf32, #tpu.memory_space<vmem_shared>>, %arg9: memref<!tpu.dma_semaphore, #tpu.memory_space<semaphore_mem>>) attributes {dimension_semantics = [#tpu.dimension_semantics<core_parallel>, #tpu.dimension_semantics<subcore_parallel>], iteration_bounds = array<i64: 2, 16>, scalar_prefetch = 0 : i64, scratch_operands = 4 : i64, tpu.core_type = #tpu.core_type<sc_vector_subcore>, window_params = [{transform_indices = #map}, {transform_indices = #map1}, {transform_indices = #map1}, {transform_indices = #map2}]} {
    %mul3A = arith.constant 16 : i32
    %mul3A_0 = arith.muli %arg0, %mul3A : i32
    %add3A = arith.addi %mul3A_0, %arg1 : i32
    "tpu.region"() ({
      %run_scoped3A = tpu.sem_alloc : memref<!tpu.dma_semaphore, #tpu.memory_space<semaphore_mem>>
      %dma_start3A = arith.constant 0 : i32
      %dma_start3A_9 = arith.constant 0 : i32
      %dma_start3A_10 = tpu.memref_slice %arg2[%add3A, %dma_start3A, %dma_start3A_9] : memref<32x80x125xi32, #tpu.memory_space<hbm>> -> memref<1x80x125xi32, #tpu.memory_space<hbm>>
      %dma_start3A_11 = tpu.memref_squeeze %dma_start3A_10 : memref<1x80x125xi32, #tpu.memory_space<hbm>> -> memref<80x125xi32, #tpu.memory_space<hbm>>
      %dma_start3A_12 = arith.constant 0 : i32
      %dma_start3A_13 = arith.constant 0 : i32
      %dma_start3A_14 = tpu.memref_slice %arg2[%add3A, %dma_start3A_12, %dma_start3A_13] : memref<32x80x125xi32, #tpu.memory_space<hbm>> -> memref<1x80x125xi32, #tpu.memory_space<hbm>>
      %dma_start3A_15 = tpu.memref_squeeze %dma_start3A_14 : memref<1x80x125xi32, #tpu.memory_space<hbm>> -> memref<80x125xi32, #tpu.memory_space<hbm>>
      tpu.enqueue_dma source(%dma_start3A_15 : memref<80x125xi32, #tpu.memory_space<hbm>>) target(%arg6 : memref<80x125xi32, #tpu.memory_space<vmem>>) target_semaphore(%run_scoped3A : memref<!tpu.dma_semaphore, #tpu.memory_space<semaphore_mem>>)
      %dma_wait3A = arith.constant 0 : i32
      %dma_wait3A_16 = arith.constant 0 : i32
      %dma_wait3A_17 = tpu.memref_slice %arg2[%add3A, %dma_wait3A, %dma_wait3A_16] : memref<32x80x125xi32, #tpu.memory_space<hbm>> -> memref<1x80x125xi32, #tpu.memory_space<hbm>>
      %dma_wait3A_18 = tpu.memref_squeeze %dma_wait3A_17 : memref<1x80x125xi32, #tpu.memory_space<hbm>> -> memref<80x125xi32, #tpu.memory_space<hbm>>
      %dma_wait3A_19 = arith.constant 0 : i32
      %dma_wait3A_20 = arith.constant 0 : i32
      %dma_wait3A_21 = tpu.memref_slice %arg2[%add3A, %dma_wait3A_19, %dma_wait3A_20] : memref<32x80x125xi32, #tpu.memory_space<hbm>> -> memref<1x80x125xi32, #tpu.memory_space<hbm>>
      %dma_wait3A_22 = tpu.memref_squeeze %dma_wait3A_21 : memref<1x80x125xi32, #tpu.memory_space<hbm>> -> memref<80x125xi32, #tpu.memory_space<hbm>>
      tpu.wait_dma2 semaphore(%run_scoped3A : memref<!tpu.dma_semaphore, #tpu.memory_space<semaphore_mem>>) src(%dma_wait3A_22 : memref<80x125xi32, #tpu.memory_space<hbm>>) dst(%arg6 : memref<80x125xi32, #tpu.memory_space<vmem>>)
      tpu.yield
    }) : () -> ()
    "tpu.region"() ({
      %run_scoped3A = tpu.sem_alloc : memref<!tpu.dma_semaphore, #tpu.memory_space<semaphore_mem>>
      tpu.enqueue_dma source(%arg4 : memref<125xf32, #tpu.memory_space<hbm>>) target(%arg7 : memref<125xf32, #tpu.memory_space<vmem>>) target_semaphore(%run_scoped3A : memref<!tpu.dma_semaphore, #tpu.memory_space<semaphore_mem>>)
      tpu.wait_dma2 semaphore(%run_scoped3A : memref<!tpu.dma_semaphore, #tpu.memory_space<semaphore_mem>>) src(%arg4 : memref<125xf32, #tpu.memory_space<hbm>>) dst(%arg7 : memref<125xf32, #tpu.memory_space<vmem>>)
      tpu.yield
    }) : () -> ()
    %mul3A_1 = arith.constant 640 : i32
    %mul3A_2 = arith.muli %arg1, %mul3A_1 : i32
    "tpu.region"() ({
      %run_scoped3A = tpu.sem_alloc : memref<!tpu.dma_semaphore, #tpu.memory_space<semaphore_mem>>
      %dma_start3A = tpu.memref_slice %arg8[%mul3A_2] : memref<10240xf32, #tpu.memory_space<vmem_shared>> -> memref<640xf32, #tpu.memory_space<vmem_shared>>
      %dma_start3A_9 = tpu.memref_slice %arg3[%mul3A_2] : memref<10240xf32, #tpu.memory_space<hbm>> -> memref<640xf32, #tpu.memory_space<hbm>>
      tpu.enqueue_dma source(%dma_start3A_9 : memref<640xf32, #tpu.memory_space<hbm>>) target(%dma_start3A : memref<640xf32, #tpu.memory_space<vmem_shared>>) target_semaphore(%run_scoped3A : memref<!tpu.dma_semaphore, #tpu.memory_space<semaphore_mem>>)
      %dma_wait3A = tpu.memref_slice %arg8[%mul3A_2] : memref<10240xf32, #tpu.memory_space<vmem_shared>> -> memref<640xf32, #tpu.memory_space<vmem_shared>>
      %dma_wait3A_10 = tpu.memref_slice %arg3[%mul3A_2] : memref<10240xf32, #tpu.memory_space<hbm>> -> memref<640xf32, #tpu.memory_space<hbm>>
      tpu.wait_dma2 semaphore(%run_scoped3A : memref<!tpu.dma_semaphore, #tpu.memory_space<semaphore_mem>>) src(%dma_wait3A_10 : memref<640xf32, #tpu.memory_space<hbm>>) dst(%dma_wait3A : memref<640xf32, #tpu.memory_space<vmem_shared>>)
      tpu.yield
    }) : () -> ()
    %barrier3A = arith.constant 0 : index
    tpu.barrier barrier_id(%barrier3A)
    %scan3A = arith.constant 0 : i32
    %scan3A_3 = arith.constant 0 : i32
    %scan3A_4 = arith.constant 10 : i32
    %scan3A_5 = arith.addi %scan3A_3, %scan3A_4 : i32
    %scan3A_6 = arith.constant 1 : i32
    scf.for %scan3A_9 = %scan3A_3 to %scan3A_5 step %scan3A_6  : i32 {
      %mul3A_10 = arith.constant 8 : i32
      %mul3A_11 = arith.muli %scan3A_9, %mul3A_10 : i32
      %add3A_12 = arith.constant 0 : i32
      %add3A_13 = arith.addi %mul3A_11, %add3A_12 : i32
      %dma_start3A = arith.constant 0 : i32
      %dma_start3A_14 = tpu.memref_slice %arg6[%add3A_13, %dma_start3A] : memref<80x125xi32, #tpu.memory_space<vmem>> -> memref<1x125xi32, #tpu.memory_space<vmem>>
      %dma_start3A_15 = tpu.memref_squeeze %dma_start3A_14 : memref<1x125xi32, #tpu.memory_space<vmem>> -> memref<125xi32, #tpu.memory_space<vmem>>
      %dma_start3A_16 = arith.constant 0 : i32
      %dma_start3A_17 = tpu.memref_slice %arg8[%dma_start3A_16] : memref<10240xf32, #tpu.memory_space<vmem_shared>> -> memref<10240xf32, #tpu.memory_space<vmem_shared>>
      tpu.enqueue_indirect_dma source(%arg7 : memref<125xf32, #tpu.memory_space<vmem>>) target(%dma_start3A_17 : memref<10240xf32, #tpu.memory_space<vmem_shared>>) offsets(%dma_start3A_15 : memref<125xi32, #tpu.memory_space<vmem>>) semaphore(%arg9 : memref<!tpu.dma_semaphore, #tpu.memory_space<semaphore_mem>>) {add = true}
      %add3A_18 = arith.constant 1 : i32
      %add3A_19 = arith.addi %mul3A_11, %add3A_18 : i32
      %dma_start3A_20 = arith.constant 0 : i32
      %dma_start3A_21 = tpu.memref_slice %arg6[%add3A_19, %dma_start3A_20] : memref<80x125xi32, #tpu.memory_space<vmem>> -> memref<1x125xi32, #tpu.memory_space<vmem>>
      %dma_start3A_22 = tpu.memref_squeeze %dma_start3A_21 : memref<1x125xi32, #tpu.memory_space<vmem>> -> memref<125xi32, #tpu.memory_space<vmem>>
      %dma_start3A_23 = arith.constant 0 : i32
      %dma_start3A_24 = tpu.memref_slice %arg8[%dma_start3A_23] : memref<10240xf32, #tpu.memory_space<vmem_shared>> -> memref<10240xf32, #tpu.memory_space<vmem_shared>>
      tpu.enqueue_indirect_dma source(%arg7 : memref<125xf32, #tpu.memory_space<vmem>>) target(%dma_start3A_24 : memref<10240xf32, #tpu.memory_space<vmem_shared>>) offsets(%dma_start3A_22 : memref<125xi32, #tpu.memory_space<vmem>>) semaphore(%arg9 : memref<!tpu.dma_semaphore, #tpu.memory_space<semaphore_mem>>) {add = true}
      %add3A_25 = arith.constant 2 : i32
      %add3A_26 = arith.addi %mul3A_11, %add3A_25 : i32
      %dma_start3A_27 = arith.constant 0 : i32
      %dma_start3A_28 = tpu.memref_slice %arg6[%add3A_26, %dma_start3A_27] : memref<80x125xi32, #tpu.memory_space<vmem>> -> memref<1x125xi32, #tpu.memory_space<vmem>>
      %dma_start3A_29 = tpu.memref_squeeze %dma_start3A_28 : memref<1x125xi32, #tpu.memory_space<vmem>> -> memref<125xi32, #tpu.memory_space<vmem>>
      %dma_start3A_30 = arith.constant 0 : i32
      %dma_start3A_31 = tpu.memref_slice %arg8[%dma_start3A_30] : memref<10240xf32, #tpu.memory_space<vmem_shared>> -> memref<10240xf32, #tpu.memory_space<vmem_shared>>
      tpu.enqueue_indirect_dma source(%arg7 : memref<125xf32, #tpu.memory_space<vmem>>) target(%dma_start3A_31 : memref<10240xf32, #tpu.memory_space<vmem_shared>>) offsets(%dma_start3A_29 : memref<125xi32, #tpu.memory_space<vmem>>) semaphore(%arg9 : memref<!tpu.dma_semaphore, #tpu.memory_space<semaphore_mem>>) {add = true}
      %add3A_32 = arith.constant 3 : i32
      %add3A_33 = arith.addi %mul3A_11, %add3A_32 : i32
      %dma_start3A_34 = arith.constant 0 : i32
      %dma_start3A_35 = tpu.memref_slice %arg6[%add3A_33, %dma_start3A_34] : memref<80x125xi32, #tpu.memory_space<vmem>> -> memref<1x125xi32, #tpu.memory_space<vmem>>
      %dma_start3A_36 = tpu.memref_squeeze %dma_start3A_35 : memref<1x125xi32, #tpu.memory_space<vmem>> -> memref<125xi32, #tpu.memory_space<vmem>>
      %dma_start3A_37 = arith.constant 0 : i32
      %dma_start3A_38 = tpu.memref_slice %arg8[%dma_start3A_37] : memref<10240xf32, #tpu.memory_space<vmem_shared>> -> memref<10240xf32, #tpu.memory_space<vmem_shared>>
      tpu.enqueue_indirect_dma source(%arg7 : memref<125xf32, #tpu.memory_space<vmem>>) target(%dma_start3A_38 : memref<10240xf32, #tpu.memory_space<vmem_shared>>) offsets(%dma_start3A_36 : memref<125xi32, #tpu.memory_space<vmem>>) semaphore(%arg9 : memref<!tpu.dma_semaphore, #tpu.memory_space<semaphore_mem>>) {add = true}
      %add3A_39 = arith.constant 4 : i32
      %add3A_40 = arith.addi %mul3A_11, %add3A_39 : i32
      %dma_start3A_41 = arith.constant 0 : i32
      %dma_start3A_42 = tpu.memref_slice %arg6[%add3A_40, %dma_start3A_41] : memref<80x125xi32, #tpu.memory_space<vmem>> -> memref<1x125xi32, #tpu.memory_space<vmem>>
      %dma_start3A_43 = tpu.memref_squeeze %dma_start3A_42 : memref<1x125xi32, #tpu.memory_space<vmem>> -> memref<125xi32, #tpu.memory_space<vmem>>
      %dma_start3A_44 = arith.constant 0 : i32
      %dma_start3A_45 = tpu.memref_slice %arg8[%dma_start3A_44] : memref<10240xf32, #tpu.memory_space<vmem_shared>> -> memref<10240xf32, #tpu.memory_space<vmem_shared>>
      tpu.enqueue_indirect_dma source(%arg7 : memref<125xf32, #tpu.memory_space<vmem>>) target(%dma_start3A_45 : memref<10240xf32, #tpu.memory_space<vmem_shared>>) offsets(%dma_start3A_43 : memref<125xi32, #tpu.memory_space<vmem>>) semaphore(%arg9 : memref<!tpu.dma_semaphore, #tpu.memory_space<semaphore_mem>>) {add = true}
      %add3A_46 = arith.constant 5 : i32
      %add3A_47 = arith.addi %mul3A_11, %add3A_46 : i32
      %dma_start3A_48 = arith.constant 0 : i32
      %dma_start3A_49 = tpu.memref_slice %arg6[%add3A_47, %dma_start3A_48] : memref<80x125xi32, #tpu.memory_space<vmem>> -> memref<1x125xi32, #tpu.memory_space<vmem>>
      %dma_start3A_50 = tpu.memref_squeeze %dma_start3A_49 : memref<1x125xi32, #tpu.memory_space<vmem>> -> memref<125xi32, #tpu.memory_space<vmem>>
      %dma_start3A_51 = arith.constant 0 : i32
      %dma_start3A_52 = tpu.memref_slice %arg8[%dma_start3A_51] : memref<10240xf32, #tpu.memory_space<vmem_shared>> -> memref<10240xf32, #tpu.memory_space<vmem_shared>>
      tpu.enqueue_indirect_dma source(%arg7 : memref<125xf32, #tpu.memory_space<vmem>>) target(%dma_start3A_52 : memref<10240xf32, #tpu.memory_space<vmem_shared>>) offsets(%dma_start3A_50 : memref<125xi32, #tpu.memory_space<vmem>>) semaphore(%arg9 : memref<!tpu.dma_semaphore, #tpu.memory_space<semaphore_mem>>) {add = true}
      %add3A_53 = arith.constant 6 : i32
      %add3A_54 = arith.addi %mul3A_11, %add3A_53 : i32
      %dma_start3A_55 = arith.constant 0 : i32
      %dma_start3A_56 = tpu.memref_slice %arg6[%add3A_54, %dma_start3A_55] : memref<80x125xi32, #tpu.memory_space<vmem>> -> memref<1x125xi32, #tpu.memory_space<vmem>>
      %dma_start3A_57 = tpu.memref_squeeze %dma_start3A_56 : memref<1x125xi32, #tpu.memory_space<vmem>> -> memref<125xi32, #tpu.memory_space<vmem>>
      %dma_start3A_58 = arith.constant 0 : i32
      %dma_start3A_59 = tpu.memref_slice %arg8[%dma_start3A_58] : memref<10240xf32, #tpu.memory_space<vmem_shared>> -> memref<10240xf32, #tpu.memory_space<vmem_shared>>
      tpu.enqueue_indirect_dma source(%arg7 : memref<125xf32, #tpu.memory_space<vmem>>) target(%dma_start3A_59 : memref<10240xf32, #tpu.memory_space<vmem_shared>>) offsets(%dma_start3A_57 : memref<125xi32, #tpu.memory_space<vmem>>) semaphore(%arg9 : memref<!tpu.dma_semaphore, #tpu.memory_space<semaphore_mem>>) {add = true}
      %add3A_60 = arith.constant 7 : i32
      %add3A_61 = arith.addi %mul3A_11, %add3A_60 : i32
      %dma_start3A_62 = arith.constant 0 : i32
      %dma_start3A_63 = tpu.memref_slice %arg6[%add3A_61, %dma_start3A_62] : memref<80x125xi32, #tpu.memory_space<vmem>> -> memref<1x125xi32, #tpu.memory_space<vmem>>
      %dma_start3A_64 = tpu.memref_squeeze %dma_start3A_63 : memref<1x125xi32, #tpu.memory_space<vmem>> -> memref<125xi32, #tpu.memory_space<vmem>>
      %dma_start3A_65 = arith.constant 0 : i32
      %dma_start3A_66 = tpu.memref_slice %arg8[%dma_start3A_65] : memref<10240xf32, #tpu.memory_space<vmem_shared>> -> memref<10240xf32, #tpu.memory_space<vmem_shared>>
      tpu.enqueue_indirect_dma source(%arg7 : memref<125xf32, #tpu.memory_space<vmem>>) target(%dma_start3A_66 : memref<10240xf32, #tpu.memory_space<vmem_shared>>) offsets(%dma_start3A_64 : memref<125xi32, #tpu.memory_space<vmem>>) semaphore(%arg9 : memref<!tpu.dma_semaphore, #tpu.memory_space<semaphore_mem>>) {add = true}
      %add3A_67 = arith.constant 0 : i32
      %add3A_68 = arith.addi %mul3A_11, %add3A_67 : i32
      %dma_wait3A = arith.constant 0 : i32
      %dma_wait3A_69 = tpu.memref_slice %arg6[%add3A_68, %dma_wait3A] : memref<80x125xi32, #tpu.memory_space<vmem>> -> memref<1x125xi32, #tpu.memory_space<vmem>>
      %dma_wait3A_70 = tpu.memref_squeeze %dma_wait3A_69 : memref<1x125xi32, #tpu.memory_space<vmem>> -> memref<125xi32, #tpu.memory_space<vmem>>
      %dma_wait3A_71 = arith.constant 0 : i32
      %dma_wait3A_72 = tpu.memref_slice %arg8[%dma_wait3A_71] : memref<10240xf32, #tpu.memory_space<vmem_shared>> -> memref<10240xf32, #tpu.memory_space<vmem_shared>>
      tpu.wait_indirect_dma semaphore(%arg9 : memref<!tpu.dma_semaphore, #tpu.memory_space<semaphore_mem>>) src(%arg7 : memref<125xf32, #tpu.memory_space<vmem>>) dst(%dma_wait3A_72 : memref<10240xf32, #tpu.memory_space<vmem_shared>>)
      %add3A_73 = arith.constant 1 : i32
      %add3A_74 = arith.addi %mul3A_11, %add3A_73 : i32
      %dma_wait3A_75 = arith.constant 0 : i32
      %dma_wait3A_76 = tpu.memref_slice %arg6[%add3A_74, %dma_wait3A_75] : memref<80x125xi32, #tpu.memory_space<vmem>> -> memref<1x125xi32, #tpu.memory_space<vmem>>
      %dma_wait3A_77 = tpu.memref_squeeze %dma_wait3A_76 : memref<1x125xi32, #tpu.memory_space<vmem>> -> memref<125xi32, #tpu.memory_space<vmem>>
      %dma_wait3A_78 = arith.constant 0 : i32
      %dma_wait3A_79 = tpu.memref_slice %arg8[%dma_wait3A_78] : memref<10240xf32, #tpu.memory_space<vmem_shared>> -> memref<10240xf32, #tpu.memory_space<vmem_shared>>
      tpu.wait_indirect_dma semaphore(%arg9 : memref<!tpu.dma_semaphore, #tpu.memory_space<semaphore_mem>>) src(%arg7 : memref<125xf32, #tpu.memory_space<vmem>>) dst(%dma_wait3A_79 : memref<10240xf32, #tpu.memory_space<vmem_shared>>)
      %add3A_80 = arith.constant 2 : i32
      %add3A_81 = arith.addi %mul3A_11, %add3A_80 : i32
      %dma_wait3A_82 = arith.constant 0 : i32
      %dma_wait3A_83 = tpu.memref_slice %arg6[%add3A_81, %dma_wait3A_82] : memref<80x125xi32, #tpu.memory_space<vmem>> -> memref<1x125xi32, #tpu.memory_space<vmem>>
      %dma_wait3A_84 = tpu.memref_squeeze %dma_wait3A_83 : memref<1x125xi32, #tpu.memory_space<vmem>> -> memref<125xi32, #tpu.memory_space<vmem>>
      %dma_wait3A_85 = arith.constant 0 : i32
      %dma_wait3A_86 = tpu.memref_slice %arg8[%dma_wait3A_85] : memref<10240xf32, #tpu.memory_space<vmem_shared>> -> memref<10240xf32, #tpu.memory_space<vmem_shared>>
      tpu.wait_indirect_dma semaphore(%arg9 : memref<!tpu.dma_semaphore, #tpu.memory_space<semaphore_mem>>) src(%arg7 : memref<125xf32, #tpu.memory_space<vmem>>) dst(%dma_wait3A_86 : memref<10240xf32, #tpu.memory_space<vmem_shared>>)
      %add3A_87 = arith.constant 3 : i32
      %add3A_88 = arith.addi %mul3A_11, %add3A_87 : i32
      %dma_wait3A_89 = arith.constant 0 : i32
      %dma_wait3A_90 = tpu.memref_slice %arg6[%add3A_88, %dma_wait3A_89] : memref<80x125xi32, #tpu.memory_space<vmem>> -> memref<1x125xi32, #tpu.memory_space<vmem>>
      %dma_wait3A_91 = tpu.memref_squeeze %dma_wait3A_90 : memref<1x125xi32, #tpu.memory_space<vmem>> -> memref<125xi32, #tpu.memory_space<vmem>>
      %dma_wait3A_92 = arith.constant 0 : i32
      %dma_wait3A_93 = tpu.memref_slice %arg8[%dma_wait3A_92] : memref<10240xf32, #tpu.memory_space<vmem_shared>> -> memref<10240xf32, #tpu.memory_space<vmem_shared>>
      tpu.wait_indirect_dma semaphore(%arg9 : memref<!tpu.dma_semaphore, #tpu.memory_space<semaphore_mem>>) src(%arg7 : memref<125xf32, #tpu.memory_space<vmem>>) dst(%dma_wait3A_93 : memref<10240xf32, #tpu.memory_space<vmem_shared>>)
      %add3A_94 = arith.constant 4 : i32
      %add3A_95 = arith.addi %mul3A_11, %add3A_94 : i32
      %dma_wait3A_96 = arith.constant 0 : i32
      %dma_wait3A_97 = tpu.memref_slice %arg6[%add3A_95, %dma_wait3A_96] : memref<80x125xi32, #tpu.memory_space<vmem>> -> memref<1x125xi32, #tpu.memory_space<vmem>>
      %dma_wait3A_98 = tpu.memref_squeeze %dma_wait3A_97 : memref<1x125xi32, #tpu.memory_space<vmem>> -> memref<125xi32, #tpu.memory_space<vmem>>
      %dma_wait3A_99 = arith.constant 0 : i32
      %dma_wait3A_100 = tpu.memref_slice %arg8[%dma_wait3A_99] : memref<10240xf32, #tpu.memory_space<vmem_shared>> -> memref<10240xf32, #tpu.memory_space<vmem_shared>>
      tpu.wait_indirect_dma semaphore(%arg9 : memref<!tpu.dma_semaphore, #tpu.memory_space<semaphore_mem>>) src(%arg7 : memref<125xf32, #tpu.memory_space<vmem>>) dst(%dma_wait3A_100 : memref<10240xf32, #tpu.memory_space<vmem_shared>>)
      %add3A_101 = arith.constant 5 : i32
      %add3A_102 = arith.addi %mul3A_11, %add3A_101 : i32
      %dma_wait3A_103 = arith.constant 0 : i32
      %dma_wait3A_104 = tpu.memref_slice %arg6[%add3A_102, %dma_wait3A_103] : memref<80x125xi32, #tpu.memory_space<vmem>> -> memref<1x125xi32, #tpu.memory_space<vmem>>
      %dma_wait3A_105 = tpu.memref_squeeze %dma_wait3A_104 : memref<1x125xi32, #tpu.memory_space<vmem>> -> memref<125xi32, #tpu.memory_space<vmem>>
      %dma_wait3A_106 = arith.constant 0 : i32
      %dma_wait3A_107 = tpu.memref_slice %arg8[%dma_wait3A_106] : memref<10240xf32, #tpu.memory_space<vmem_shared>> -> memref<10240xf32, #tpu.memory_space<vmem_shared>>
      tpu.wait_indirect_dma semaphore(%arg9 : memref<!tpu.dma_semaphore, #tpu.memory_space<semaphore_mem>>) src(%arg7 : memref<125xf32, #tpu.memory_space<vmem>>) dst(%dma_wait3A_107 : memref<10240xf32, #tpu.memory_space<vmem_shared>>)
      %add3A_108 = arith.constant 6 : i32
      %add3A_109 = arith.addi %mul3A_11, %add3A_108 : i32
      %dma_wait3A_110 = arith.constant 0 : i32
      %dma_wait3A_111 = tpu.memref_slice %arg6[%add3A_109, %dma_wait3A_110] : memref<80x125xi32, #tpu.memory_space<vmem>> -> memref<1x125xi32, #tpu.memory_space<vmem>>
      %dma_wait3A_112 = tpu.memref_squeeze %dma_wait3A_111 : memref<1x125xi32, #tpu.memory_space<vmem>> -> memref<125xi32, #tpu.memory_space<vmem>>
      %dma_wait3A_113 = arith.constant 0 : i32
      %dma_wait3A_114 = tpu.memref_slice %arg8[%dma_wait3A_113] : memref<10240xf32, #tpu.memory_space<vmem_shared>> -> memref<10240xf32, #tpu.memory_space<vmem_shared>>
      tpu.wait_indirect_dma semaphore(%arg9 : memref<!tpu.dma_semaphore, #tpu.memory_space<semaphore_mem>>) src(%arg7 : memref<125xf32, #tpu.memory_space<vmem>>) dst(%dma_wait3A_114 : memref<10240xf32, #tpu.memory_space<vmem_shared>>)
      %add3A_115 = arith.constant 7 : i32
      %add3A_116 = arith.addi %mul3A_11, %add3A_115 : i32
      %dma_wait3A_117 = arith.constant 0 : i32
      %dma_wait3A_118 = tpu.memref_slice %arg6[%add3A_116, %dma_wait3A_117] : memref<80x125xi32, #tpu.memory_space<vmem>> -> memref<1x125xi32, #tpu.memory_space<vmem>>
      %dma_wait3A_119 = tpu.memref_squeeze %dma_wait3A_118 : memref<1x125xi32, #tpu.memory_space<vmem>> -> memref<125xi32, #tpu.memory_space<vmem>>
      %dma_wait3A_120 = arith.constant 0 : i32
      %dma_wait3A_121 = tpu.memref_slice %arg8[%dma_wait3A_120] : memref<10240xf32, #tpu.memory_space<vmem_shared>> -> memref<10240xf32, #tpu.memory_space<vmem_shared>>
      tpu.wait_indirect_dma semaphore(%arg9 : memref<!tpu.dma_semaphore, #tpu.memory_space<semaphore_mem>>) src(%arg7 : memref<125xf32, #tpu.memory_space<vmem>>) dst(%dma_wait3A_121 : memref<10240xf32, #tpu.memory_space<vmem_shared>>)
    }
    %scan3A_7 = arith.constant 10 : i32
    %barrier3A_8 = arith.constant 0 : index
    tpu.barrier barrier_id(%barrier3A_8)
    "tpu.region"() ({
      %run_scoped3A = tpu.sem_alloc : memref<!tpu.dma_semaphore, #tpu.memory_space<semaphore_mem>>
      %dma_start3A = tpu.memref_slice %arg5[%arg0, %mul3A_2] : memref<2x10240xf32, #tpu.memory_space<hbm>> -> memref<1x640xf32, #tpu.memory_space<hbm>>
      %dma_start3A_9 = tpu.memref_squeeze %dma_start3A : memref<1x640xf32, #tpu.memory_space<hbm>> -> memref<640xf32, #tpu.memory_space<hbm>>
      %dma_start3A_10 = tpu.memref_slice %arg8[%mul3A_2] : memref<10240xf32, #tpu.memory_space<vmem_shared>> -> memref<640xf32, #tpu.memory_space<vmem_shared>>
      tpu.enqueue_dma source(%dma_start3A_10 : memref<640xf32, #tpu.memory_space<vmem_shared>>) target(%dma_start3A_9 : memref<640xf32, #tpu.memory_space<hbm>>) target_semaphore(%run_scoped3A : memref<!tpu.dma_semaphore, #tpu.memory_space<semaphore_mem>>)
      %dma_wait3A = tpu.memref_slice %arg5[%arg0, %mul3A_2] : memref<2x10240xf32, #tpu.memory_space<hbm>> -> memref<1x640xf32, #tpu.memory_space<hbm>>
      %dma_wait3A_11 = tpu.memref_squeeze %dma_wait3A : memref<1x640xf32, #tpu.memory_space<hbm>> -> memref<640xf32, #tpu.memory_space<hbm>>
      %dma_wait3A_12 = tpu.memref_slice %arg8[%mul3A_2] : memref<10240xf32, #tpu.memory_space<vmem_shared>> -> memref<640xf32, #tpu.memory_space<vmem_shared>>
      tpu.wait_dma2 semaphore(%run_scoped3A : memref<!tpu.dma_semaphore, #tpu.memory_space<semaphore_mem>>) src(%dma_wait3A_12 : memref<640xf32, #tpu.memory_space<vmem_shared>>) dst(%dma_wait3A_11 : memref<640xf32, #tpu.memory_space<hbm>>)
      tpu.yield
    }) : () -> ()
    return
  }
}

#map = affine_map<(d0, d1) -> (0, 0)>
#map1 = affine_map<(d0, d1) -> (0, 0, 0)>
module attributes {stable_mosaic.version = 14 : i64} {
  func.func @_agg_kernel(%arg0: i32, %arg1: i32, %arg2: memref<10240x128xf32, #tpu.memory_space<hbm>>, %arg3: memref<32x80x125xi32, #tpu.memory_space<hbm>>, %arg4: memref<32x80x125xi32, #tpu.memory_space<hbm>>, %arg5: memref<10240x128xf32, #tpu.memory_space<hbm>>, %arg6: memref<2x10240x128xf32, #tpu.memory_space<hbm>>, %arg7: memref<40x125xi32, #tpu.memory_space<vmem>>, %arg8: memref<40x125xi32, #tpu.memory_space<vmem>>, %arg9: memref<125x128xf32, #tpu.memory_space<vmem>>, %arg10: memref<125x128xf32, #tpu.memory_space<vmem>>, %arg11: memref<10240x128xf32, #tpu.memory_space<vmem_shared>>, %arg12: memref<!tpu.dma_semaphore, #tpu.memory_space<semaphore_mem>>, %arg13: memref<!tpu.dma_semaphore, #tpu.memory_space<semaphore_mem>>) attributes {dimension_semantics = [#tpu.dimension_semantics<core_parallel>, #tpu.dimension_semantics<subcore_parallel>], iteration_bounds = array<i64: 2, 16>, scalar_prefetch = 0 : i64, scratch_operands = 7 : i64, tpu.core_type = #tpu.core_type<sc_vector_subcore>, window_params = [{transform_indices = #map}, {transform_indices = #map1}, {transform_indices = #map1}, {transform_indices = #map}, {transform_indices = #map1}]} {
    %mul3A = arith.constant 16 : i32
    %mul3A_0 = arith.muli %arg0, %mul3A : i32
    %add3A = arith.addi %mul3A_0, %arg1 : i32
    %mul3A_1 = arith.constant 640 : i32
    %mul3A_2 = arith.muli %arg1, %mul3A_1 : i32
    %eq3A = arith.constant 0 : i32
    %eq3A_3 = arith.cmpi eq, %arg0, %eq3A : i32
    %convert_element_type3A = arith.extui %eq3A_3 : i1 to i32
    %cond3A = arith.constant 0 : i32
    %cond3A_4 = arith.cmpi ne, %convert_element_type3A, %cond3A : i32
    scf.if %cond3A_4 {
      "tpu.region"() ({
        %run_scoped3A = tpu.sem_alloc : memref<!tpu.dma_semaphore, #tpu.memory_space<semaphore_mem>>
        %dma_start3A = arith.constant 0 : i32
        %dma_start3A_16 = tpu.memref_slice %arg11[%mul3A_2, %dma_start3A] : memref<10240x128xf32, #tpu.memory_space<vmem_shared>> -> memref<640x128xf32, #tpu.memory_space<vmem_shared>>
        %dma_start3A_17 = arith.constant 0 : i32
        %dma_start3A_18 = tpu.memref_slice %arg2[%mul3A_2, %dma_start3A_17] : memref<10240x128xf32, #tpu.memory_space<hbm>> -> memref<640x128xf32, #tpu.memory_space<hbm>>
        tpu.enqueue_dma source(%dma_start3A_18 : memref<640x128xf32, #tpu.memory_space<hbm>>) target(%dma_start3A_16 : memref<640x128xf32, #tpu.memory_space<vmem_shared>>) target_semaphore(%run_scoped3A : memref<!tpu.dma_semaphore, #tpu.memory_space<semaphore_mem>>)
        %dma_wait3A = arith.constant 0 : i32
        %dma_wait3A_19 = tpu.memref_slice %arg11[%mul3A_2, %dma_wait3A] : memref<10240x128xf32, #tpu.memory_space<vmem_shared>> -> memref<640x128xf32, #tpu.memory_space<vmem_shared>>
        %dma_wait3A_20 = arith.constant 0 : i32
        %dma_wait3A_21 = tpu.memref_slice %arg2[%mul3A_2, %dma_wait3A_20] : memref<10240x128xf32, #tpu.memory_space<hbm>> -> memref<640x128xf32, #tpu.memory_space<hbm>>
        tpu.wait_dma2 semaphore(%run_scoped3A : memref<!tpu.dma_semaphore, #tpu.memory_space<semaphore_mem>>) src(%dma_wait3A_21 : memref<640x128xf32, #tpu.memory_space<hbm>>) dst(%dma_wait3A_19 : memref<640x128xf32, #tpu.memory_space<vmem_shared>>)
        tpu.yield
      }) : () -> ()
    } else {
    }
    %eq3A_5 = arith.constant 1 : i32
    %eq3A_6 = arith.cmpi eq, %arg0, %eq3A_5 : i32
    %convert_element_type3A_7 = arith.extui %eq3A_6 : i1 to i32
    %cond3A_8 = arith.constant 0 : i32
    %cond3A_9 = arith.cmpi ne, %convert_element_type3A_7, %cond3A_8 : i32
    scf.if %cond3A_9 {
      "tpu.region"() ({
        %run_scoped3A = tpu.sem_alloc : memref<!tpu.dma_semaphore, #tpu.memory_space<semaphore_mem>>
        %dma_start3A = arith.constant 0 : i32
        %dma_start3A_16 = tpu.memref_slice %arg11[%mul3A_2, %dma_start3A] : memref<10240x128xf32, #tpu.memory_space<vmem_shared>> -> memref<640x128xf32, #tpu.memory_space<vmem_shared>>
        %dma_start3A_17 = arith.constant 0 : i32
        %dma_start3A_18 = tpu.memref_slice %arg5[%mul3A_2, %dma_start3A_17] : memref<10240x128xf32, #tpu.memory_space<hbm>> -> memref<640x128xf32, #tpu.memory_space<hbm>>
        tpu.enqueue_dma source(%dma_start3A_18 : memref<640x128xf32, #tpu.memory_space<hbm>>) target(%dma_start3A_16 : memref<640x128xf32, #tpu.memory_space<vmem_shared>>) target_semaphore(%run_scoped3A : memref<!tpu.dma_semaphore, #tpu.memory_space<semaphore_mem>>)
        %dma_wait3A = arith.constant 0 : i32
        %dma_wait3A_19 = tpu.memref_slice %arg11[%mul3A_2, %dma_wait3A] : memref<10240x128xf32, #tpu.memory_space<vmem_shared>> -> memref<640x128xf32, #tpu.memory_space<vmem_shared>>
        %dma_wait3A_20 = arith.constant 0 : i32
        %dma_wait3A_21 = tpu.memref_slice %arg5[%mul3A_2, %dma_wait3A_20] : memref<10240x128xf32, #tpu.memory_space<hbm>> -> memref<640x128xf32, #tpu.memory_space<hbm>>
        tpu.wait_dma2 semaphore(%run_scoped3A : memref<!tpu.dma_semaphore, #tpu.memory_space<semaphore_mem>>) src(%dma_wait3A_21 : memref<640x128xf32, #tpu.memory_space<hbm>>) dst(%dma_wait3A_19 : memref<640x128xf32, #tpu.memory_space<vmem_shared>>)
        tpu.yield
      }) : () -> ()
    } else {
    }
    %barrier3A = arith.constant 0 : index
    tpu.barrier barrier_id(%barrier3A)
    %scan3A = arith.constant 0 : i32
    %scan3A_10 = arith.constant 0 : i32
    %scan3A_11 = arith.constant 2 : i32
    %scan3A_12 = arith.addi %scan3A_10, %scan3A_11 : i32
    %scan3A_13 = arith.constant 1 : i32
    scf.for %scan3A_16 = %scan3A_10 to %scan3A_12 step %scan3A_13  : i32 {
      %mul3A_17 = arith.constant 40 : i32
      %mul3A_18 = arith.muli %scan3A_16, %mul3A_17 : i32
      "tpu.region"() ({
        %run_scoped3A_52 = tpu.sem_alloc : memref<!tpu.dma_semaphore, #tpu.memory_space<semaphore_mem>>
        %dma_start3A_53 = arith.constant 0 : i32
        %dma_start3A_54 = tpu.memref_slice %arg3[%add3A, %mul3A_18, %dma_start3A_53] : memref<32x80x125xi32, #tpu.memory_space<hbm>> -> memref<1x40x125xi32, #tpu.memory_space<hbm>>
        %dma_start3A_55 = tpu.memref_squeeze %dma_start3A_54 : memref<1x40x125xi32, #tpu.memory_space<hbm>> -> memref<40x125xi32, #tpu.memory_space<hbm>>
        %dma_start3A_56 = arith.constant 0 : i32
        %dma_start3A_57 = tpu.memref_slice %arg3[%add3A, %mul3A_18, %dma_start3A_56] : memref<32x80x125xi32, #tpu.memory_space<hbm>> -> memref<1x40x125xi32, #tpu.memory_space<hbm>>
        %dma_start3A_58 = tpu.memref_squeeze %dma_start3A_57 : memref<1x40x125xi32, #tpu.memory_space<hbm>> -> memref<40x125xi32, #tpu.memory_space<hbm>>
        tpu.enqueue_dma source(%dma_start3A_58 : memref<40x125xi32, #tpu.memory_space<hbm>>) target(%arg7 : memref<40x125xi32, #tpu.memory_space<vmem>>) target_semaphore(%run_scoped3A_52 : memref<!tpu.dma_semaphore, #tpu.memory_space<semaphore_mem>>)
        %dma_wait3A_59 = arith.constant 0 : i32
        %dma_wait3A_60 = tpu.memref_slice %arg3[%add3A, %mul3A_18, %dma_wait3A_59] : memref<32x80x125xi32, #tpu.memory_space<hbm>> -> memref<1x40x125xi32, #tpu.memory_space<hbm>>
        %dma_wait3A_61 = tpu.memref_squeeze %dma_wait3A_60 : memref<1x40x125xi32, #tpu.memory_space<hbm>> -> memref<40x125xi32, #tpu.memory_space<hbm>>
        %dma_wait3A_62 = arith.constant 0 : i32
        %dma_wait3A_63 = tpu.memref_slice %arg3[%add3A, %mul3A_18, %dma_wait3A_62] : memref<32x80x125xi32, #tpu.memory_space<hbm>> -> memref<1x40x125xi32, #tpu.memory_space<hbm>>
        %dma_wait3A_64 = tpu.memref_squeeze %dma_wait3A_63 : memref<1x40x125xi32, #tpu.memory_space<hbm>> -> memref<40x125xi32, #tpu.memory_space<hbm>>
        tpu.wait_dma2 semaphore(%run_scoped3A_52 : memref<!tpu.dma_semaphore, #tpu.memory_space<semaphore_mem>>) src(%dma_wait3A_64 : memref<40x125xi32, #tpu.memory_space<hbm>>) dst(%arg7 : memref<40x125xi32, #tpu.memory_space<vmem>>)
        tpu.yield
      }) : () -> ()
      "tpu.region"() ({
        %run_scoped3A_52 = tpu.sem_alloc : memref<!tpu.dma_semaphore, #tpu.memory_space<semaphore_mem>>
        %dma_start3A_53 = arith.constant 0 : i32
        %dma_start3A_54 = tpu.memref_slice %arg4[%add3A, %mul3A_18, %dma_start3A_53] : memref<32x80x125xi32, #tpu.memory_space<hbm>> -> memref<1x40x125xi32, #tpu.memory_space<hbm>>
        %dma_start3A_55 = tpu.memref_squeeze %dma_start3A_54 : memref<1x40x125xi32, #tpu.memory_space<hbm>> -> memref<40x125xi32, #tpu.memory_space<hbm>>
        %dma_start3A_56 = arith.constant 0 : i32
        %dma_start3A_57 = tpu.memref_slice %arg4[%add3A, %mul3A_18, %dma_start3A_56] : memref<32x80x125xi32, #tpu.memory_space<hbm>> -> memref<1x40x125xi32, #tpu.memory_space<hbm>>
        %dma_start3A_58 = tpu.memref_squeeze %dma_start3A_57 : memref<1x40x125xi32, #tpu.memory_space<hbm>> -> memref<40x125xi32, #tpu.memory_space<hbm>>
        tpu.enqueue_dma source(%dma_start3A_58 : memref<40x125xi32, #tpu.memory_space<hbm>>) target(%arg8 : memref<40x125xi32, #tpu.memory_space<vmem>>) target_semaphore(%run_scoped3A_52 : memref<!tpu.dma_semaphore, #tpu.memory_space<semaphore_mem>>)
        %dma_wait3A_59 = arith.constant 0 : i32
        %dma_wait3A_60 = tpu.memref_slice %arg4[%add3A, %mul3A_18, %dma_wait3A_59] : memref<32x80x125xi32, #tpu.memory_space<hbm>> -> memref<1x40x125xi32, #tpu.memory_space<hbm>>
        %dma_wait3A_61 = tpu.memref_squeeze %dma_wait3A_60 : memref<1x40x125xi32, #tpu.memory_space<hbm>> -> memref<40x125xi32, #tpu.memory_space<hbm>>
        %dma_wait3A_62 = arith.constant 0 : i32
        %dma_wait3A_63 = tpu.memref_slice %arg4[%add3A, %mul3A_18, %dma_wait3A_62] : memref<32x80x125xi32, #tpu.memory_space<hbm>> -> memref<1x40x125xi32, #tpu.memory_space<hbm>>
        %dma_wait3A_64 = tpu.memref_squeeze %dma_wait3A_63 : memref<1x40x125xi32, #tpu.memory_space<hbm>> -> memref<40x125xi32, #tpu.memory_space<hbm>>
        tpu.wait_dma2 semaphore(%run_scoped3A_52 : memref<!tpu.dma_semaphore, #tpu.memory_space<semaphore_mem>>) src(%dma_wait3A_64 : memref<40x125xi32, #tpu.memory_space<hbm>>) dst(%arg8 : memref<40x125xi32, #tpu.memory_space<vmem>>)
        tpu.yield
      }) : () -> ()
      %dma_start3A = arith.constant 0 : i32
      %dma_start3A_19 = arith.constant 0 : i32
      %dma_start3A_20 = tpu.memref_slice %arg7[%dma_start3A, %dma_start3A_19] : memref<40x125xi32, #tpu.memory_space<vmem>> -> memref<1x125xi32, #tpu.memory_space<vmem>>
      %dma_start3A_21 = tpu.memref_squeeze %dma_start3A_20 : memref<1x125xi32, #tpu.memory_space<vmem>> -> memref<125xi32, #tpu.memory_space<vmem>>
      %dma_start3A_22 = arith.constant 0 : i32
      %dma_start3A_23 = arith.constant 0 : i32
      %dma_start3A_24 = tpu.memref_slice %arg2[%dma_start3A_22, %dma_start3A_23] : memref<10240x128xf32, #tpu.memory_space<hbm>> -> memref<10240x128xf32, #tpu.memory_space<hbm>>
      tpu.enqueue_indirect_dma source(%dma_start3A_24 : memref<10240x128xf32, #tpu.memory_space<hbm>>) target(%arg9 : memref<125x128xf32, #tpu.memory_space<vmem>>) offsets(%dma_start3A_21 : memref<125xi32, #tpu.memory_space<vmem>>) semaphore(%arg12 : memref<!tpu.dma_semaphore, #tpu.memory_space<semaphore_mem>>)
      %scan3A_25 = arith.constant 0 : i32
      %scan3A_26 = arith.constant 0 : i32
      %scan3A_27 = arith.constant 19 : i32
      %scan3A_28 = arith.addi %scan3A_26, %scan3A_27 : i32
      %scan3A_29 = arith.constant 1 : i32
      scf.for %scan3A_52 = %scan3A_26 to %scan3A_28 step %scan3A_29  : i32 {
        %mul3A_53 = arith.constant 2 : i32
        %mul3A_54 = arith.muli %mul3A_53, %scan3A_52 : i32
        %add3A_55 = arith.constant 1 : i32
        %add3A_56 = arith.addi %mul3A_54, %add3A_55 : i32
        %dma_start3A_57 = arith.constant 0 : i32
        %dma_start3A_58 = tpu.memref_slice %arg7[%add3A_56, %dma_start3A_57] : memref<40x125xi32, #tpu.memory_space<vmem>> -> memref<1x125xi32, #tpu.memory_space<vmem>>
        %dma_start3A_59 = tpu.memref_squeeze %dma_start3A_58 : memref<1x125xi32, #tpu.memory_space<vmem>> -> memref<125xi32, #tpu.memory_space<vmem>>
        %dma_start3A_60 = arith.constant 0 : i32
        %dma_start3A_61 = arith.constant 0 : i32
        %dma_start3A_62 = tpu.memref_slice %arg2[%dma_start3A_60, %dma_start3A_61] : memref<10240x128xf32, #tpu.memory_space<hbm>> -> memref<10240x128xf32, #tpu.memory_space<hbm>>
        tpu.enqueue_indirect_dma source(%dma_start3A_62 : memref<10240x128xf32, #tpu.memory_space<hbm>>) target(%arg10 : memref<125x128xf32, #tpu.memory_space<vmem>>) offsets(%dma_start3A_59 : memref<125xi32, #tpu.memory_space<vmem>>) semaphore(%arg13 : memref<!tpu.dma_semaphore, #tpu.memory_space<semaphore_mem>>)
        %dma_wait3A_63 = arith.constant 0 : i32
        %dma_wait3A_64 = tpu.memref_slice %arg7[%mul3A_54, %dma_wait3A_63] : memref<40x125xi32, #tpu.memory_space<vmem>> -> memref<1x125xi32, #tpu.memory_space<vmem>>
        %dma_wait3A_65 = tpu.memref_squeeze %dma_wait3A_64 : memref<1x125xi32, #tpu.memory_space<vmem>> -> memref<125xi32, #tpu.memory_space<vmem>>
        %dma_wait3A_66 = arith.constant 0 : i32
        %dma_wait3A_67 = arith.constant 0 : i32
        %dma_wait3A_68 = tpu.memref_slice %arg2[%dma_wait3A_66, %dma_wait3A_67] : memref<10240x128xf32, #tpu.memory_space<hbm>> -> memref<10240x128xf32, #tpu.memory_space<hbm>>
        tpu.wait_indirect_dma semaphore(%arg12 : memref<!tpu.dma_semaphore, #tpu.memory_space<semaphore_mem>>) src(%dma_wait3A_68 : memref<10240x128xf32, #tpu.memory_space<hbm>>) dst(%arg9 : memref<125x128xf32, #tpu.memory_space<vmem>>)
        "tpu.region"() ({
          %run_scoped3A_85 = tpu.sem_alloc : memref<!tpu.dma_semaphore, #tpu.memory_space<semaphore_mem>>
          %dma_start3A_86 = arith.constant 0 : i32
          %dma_start3A_87 = tpu.memref_slice %arg8[%mul3A_54, %dma_start3A_86] : memref<40x125xi32, #tpu.memory_space<vmem>> -> memref<1x125xi32, #tpu.memory_space<vmem>>
          %dma_start3A_88 = tpu.memref_squeeze %dma_start3A_87 : memref<1x125xi32, #tpu.memory_space<vmem>> -> memref<125xi32, #tpu.memory_space<vmem>>
          %dma_start3A_89 = arith.constant 0 : i32
          %dma_start3A_90 = arith.constant 0 : i32
          %dma_start3A_91 = tpu.memref_slice %arg11[%dma_start3A_89, %dma_start3A_90] : memref<10240x128xf32, #tpu.memory_space<vmem_shared>> -> memref<10240x128xf32, #tpu.memory_space<vmem_shared>>
          tpu.enqueue_indirect_dma source(%arg9 : memref<125x128xf32, #tpu.memory_space<vmem>>) target(%dma_start3A_91 : memref<10240x128xf32, #tpu.memory_space<vmem_shared>>) offsets(%dma_start3A_88 : memref<125xi32, #tpu.memory_space<vmem>>) semaphore(%run_scoped3A_85 : memref<!tpu.dma_semaphore, #tpu.memory_space<semaphore_mem>>) {add = true}
          %dma_wait3A_92 = arith.constant 0 : i32
          %dma_wait3A_93 = tpu.memref_slice %arg8[%mul3A_54, %dma_wait3A_92] : memref<40x125xi32, #tpu.memory_space<vmem>> -> memref<1x125xi32, #tpu.memory_space<vmem>>
          %dma_wait3A_94 = tpu.memref_squeeze %dma_wait3A_93 : memref<1x125xi32, #tpu.memory_space<vmem>> -> memref<125xi32, #tpu.memory_space<vmem>>
          %dma_wait3A_95 = arith.constant 0 : i32
          %dma_wait3A_96 = arith.constant 0 : i32
          %dma_wait3A_97 = tpu.memref_slice %arg11[%dma_wait3A_95, %dma_wait3A_96] : memref<10240x128xf32, #tpu.memory_space<vmem_shared>> -> memref<10240x128xf32, #tpu.memory_space<vmem_shared>>
          tpu.wait_indirect_dma semaphore(%run_scoped3A_85 : memref<!tpu.dma_semaphore, #tpu.memory_space<semaphore_mem>>) src(%arg9 : memref<125x128xf32, #tpu.memory_space<vmem>>) dst(%dma_wait3A_97 : memref<10240x128xf32, #tpu.memory_space<vmem_shared>>)
          tpu.yield
        }) : () -> ()
        %add3A_69 = arith.constant 2 : i32
        %add3A_70 = arith.addi %mul3A_54, %add3A_69 : i32
        %dma_start3A_71 = arith.constant 0 : i32
        %dma_start3A_72 = tpu.memref_slice %arg7[%add3A_70, %dma_start3A_71] : memref<40x125xi32, #tpu.memory_space<vmem>> -> memref<1x125xi32, #tpu.memory_space<vmem>>
        %dma_start3A_73 = tpu.memref_squeeze %dma_start3A_72 : memref<1x125xi32, #tpu.memory_space<vmem>> -> memref<125xi32, #tpu.memory_space<vmem>>
        %dma_start3A_74 = arith.constant 0 : i32
        %dma_start3A_75 = arith.constant 0 : i32
        %dma_start3A_76 = tpu.memref_slice %arg2[%dma_start3A_74, %dma_start3A_75] : memref<10240x128xf32, #tpu.memory_space<hbm>> -> memref<10240x128xf32, #tpu.memory_space<hbm>>
        tpu.enqueue_indirect_dma source(%dma_start3A_76 : memref<10240x128xf32, #tpu.memory_space<hbm>>) target(%arg9 : memref<125x128xf32, #tpu.memory_space<vmem>>) offsets(%dma_start3A_73 : memref<125xi32, #tpu.memory_space<vmem>>) semaphore(%arg12 : memref<!tpu.dma_semaphore, #tpu.memory_space<semaphore_mem>>)
        %dma_wait3A_77 = arith.constant 0 : i32
        %dma_wait3A_78 = tpu.memref_slice %arg7[%add3A_56, %dma_wait3A_77] : memref<40x125xi32, #tpu.memory_space<vmem>> -> memref<1x125xi32, #tpu.memory_space<vmem>>
        %dma_wait3A_79 = tpu.memref_squeeze %dma_wait3A_78 : memref<1x125xi32, #tpu.memory_space<vmem>> -> memref<125xi32, #tpu.memory_space<vmem>>
        %dma_wait3A_80 = arith.constant 0 : i32
        %dma_wait3A_81 = arith.constant 0 : i32
        %dma_wait3A_82 = tpu.memref_slice %arg2[%dma_wait3A_80, %dma_wait3A_81] : memref<10240x128xf32, #tpu.memory_space<hbm>> -> memref<10240x128xf32, #tpu.memory_space<hbm>>
        tpu.wait_indirect_dma semaphore(%arg13 : memref<!tpu.dma_semaphore, #tpu.memory_space<semaphore_mem>>) src(%dma_wait3A_82 : memref<10240x128xf32, #tpu.memory_space<hbm>>) dst(%arg10 : memref<125x128xf32, #tpu.memory_space<vmem>>)
        %add3A_83 = arith.constant 1 : i32
        %add3A_84 = arith.addi %mul3A_54, %add3A_83 : i32
        "tpu.region"() ({
          %run_scoped3A_85 = tpu.sem_alloc : memref<!tpu.dma_semaphore, #tpu.memory_space<semaphore_mem>>
          %dma_start3A_86 = arith.constant 0 : i32
          %dma_start3A_87 = tpu.memref_slice %arg8[%add3A_84, %dma_start3A_86] : memref<40x125xi32, #tpu.memory_space<vmem>> -> memref<1x125xi32, #tpu.memory_space<vmem>>
          %dma_start3A_88 = tpu.memref_squeeze %dma_start3A_87 : memref<1x125xi32, #tpu.memory_space<vmem>> -> memref<125xi32, #tpu.memory_space<vmem>>
          %dma_start3A_89 = arith.constant 0 : i32
          %dma_start3A_90 = arith.constant 0 : i32
          %dma_start3A_91 = tpu.memref_slice %arg11[%dma_start3A_89, %dma_start3A_90] : memref<10240x128xf32, #tpu.memory_space<vmem_shared>> -> memref<10240x128xf32, #tpu.memory_space<vmem_shared>>
          tpu.enqueue_indirect_dma source(%arg10 : memref<125x128xf32, #tpu.memory_space<vmem>>) target(%dma_start3A_91 : memref<10240x128xf32, #tpu.memory_space<vmem_shared>>) offsets(%dma_start3A_88 : memref<125xi32, #tpu.memory_space<vmem>>) semaphore(%run_scoped3A_85 : memref<!tpu.dma_semaphore, #tpu.memory_space<semaphore_mem>>) {add = true}
          %dma_wait3A_92 = arith.constant 0 : i32
          %dma_wait3A_93 = tpu.memref_slice %arg8[%add3A_84, %dma_wait3A_92] : memref<40x125xi32, #tpu.memory_space<vmem>> -> memref<1x125xi32, #tpu.memory_space<vmem>>
          %dma_wait3A_94 = tpu.memref_squeeze %dma_wait3A_93 : memref<1x125xi32, #tpu.memory_space<vmem>> -> memref<125xi32, #tpu.memory_space<vmem>>
          %dma_wait3A_95 = arith.constant 0 : i32
          %dma_wait3A_96 = arith.constant 0 : i32
          %dma_wait3A_97 = tpu.memref_slice %arg11[%dma_wait3A_95, %dma_wait3A_96] : memref<10240x128xf32, #tpu.memory_space<vmem_shared>> -> memref<10240x128xf32, #tpu.memory_space<vmem_shared>>
          tpu.wait_indirect_dma semaphore(%run_scoped3A_85 : memref<!tpu.dma_semaphore, #tpu.memory_space<semaphore_mem>>) src(%arg10 : memref<125x128xf32, #tpu.memory_space<vmem>>) dst(%dma_wait3A_97 : memref<10240x128xf32, #tpu.memory_space<vmem_shared>>)
          tpu.yield
        }) : () -> ()
      }
      %scan3A_30 = arith.constant 19 : i32
      %dma_start3A_31 = arith.constant 39 : i32
      %dma_start3A_32 = arith.constant 0 : i32
      %dma_start3A_33 = tpu.memref_slice %arg7[%dma_start3A_31, %dma_start3A_32] : memref<40x125xi32, #tpu.memory_space<vmem>> -> memref<1x125xi32, #tpu.memory_space<vmem>>
      %dma_start3A_34 = tpu.memref_squeeze %dma_start3A_33 : memref<1x125xi32, #tpu.memory_space<vmem>> -> memref<125xi32, #tpu.memory_space<vmem>>
      %dma_start3A_35 = arith.constant 0 : i32
      %dma_start3A_36 = arith.constant 0 : i32
      %dma_start3A_37 = tpu.memref_slice %arg2[%dma_start3A_35, %dma_start3A_36] : memref<10240x128xf32, #tpu.memory_space<hbm>> -> memref<10240x128xf32, #tpu.memory_space<hbm>>
      tpu.enqueue_indirect_dma source(%dma_start3A_37 : memref<10240x128xf32, #tpu.memory_space<hbm>>) target(%arg10 : memref<125x128xf32, #tpu.memory_space<vmem>>) offsets(%dma_start3A_34 : memref<125xi32, #tpu.memory_space<vmem>>) semaphore(%arg13 : memref<!tpu.dma_semaphore, #tpu.memory_space<semaphore_mem>>)
      %dma_wait3A = arith.constant 38 : i32
      %dma_wait3A_38 = arith.constant 0 : i32
      %dma_wait3A_39 = tpu.memref_slice %arg7[%dma_wait3A, %dma_wait3A_38] : memref<40x125xi32, #tpu.memory_space<vmem>> -> memref<1x125xi32, #tpu.memory_space<vmem>>
      %dma_wait3A_40 = tpu.memref_squeeze %dma_wait3A_39 : memref<1x125xi32, #tpu.memory_space<vmem>> -> memref<125xi32, #tpu.memory_space<vmem>>
      %dma_wait3A_41 = arith.constant 0 : i32
      %dma_wait3A_42 = arith.constant 0 : i32
      %dma_wait3A_43 = tpu.memref_slice %arg2[%dma_wait3A_41, %dma_wait3A_42] : memref<10240x128xf32, #tpu.memory_space<hbm>> -> memref<10240x128xf32, #tpu.memory_space<hbm>>
      tpu.wait_indirect_dma semaphore(%arg12 : memref<!tpu.dma_semaphore, #tpu.memory_space<semaphore_mem>>) src(%dma_wait3A_43 : memref<10240x128xf32, #tpu.memory_space<hbm>>) dst(%arg9 : memref<125x128xf32, #tpu.memory_space<vmem>>)
      %run_scoped3A = arith.constant 38 : i32
      "tpu.region"() ({
        %run_scoped3A_52 = tpu.sem_alloc : memref<!tpu.dma_semaphore, #tpu.memory_space<semaphore_mem>>
        %dma_start3A_53 = arith.constant 0 : i32
        %dma_start3A_54 = tpu.memref_slice %arg8[%run_scoped3A, %dma_start3A_53] : memref<40x125xi32, #tpu.memory_space<vmem>> -> memref<1x125xi32, #tpu.memory_space<vmem>>
        %dma_start3A_55 = tpu.memref_squeeze %dma_start3A_54 : memref<1x125xi32, #tpu.memory_space<vmem>> -> memref<125xi32, #tpu.memory_space<vmem>>
        %dma_start3A_56 = arith.constant 0 : i32
        %dma_start3A_57 = arith.constant 0 : i32
        %dma_start3A_58 = tpu.memref_slice %arg11[%dma_start3A_56, %dma_start3A_57] : memref<10240x128xf32, #tpu.memory_space<vmem_shared>> -> memref<10240x128xf32, #tpu.memory_space<vmem_shared>>
        tpu.enqueue_indirect_dma source(%arg9 : memref<125x128xf32, #tpu.memory_space<vmem>>) target(%dma_start3A_58 : memref<10240x128xf32, #tpu.memory_space<vmem_shared>>) offsets(%dma_start3A_55 : memref<125xi32, #tpu.memory_space<vmem>>) semaphore(%run_scoped3A_52 : memref<!tpu.dma_semaphore, #tpu.memory_space<semaphore_mem>>) {add = true}
        %dma_wait3A_59 = arith.constant 0 : i32
        %dma_wait3A_60 = tpu.memref_slice %arg8[%run_scoped3A, %dma_wait3A_59] : memref<40x125xi32, #tpu.memory_space<vmem>> -> memref<1x125xi32, #tpu.memory_space<vmem>>
        %dma_wait3A_61 = tpu.memref_squeeze %dma_wait3A_60 : memref<1x125xi32, #tpu.memory_space<vmem>> -> memref<125xi32, #tpu.memory_space<vmem>>
        %dma_wait3A_62 = arith.constant 0 : i32
        %dma_wait3A_63 = arith.constant 0 : i32
        %dma_wait3A_64 = tpu.memref_slice %arg11[%dma_wait3A_62, %dma_wait3A_63] : memref<10240x128xf32, #tpu.memory_space<vmem_shared>> -> memref<10240x128xf32, #tpu.memory_space<vmem_shared>>
        tpu.wait_indirect_dma semaphore(%run_scoped3A_52 : memref<!tpu.dma_semaphore, #tpu.memory_space<semaphore_mem>>) src(%arg9 : memref<125x128xf32, #tpu.memory_space<vmem>>) dst(%dma_wait3A_64 : memref<10240x128xf32, #tpu.memory_space<vmem_shared>>)
        tpu.yield
      }) : () -> ()
      %dma_wait3A_44 = arith.constant 39 : i32
      %dma_wait3A_45 = arith.constant 0 : i32
      %dma_wait3A_46 = tpu.memref_slice %arg7[%dma_wait3A_44, %dma_wait3A_45] : memref<40x125xi32, #tpu.memory_space<vmem>> -> memref<1x125xi32, #tpu.memory_space<vmem>>
      %dma_wait3A_47 = tpu.memref_squeeze %dma_wait3A_46 : memref<1x125xi32, #tpu.memory_space<vmem>> -> memref<125xi32, #tpu.memory_space<vmem>>
      %dma_wait3A_48 = arith.constant 0 : i32
      %dma_wait3A_49 = arith.constant 0 : i32
      %dma_wait3A_50 = tpu.memref_slice %arg2[%dma_wait3A_48, %dma_wait3A_49] : memref<10240x128xf32, #tpu.memory_space<hbm>> -> memref<10240x128xf32, #tpu.memory_space<hbm>>
      tpu.wait_indirect_dma semaphore(%arg13 : memref<!tpu.dma_semaphore, #tpu.memory_space<semaphore_mem>>) src(%dma_wait3A_50 : memref<10240x128xf32, #tpu.memory_space<hbm>>) dst(%arg10 : memref<125x128xf32, #tpu.memory_space<vmem>>)
      %run_scoped3A_51 = arith.constant 39 : i32
      "tpu.region"() ({
        %run_scoped3A_52 = tpu.sem_alloc : memref<!tpu.dma_semaphore, #tpu.memory_space<semaphore_mem>>
        %dma_start3A_53 = arith.constant 0 : i32
        %dma_start3A_54 = tpu.memref_slice %arg8[%run_scoped3A_51, %dma_start3A_53] : memref<40x125xi32, #tpu.memory_space<vmem>> -> memref<1x125xi32, #tpu.memory_space<vmem>>
        %dma_start3A_55 = tpu.memref_squeeze %dma_start3A_54 : memref<1x125xi32, #tpu.memory_space<vmem>> -> memref<125xi32, #tpu.memory_space<vmem>>
        %dma_start3A_56 = arith.constant 0 : i32
        %dma_start3A_57 = arith.constant 0 : i32
        %dma_start3A_58 = tpu.memref_slice %arg11[%dma_start3A_56, %dma_start3A_57] : memref<10240x128xf32, #tpu.memory_space<vmem_shared>> -> memref<10240x128xf32, #tpu.memory_space<vmem_shared>>
        tpu.enqueue_indirect_dma source(%arg10 : memref<125x128xf32, #tpu.memory_space<vmem>>) target(%dma_start3A_58 : memref<10240x128xf32, #tpu.memory_space<vmem_shared>>) offsets(%dma_start3A_55 : memref<125xi32, #tpu.memory_space<vmem>>) semaphore(%run_scoped3A_52 : memref<!tpu.dma_semaphore, #tpu.memory_space<semaphore_mem>>) {add = true}
        %dma_wait3A_59 = arith.constant 0 : i32
        %dma_wait3A_60 = tpu.memref_slice %arg8[%run_scoped3A_51, %dma_wait3A_59] : memref<40x125xi32, #tpu.memory_space<vmem>> -> memref<1x125xi32, #tpu.memory_space<vmem>>
        %dma_wait3A_61 = tpu.memref_squeeze %dma_wait3A_60 : memref<1x125xi32, #tpu.memory_space<vmem>> -> memref<125xi32, #tpu.memory_space<vmem>>
        %dma_wait3A_62 = arith.constant 0 : i32
        %dma_wait3A_63 = arith.constant 0 : i32
        %dma_wait3A_64 = tpu.memref_slice %arg11[%dma_wait3A_62, %dma_wait3A_63] : memref<10240x128xf32, #tpu.memory_space<vmem_shared>> -> memref<10240x128xf32, #tpu.memory_space<vmem_shared>>
        tpu.wait_indirect_dma semaphore(%run_scoped3A_52 : memref<!tpu.dma_semaphore, #tpu.memory_space<semaphore_mem>>) src(%arg10 : memref<125x128xf32, #tpu.memory_space<vmem>>) dst(%dma_wait3A_64 : memref<10240x128xf32, #tpu.memory_space<vmem_shared>>)
        tpu.yield
      }) : () -> ()
    }
    %scan3A_14 = arith.constant 2 : i32
    %barrier3A_15 = arith.constant 0 : index
    tpu.barrier barrier_id(%barrier3A_15)
    "tpu.region"() ({
      %run_scoped3A = tpu.sem_alloc : memref<!tpu.dma_semaphore, #tpu.memory_space<semaphore_mem>>
      %dma_start3A = arith.constant 0 : i32
      %dma_start3A_16 = tpu.memref_slice %arg6[%arg0, %mul3A_2, %dma_start3A] : memref<2x10240x128xf32, #tpu.memory_space<hbm>> -> memref<1x640x128xf32, #tpu.memory_space<hbm>>
      %dma_start3A_17 = tpu.memref_squeeze %dma_start3A_16 : memref<1x640x128xf32, #tpu.memory_space<hbm>> -> memref<640x128xf32, #tpu.memory_space<hbm>>
      %dma_start3A_18 = arith.constant 0 : i32
      %dma_start3A_19 = tpu.memref_slice %arg11[%mul3A_2, %dma_start3A_18] : memref<10240x128xf32, #tpu.memory_space<vmem_shared>> -> memref<640x128xf32, #tpu.memory_space<vmem_shared>>
      tpu.enqueue_dma source(%dma_start3A_19 : memref<640x128xf32, #tpu.memory_space<vmem_shared>>) target(%dma_start3A_17 : memref<640x128xf32, #tpu.memory_space<hbm>>) target_semaphore(%run_scoped3A : memref<!tpu.dma_semaphore, #tpu.memory_space<semaphore_mem>>)
      %dma_wait3A = arith.constant 0 : i32
      %dma_wait3A_20 = tpu.memref_slice %arg6[%arg0, %mul3A_2, %dma_wait3A] : memref<2x10240x128xf32, #tpu.memory_space<hbm>> -> memref<1x640x128xf32, #tpu.memory_space<hbm>>
      %dma_wait3A_21 = tpu.memref_squeeze %dma_wait3A_20 : memref<1x640x128xf32, #tpu.memory_space<hbm>> -> memref<640x128xf32, #tpu.memory_space<hbm>>
      %dma_wait3A_22 = arith.constant 0 : i32
      %dma_wait3A_23 = tpu.memref_slice %arg11[%mul3A_2, %dma_wait3A_22] : memref<10240x128xf32, #tpu.memory_space<vmem_shared>> -> memref<640x128xf32, #tpu.memory_space<vmem_shared>>
      tpu.wait_dma2 semaphore(%run_scoped3A : memref<!tpu.dma_semaphore, #tpu.memory_space<semaphore_mem>>) src(%dma_wait3A_23 : memref<640x128xf32, #tpu.memory_space<vmem_shared>>) dst(%dma_wait3A_21 : memref<640x128xf32, #tpu.memory_space<hbm>>)
      tpu.yield
    }) : () -> ()
    return
  }
}

#map = affine_map<(d0, d1) -> (0, 0)>
#map1 = affine_map<(d0, d1) -> (0, 0, 0)>
module attributes {stable_mosaic.version = 14 : i64} {
  func.func @_agg_kernel(%arg0: i32, %arg1: i32, %arg2: memref<10240x128xf32, #tpu.memory_space<hbm>>, %arg3: memref<32x80x125xi32, #tpu.memory_space<hbm>>, %arg4: memref<32x80x125xi32, #tpu.memory_space<hbm>>, %arg5: memref<10240x128xf32, #tpu.memory_space<hbm>>, %arg6: memref<2x10240x128xf32, #tpu.memory_space<hbm>>, %arg7: memref<40x125xi32, #tpu.memory_space<vmem>>, %arg8: memref<40x125xi32, #tpu.memory_space<vmem>>, %arg9: memref<125x128xf32, #tpu.memory_space<vmem>>, %arg10: memref<125x128xf32, #tpu.memory_space<vmem>>, %arg11: memref<10240x128xf32, #tpu.memory_space<vmem_shared>>, %arg12: memref<!tpu.dma_semaphore, #tpu.memory_space<semaphore_mem>>, %arg13: memref<!tpu.dma_semaphore, #tpu.memory_space<semaphore_mem>>) attributes {dimension_semantics = [#tpu.dimension_semantics<core_parallel>, #tpu.dimension_semantics<subcore_parallel>], iteration_bounds = array<i64: 2, 16>, scalar_prefetch = 0 : i64, scratch_operands = 7 : i64, tpu.core_type = #tpu.core_type<sc_vector_subcore>, window_params = [{transform_indices = #map}, {transform_indices = #map1}, {transform_indices = #map1}, {transform_indices = #map}, {transform_indices = #map1}]} {
    %mul3A = arith.constant 16 : i32
    %mul3A_0 = arith.muli %arg0, %mul3A : i32
    %add3A = arith.addi %mul3A_0, %arg1 : i32
    %mul3A_1 = arith.constant 640 : i32
    %mul3A_2 = arith.muli %arg1, %mul3A_1 : i32
    %eq3A = arith.constant 0 : i32
    %eq3A_3 = arith.cmpi eq, %arg0, %eq3A : i32
    %convert_element_type3A = arith.extui %eq3A_3 : i1 to i32
    %cond3A = arith.constant 0 : i32
    %cond3A_4 = arith.cmpi ne, %convert_element_type3A, %cond3A : i32
    scf.if %cond3A_4 {
      "tpu.region"() ({
        %run_scoped3A = tpu.sem_alloc : memref<!tpu.dma_semaphore, #tpu.memory_space<semaphore_mem>>
        %dma_start3A = arith.constant 0 : i32
        %dma_start3A_16 = tpu.memref_slice %arg11[%mul3A_2, %dma_start3A] : memref<10240x128xf32, #tpu.memory_space<vmem_shared>> -> memref<640x128xf32, #tpu.memory_space<vmem_shared>>
        %dma_start3A_17 = arith.constant 0 : i32
        %dma_start3A_18 = tpu.memref_slice %arg2[%mul3A_2, %dma_start3A_17] : memref<10240x128xf32, #tpu.memory_space<hbm>> -> memref<640x128xf32, #tpu.memory_space<hbm>>
        tpu.enqueue_dma source(%dma_start3A_18 : memref<640x128xf32, #tpu.memory_space<hbm>>) target(%dma_start3A_16 : memref<640x128xf32, #tpu.memory_space<vmem_shared>>) target_semaphore(%run_scoped3A : memref<!tpu.dma_semaphore, #tpu.memory_space<semaphore_mem>>)
        %dma_wait3A = arith.constant 0 : i32
        %dma_wait3A_19 = tpu.memref_slice %arg11[%mul3A_2, %dma_wait3A] : memref<10240x128xf32, #tpu.memory_space<vmem_shared>> -> memref<640x128xf32, #tpu.memory_space<vmem_shared>>
        %dma_wait3A_20 = arith.constant 0 : i32
        %dma_wait3A_21 = tpu.memref_slice %arg2[%mul3A_2, %dma_wait3A_20] : memref<10240x128xf32, #tpu.memory_space<hbm>> -> memref<640x128xf32, #tpu.memory_space<hbm>>
        tpu.wait_dma2 semaphore(%run_scoped3A : memref<!tpu.dma_semaphore, #tpu.memory_space<semaphore_mem>>) src(%dma_wait3A_21 : memref<640x128xf32, #tpu.memory_space<hbm>>) dst(%dma_wait3A_19 : memref<640x128xf32, #tpu.memory_space<vmem_shared>>)
        tpu.yield
      }) : () -> ()
    } else {
    }
    %eq3A_5 = arith.constant 1 : i32
    %eq3A_6 = arith.cmpi eq, %arg0, %eq3A_5 : i32
    %convert_element_type3A_7 = arith.extui %eq3A_6 : i1 to i32
    %cond3A_8 = arith.constant 0 : i32
    %cond3A_9 = arith.cmpi ne, %convert_element_type3A_7, %cond3A_8 : i32
    scf.if %cond3A_9 {
      "tpu.region"() ({
        %run_scoped3A = tpu.sem_alloc : memref<!tpu.dma_semaphore, #tpu.memory_space<semaphore_mem>>
        %dma_start3A = arith.constant 0 : i32
        %dma_start3A_16 = tpu.memref_slice %arg11[%mul3A_2, %dma_start3A] : memref<10240x128xf32, #tpu.memory_space<vmem_shared>> -> memref<640x128xf32, #tpu.memory_space<vmem_shared>>
        %dma_start3A_17 = arith.constant 0 : i32
        %dma_start3A_18 = tpu.memref_slice %arg5[%mul3A_2, %dma_start3A_17] : memref<10240x128xf32, #tpu.memory_space<hbm>> -> memref<640x128xf32, #tpu.memory_space<hbm>>
        tpu.enqueue_dma source(%dma_start3A_18 : memref<640x128xf32, #tpu.memory_space<hbm>>) target(%dma_start3A_16 : memref<640x128xf32, #tpu.memory_space<vmem_shared>>) target_semaphore(%run_scoped3A : memref<!tpu.dma_semaphore, #tpu.memory_space<semaphore_mem>>)
        %dma_wait3A = arith.constant 0 : i32
        %dma_wait3A_19 = tpu.memref_slice %arg11[%mul3A_2, %dma_wait3A] : memref<10240x128xf32, #tpu.memory_space<vmem_shared>> -> memref<640x128xf32, #tpu.memory_space<vmem_shared>>
        %dma_wait3A_20 = arith.constant 0 : i32
        %dma_wait3A_21 = tpu.memref_slice %arg5[%mul3A_2, %dma_wait3A_20] : memref<10240x128xf32, #tpu.memory_space<hbm>> -> memref<640x128xf32, #tpu.memory_space<hbm>>
        tpu.wait_dma2 semaphore(%run_scoped3A : memref<!tpu.dma_semaphore, #tpu.memory_space<semaphore_mem>>) src(%dma_wait3A_21 : memref<640x128xf32, #tpu.memory_space<hbm>>) dst(%dma_wait3A_19 : memref<640x128xf32, #tpu.memory_space<vmem_shared>>)
        tpu.yield
      }) : () -> ()
    } else {
    }
    %barrier3A = arith.constant 0 : index
    tpu.barrier barrier_id(%barrier3A)
    %scan3A = arith.constant 0 : i32
    %scan3A_10 = arith.constant 0 : i32
    %scan3A_11 = arith.constant 2 : i32
    %scan3A_12 = arith.addi %scan3A_10, %scan3A_11 : i32
    %scan3A_13 = arith.constant 1 : i32
    scf.for %scan3A_16 = %scan3A_10 to %scan3A_12 step %scan3A_13  : i32 {
      %mul3A_17 = arith.constant 40 : i32
      %mul3A_18 = arith.muli %scan3A_16, %mul3A_17 : i32
      "tpu.region"() ({
        %run_scoped3A_52 = tpu.sem_alloc : memref<!tpu.dma_semaphore, #tpu.memory_space<semaphore_mem>>
        %dma_start3A_53 = arith.constant 0 : i32
        %dma_start3A_54 = tpu.memref_slice %arg3[%add3A, %mul3A_18, %dma_start3A_53] : memref<32x80x125xi32, #tpu.memory_space<hbm>> -> memref<1x40x125xi32, #tpu.memory_space<hbm>>
        %dma_start3A_55 = tpu.memref_squeeze %dma_start3A_54 : memref<1x40x125xi32, #tpu.memory_space<hbm>> -> memref<40x125xi32, #tpu.memory_space<hbm>>
        %dma_start3A_56 = arith.constant 0 : i32
        %dma_start3A_57 = tpu.memref_slice %arg3[%add3A, %mul3A_18, %dma_start3A_56] : memref<32x80x125xi32, #tpu.memory_space<hbm>> -> memref<1x40x125xi32, #tpu.memory_space<hbm>>
        %dma_start3A_58 = tpu.memref_squeeze %dma_start3A_57 : memref<1x40x125xi32, #tpu.memory_space<hbm>> -> memref<40x125xi32, #tpu.memory_space<hbm>>
        tpu.enqueue_dma source(%dma_start3A_58 : memref<40x125xi32, #tpu.memory_space<hbm>>) target(%arg7 : memref<40x125xi32, #tpu.memory_space<vmem>>) target_semaphore(%run_scoped3A_52 : memref<!tpu.dma_semaphore, #tpu.memory_space<semaphore_mem>>)
        %dma_wait3A_59 = arith.constant 0 : i32
        %dma_wait3A_60 = tpu.memref_slice %arg3[%add3A, %mul3A_18, %dma_wait3A_59] : memref<32x80x125xi32, #tpu.memory_space<hbm>> -> memref<1x40x125xi32, #tpu.memory_space<hbm>>
        %dma_wait3A_61 = tpu.memref_squeeze %dma_wait3A_60 : memref<1x40x125xi32, #tpu.memory_space<hbm>> -> memref<40x125xi32, #tpu.memory_space<hbm>>
        %dma_wait3A_62 = arith.constant 0 : i32
        %dma_wait3A_63 = tpu.memref_slice %arg3[%add3A, %mul3A_18, %dma_wait3A_62] : memref<32x80x125xi32, #tpu.memory_space<hbm>> -> memref<1x40x125xi32, #tpu.memory_space<hbm>>
        %dma_wait3A_64 = tpu.memref_squeeze %dma_wait3A_63 : memref<1x40x125xi32, #tpu.memory_space<hbm>> -> memref<40x125xi32, #tpu.memory_space<hbm>>
        tpu.wait_dma2 semaphore(%run_scoped3A_52 : memref<!tpu.dma_semaphore, #tpu.memory_space<semaphore_mem>>) src(%dma_wait3A_64 : memref<40x125xi32, #tpu.memory_space<hbm>>) dst(%arg7 : memref<40x125xi32, #tpu.memory_space<vmem>>)
        tpu.yield
      }) : () -> ()
      "tpu.region"() ({
        %run_scoped3A_52 = tpu.sem_alloc : memref<!tpu.dma_semaphore, #tpu.memory_space<semaphore_mem>>
        %dma_start3A_53 = arith.constant 0 : i32
        %dma_start3A_54 = tpu.memref_slice %arg4[%add3A, %mul3A_18, %dma_start3A_53] : memref<32x80x125xi32, #tpu.memory_space<hbm>> -> memref<1x40x125xi32, #tpu.memory_space<hbm>>
        %dma_start3A_55 = tpu.memref_squeeze %dma_start3A_54 : memref<1x40x125xi32, #tpu.memory_space<hbm>> -> memref<40x125xi32, #tpu.memory_space<hbm>>
        %dma_start3A_56 = arith.constant 0 : i32
        %dma_start3A_57 = tpu.memref_slice %arg4[%add3A, %mul3A_18, %dma_start3A_56] : memref<32x80x125xi32, #tpu.memory_space<hbm>> -> memref<1x40x125xi32, #tpu.memory_space<hbm>>
        %dma_start3A_58 = tpu.memref_squeeze %dma_start3A_57 : memref<1x40x125xi32, #tpu.memory_space<hbm>> -> memref<40x125xi32, #tpu.memory_space<hbm>>
        tpu.enqueue_dma source(%dma_start3A_58 : memref<40x125xi32, #tpu.memory_space<hbm>>) target(%arg8 : memref<40x125xi32, #tpu.memory_space<vmem>>) target_semaphore(%run_scoped3A_52 : memref<!tpu.dma_semaphore, #tpu.memory_space<semaphore_mem>>)
        %dma_wait3A_59 = arith.constant 0 : i32
        %dma_wait3A_60 = tpu.memref_slice %arg4[%add3A, %mul3A_18, %dma_wait3A_59] : memref<32x80x125xi32, #tpu.memory_space<hbm>> -> memref<1x40x125xi32, #tpu.memory_space<hbm>>
        %dma_wait3A_61 = tpu.memref_squeeze %dma_wait3A_60 : memref<1x40x125xi32, #tpu.memory_space<hbm>> -> memref<40x125xi32, #tpu.memory_space<hbm>>
        %dma_wait3A_62 = arith.constant 0 : i32
        %dma_wait3A_63 = tpu.memref_slice %arg4[%add3A, %mul3A_18, %dma_wait3A_62] : memref<32x80x125xi32, #tpu.memory_space<hbm>> -> memref<1x40x125xi32, #tpu.memory_space<hbm>>
        %dma_wait3A_64 = tpu.memref_squeeze %dma_wait3A_63 : memref<1x40x125xi32, #tpu.memory_space<hbm>> -> memref<40x125xi32, #tpu.memory_space<hbm>>
        tpu.wait_dma2 semaphore(%run_scoped3A_52 : memref<!tpu.dma_semaphore, #tpu.memory_space<semaphore_mem>>) src(%dma_wait3A_64 : memref<40x125xi32, #tpu.memory_space<hbm>>) dst(%arg8 : memref<40x125xi32, #tpu.memory_space<vmem>>)
        tpu.yield
      }) : () -> ()
      %dma_start3A = arith.constant 0 : i32
      %dma_start3A_19 = arith.constant 0 : i32
      %dma_start3A_20 = tpu.memref_slice %arg7[%dma_start3A, %dma_start3A_19] : memref<40x125xi32, #tpu.memory_space<vmem>> -> memref<1x125xi32, #tpu.memory_space<vmem>>
      %dma_start3A_21 = tpu.memref_squeeze %dma_start3A_20 : memref<1x125xi32, #tpu.memory_space<vmem>> -> memref<125xi32, #tpu.memory_space<vmem>>
      %dma_start3A_22 = arith.constant 0 : i32
      %dma_start3A_23 = arith.constant 0 : i32
      %dma_start3A_24 = tpu.memref_slice %arg2[%dma_start3A_22, %dma_start3A_23] : memref<10240x128xf32, #tpu.memory_space<hbm>> -> memref<10240x128xf32, #tpu.memory_space<hbm>>
      tpu.enqueue_indirect_dma source(%dma_start3A_24 : memref<10240x128xf32, #tpu.memory_space<hbm>>) target(%arg9 : memref<125x128xf32, #tpu.memory_space<vmem>>) offsets(%dma_start3A_21 : memref<125xi32, #tpu.memory_space<vmem>>) semaphore(%arg12 : memref<!tpu.dma_semaphore, #tpu.memory_space<semaphore_mem>>)
      %scan3A_25 = arith.constant 0 : i32
      %scan3A_26 = arith.constant 0 : i32
      %scan3A_27 = arith.constant 19 : i32
      %scan3A_28 = arith.addi %scan3A_26, %scan3A_27 : i32
      %scan3A_29 = arith.constant 1 : i32
      scf.for %scan3A_52 = %scan3A_26 to %scan3A_28 step %scan3A_29  : i32 {
        %mul3A_53 = arith.constant 2 : i32
        %mul3A_54 = arith.muli %mul3A_53, %scan3A_52 : i32
        %add3A_55 = arith.constant 1 : i32
        %add3A_56 = arith.addi %mul3A_54, %add3A_55 : i32
        %dma_start3A_57 = arith.constant 0 : i32
        %dma_start3A_58 = tpu.memref_slice %arg7[%add3A_56, %dma_start3A_57] : memref<40x125xi32, #tpu.memory_space<vmem>> -> memref<1x125xi32, #tpu.memory_space<vmem>>
        %dma_start3A_59 = tpu.memref_squeeze %dma_start3A_58 : memref<1x125xi32, #tpu.memory_space<vmem>> -> memref<125xi32, #tpu.memory_space<vmem>>
        %dma_start3A_60 = arith.constant 0 : i32
        %dma_start3A_61 = arith.constant 0 : i32
        %dma_start3A_62 = tpu.memref_slice %arg2[%dma_start3A_60, %dma_start3A_61] : memref<10240x128xf32, #tpu.memory_space<hbm>> -> memref<10240x128xf32, #tpu.memory_space<hbm>>
        tpu.enqueue_indirect_dma source(%dma_start3A_62 : memref<10240x128xf32, #tpu.memory_space<hbm>>) target(%arg10 : memref<125x128xf32, #tpu.memory_space<vmem>>) offsets(%dma_start3A_59 : memref<125xi32, #tpu.memory_space<vmem>>) semaphore(%arg13 : memref<!tpu.dma_semaphore, #tpu.memory_space<semaphore_mem>>)
        %dma_wait3A_63 = arith.constant 0 : i32
        %dma_wait3A_64 = tpu.memref_slice %arg7[%mul3A_54, %dma_wait3A_63] : memref<40x125xi32, #tpu.memory_space<vmem>> -> memref<1x125xi32, #tpu.memory_space<vmem>>
        %dma_wait3A_65 = tpu.memref_squeeze %dma_wait3A_64 : memref<1x125xi32, #tpu.memory_space<vmem>> -> memref<125xi32, #tpu.memory_space<vmem>>
        %dma_wait3A_66 = arith.constant 0 : i32
        %dma_wait3A_67 = arith.constant 0 : i32
        %dma_wait3A_68 = tpu.memref_slice %arg2[%dma_wait3A_66, %dma_wait3A_67] : memref<10240x128xf32, #tpu.memory_space<hbm>> -> memref<10240x128xf32, #tpu.memory_space<hbm>>
        tpu.wait_indirect_dma semaphore(%arg12 : memref<!tpu.dma_semaphore, #tpu.memory_space<semaphore_mem>>) src(%dma_wait3A_68 : memref<10240x128xf32, #tpu.memory_space<hbm>>) dst(%arg9 : memref<125x128xf32, #tpu.memory_space<vmem>>)
        "tpu.region"() ({
          %run_scoped3A_85 = tpu.sem_alloc : memref<!tpu.dma_semaphore, #tpu.memory_space<semaphore_mem>>
          %dma_start3A_86 = arith.constant 0 : i32
          %dma_start3A_87 = tpu.memref_slice %arg8[%mul3A_54, %dma_start3A_86] : memref<40x125xi32, #tpu.memory_space<vmem>> -> memref<1x125xi32, #tpu.memory_space<vmem>>
          %dma_start3A_88 = tpu.memref_squeeze %dma_start3A_87 : memref<1x125xi32, #tpu.memory_space<vmem>> -> memref<125xi32, #tpu.memory_space<vmem>>
          %dma_start3A_89 = arith.constant 0 : i32
          %dma_start3A_90 = arith.constant 0 : i32
          %dma_start3A_91 = tpu.memref_slice %arg11[%dma_start3A_89, %dma_start3A_90] : memref<10240x128xf32, #tpu.memory_space<vmem_shared>> -> memref<10240x128xf32, #tpu.memory_space<vmem_shared>>
          tpu.enqueue_indirect_dma source(%arg9 : memref<125x128xf32, #tpu.memory_space<vmem>>) target(%dma_start3A_91 : memref<10240x128xf32, #tpu.memory_space<vmem_shared>>) offsets(%dma_start3A_88 : memref<125xi32, #tpu.memory_space<vmem>>) semaphore(%run_scoped3A_85 : memref<!tpu.dma_semaphore, #tpu.memory_space<semaphore_mem>>) {add = true}
          %dma_wait3A_92 = arith.constant 0 : i32
          %dma_wait3A_93 = tpu.memref_slice %arg8[%mul3A_54, %dma_wait3A_92] : memref<40x125xi32, #tpu.memory_space<vmem>> -> memref<1x125xi32, #tpu.memory_space<vmem>>
          %dma_wait3A_94 = tpu.memref_squeeze %dma_wait3A_93 : memref<1x125xi32, #tpu.memory_space<vmem>> -> memref<125xi32, #tpu.memory_space<vmem>>
          %dma_wait3A_95 = arith.constant 0 : i32
          %dma_wait3A_96 = arith.constant 0 : i32
          %dma_wait3A_97 = tpu.memref_slice %arg11[%dma_wait3A_95, %dma_wait3A_96] : memref<10240x128xf32, #tpu.memory_space<vmem_shared>> -> memref<10240x128xf32, #tpu.memory_space<vmem_shared>>
          tpu.wait_indirect_dma semaphore(%run_scoped3A_85 : memref<!tpu.dma_semaphore, #tpu.memory_space<semaphore_mem>>) src(%arg9 : memref<125x128xf32, #tpu.memory_space<vmem>>) dst(%dma_wait3A_97 : memref<10240x128xf32, #tpu.memory_space<vmem_shared>>)
          tpu.yield
        }) : () -> ()
        %add3A_69 = arith.constant 2 : i32
        %add3A_70 = arith.addi %mul3A_54, %add3A_69 : i32
        %dma_start3A_71 = arith.constant 0 : i32
        %dma_start3A_72 = tpu.memref_slice %arg7[%add3A_70, %dma_start3A_71] : memref<40x125xi32, #tpu.memory_space<vmem>> -> memref<1x125xi32, #tpu.memory_space<vmem>>
        %dma_start3A_73 = tpu.memref_squeeze %dma_start3A_72 : memref<1x125xi32, #tpu.memory_space<vmem>> -> memref<125xi32, #tpu.memory_space<vmem>>
        %dma_start3A_74 = arith.constant 0 : i32
        %dma_start3A_75 = arith.constant 0 : i32
        %dma_start3A_76 = tpu.memref_slice %arg2[%dma_start3A_74, %dma_start3A_75] : memref<10240x128xf32, #tpu.memory_space<hbm>> -> memref<10240x128xf32, #tpu.memory_space<hbm>>
        tpu.enqueue_indirect_dma source(%dma_start3A_76 : memref<10240x128xf32, #tpu.memory_space<hbm>>) target(%arg9 : memref<125x128xf32, #tpu.memory_space<vmem>>) offsets(%dma_start3A_73 : memref<125xi32, #tpu.memory_space<vmem>>) semaphore(%arg12 : memref<!tpu.dma_semaphore, #tpu.memory_space<semaphore_mem>>)
        %dma_wait3A_77 = arith.constant 0 : i32
        %dma_wait3A_78 = tpu.memref_slice %arg7[%add3A_56, %dma_wait3A_77] : memref<40x125xi32, #tpu.memory_space<vmem>> -> memref<1x125xi32, #tpu.memory_space<vmem>>
        %dma_wait3A_79 = tpu.memref_squeeze %dma_wait3A_78 : memref<1x125xi32, #tpu.memory_space<vmem>> -> memref<125xi32, #tpu.memory_space<vmem>>
        %dma_wait3A_80 = arith.constant 0 : i32
        %dma_wait3A_81 = arith.constant 0 : i32
        %dma_wait3A_82 = tpu.memref_slice %arg2[%dma_wait3A_80, %dma_wait3A_81] : memref<10240x128xf32, #tpu.memory_space<hbm>> -> memref<10240x128xf32, #tpu.memory_space<hbm>>
        tpu.wait_indirect_dma semaphore(%arg13 : memref<!tpu.dma_semaphore, #tpu.memory_space<semaphore_mem>>) src(%dma_wait3A_82 : memref<10240x128xf32, #tpu.memory_space<hbm>>) dst(%arg10 : memref<125x128xf32, #tpu.memory_space<vmem>>)
        %add3A_83 = arith.constant 1 : i32
        %add3A_84 = arith.addi %mul3A_54, %add3A_83 : i32
        "tpu.region"() ({
          %run_scoped3A_85 = tpu.sem_alloc : memref<!tpu.dma_semaphore, #tpu.memory_space<semaphore_mem>>
          %dma_start3A_86 = arith.constant 0 : i32
          %dma_start3A_87 = tpu.memref_slice %arg8[%add3A_84, %dma_start3A_86] : memref<40x125xi32, #tpu.memory_space<vmem>> -> memref<1x125xi32, #tpu.memory_space<vmem>>
          %dma_start3A_88 = tpu.memref_squeeze %dma_start3A_87 : memref<1x125xi32, #tpu.memory_space<vmem>> -> memref<125xi32, #tpu.memory_space<vmem>>
          %dma_start3A_89 = arith.constant 0 : i32
          %dma_start3A_90 = arith.constant 0 : i32
          %dma_start3A_91 = tpu.memref_slice %arg11[%dma_start3A_89, %dma_start3A_90] : memref<10240x128xf32, #tpu.memory_space<vmem_shared>> -> memref<10240x128xf32, #tpu.memory_space<vmem_shared>>
          tpu.enqueue_indirect_dma source(%arg10 : memref<125x128xf32, #tpu.memory_space<vmem>>) target(%dma_start3A_91 : memref<10240x128xf32, #tpu.memory_space<vmem_shared>>) offsets(%dma_start3A_88 : memref<125xi32, #tpu.memory_space<vmem>>) semaphore(%run_scoped3A_85 : memref<!tpu.dma_semaphore, #tpu.memory_space<semaphore_mem>>) {add = true}
          %dma_wait3A_92 = arith.constant 0 : i32
          %dma_wait3A_93 = tpu.memref_slice %arg8[%add3A_84, %dma_wait3A_92] : memref<40x125xi32, #tpu.memory_space<vmem>> -> memref<1x125xi32, #tpu.memory_space<vmem>>
          %dma_wait3A_94 = tpu.memref_squeeze %dma_wait3A_93 : memref<1x125xi32, #tpu.memory_space<vmem>> -> memref<125xi32, #tpu.memory_space<vmem>>
          %dma_wait3A_95 = arith.constant 0 : i32
          %dma_wait3A_96 = arith.constant 0 : i32
          %dma_wait3A_97 = tpu.memref_slice %arg11[%dma_wait3A_95, %dma_wait3A_96] : memref<10240x128xf32, #tpu.memory_space<vmem_shared>> -> memref<10240x128xf32, #tpu.memory_space<vmem_shared>>
          tpu.wait_indirect_dma semaphore(%run_scoped3A_85 : memref<!tpu.dma_semaphore, #tpu.memory_space<semaphore_mem>>) src(%arg10 : memref<125x128xf32, #tpu.memory_space<vmem>>) dst(%dma_wait3A_97 : memref<10240x128xf32, #tpu.memory_space<vmem_shared>>)
          tpu.yield
        }) : () -> ()
      }
      %scan3A_30 = arith.constant 19 : i32
      %dma_start3A_31 = arith.constant 39 : i32
      %dma_start3A_32 = arith.constant 0 : i32
      %dma_start3A_33 = tpu.memref_slice %arg7[%dma_start3A_31, %dma_start3A_32] : memref<40x125xi32, #tpu.memory_space<vmem>> -> memref<1x125xi32, #tpu.memory_space<vmem>>
      %dma_start3A_34 = tpu.memref_squeeze %dma_start3A_33 : memref<1x125xi32, #tpu.memory_space<vmem>> -> memref<125xi32, #tpu.memory_space<vmem>>
      %dma_start3A_35 = arith.constant 0 : i32
      %dma_start3A_36 = arith.constant 0 : i32
      %dma_start3A_37 = tpu.memref_slice %arg2[%dma_start3A_35, %dma_start3A_36] : memref<10240x128xf32, #tpu.memory_space<hbm>> -> memref<10240x128xf32, #tpu.memory_space<hbm>>
      tpu.enqueue_indirect_dma source(%dma_start3A_37 : memref<10240x128xf32, #tpu.memory_space<hbm>>) target(%arg10 : memref<125x128xf32, #tpu.memory_space<vmem>>) offsets(%dma_start3A_34 : memref<125xi32, #tpu.memory_space<vmem>>) semaphore(%arg13 : memref<!tpu.dma_semaphore, #tpu.memory_space<semaphore_mem>>)
      %dma_wait3A = arith.constant 38 : i32
      %dma_wait3A_38 = arith.constant 0 : i32
      %dma_wait3A_39 = tpu.memref_slice %arg7[%dma_wait3A, %dma_wait3A_38] : memref<40x125xi32, #tpu.memory_space<vmem>> -> memref<1x125xi32, #tpu.memory_space<vmem>>
      %dma_wait3A_40 = tpu.memref_squeeze %dma_wait3A_39 : memref<1x125xi32, #tpu.memory_space<vmem>> -> memref<125xi32, #tpu.memory_space<vmem>>
      %dma_wait3A_41 = arith.constant 0 : i32
      %dma_wait3A_42 = arith.constant 0 : i32
      %dma_wait3A_43 = tpu.memref_slice %arg2[%dma_wait3A_41, %dma_wait3A_42] : memref<10240x128xf32, #tpu.memory_space<hbm>> -> memref<10240x128xf32, #tpu.memory_space<hbm>>
      tpu.wait_indirect_dma semaphore(%arg12 : memref<!tpu.dma_semaphore, #tpu.memory_space<semaphore_mem>>) src(%dma_wait3A_43 : memref<10240x128xf32, #tpu.memory_space<hbm>>) dst(%arg9 : memref<125x128xf32, #tpu.memory_space<vmem>>)
      %run_scoped3A = arith.constant 38 : i32
      "tpu.region"() ({
        %run_scoped3A_52 = tpu.sem_alloc : memref<!tpu.dma_semaphore, #tpu.memory_space<semaphore_mem>>
        %dma_start3A_53 = arith.constant 0 : i32
        %dma_start3A_54 = tpu.memref_slice %arg8[%run_scoped3A, %dma_start3A_53] : memref<40x125xi32, #tpu.memory_space<vmem>> -> memref<1x125xi32, #tpu.memory_space<vmem>>
        %dma_start3A_55 = tpu.memref_squeeze %dma_start3A_54 : memref<1x125xi32, #tpu.memory_space<vmem>> -> memref<125xi32, #tpu.memory_space<vmem>>
        %dma_start3A_56 = arith.constant 0 : i32
        %dma_start3A_57 = arith.constant 0 : i32
        %dma_start3A_58 = tpu.memref_slice %arg11[%dma_start3A_56, %dma_start3A_57] : memref<10240x128xf32, #tpu.memory_space<vmem_shared>> -> memref<10240x128xf32, #tpu.memory_space<vmem_shared>>
        tpu.enqueue_indirect_dma source(%arg9 : memref<125x128xf32, #tpu.memory_space<vmem>>) target(%dma_start3A_58 : memref<10240x128xf32, #tpu.memory_space<vmem_shared>>) offsets(%dma_start3A_55 : memref<125xi32, #tpu.memory_space<vmem>>) semaphore(%run_scoped3A_52 : memref<!tpu.dma_semaphore, #tpu.memory_space<semaphore_mem>>) {add = true}
        %dma_wait3A_59 = arith.constant 0 : i32
        %dma_wait3A_60 = tpu.memref_slice %arg8[%run_scoped3A, %dma_wait3A_59] : memref<40x125xi32, #tpu.memory_space<vmem>> -> memref<1x125xi32, #tpu.memory_space<vmem>>
        %dma_wait3A_61 = tpu.memref_squeeze %dma_wait3A_60 : memref<1x125xi32, #tpu.memory_space<vmem>> -> memref<125xi32, #tpu.memory_space<vmem>>
        %dma_wait3A_62 = arith.constant 0 : i32
        %dma_wait3A_63 = arith.constant 0 : i32
        %dma_wait3A_64 = tpu.memref_slice %arg11[%dma_wait3A_62, %dma_wait3A_63] : memref<10240x128xf32, #tpu.memory_space<vmem_shared>> -> memref<10240x128xf32, #tpu.memory_space<vmem_shared>>
        tpu.wait_indirect_dma semaphore(%run_scoped3A_52 : memref<!tpu.dma_semaphore, #tpu.memory_space<semaphore_mem>>) src(%arg9 : memref<125x128xf32, #tpu.memory_space<vmem>>) dst(%dma_wait3A_64 : memref<10240x128xf32, #tpu.memory_space<vmem_shared>>)
        tpu.yield
      }) : () -> ()
      %dma_wait3A_44 = arith.constant 39 : i32
      %dma_wait3A_45 = arith.constant 0 : i32
      %dma_wait3A_46 = tpu.memref_slice %arg7[%dma_wait3A_44, %dma_wait3A_45] : memref<40x125xi32, #tpu.memory_space<vmem>> -> memref<1x125xi32, #tpu.memory_space<vmem>>
      %dma_wait3A_47 = tpu.memref_squeeze %dma_wait3A_46 : memref<1x125xi32, #tpu.memory_space<vmem>> -> memref<125xi32, #tpu.memory_space<vmem>>
      %dma_wait3A_48 = arith.constant 0 : i32
      %dma_wait3A_49 = arith.constant 0 : i32
      %dma_wait3A_50 = tpu.memref_slice %arg2[%dma_wait3A_48, %dma_wait3A_49] : memref<10240x128xf32, #tpu.memory_space<hbm>> -> memref<10240x128xf32, #tpu.memory_space<hbm>>
      tpu.wait_indirect_dma semaphore(%arg13 : memref<!tpu.dma_semaphore, #tpu.memory_space<semaphore_mem>>) src(%dma_wait3A_50 : memref<10240x128xf32, #tpu.memory_space<hbm>>) dst(%arg10 : memref<125x128xf32, #tpu.memory_space<vmem>>)
      %run_scoped3A_51 = arith.constant 39 : i32
      "tpu.region"() ({
        %run_scoped3A_52 = tpu.sem_alloc : memref<!tpu.dma_semaphore, #tpu.memory_space<semaphore_mem>>
        %dma_start3A_53 = arith.constant 0 : i32
        %dma_start3A_54 = tpu.memref_slice %arg8[%run_scoped3A_51, %dma_start3A_53] : memref<40x125xi32, #tpu.memory_space<vmem>> -> memref<1x125xi32, #tpu.memory_space<vmem>>
        %dma_start3A_55 = tpu.memref_squeeze %dma_start3A_54 : memref<1x125xi32, #tpu.memory_space<vmem>> -> memref<125xi32, #tpu.memory_space<vmem>>
        %dma_start3A_56 = arith.constant 0 : i32
        %dma_start3A_57 = arith.constant 0 : i32
        %dma_start3A_58 = tpu.memref_slice %arg11[%dma_start3A_56, %dma_start3A_57] : memref<10240x128xf32, #tpu.memory_space<vmem_shared>> -> memref<10240x128xf32, #tpu.memory_space<vmem_shared>>
        tpu.enqueue_indirect_dma source(%arg10 : memref<125x128xf32, #tpu.memory_space<vmem>>) target(%dma_start3A_58 : memref<10240x128xf32, #tpu.memory_space<vmem_shared>>) offsets(%dma_start3A_55 : memref<125xi32, #tpu.memory_space<vmem>>) semaphore(%run_scoped3A_52 : memref<!tpu.dma_semaphore, #tpu.memory_space<semaphore_mem>>) {add = true}
        %dma_wait3A_59 = arith.constant 0 : i32
        %dma_wait3A_60 = tpu.memref_slice %arg8[%run_scoped3A_51, %dma_wait3A_59] : memref<40x125xi32, #tpu.memory_space<vmem>> -> memref<1x125xi32, #tpu.memory_space<vmem>>
        %dma_wait3A_61 = tpu.memref_squeeze %dma_wait3A_60 : memref<1x125xi32, #tpu.memory_space<vmem>> -> memref<125xi32, #tpu.memory_space<vmem>>
        %dma_wait3A_62 = arith.constant 0 : i32
        %dma_wait3A_63 = arith.constant 0 : i32
        %dma_wait3A_64 = tpu.memref_slice %arg11[%dma_wait3A_62, %dma_wait3A_63] : memref<10240x128xf32, #tpu.memory_space<vmem_shared>> -> memref<10240x128xf32, #tpu.memory_space<vmem_shared>>
        tpu.wait_indirect_dma semaphore(%run_scoped3A_52 : memref<!tpu.dma_semaphore, #tpu.memory_space<semaphore_mem>>) src(%arg10 : memref<125x128xf32, #tpu.memory_space<vmem>>) dst(%dma_wait3A_64 : memref<10240x128xf32, #tpu.memory_space<vmem_shared>>)
        tpu.yield
      }) : () -> ()
    }
    %scan3A_14 = arith.constant 2 : i32
    %barrier3A_15 = arith.constant 0 : index
    tpu.barrier barrier_id(%barrier3A_15)
    "tpu.region"() ({
      %run_scoped3A = tpu.sem_alloc : memref<!tpu.dma_semaphore, #tpu.memory_space<semaphore_mem>>
      %dma_start3A = arith.constant 0 : i32
      %dma_start3A_16 = tpu.memref_slice %arg6[%arg0, %mul3A_2, %dma_start3A] : memref<2x10240x128xf32, #tpu.memory_space<hbm>> -> memref<1x640x128xf32, #tpu.memory_space<hbm>>
      %dma_start3A_17 = tpu.memref_squeeze %dma_start3A_16 : memref<1x640x128xf32, #tpu.memory_space<hbm>> -> memref<640x128xf32, #tpu.memory_space<hbm>>
      %dma_start3A_18 = arith.constant 0 : i32
      %dma_start3A_19 = tpu.memref_slice %arg11[%mul3A_2, %dma_start3A_18] : memref<10240x128xf32, #tpu.memory_space<vmem_shared>> -> memref<640x128xf32, #tpu.memory_space<vmem_shared>>
      tpu.enqueue_dma source(%dma_start3A_19 : memref<640x128xf32, #tpu.memory_space<vmem_shared>>) target(%dma_start3A_17 : memref<640x128xf32, #tpu.memory_space<hbm>>) target_semaphore(%run_scoped3A : memref<!tpu.dma_semaphore, #tpu.memory_space<semaphore_mem>>)
      %dma_wait3A = arith.constant 0 : i32
      %dma_wait3A_20 = tpu.memref_slice %arg6[%arg0, %mul3A_2, %dma_wait3A] : memref<2x10240x128xf32, #tpu.memory_space<hbm>> -> memref<1x640x128xf32, #tpu.memory_space<hbm>>
      %dma_wait3A_21 = tpu.memref_squeeze %dma_wait3A_20 : memref<1x640x128xf32, #tpu.memory_space<hbm>> -> memref<640x128xf32, #tpu.memory_space<hbm>>
      %dma_wait3A_22 = arith.constant 0 : i32
      %dma_wait3A_23 = tpu.memref_slice %arg11[%mul3A_2, %dma_wait3A_22] : memref<10240x128xf32, #tpu.memory_space<vmem_shared>> -> memref<640x128xf32, #tpu.memory_space<vmem_shared>>
      tpu.wait_dma2 semaphore(%run_scoped3A : memref<!tpu.dma_semaphore, #tpu.memory_space<semaphore_mem>>) src(%dma_wait3A_23 : memref<640x128xf32, #tpu.memory_space<vmem_shared>>) dst(%dma_wait3A_21 : memref<640x128xf32, #tpu.memory_space<hbm>>)
      tpu.yield
    }) : () -> ()
    return
  }
}

#map = affine_map<(d0, d1) -> (0, 0)>
#map1 = affine_map<(d0, d1) -> (0, 0, 0)>
module attributes {stable_mosaic.version = 14 : i64} {
  func.func @_agg_kernel(%arg0: i32, %arg1: i32, %arg2: memref<10240x128xf32, #tpu.memory_space<hbm>>, %arg3: memref<32x80x125xi32, #tpu.memory_space<hbm>>, %arg4: memref<32x80x125xi32, #tpu.memory_space<hbm>>, %arg5: memref<10240x128xf32, #tpu.memory_space<hbm>>, %arg6: memref<2x10240x128xf32, #tpu.memory_space<hbm>>, %arg7: memref<40x125xi32, #tpu.memory_space<vmem>>, %arg8: memref<40x125xi32, #tpu.memory_space<vmem>>, %arg9: memref<125x128xf32, #tpu.memory_space<vmem>>, %arg10: memref<125x128xf32, #tpu.memory_space<vmem>>, %arg11: memref<10240x128xf32, #tpu.memory_space<vmem_shared>>, %arg12: memref<!tpu.dma_semaphore, #tpu.memory_space<semaphore_mem>>, %arg13: memref<!tpu.dma_semaphore, #tpu.memory_space<semaphore_mem>>) attributes {dimension_semantics = [#tpu.dimension_semantics<core_parallel>, #tpu.dimension_semantics<subcore_parallel>], iteration_bounds = array<i64: 2, 16>, scalar_prefetch = 0 : i64, scratch_operands = 7 : i64, tpu.core_type = #tpu.core_type<sc_vector_subcore>, window_params = [{transform_indices = #map}, {transform_indices = #map1}, {transform_indices = #map1}, {transform_indices = #map}, {transform_indices = #map1}]} {
    %mul3A = arith.constant 16 : i32
    %mul3A_0 = arith.muli %arg0, %mul3A : i32
    %add3A = arith.addi %mul3A_0, %arg1 : i32
    %mul3A_1 = arith.constant 640 : i32
    %mul3A_2 = arith.muli %arg1, %mul3A_1 : i32
    %eq3A = arith.constant 0 : i32
    %eq3A_3 = arith.cmpi eq, %arg0, %eq3A : i32
    %convert_element_type3A = arith.extui %eq3A_3 : i1 to i32
    %cond3A = arith.constant 0 : i32
    %cond3A_4 = arith.cmpi ne, %convert_element_type3A, %cond3A : i32
    scf.if %cond3A_4 {
      "tpu.region"() ({
        %run_scoped3A = tpu.sem_alloc : memref<!tpu.dma_semaphore, #tpu.memory_space<semaphore_mem>>
        %dma_start3A = arith.constant 0 : i32
        %dma_start3A_16 = tpu.memref_slice %arg11[%mul3A_2, %dma_start3A] : memref<10240x128xf32, #tpu.memory_space<vmem_shared>> -> memref<640x128xf32, #tpu.memory_space<vmem_shared>>
        %dma_start3A_17 = arith.constant 0 : i32
        %dma_start3A_18 = tpu.memref_slice %arg2[%mul3A_2, %dma_start3A_17] : memref<10240x128xf32, #tpu.memory_space<hbm>> -> memref<640x128xf32, #tpu.memory_space<hbm>>
        tpu.enqueue_dma source(%dma_start3A_18 : memref<640x128xf32, #tpu.memory_space<hbm>>) target(%dma_start3A_16 : memref<640x128xf32, #tpu.memory_space<vmem_shared>>) target_semaphore(%run_scoped3A : memref<!tpu.dma_semaphore, #tpu.memory_space<semaphore_mem>>)
        %dma_wait3A = arith.constant 0 : i32
        %dma_wait3A_19 = tpu.memref_slice %arg11[%mul3A_2, %dma_wait3A] : memref<10240x128xf32, #tpu.memory_space<vmem_shared>> -> memref<640x128xf32, #tpu.memory_space<vmem_shared>>
        %dma_wait3A_20 = arith.constant 0 : i32
        %dma_wait3A_21 = tpu.memref_slice %arg2[%mul3A_2, %dma_wait3A_20] : memref<10240x128xf32, #tpu.memory_space<hbm>> -> memref<640x128xf32, #tpu.memory_space<hbm>>
        tpu.wait_dma2 semaphore(%run_scoped3A : memref<!tpu.dma_semaphore, #tpu.memory_space<semaphore_mem>>) src(%dma_wait3A_21 : memref<640x128xf32, #tpu.memory_space<hbm>>) dst(%dma_wait3A_19 : memref<640x128xf32, #tpu.memory_space<vmem_shared>>)
        tpu.yield
      }) : () -> ()
    } else {
    }
    %eq3A_5 = arith.constant 1 : i32
    %eq3A_6 = arith.cmpi eq, %arg0, %eq3A_5 : i32
    %convert_element_type3A_7 = arith.extui %eq3A_6 : i1 to i32
    %cond3A_8 = arith.constant 0 : i32
    %cond3A_9 = arith.cmpi ne, %convert_element_type3A_7, %cond3A_8 : i32
    scf.if %cond3A_9 {
      "tpu.region"() ({
        %run_scoped3A = tpu.sem_alloc : memref<!tpu.dma_semaphore, #tpu.memory_space<semaphore_mem>>
        %dma_start3A = arith.constant 0 : i32
        %dma_start3A_16 = tpu.memref_slice %arg11[%mul3A_2, %dma_start3A] : memref<10240x128xf32, #tpu.memory_space<vmem_shared>> -> memref<640x128xf32, #tpu.memory_space<vmem_shared>>
        %dma_start3A_17 = arith.constant 0 : i32
        %dma_start3A_18 = tpu.memref_slice %arg5[%mul3A_2, %dma_start3A_17] : memref<10240x128xf32, #tpu.memory_space<hbm>> -> memref<640x128xf32, #tpu.memory_space<hbm>>
        tpu.enqueue_dma source(%dma_start3A_18 : memref<640x128xf32, #tpu.memory_space<hbm>>) target(%dma_start3A_16 : memref<640x128xf32, #tpu.memory_space<vmem_shared>>) target_semaphore(%run_scoped3A : memref<!tpu.dma_semaphore, #tpu.memory_space<semaphore_mem>>)
        %dma_wait3A = arith.constant 0 : i32
        %dma_wait3A_19 = tpu.memref_slice %arg11[%mul3A_2, %dma_wait3A] : memref<10240x128xf32, #tpu.memory_space<vmem_shared>> -> memref<640x128xf32, #tpu.memory_space<vmem_shared>>
        %dma_wait3A_20 = arith.constant 0 : i32
        %dma_wait3A_21 = tpu.memref_slice %arg5[%mul3A_2, %dma_wait3A_20] : memref<10240x128xf32, #tpu.memory_space<hbm>> -> memref<640x128xf32, #tpu.memory_space<hbm>>
        tpu.wait_dma2 semaphore(%run_scoped3A : memref<!tpu.dma_semaphore, #tpu.memory_space<semaphore_mem>>) src(%dma_wait3A_21 : memref<640x128xf32, #tpu.memory_space<hbm>>) dst(%dma_wait3A_19 : memref<640x128xf32, #tpu.memory_space<vmem_shared>>)
        tpu.yield
      }) : () -> ()
    } else {
    }
    %barrier3A = arith.constant 0 : index
    tpu.barrier barrier_id(%barrier3A)
    %scan3A = arith.constant 0 : i32
    %scan3A_10 = arith.constant 0 : i32
    %scan3A_11 = arith.constant 2 : i32
    %scan3A_12 = arith.addi %scan3A_10, %scan3A_11 : i32
    %scan3A_13 = arith.constant 1 : i32
    scf.for %scan3A_16 = %scan3A_10 to %scan3A_12 step %scan3A_13  : i32 {
      %mul3A_17 = arith.constant 40 : i32
      %mul3A_18 = arith.muli %scan3A_16, %mul3A_17 : i32
      "tpu.region"() ({
        %run_scoped3A_52 = tpu.sem_alloc : memref<!tpu.dma_semaphore, #tpu.memory_space<semaphore_mem>>
        %dma_start3A_53 = arith.constant 0 : i32
        %dma_start3A_54 = tpu.memref_slice %arg3[%add3A, %mul3A_18, %dma_start3A_53] : memref<32x80x125xi32, #tpu.memory_space<hbm>> -> memref<1x40x125xi32, #tpu.memory_space<hbm>>
        %dma_start3A_55 = tpu.memref_squeeze %dma_start3A_54 : memref<1x40x125xi32, #tpu.memory_space<hbm>> -> memref<40x125xi32, #tpu.memory_space<hbm>>
        %dma_start3A_56 = arith.constant 0 : i32
        %dma_start3A_57 = tpu.memref_slice %arg3[%add3A, %mul3A_18, %dma_start3A_56] : memref<32x80x125xi32, #tpu.memory_space<hbm>> -> memref<1x40x125xi32, #tpu.memory_space<hbm>>
        %dma_start3A_58 = tpu.memref_squeeze %dma_start3A_57 : memref<1x40x125xi32, #tpu.memory_space<hbm>> -> memref<40x125xi32, #tpu.memory_space<hbm>>
        tpu.enqueue_dma source(%dma_start3A_58 : memref<40x125xi32, #tpu.memory_space<hbm>>) target(%arg7 : memref<40x125xi32, #tpu.memory_space<vmem>>) target_semaphore(%run_scoped3A_52 : memref<!tpu.dma_semaphore, #tpu.memory_space<semaphore_mem>>)
        %dma_wait3A_59 = arith.constant 0 : i32
        %dma_wait3A_60 = tpu.memref_slice %arg3[%add3A, %mul3A_18, %dma_wait3A_59] : memref<32x80x125xi32, #tpu.memory_space<hbm>> -> memref<1x40x125xi32, #tpu.memory_space<hbm>>
        %dma_wait3A_61 = tpu.memref_squeeze %dma_wait3A_60 : memref<1x40x125xi32, #tpu.memory_space<hbm>> -> memref<40x125xi32, #tpu.memory_space<hbm>>
        %dma_wait3A_62 = arith.constant 0 : i32
        %dma_wait3A_63 = tpu.memref_slice %arg3[%add3A, %mul3A_18, %dma_wait3A_62] : memref<32x80x125xi32, #tpu.memory_space<hbm>> -> memref<1x40x125xi32, #tpu.memory_space<hbm>>
        %dma_wait3A_64 = tpu.memref_squeeze %dma_wait3A_63 : memref<1x40x125xi32, #tpu.memory_space<hbm>> -> memref<40x125xi32, #tpu.memory_space<hbm>>
        tpu.wait_dma2 semaphore(%run_scoped3A_52 : memref<!tpu.dma_semaphore, #tpu.memory_space<semaphore_mem>>) src(%dma_wait3A_64 : memref<40x125xi32, #tpu.memory_space<hbm>>) dst(%arg7 : memref<40x125xi32, #tpu.memory_space<vmem>>)
        tpu.yield
      }) : () -> ()
      "tpu.region"() ({
        %run_scoped3A_52 = tpu.sem_alloc : memref<!tpu.dma_semaphore, #tpu.memory_space<semaphore_mem>>
        %dma_start3A_53 = arith.constant 0 : i32
        %dma_start3A_54 = tpu.memref_slice %arg4[%add3A, %mul3A_18, %dma_start3A_53] : memref<32x80x125xi32, #tpu.memory_space<hbm>> -> memref<1x40x125xi32, #tpu.memory_space<hbm>>
        %dma_start3A_55 = tpu.memref_squeeze %dma_start3A_54 : memref<1x40x125xi32, #tpu.memory_space<hbm>> -> memref<40x125xi32, #tpu.memory_space<hbm>>
        %dma_start3A_56 = arith.constant 0 : i32
        %dma_start3A_57 = tpu.memref_slice %arg4[%add3A, %mul3A_18, %dma_start3A_56] : memref<32x80x125xi32, #tpu.memory_space<hbm>> -> memref<1x40x125xi32, #tpu.memory_space<hbm>>
        %dma_start3A_58 = tpu.memref_squeeze %dma_start3A_57 : memref<1x40x125xi32, #tpu.memory_space<hbm>> -> memref<40x125xi32, #tpu.memory_space<hbm>>
        tpu.enqueue_dma source(%dma_start3A_58 : memref<40x125xi32, #tpu.memory_space<hbm>>) target(%arg8 : memref<40x125xi32, #tpu.memory_space<vmem>>) target_semaphore(%run_scoped3A_52 : memref<!tpu.dma_semaphore, #tpu.memory_space<semaphore_mem>>)
        %dma_wait3A_59 = arith.constant 0 : i32
        %dma_wait3A_60 = tpu.memref_slice %arg4[%add3A, %mul3A_18, %dma_wait3A_59] : memref<32x80x125xi32, #tpu.memory_space<hbm>> -> memref<1x40x125xi32, #tpu.memory_space<hbm>>
        %dma_wait3A_61 = tpu.memref_squeeze %dma_wait3A_60 : memref<1x40x125xi32, #tpu.memory_space<hbm>> -> memref<40x125xi32, #tpu.memory_space<hbm>>
        %dma_wait3A_62 = arith.constant 0 : i32
        %dma_wait3A_63 = tpu.memref_slice %arg4[%add3A, %mul3A_18, %dma_wait3A_62] : memref<32x80x125xi32, #tpu.memory_space<hbm>> -> memref<1x40x125xi32, #tpu.memory_space<hbm>>
        %dma_wait3A_64 = tpu.memref_squeeze %dma_wait3A_63 : memref<1x40x125xi32, #tpu.memory_space<hbm>> -> memref<40x125xi32, #tpu.memory_space<hbm>>
        tpu.wait_dma2 semaphore(%run_scoped3A_52 : memref<!tpu.dma_semaphore, #tpu.memory_space<semaphore_mem>>) src(%dma_wait3A_64 : memref<40x125xi32, #tpu.memory_space<hbm>>) dst(%arg8 : memref<40x125xi32, #tpu.memory_space<vmem>>)
        tpu.yield
      }) : () -> ()
      %dma_start3A = arith.constant 0 : i32
      %dma_start3A_19 = arith.constant 0 : i32
      %dma_start3A_20 = tpu.memref_slice %arg7[%dma_start3A, %dma_start3A_19] : memref<40x125xi32, #tpu.memory_space<vmem>> -> memref<1x125xi32, #tpu.memory_space<vmem>>
      %dma_start3A_21 = tpu.memref_squeeze %dma_start3A_20 : memref<1x125xi32, #tpu.memory_space<vmem>> -> memref<125xi32, #tpu.memory_space<vmem>>
      %dma_start3A_22 = arith.constant 0 : i32
      %dma_start3A_23 = arith.constant 0 : i32
      %dma_start3A_24 = tpu.memref_slice %arg2[%dma_start3A_22, %dma_start3A_23] : memref<10240x128xf32, #tpu.memory_space<hbm>> -> memref<10240x128xf32, #tpu.memory_space<hbm>>
      tpu.enqueue_indirect_dma source(%dma_start3A_24 : memref<10240x128xf32, #tpu.memory_space<hbm>>) target(%arg9 : memref<125x128xf32, #tpu.memory_space<vmem>>) offsets(%dma_start3A_21 : memref<125xi32, #tpu.memory_space<vmem>>) semaphore(%arg12 : memref<!tpu.dma_semaphore, #tpu.memory_space<semaphore_mem>>)
      %scan3A_25 = arith.constant 0 : i32
      %scan3A_26 = arith.constant 0 : i32
      %scan3A_27 = arith.constant 19 : i32
      %scan3A_28 = arith.addi %scan3A_26, %scan3A_27 : i32
      %scan3A_29 = arith.constant 1 : i32
      scf.for %scan3A_52 = %scan3A_26 to %scan3A_28 step %scan3A_29  : i32 {
        %mul3A_53 = arith.constant 2 : i32
        %mul3A_54 = arith.muli %mul3A_53, %scan3A_52 : i32
        %add3A_55 = arith.constant 1 : i32
        %add3A_56 = arith.addi %mul3A_54, %add3A_55 : i32
        %dma_start3A_57 = arith.constant 0 : i32
        %dma_start3A_58 = tpu.memref_slice %arg7[%add3A_56, %dma_start3A_57] : memref<40x125xi32, #tpu.memory_space<vmem>> -> memref<1x125xi32, #tpu.memory_space<vmem>>
        %dma_start3A_59 = tpu.memref_squeeze %dma_start3A_58 : memref<1x125xi32, #tpu.memory_space<vmem>> -> memref<125xi32, #tpu.memory_space<vmem>>
        %dma_start3A_60 = arith.constant 0 : i32
        %dma_start3A_61 = arith.constant 0 : i32
        %dma_start3A_62 = tpu.memref_slice %arg2[%dma_start3A_60, %dma_start3A_61] : memref<10240x128xf32, #tpu.memory_space<hbm>> -> memref<10240x128xf32, #tpu.memory_space<hbm>>
        tpu.enqueue_indirect_dma source(%dma_start3A_62 : memref<10240x128xf32, #tpu.memory_space<hbm>>) target(%arg10 : memref<125x128xf32, #tpu.memory_space<vmem>>) offsets(%dma_start3A_59 : memref<125xi32, #tpu.memory_space<vmem>>) semaphore(%arg13 : memref<!tpu.dma_semaphore, #tpu.memory_space<semaphore_mem>>)
        %dma_wait3A_63 = arith.constant 0 : i32
        %dma_wait3A_64 = tpu.memref_slice %arg7[%mul3A_54, %dma_wait3A_63] : memref<40x125xi32, #tpu.memory_space<vmem>> -> memref<1x125xi32, #tpu.memory_space<vmem>>
        %dma_wait3A_65 = tpu.memref_squeeze %dma_wait3A_64 : memref<1x125xi32, #tpu.memory_space<vmem>> -> memref<125xi32, #tpu.memory_space<vmem>>
        %dma_wait3A_66 = arith.constant 0 : i32
        %dma_wait3A_67 = arith.constant 0 : i32
        %dma_wait3A_68 = tpu.memref_slice %arg2[%dma_wait3A_66, %dma_wait3A_67] : memref<10240x128xf32, #tpu.memory_space<hbm>> -> memref<10240x128xf32, #tpu.memory_space<hbm>>
        tpu.wait_indirect_dma semaphore(%arg12 : memref<!tpu.dma_semaphore, #tpu.memory_space<semaphore_mem>>) src(%dma_wait3A_68 : memref<10240x128xf32, #tpu.memory_space<hbm>>) dst(%arg9 : memref<125x128xf32, #tpu.memory_space<vmem>>)
        "tpu.region"() ({
          %run_scoped3A_85 = tpu.sem_alloc : memref<!tpu.dma_semaphore, #tpu.memory_space<semaphore_mem>>
          %dma_start3A_86 = arith.constant 0 : i32
          %dma_start3A_87 = tpu.memref_slice %arg8[%mul3A_54, %dma_start3A_86] : memref<40x125xi32, #tpu.memory_space<vmem>> -> memref<1x125xi32, #tpu.memory_space<vmem>>
          %dma_start3A_88 = tpu.memref_squeeze %dma_start3A_87 : memref<1x125xi32, #tpu.memory_space<vmem>> -> memref<125xi32, #tpu.memory_space<vmem>>
          %dma_start3A_89 = arith.constant 0 : i32
          %dma_start3A_90 = arith.constant 0 : i32
          %dma_start3A_91 = tpu.memref_slice %arg11[%dma_start3A_89, %dma_start3A_90] : memref<10240x128xf32, #tpu.memory_space<vmem_shared>> -> memref<10240x128xf32, #tpu.memory_space<vmem_shared>>
          tpu.enqueue_indirect_dma source(%arg9 : memref<125x128xf32, #tpu.memory_space<vmem>>) target(%dma_start3A_91 : memref<10240x128xf32, #tpu.memory_space<vmem_shared>>) offsets(%dma_start3A_88 : memref<125xi32, #tpu.memory_space<vmem>>) semaphore(%run_scoped3A_85 : memref<!tpu.dma_semaphore, #tpu.memory_space<semaphore_mem>>) {add = true}
          %dma_wait3A_92 = arith.constant 0 : i32
          %dma_wait3A_93 = tpu.memref_slice %arg8[%mul3A_54, %dma_wait3A_92] : memref<40x125xi32, #tpu.memory_space<vmem>> -> memref<1x125xi32, #tpu.memory_space<vmem>>
          %dma_wait3A_94 = tpu.memref_squeeze %dma_wait3A_93 : memref<1x125xi32, #tpu.memory_space<vmem>> -> memref<125xi32, #tpu.memory_space<vmem>>
          %dma_wait3A_95 = arith.constant 0 : i32
          %dma_wait3A_96 = arith.constant 0 : i32
          %dma_wait3A_97 = tpu.memref_slice %arg11[%dma_wait3A_95, %dma_wait3A_96] : memref<10240x128xf32, #tpu.memory_space<vmem_shared>> -> memref<10240x128xf32, #tpu.memory_space<vmem_shared>>
          tpu.wait_indirect_dma semaphore(%run_scoped3A_85 : memref<!tpu.dma_semaphore, #tpu.memory_space<semaphore_mem>>) src(%arg9 : memref<125x128xf32, #tpu.memory_space<vmem>>) dst(%dma_wait3A_97 : memref<10240x128xf32, #tpu.memory_space<vmem_shared>>)
          tpu.yield
        }) : () -> ()
        %add3A_69 = arith.constant 2 : i32
        %add3A_70 = arith.addi %mul3A_54, %add3A_69 : i32
        %dma_start3A_71 = arith.constant 0 : i32
        %dma_start3A_72 = tpu.memref_slice %arg7[%add3A_70, %dma_start3A_71] : memref<40x125xi32, #tpu.memory_space<vmem>> -> memref<1x125xi32, #tpu.memory_space<vmem>>
        %dma_start3A_73 = tpu.memref_squeeze %dma_start3A_72 : memref<1x125xi32, #tpu.memory_space<vmem>> -> memref<125xi32, #tpu.memory_space<vmem>>
        %dma_start3A_74 = arith.constant 0 : i32
        %dma_start3A_75 = arith.constant 0 : i32
        %dma_start3A_76 = tpu.memref_slice %arg2[%dma_start3A_74, %dma_start3A_75] : memref<10240x128xf32, #tpu.memory_space<hbm>> -> memref<10240x128xf32, #tpu.memory_space<hbm>>
        tpu.enqueue_indirect_dma source(%dma_start3A_76 : memref<10240x128xf32, #tpu.memory_space<hbm>>) target(%arg9 : memref<125x128xf32, #tpu.memory_space<vmem>>) offsets(%dma_start3A_73 : memref<125xi32, #tpu.memory_space<vmem>>) semaphore(%arg12 : memref<!tpu.dma_semaphore, #tpu.memory_space<semaphore_mem>>)
        %dma_wait3A_77 = arith.constant 0 : i32
        %dma_wait3A_78 = tpu.memref_slice %arg7[%add3A_56, %dma_wait3A_77] : memref<40x125xi32, #tpu.memory_space<vmem>> -> memref<1x125xi32, #tpu.memory_space<vmem>>
        %dma_wait3A_79 = tpu.memref_squeeze %dma_wait3A_78 : memref<1x125xi32, #tpu.memory_space<vmem>> -> memref<125xi32, #tpu.memory_space<vmem>>
        %dma_wait3A_80 = arith.constant 0 : i32
        %dma_wait3A_81 = arith.constant 0 : i32
        %dma_wait3A_82 = tpu.memref_slice %arg2[%dma_wait3A_80, %dma_wait3A_81] : memref<10240x128xf32, #tpu.memory_space<hbm>> -> memref<10240x128xf32, #tpu.memory_space<hbm>>
        tpu.wait_indirect_dma semaphore(%arg13 : memref<!tpu.dma_semaphore, #tpu.memory_space<semaphore_mem>>) src(%dma_wait3A_82 : memref<10240x128xf32, #tpu.memory_space<hbm>>) dst(%arg10 : memref<125x128xf32, #tpu.memory_space<vmem>>)
        %add3A_83 = arith.constant 1 : i32
        %add3A_84 = arith.addi %mul3A_54, %add3A_83 : i32
        "tpu.region"() ({
          %run_scoped3A_85 = tpu.sem_alloc : memref<!tpu.dma_semaphore, #tpu.memory_space<semaphore_mem>>
          %dma_start3A_86 = arith.constant 0 : i32
          %dma_start3A_87 = tpu.memref_slice %arg8[%add3A_84, %dma_start3A_86] : memref<40x125xi32, #tpu.memory_space<vmem>> -> memref<1x125xi32, #tpu.memory_space<vmem>>
          %dma_start3A_88 = tpu.memref_squeeze %dma_start3A_87 : memref<1x125xi32, #tpu.memory_space<vmem>> -> memref<125xi32, #tpu.memory_space<vmem>>
          %dma_start3A_89 = arith.constant 0 : i32
          %dma_start3A_90 = arith.constant 0 : i32
          %dma_start3A_91 = tpu.memref_slice %arg11[%dma_start3A_89, %dma_start3A_90] : memref<10240x128xf32, #tpu.memory_space<vmem_shared>> -> memref<10240x128xf32, #tpu.memory_space<vmem_shared>>
          tpu.enqueue_indirect_dma source(%arg10 : memref<125x128xf32, #tpu.memory_space<vmem>>) target(%dma_start3A_91 : memref<10240x128xf32, #tpu.memory_space<vmem_shared>>) offsets(%dma_start3A_88 : memref<125xi32, #tpu.memory_space<vmem>>) semaphore(%run_scoped3A_85 : memref<!tpu.dma_semaphore, #tpu.memory_space<semaphore_mem>>) {add = true}
          %dma_wait3A_92 = arith.constant 0 : i32
          %dma_wait3A_93 = tpu.memref_slice %arg8[%add3A_84, %dma_wait3A_92] : memref<40x125xi32, #tpu.memory_space<vmem>> -> memref<1x125xi32, #tpu.memory_space<vmem>>
          %dma_wait3A_94 = tpu.memref_squeeze %dma_wait3A_93 : memref<1x125xi32, #tpu.memory_space<vmem>> -> memref<125xi32, #tpu.memory_space<vmem>>
          %dma_wait3A_95 = arith.constant 0 : i32
          %dma_wait3A_96 = arith.constant 0 : i32
          %dma_wait3A_97 = tpu.memref_slice %arg11[%dma_wait3A_95, %dma_wait3A_96] : memref<10240x128xf32, #tpu.memory_space<vmem_shared>> -> memref<10240x128xf32, #tpu.memory_space<vmem_shared>>
          tpu.wait_indirect_dma semaphore(%run_scoped3A_85 : memref<!tpu.dma_semaphore, #tpu.memory_space<semaphore_mem>>) src(%arg10 : memref<125x128xf32, #tpu.memory_space<vmem>>) dst(%dma_wait3A_97 : memref<10240x128xf32, #tpu.memory_space<vmem_shared>>)
          tpu.yield
        }) : () -> ()
      }
      %scan3A_30 = arith.constant 19 : i32
      %dma_start3A_31 = arith.constant 39 : i32
      %dma_start3A_32 = arith.constant 0 : i32
      %dma_start3A_33 = tpu.memref_slice %arg7[%dma_start3A_31, %dma_start3A_32] : memref<40x125xi32, #tpu.memory_space<vmem>> -> memref<1x125xi32, #tpu.memory_space<vmem>>
      %dma_start3A_34 = tpu.memref_squeeze %dma_start3A_33 : memref<1x125xi32, #tpu.memory_space<vmem>> -> memref<125xi32, #tpu.memory_space<vmem>>
      %dma_start3A_35 = arith.constant 0 : i32
      %dma_start3A_36 = arith.constant 0 : i32
      %dma_start3A_37 = tpu.memref_slice %arg2[%dma_start3A_35, %dma_start3A_36] : memref<10240x128xf32, #tpu.memory_space<hbm>> -> memref<10240x128xf32, #tpu.memory_space<hbm>>
      tpu.enqueue_indirect_dma source(%dma_start3A_37 : memref<10240x128xf32, #tpu.memory_space<hbm>>) target(%arg10 : memref<125x128xf32, #tpu.memory_space<vmem>>) offsets(%dma_start3A_34 : memref<125xi32, #tpu.memory_space<vmem>>) semaphore(%arg13 : memref<!tpu.dma_semaphore, #tpu.memory_space<semaphore_mem>>)
      %dma_wait3A = arith.constant 38 : i32
      %dma_wait3A_38 = arith.constant 0 : i32
      %dma_wait3A_39 = tpu.memref_slice %arg7[%dma_wait3A, %dma_wait3A_38] : memref<40x125xi32, #tpu.memory_space<vmem>> -> memref<1x125xi32, #tpu.memory_space<vmem>>
      %dma_wait3A_40 = tpu.memref_squeeze %dma_wait3A_39 : memref<1x125xi32, #tpu.memory_space<vmem>> -> memref<125xi32, #tpu.memory_space<vmem>>
      %dma_wait3A_41 = arith.constant 0 : i32
      %dma_wait3A_42 = arith.constant 0 : i32
      %dma_wait3A_43 = tpu.memref_slice %arg2[%dma_wait3A_41, %dma_wait3A_42] : memref<10240x128xf32, #tpu.memory_space<hbm>> -> memref<10240x128xf32, #tpu.memory_space<hbm>>
      tpu.wait_indirect_dma semaphore(%arg12 : memref<!tpu.dma_semaphore, #tpu.memory_space<semaphore_mem>>) src(%dma_wait3A_43 : memref<10240x128xf32, #tpu.memory_space<hbm>>) dst(%arg9 : memref<125x128xf32, #tpu.memory_space<vmem>>)
      %run_scoped3A = arith.constant 38 : i32
      "tpu.region"() ({
        %run_scoped3A_52 = tpu.sem_alloc : memref<!tpu.dma_semaphore, #tpu.memory_space<semaphore_mem>>
        %dma_start3A_53 = arith.constant 0 : i32
        %dma_start3A_54 = tpu.memref_slice %arg8[%run_scoped3A, %dma_start3A_53] : memref<40x125xi32, #tpu.memory_space<vmem>> -> memref<1x125xi32, #tpu.memory_space<vmem>>
        %dma_start3A_55 = tpu.memref_squeeze %dma_start3A_54 : memref<1x125xi32, #tpu.memory_space<vmem>> -> memref<125xi32, #tpu.memory_space<vmem>>
        %dma_start3A_56 = arith.constant 0 : i32
        %dma_start3A_57 = arith.constant 0 : i32
        %dma_start3A_58 = tpu.memref_slice %arg11[%dma_start3A_56, %dma_start3A_57] : memref<10240x128xf32, #tpu.memory_space<vmem_shared>> -> memref<10240x128xf32, #tpu.memory_space<vmem_shared>>
        tpu.enqueue_indirect_dma source(%arg9 : memref<125x128xf32, #tpu.memory_space<vmem>>) target(%dma_start3A_58 : memref<10240x128xf32, #tpu.memory_space<vmem_shared>>) offsets(%dma_start3A_55 : memref<125xi32, #tpu.memory_space<vmem>>) semaphore(%run_scoped3A_52 : memref<!tpu.dma_semaphore, #tpu.memory_space<semaphore_mem>>) {add = true}
        %dma_wait3A_59 = arith.constant 0 : i32
        %dma_wait3A_60 = tpu.memref_slice %arg8[%run_scoped3A, %dma_wait3A_59] : memref<40x125xi32, #tpu.memory_space<vmem>> -> memref<1x125xi32, #tpu.memory_space<vmem>>
        %dma_wait3A_61 = tpu.memref_squeeze %dma_wait3A_60 : memref<1x125xi32, #tpu.memory_space<vmem>> -> memref<125xi32, #tpu.memory_space<vmem>>
        %dma_wait3A_62 = arith.constant 0 : i32
        %dma_wait3A_63 = arith.constant 0 : i32
        %dma_wait3A_64 = tpu.memref_slice %arg11[%dma_wait3A_62, %dma_wait3A_63] : memref<10240x128xf32, #tpu.memory_space<vmem_shared>> -> memref<10240x128xf32, #tpu.memory_space<vmem_shared>>
        tpu.wait_indirect_dma semaphore(%run_scoped3A_52 : memref<!tpu.dma_semaphore, #tpu.memory_space<semaphore_mem>>) src(%arg9 : memref<125x128xf32, #tpu.memory_space<vmem>>) dst(%dma_wait3A_64 : memref<10240x128xf32, #tpu.memory_space<vmem_shared>>)
        tpu.yield
      }) : () -> ()
      %dma_wait3A_44 = arith.constant 39 : i32
      %dma_wait3A_45 = arith.constant 0 : i32
      %dma_wait3A_46 = tpu.memref_slice %arg7[%dma_wait3A_44, %dma_wait3A_45] : memref<40x125xi32, #tpu.memory_space<vmem>> -> memref<1x125xi32, #tpu.memory_space<vmem>>
      %dma_wait3A_47 = tpu.memref_squeeze %dma_wait3A_46 : memref<1x125xi32, #tpu.memory_space<vmem>> -> memref<125xi32, #tpu.memory_space<vmem>>
      %dma_wait3A_48 = arith.constant 0 : i32
      %dma_wait3A_49 = arith.constant 0 : i32
      %dma_wait3A_50 = tpu.memref_slice %arg2[%dma_wait3A_48, %dma_wait3A_49] : memref<10240x128xf32, #tpu.memory_space<hbm>> -> memref<10240x128xf32, #tpu.memory_space<hbm>>
      tpu.wait_indirect_dma semaphore(%arg13 : memref<!tpu.dma_semaphore, #tpu.memory_space<semaphore_mem>>) src(%dma_wait3A_50 : memref<10240x128xf32, #tpu.memory_space<hbm>>) dst(%arg10 : memref<125x128xf32, #tpu.memory_space<vmem>>)
      %run_scoped3A_51 = arith.constant 39 : i32
      "tpu.region"() ({
        %run_scoped3A_52 = tpu.sem_alloc : memref<!tpu.dma_semaphore, #tpu.memory_space<semaphore_mem>>
        %dma_start3A_53 = arith.constant 0 : i32
        %dma_start3A_54 = tpu.memref_slice %arg8[%run_scoped3A_51, %dma_start3A_53] : memref<40x125xi32, #tpu.memory_space<vmem>> -> memref<1x125xi32, #tpu.memory_space<vmem>>
        %dma_start3A_55 = tpu.memref_squeeze %dma_start3A_54 : memref<1x125xi32, #tpu.memory_space<vmem>> -> memref<125xi32, #tpu.memory_space<vmem>>
        %dma_start3A_56 = arith.constant 0 : i32
        %dma_start3A_57 = arith.constant 0 : i32
        %dma_start3A_58 = tpu.memref_slice %arg11[%dma_start3A_56, %dma_start3A_57] : memref<10240x128xf32, #tpu.memory_space<vmem_shared>> -> memref<10240x128xf32, #tpu.memory_space<vmem_shared>>
        tpu.enqueue_indirect_dma source(%arg10 : memref<125x128xf32, #tpu.memory_space<vmem>>) target(%dma_start3A_58 : memref<10240x128xf32, #tpu.memory_space<vmem_shared>>) offsets(%dma_start3A_55 : memref<125xi32, #tpu.memory_space<vmem>>) semaphore(%run_scoped3A_52 : memref<!tpu.dma_semaphore, #tpu.memory_space<semaphore_mem>>) {add = true}
        %dma_wait3A_59 = arith.constant 0 : i32
        %dma_wait3A_60 = tpu.memref_slice %arg8[%run_scoped3A_51, %dma_wait3A_59] : memref<40x125xi32, #tpu.memory_space<vmem>> -> memref<1x125xi32, #tpu.memory_space<vmem>>
        %dma_wait3A_61 = tpu.memref_squeeze %dma_wait3A_60 : memref<1x125xi32, #tpu.memory_space<vmem>> -> memref<125xi32, #tpu.memory_space<vmem>>
        %dma_wait3A_62 = arith.constant 0 : i32
        %dma_wait3A_63 = arith.constant 0 : i32
        %dma_wait3A_64 = tpu.memref_slice %arg11[%dma_wait3A_62, %dma_wait3A_63] : memref<10240x128xf32, #tpu.memory_space<vmem_shared>> -> memref<10240x128xf32, #tpu.memory_space<vmem_shared>>
        tpu.wait_indirect_dma semaphore(%run_scoped3A_52 : memref<!tpu.dma_semaphore, #tpu.memory_space<semaphore_mem>>) src(%arg10 : memref<125x128xf32, #tpu.memory_space<vmem>>) dst(%dma_wait3A_64 : memref<10240x128xf32, #tpu.memory_space<vmem_shared>>)
        tpu.yield
      }) : () -> ()
    }
    %scan3A_14 = arith.constant 2 : i32
    %barrier3A_15 = arith.constant 0 : index
    tpu.barrier barrier_id(%barrier3A_15)
    "tpu.region"() ({
      %run_scoped3A = tpu.sem_alloc : memref<!tpu.dma_semaphore, #tpu.memory_space<semaphore_mem>>
      %dma_start3A = arith.constant 0 : i32
      %dma_start3A_16 = tpu.memref_slice %arg6[%arg0, %mul3A_2, %dma_start3A] : memref<2x10240x128xf32, #tpu.memory_space<hbm>> -> memref<1x640x128xf32, #tpu.memory_space<hbm>>
      %dma_start3A_17 = tpu.memref_squeeze %dma_start3A_16 : memref<1x640x128xf32, #tpu.memory_space<hbm>> -> memref<640x128xf32, #tpu.memory_space<hbm>>
      %dma_start3A_18 = arith.constant 0 : i32
      %dma_start3A_19 = tpu.memref_slice %arg11[%mul3A_2, %dma_start3A_18] : memref<10240x128xf32, #tpu.memory_space<vmem_shared>> -> memref<640x128xf32, #tpu.memory_space<vmem_shared>>
      tpu.enqueue_dma source(%dma_start3A_19 : memref<640x128xf32, #tpu.memory_space<vmem_shared>>) target(%dma_start3A_17 : memref<640x128xf32, #tpu.memory_space<hbm>>) target_semaphore(%run_scoped3A : memref<!tpu.dma_semaphore, #tpu.memory_space<semaphore_mem>>)
      %dma_wait3A = arith.constant 0 : i32
      %dma_wait3A_20 = tpu.memref_slice %arg6[%arg0, %mul3A_2, %dma_wait3A] : memref<2x10240x128xf32, #tpu.memory_space<hbm>> -> memref<1x640x128xf32, #tpu.memory_space<hbm>>
      %dma_wait3A_21 = tpu.memref_squeeze %dma_wait3A_20 : memref<1x640x128xf32, #tpu.memory_space<hbm>> -> memref<640x128xf32, #tpu.memory_space<hbm>>
      %dma_wait3A_22 = arith.constant 0 : i32
      %dma_wait3A_23 = tpu.memref_slice %arg11[%mul3A_2, %dma_wait3A_22] : memref<10240x128xf32, #tpu.memory_space<vmem_shared>> -> memref<640x128xf32, #tpu.memory_space<vmem_shared>>
      tpu.wait_dma2 semaphore(%run_scoped3A : memref<!tpu.dma_semaphore, #tpu.memory_space<semaphore_mem>>) src(%dma_wait3A_23 : memref<640x128xf32, #tpu.memory_space<vmem_shared>>) dst(%dma_wait3A_21 : memref<640x128xf32, #tpu.memory_space<hbm>>)
      tpu.yield
    }) : () -> ()
    return
  }
}

#map = affine_map<(d0, d1) -> (0, 0)>
#map1 = affine_map<(d0, d1) -> (0, 0, 0)>
module attributes {stable_mosaic.version = 14 : i64} {
  func.func @_decode_gather_kernel(%arg0: i32, %arg1: i32, %arg2: memref<10240x128xf32, #tpu.memory_space<hbm>>, %arg3: memref<10240x128xf32, #tpu.memory_space<hbm>>, %arg4: memref<32x8x128xi32, #tpu.memory_space<hbm>>, %arg5: memref<32x8x128xi32, #tpu.memory_space<hbm>>, %arg6: memref<32768x128xf32, #tpu.memory_space<hbm>>, %arg7: memref<32768x128xf32, #tpu.memory_space<hbm>>, %arg8: memref<8x128xi32, #tpu.memory_space<vmem>>, %arg9: memref<8x128xi32, #tpu.memory_space<vmem>>, %arg10: memref<128x128xf32, #tpu.memory_space<vmem>>, %arg11: memref<128x128xf32, #tpu.memory_space<vmem>>, %arg12: memref<128x128xf32, #tpu.memory_space<vmem>>, %arg13: memref<128x128xf32, #tpu.memory_space<vmem>>, %arg14: memref<!tpu.dma_semaphore, #tpu.memory_space<semaphore_mem>>, %arg15: memref<!tpu.dma_semaphore, #tpu.memory_space<semaphore_mem>>, %arg16: memref<!tpu.dma_semaphore, #tpu.memory_space<semaphore_mem>>, %arg17: memref<!tpu.dma_semaphore, #tpu.memory_space<semaphore_mem>>) attributes {dimension_semantics = [#tpu.dimension_semantics<core_parallel>, #tpu.dimension_semantics<subcore_parallel>], iteration_bounds = array<i64: 2, 16>, scalar_prefetch = 0 : i64, scratch_operands = 10 : i64, tpu.core_type = #tpu.core_type<sc_vector_subcore>, window_params = [{transform_indices = #map}, {transform_indices = #map}, {transform_indices = #map1}, {transform_indices = #map1}, {transform_indices = #map}, {transform_indices = #map}]} {
    %mul3A = arith.constant 16 : i32
    %mul3A_0 = arith.muli %arg0, %mul3A : i32
    %add3A = arith.addi %mul3A_0, %arg1 : i32
    %mul3A_1 = arith.constant 1024 : i32
    %mul3A_2 = arith.muli %add3A, %mul3A_1 : i32
    "tpu.region"() ({
      %run_scoped3A = tpu.sem_alloc : memref<!tpu.dma_semaphore, #tpu.memory_space<semaphore_mem>>
      %dma_start3A_66 = arith.constant 0 : i32
      %dma_start3A_67 = arith.constant 0 : i32
      %dma_start3A_68 = tpu.memref_slice %arg4[%add3A, %dma_start3A_66, %dma_start3A_67] : memref<32x8x128xi32, #tpu.memory_space<hbm>> -> memref<1x8x128xi32, #tpu.memory_space<hbm>>
      %dma_start3A_69 = tpu.memref_squeeze %dma_start3A_68 : memref<1x8x128xi32, #tpu.memory_space<hbm>> -> memref<8x128xi32, #tpu.memory_space<hbm>>
      %dma_start3A_70 = arith.constant 0 : i32
      %dma_start3A_71 = arith.constant 0 : i32
      %dma_start3A_72 = tpu.memref_slice %arg4[%add3A, %dma_start3A_70, %dma_start3A_71] : memref<32x8x128xi32, #tpu.memory_space<hbm>> -> memref<1x8x128xi32, #tpu.memory_space<hbm>>
      %dma_start3A_73 = tpu.memref_squeeze %dma_start3A_72 : memref<1x8x128xi32, #tpu.memory_space<hbm>> -> memref<8x128xi32, #tpu.memory_space<hbm>>
      tpu.enqueue_dma source(%dma_start3A_73 : memref<8x128xi32, #tpu.memory_space<hbm>>) target(%arg8 : memref<8x128xi32, #tpu.memory_space<vmem>>) target_semaphore(%run_scoped3A : memref<!tpu.dma_semaphore, #tpu.memory_space<semaphore_mem>>)
      %dma_wait3A_74 = arith.constant 0 : i32
      %dma_wait3A_75 = arith.constant 0 : i32
      %dma_wait3A_76 = tpu.memref_slice %arg4[%add3A, %dma_wait3A_74, %dma_wait3A_75] : memref<32x8x128xi32, #tpu.memory_space<hbm>> -> memref<1x8x128xi32, #tpu.memory_space<hbm>>
      %dma_wait3A_77 = tpu.memref_squeeze %dma_wait3A_76 : memref<1x8x128xi32, #tpu.memory_space<hbm>> -> memref<8x128xi32, #tpu.memory_space<hbm>>
      %dma_wait3A_78 = arith.constant 0 : i32
      %dma_wait3A_79 = arith.constant 0 : i32
      %dma_wait3A_80 = tpu.memref_slice %arg4[%add3A, %dma_wait3A_78, %dma_wait3A_79] : memref<32x8x128xi32, #tpu.memory_space<hbm>> -> memref<1x8x128xi32, #tpu.memory_space<hbm>>
      %dma_wait3A_81 = tpu.memref_squeeze %dma_wait3A_80 : memref<1x8x128xi32, #tpu.memory_space<hbm>> -> memref<8x128xi32, #tpu.memory_space<hbm>>
      tpu.wait_dma2 semaphore(%run_scoped3A : memref<!tpu.dma_semaphore, #tpu.memory_space<semaphore_mem>>) src(%dma_wait3A_81 : memref<8x128xi32, #tpu.memory_space<hbm>>) dst(%arg8 : memref<8x128xi32, #tpu.memory_space<vmem>>)
      tpu.yield
    }) : () -> ()
    "tpu.region"() ({
      %run_scoped3A = tpu.sem_alloc : memref<!tpu.dma_semaphore, #tpu.memory_space<semaphore_mem>>
      %dma_start3A_66 = arith.constant 0 : i32
      %dma_start3A_67 = arith.constant 0 : i32
      %dma_start3A_68 = tpu.memref_slice %arg5[%add3A, %dma_start3A_66, %dma_start3A_67] : memref<32x8x128xi32, #tpu.memory_space<hbm>> -> memref<1x8x128xi32, #tpu.memory_space<hbm>>
      %dma_start3A_69 = tpu.memref_squeeze %dma_start3A_68 : memref<1x8x128xi32, #tpu.memory_space<hbm>> -> memref<8x128xi32, #tpu.memory_space<hbm>>
      %dma_start3A_70 = arith.constant 0 : i32
      %dma_start3A_71 = arith.constant 0 : i32
      %dma_start3A_72 = tpu.memref_slice %arg5[%add3A, %dma_start3A_70, %dma_start3A_71] : memref<32x8x128xi32, #tpu.memory_space<hbm>> -> memref<1x8x128xi32, #tpu.memory_space<hbm>>
      %dma_start3A_73 = tpu.memref_squeeze %dma_start3A_72 : memref<1x8x128xi32, #tpu.memory_space<hbm>> -> memref<8x128xi32, #tpu.memory_space<hbm>>
      tpu.enqueue_dma source(%dma_start3A_73 : memref<8x128xi32, #tpu.memory_space<hbm>>) target(%arg9 : memref<8x128xi32, #tpu.memory_space<vmem>>) target_semaphore(%run_scoped3A : memref<!tpu.dma_semaphore, #tpu.memory_space<semaphore_mem>>)
      %dma_wait3A_74 = arith.constant 0 : i32
      %dma_wait3A_75 = arith.constant 0 : i32
      %dma_wait3A_76 = tpu.memref_slice %arg5[%add3A, %dma_wait3A_74, %dma_wait3A_75] : memref<32x8x128xi32, #tpu.memory_space<hbm>> -> memref<1x8x128xi32, #tpu.memory_space<hbm>>
      %dma_wait3A_77 = tpu.memref_squeeze %dma_wait3A_76 : memref<1x8x128xi32, #tpu.memory_space<hbm>> -> memref<8x128xi32, #tpu.memory_space<hbm>>
      %dma_wait3A_78 = arith.constant 0 : i32
      %dma_wait3A_79 = arith.constant 0 : i32
      %dma_wait3A_80 = tpu.memref_slice %arg5[%add3A, %dma_wait3A_78, %dma_wait3A_79] : memref<32x8x128xi32, #tpu.memory_space<hbm>> -> memref<1x8x128xi32, #tpu.memory_space<hbm>>
      %dma_wait3A_81 = tpu.memref_squeeze %dma_wait3A_80 : memref<1x8x128xi32, #tpu.memory_space<hbm>> -> memref<8x128xi32, #tpu.memory_space<hbm>>
      tpu.wait_dma2 semaphore(%run_scoped3A : memref<!tpu.dma_semaphore, #tpu.memory_space<semaphore_mem>>) src(%dma_wait3A_81 : memref<8x128xi32, #tpu.memory_space<hbm>>) dst(%arg9 : memref<8x128xi32, #tpu.memory_space<vmem>>)
      tpu.yield
    }) : () -> ()
    %dma_start3A = arith.constant 0 : i32
    %dma_start3A_3 = arith.constant 0 : i32
    %dma_start3A_4 = tpu.memref_slice %arg8[%dma_start3A, %dma_start3A_3] : memref<8x128xi32, #tpu.memory_space<vmem>> -> memref<1x128xi32, #tpu.memory_space<vmem>>
    %dma_start3A_5 = tpu.memref_squeeze %dma_start3A_4 : memref<1x128xi32, #tpu.memory_space<vmem>> -> memref<128xi32, #tpu.memory_space<vmem>>
    %dma_start3A_6 = arith.constant 0 : i32
    %dma_start3A_7 = arith.constant 0 : i32
    %dma_start3A_8 = tpu.memref_slice %arg2[%dma_start3A_6, %dma_start3A_7] : memref<10240x128xf32, #tpu.memory_space<hbm>> -> memref<10240x128xf32, #tpu.memory_space<hbm>>
    tpu.enqueue_indirect_dma source(%dma_start3A_8 : memref<10240x128xf32, #tpu.memory_space<hbm>>) target(%arg10 : memref<128x128xf32, #tpu.memory_space<vmem>>) offsets(%dma_start3A_5 : memref<128xi32, #tpu.memory_space<vmem>>) semaphore(%arg14 : memref<!tpu.dma_semaphore, #tpu.memory_space<semaphore_mem>>)
    %dma_start3A_9 = arith.constant 0 : i32
    %dma_start3A_10 = arith.constant 0 : i32
    %dma_start3A_11 = tpu.memref_slice %arg9[%dma_start3A_9, %dma_start3A_10] : memref<8x128xi32, #tpu.memory_space<vmem>> -> memref<1x128xi32, #tpu.memory_space<vmem>>
    %dma_start3A_12 = tpu.memref_squeeze %dma_start3A_11 : memref<1x128xi32, #tpu.memory_space<vmem>> -> memref<128xi32, #tpu.memory_space<vmem>>
    %dma_start3A_13 = arith.constant 0 : i32
    %dma_start3A_14 = arith.constant 0 : i32
    %dma_start3A_15 = tpu.memref_slice %arg3[%dma_start3A_13, %dma_start3A_14] : memref<10240x128xf32, #tpu.memory_space<hbm>> -> memref<10240x128xf32, #tpu.memory_space<hbm>>
    tpu.enqueue_indirect_dma source(%dma_start3A_15 : memref<10240x128xf32, #tpu.memory_space<hbm>>) target(%arg11 : memref<128x128xf32, #tpu.memory_space<vmem>>) offsets(%dma_start3A_12 : memref<128xi32, #tpu.memory_space<vmem>>) semaphore(%arg15 : memref<!tpu.dma_semaphore, #tpu.memory_space<semaphore_mem>>)
    %scan3A = arith.constant 0 : i32
    %scan3A_16 = arith.constant 0 : i32
    %scan3A_17 = arith.constant 3 : i32
    %scan3A_18 = arith.addi %scan3A_16, %scan3A_17 : i32
    %scan3A_19 = arith.constant 1 : i32
    scf.for %scan3A_66 = %scan3A_16 to %scan3A_18 step %scan3A_19  : i32 {
      %mul3A_67 = arith.constant 2 : i32
      %mul3A_68 = arith.muli %mul3A_67, %scan3A_66 : i32
      %add3A_69 = arith.constant 1 : i32
      %add3A_70 = arith.addi %mul3A_68, %add3A_69 : i32
      %dma_start3A_71 = arith.constant 0 : i32
      %dma_start3A_72 = tpu.memref_slice %arg8[%add3A_70, %dma_start3A_71] : memref<8x128xi32, #tpu.memory_space<vmem>> -> memref<1x128xi32, #tpu.memory_space<vmem>>
      %dma_start3A_73 = tpu.memref_squeeze %dma_start3A_72 : memref<1x128xi32, #tpu.memory_space<vmem>> -> memref<128xi32, #tpu.memory_space<vmem>>
      %dma_start3A_74 = arith.constant 0 : i32
      %dma_start3A_75 = arith.constant 0 : i32
      %dma_start3A_76 = tpu.memref_slice %arg2[%dma_start3A_74, %dma_start3A_75] : memref<10240x128xf32, #tpu.memory_space<hbm>> -> memref<10240x128xf32, #tpu.memory_space<hbm>>
      tpu.enqueue_indirect_dma source(%dma_start3A_76 : memref<10240x128xf32, #tpu.memory_space<hbm>>) target(%arg12 : memref<128x128xf32, #tpu.memory_space<vmem>>) offsets(%dma_start3A_73 : memref<128xi32, #tpu.memory_space<vmem>>) semaphore(%arg16 : memref<!tpu.dma_semaphore, #tpu.memory_space<semaphore_mem>>)
      %add3A_77 = arith.constant 1 : i32
      %add3A_78 = arith.addi %mul3A_68, %add3A_77 : i32
      %dma_start3A_79 = arith.constant 0 : i32
      %dma_start3A_80 = tpu.memref_slice %arg9[%add3A_78, %dma_start3A_79] : memref<8x128xi32, #tpu.memory_space<vmem>> -> memref<1x128xi32, #tpu.memory_space<vmem>>
      %dma_start3A_81 = tpu.memref_squeeze %dma_start3A_80 : memref<1x128xi32, #tpu.memory_space<vmem>> -> memref<128xi32, #tpu.memory_space<vmem>>
      %dma_start3A_82 = arith.constant 0 : i32
      %dma_start3A_83 = arith.constant 0 : i32
      %dma_start3A_84 = tpu.memref_slice %arg3[%dma_start3A_82, %dma_start3A_83] : memref<10240x128xf32, #tpu.memory_space<hbm>> -> memref<10240x128xf32, #tpu.memory_space<hbm>>
      tpu.enqueue_indirect_dma source(%dma_start3A_84 : memref<10240x128xf32, #tpu.memory_space<hbm>>) target(%arg13 : memref<128x128xf32, #tpu.memory_space<vmem>>) offsets(%dma_start3A_81 : memref<128xi32, #tpu.memory_space<vmem>>) semaphore(%arg17 : memref<!tpu.dma_semaphore, #tpu.memory_space<semaphore_mem>>)
      %mul3A_85 = arith.constant 128 : i32
      %mul3A_86 = arith.muli %mul3A_68, %mul3A_85 : i32
      %add3A_87 = arith.addi %mul3A_2, %mul3A_86 : i32
      %dma_wait3A_88 = arith.constant 0 : i32
      %dma_wait3A_89 = tpu.memref_slice %arg8[%mul3A_68, %dma_wait3A_88] : memref<8x128xi32, #tpu.memory_space<vmem>> -> memref<1x128xi32, #tpu.memory_space<vmem>>
      %dma_wait3A_90 = tpu.memref_squeeze %dma_wait3A_89 : memref<1x128xi32, #tpu.memory_space<vmem>> -> memref<128xi32, #tpu.memory_space<vmem>>
      %dma_wait3A_91 = arith.constant 0 : i32
      %dma_wait3A_92 = arith.constant 0 : i32
      %dma_wait3A_93 = tpu.memref_slice %arg2[%dma_wait3A_91, %dma_wait3A_92] : memref<10240x128xf32, #tpu.memory_space<hbm>> -> memref<10240x128xf32, #tpu.memory_space<hbm>>
      tpu.wait_indirect_dma semaphore(%arg14 : memref<!tpu.dma_semaphore, #tpu.memory_space<semaphore_mem>>) src(%dma_wait3A_93 : memref<10240x128xf32, #tpu.memory_space<hbm>>) dst(%arg10 : memref<128x128xf32, #tpu.memory_space<vmem>>)
      "tpu.region"() ({
        %run_scoped3A = tpu.sem_alloc : memref<!tpu.dma_semaphore, #tpu.memory_space<semaphore_mem>>
        %dma_start3A_133 = arith.constant 0 : i32
        %dma_start3A_134 = tpu.memref_slice %arg6[%add3A_87, %dma_start3A_133] : memref<32768x128xf32, #tpu.memory_space<hbm>> -> memref<128x128xf32, #tpu.memory_space<hbm>>
        %dma_start3A_135 = arith.constant 0 : i32
        %dma_start3A_136 = tpu.memref_slice %arg6[%add3A_87, %dma_start3A_135] : memref<32768x128xf32, #tpu.memory_space<hbm>> -> memref<128x128xf32, #tpu.memory_space<hbm>>
        tpu.enqueue_dma source(%arg10 : memref<128x128xf32, #tpu.memory_space<vmem>>) target(%dma_start3A_136 : memref<128x128xf32, #tpu.memory_space<hbm>>) target_semaphore(%run_scoped3A : memref<!tpu.dma_semaphore, #tpu.memory_space<semaphore_mem>>)
        %dma_wait3A_137 = arith.constant 0 : i32
        %dma_wait3A_138 = tpu.memref_slice %arg6[%add3A_87, %dma_wait3A_137] : memref<32768x128xf32, #tpu.memory_space<hbm>> -> memref<128x128xf32, #tpu.memory_space<hbm>>
        %dma_wait3A_139 = arith.constant 0 : i32
        %dma_wait3A_140 = tpu.memref_slice %arg6[%add3A_87, %dma_wait3A_139] : memref<32768x128xf32, #tpu.memory_space<hbm>> -> memref<128x128xf32, #tpu.memory_space<hbm>>
        tpu.wait_dma2 semaphore(%run_scoped3A : memref<!tpu.dma_semaphore, #tpu.memory_space<semaphore_mem>>) src(%arg10 : memref<128x128xf32, #tpu.memory_space<vmem>>) dst(%dma_wait3A_140 : memref<128x128xf32, #tpu.memory_space<hbm>>)
        tpu.yield
      }) : () -> ()
      %dma_wait3A_94 = arith.constant 0 : i32
      %dma_wait3A_95 = tpu.memref_slice %arg9[%mul3A_68, %dma_wait3A_94] : memref<8x128xi32, #tpu.memory_space<vmem>> -> memref<1x128xi32, #tpu.memory_space<vmem>>
      %dma_wait3A_96 = tpu.memref_squeeze %dma_wait3A_95 : memref<1x128xi32, #tpu.memory_space<vmem>> -> memref<128xi32, #tpu.memory_space<vmem>>
      %dma_wait3A_97 = arith.constant 0 : i32
      %dma_wait3A_98 = arith.constant 0 : i32
      %dma_wait3A_99 = tpu.memref_slice %arg3[%dma_wait3A_97, %dma_wait3A_98] : memref<10240x128xf32, #tpu.memory_space<hbm>> -> memref<10240x128xf32, #tpu.memory_space<hbm>>
      tpu.wait_indirect_dma semaphore(%arg15 : memref<!tpu.dma_semaphore, #tpu.memory_space<semaphore_mem>>) src(%dma_wait3A_99 : memref<10240x128xf32, #tpu.memory_space<hbm>>) dst(%arg11 : memref<128x128xf32, #tpu.memory_space<vmem>>)
      "tpu.region"() ({
        %run_scoped3A = tpu.sem_alloc : memref<!tpu.dma_semaphore, #tpu.memory_space<semaphore_mem>>
        %dma_start3A_133 = arith.constant 0 : i32
        %dma_start3A_134 = tpu.memref_slice %arg7[%add3A_87, %dma_start3A_133] : memref<32768x128xf32, #tpu.memory_space<hbm>> -> memref<128x128xf32, #tpu.memory_space<hbm>>
        %dma_start3A_135 = arith.constant 0 : i32
        %dma_start3A_136 = tpu.memref_slice %arg7[%add3A_87, %dma_start3A_135] : memref<32768x128xf32, #tpu.memory_space<hbm>> -> memref<128x128xf32, #tpu.memory_space<hbm>>
        tpu.enqueue_dma source(%arg11 : memref<128x128xf32, #tpu.memory_space<vmem>>) target(%dma_start3A_136 : memref<128x128xf32, #tpu.memory_space<hbm>>) target_semaphore(%run_scoped3A : memref<!tpu.dma_semaphore, #tpu.memory_space<semaphore_mem>>)
        %dma_wait3A_137 = arith.constant 0 : i32
        %dma_wait3A_138 = tpu.memref_slice %arg7[%add3A_87, %dma_wait3A_137] : memref<32768x128xf32, #tpu.memory_space<hbm>> -> memref<128x128xf32, #tpu.memory_space<hbm>>
        %dma_wait3A_139 = arith.constant 0 : i32
        %dma_wait3A_140 = tpu.memref_slice %arg7[%add3A_87, %dma_wait3A_139] : memref<32768x128xf32, #tpu.memory_space<hbm>> -> memref<128x128xf32, #tpu.memory_space<hbm>>
        tpu.wait_dma2 semaphore(%run_scoped3A : memref<!tpu.dma_semaphore, #tpu.memory_space<semaphore_mem>>) src(%arg11 : memref<128x128xf32, #tpu.memory_space<vmem>>) dst(%dma_wait3A_140 : memref<128x128xf32, #tpu.memory_space<hbm>>)
        tpu.yield
      }) : () -> ()
      %add3A_100 = arith.constant 2 : i32
      %add3A_101 = arith.addi %mul3A_68, %add3A_100 : i32
      %dma_start3A_102 = arith.constant 0 : i32
      %dma_start3A_103 = tpu.memref_slice %arg8[%add3A_101, %dma_start3A_102] : memref<8x128xi32, #tpu.memory_space<vmem>> -> memref<1x128xi32, #tpu.memory_space<vmem>>
      %dma_start3A_104 = tpu.memref_squeeze %dma_start3A_103 : memref<1x128xi32, #tpu.memory_space<vmem>> -> memref<128xi32, #tpu.memory_space<vmem>>
      %dma_start3A_105 = arith.constant 0 : i32
      %dma_start3A_106 = arith.constant 0 : i32
      %dma_start3A_107 = tpu.memref_slice %arg2[%dma_start3A_105, %dma_start3A_106] : memref<10240x128xf32, #tpu.memory_space<hbm>> -> memref<10240x128xf32, #tpu.memory_space<hbm>>
      tpu.enqueue_indirect_dma source(%dma_start3A_107 : memref<10240x128xf32, #tpu.memory_space<hbm>>) target(%arg10 : memref<128x128xf32, #tpu.memory_space<vmem>>) offsets(%dma_start3A_104 : memref<128xi32, #tpu.memory_space<vmem>>) semaphore(%arg14 : memref<!tpu.dma_semaphore, #tpu.memory_space<semaphore_mem>>)
      %add3A_108 = arith.constant 2 : i32
      %add3A_109 = arith.addi %mul3A_68, %add3A_108 : i32
      %dma_start3A_110 = arith.constant 0 : i32
      %dma_start3A_111 = tpu.memref_slice %arg9[%add3A_109, %dma_start3A_110] : memref<8x128xi32, #tpu.memory_space<vmem>> -> memref<1x128xi32, #tpu.memory_space<vmem>>
      %dma_start3A_112 = tpu.memref_squeeze %dma_start3A_111 : memref<1x128xi32, #tpu.memory_space<vmem>> -> memref<128xi32, #tpu.memory_space<vmem>>
      %dma_start3A_113 = arith.constant 0 : i32
      %dma_start3A_114 = arith.constant 0 : i32
      %dma_start3A_115 = tpu.memref_slice %arg3[%dma_start3A_113, %dma_start3A_114] : memref<10240x128xf32, #tpu.memory_space<hbm>> -> memref<10240x128xf32, #tpu.memory_space<hbm>>
      tpu.enqueue_indirect_dma source(%dma_start3A_115 : memref<10240x128xf32, #tpu.memory_space<hbm>>) target(%arg11 : memref<128x128xf32, #tpu.memory_space<vmem>>) offsets(%dma_start3A_112 : memref<128xi32, #tpu.memory_space<vmem>>) semaphore(%arg15 : memref<!tpu.dma_semaphore, #tpu.memory_space<semaphore_mem>>)
      %add3A_116 = arith.constant 1 : i32
      %add3A_117 = arith.addi %mul3A_68, %add3A_116 : i32
      %mul3A_118 = arith.constant 128 : i32
      %mul3A_119 = arith.muli %add3A_117, %mul3A_118 : i32
      %add3A_120 = arith.addi %mul3A_2, %mul3A_119 : i32
      %dma_wait3A_121 = arith.constant 0 : i32
      %dma_wait3A_122 = tpu.memref_slice %arg8[%add3A_117, %dma_wait3A_121] : memref<8x128xi32, #tpu.memory_space<vmem>> -> memref<1x128xi32, #tpu.memory_space<vmem>>
      %dma_wait3A_123 = tpu.memref_squeeze %dma_wait3A_122 : memref<1x128xi32, #tpu.memory_space<vmem>> -> memref<128xi32, #tpu.memory_space<vmem>>
      %dma_wait3A_124 = arith.constant 0 : i32
      %dma_wait3A_125 = arith.constant 0 : i32
      %dma_wait3A_126 = tpu.memref_slice %arg2[%dma_wait3A_124, %dma_wait3A_125] : memref<10240x128xf32, #tpu.memory_space<hbm>> -> memref<10240x128xf32, #tpu.memory_space<hbm>>
      tpu.wait_indirect_dma semaphore(%arg16 : memref<!tpu.dma_semaphore, #tpu.memory_space<semaphore_mem>>) src(%dma_wait3A_126 : memref<10240x128xf32, #tpu.memory_space<hbm>>) dst(%arg12 : memref<128x128xf32, #tpu.memory_space<vmem>>)
      "tpu.region"() ({
        %run_scoped3A = tpu.sem_alloc : memref<!tpu.dma_semaphore, #tpu.memory_space<semaphore_mem>>
        %dma_start3A_133 = arith.constant 0 : i32
        %dma_start3A_134 = tpu.memref_slice %arg6[%add3A_120, %dma_start3A_133] : memref<32768x128xf32, #tpu.memory_space<hbm>> -> memref<128x128xf32, #tpu.memory_space<hbm>>
        %dma_start3A_135 = arith.constant 0 : i32
        %dma_start3A_136 = tpu.memref_slice %arg6[%add3A_120, %dma_start3A_135] : memref<32768x128xf32, #tpu.memory_space<hbm>> -> memref<128x128xf32, #tpu.memory_space<hbm>>
        tpu.enqueue_dma source(%arg12 : memref<128x128xf32, #tpu.memory_space<vmem>>) target(%dma_start3A_136 : memref<128x128xf32, #tpu.memory_space<hbm>>) target_semaphore(%run_scoped3A : memref<!tpu.dma_semaphore, #tpu.memory_space<semaphore_mem>>)
        %dma_wait3A_137 = arith.constant 0 : i32
        %dma_wait3A_138 = tpu.memref_slice %arg6[%add3A_120, %dma_wait3A_137] : memref<32768x128xf32, #tpu.memory_space<hbm>> -> memref<128x128xf32, #tpu.memory_space<hbm>>
        %dma_wait3A_139 = arith.constant 0 : i32
        %dma_wait3A_140 = tpu.memref_slice %arg6[%add3A_120, %dma_wait3A_139] : memref<32768x128xf32, #tpu.memory_space<hbm>> -> memref<128x128xf32, #tpu.memory_space<hbm>>
        tpu.wait_dma2 semaphore(%run_scoped3A : memref<!tpu.dma_semaphore, #tpu.memory_space<semaphore_mem>>) src(%arg12 : memref<128x128xf32, #tpu.memory_space<vmem>>) dst(%dma_wait3A_140 : memref<128x128xf32, #tpu.memory_space<hbm>>)
        tpu.yield
      }) : () -> ()
      %dma_wait3A_127 = arith.constant 0 : i32
      %dma_wait3A_128 = tpu.memref_slice %arg9[%add3A_117, %dma_wait3A_127] : memref<8x128xi32, #tpu.memory_space<vmem>> -> memref<1x128xi32, #tpu.memory_space<vmem>>
      %dma_wait3A_129 = tpu.memref_squeeze %dma_wait3A_128 : memref<1x128xi32, #tpu.memory_space<vmem>> -> memref<128xi32, #tpu.memory_space<vmem>>
      %dma_wait3A_130 = arith.constant 0 : i32
      %dma_wait3A_131 = arith.constant 0 : i32
      %dma_wait3A_132 = tpu.memref_slice %arg3[%dma_wait3A_130, %dma_wait3A_131] : memref<10240x128xf32, #tpu.memory_space<hbm>> -> memref<10240x128xf32, #tpu.memory_space<hbm>>
      tpu.wait_indirect_dma semaphore(%arg17 : memref<!tpu.dma_semaphore, #tpu.memory_space<semaphore_mem>>) src(%dma_wait3A_132 : memref<10240x128xf32, #tpu.memory_space<hbm>>) dst(%arg13 : memref<128x128xf32, #tpu.memory_space<vmem>>)
      "tpu.region"() ({
        %run_scoped3A = tpu.sem_alloc : memref<!tpu.dma_semaphore, #tpu.memory_space<semaphore_mem>>
        %dma_start3A_133 = arith.constant 0 : i32
        %dma_start3A_134 = tpu.memref_slice %arg7[%add3A_120, %dma_start3A_133] : memref<32768x128xf32, #tpu.memory_space<hbm>> -> memref<128x128xf32, #tpu.memory_space<hbm>>
        %dma_start3A_135 = arith.constant 0 : i32
        %dma_start3A_136 = tpu.memref_slice %arg7[%add3A_120, %dma_start3A_135] : memref<32768x128xf32, #tpu.memory_space<hbm>> -> memref<128x128xf32, #tpu.memory_space<hbm>>
        tpu.enqueue_dma source(%arg13 : memref<128x128xf32, #tpu.memory_space<vmem>>) target(%dma_start3A_136 : memref<128x128xf32, #tpu.memory_space<hbm>>) target_semaphore(%run_scoped3A : memref<!tpu.dma_semaphore, #tpu.memory_space<semaphore_mem>>)
        %dma_wait3A_137 = arith.constant 0 : i32
        %dma_wait3A_138 = tpu.memref_slice %arg7[%add3A_120, %dma_wait3A_137] : memref<32768x128xf32, #tpu.memory_space<hbm>> -> memref<128x128xf32, #tpu.memory_space<hbm>>
        %dma_wait3A_139 = arith.constant 0 : i32
        %dma_wait3A_140 = tpu.memref_slice %arg7[%add3A_120, %dma_wait3A_139] : memref<32768x128xf32, #tpu.memory_space<hbm>> -> memref<128x128xf32, #tpu.memory_space<hbm>>
        tpu.wait_dma2 semaphore(%run_scoped3A : memref<!tpu.dma_semaphore, #tpu.memory_space<semaphore_mem>>) src(%arg13 : memref<128x128xf32, #tpu.memory_space<vmem>>) dst(%dma_wait3A_140 : memref<128x128xf32, #tpu.memory_space<hbm>>)
        tpu.yield
      }) : () -> ()
    }
    %scan3A_20 = arith.constant 3 : i32
    %dma_start3A_21 = arith.constant 7 : i32
    %dma_start3A_22 = arith.constant 0 : i32
    %dma_start3A_23 = tpu.memref_slice %arg8[%dma_start3A_21, %dma_start3A_22] : memref<8x128xi32, #tpu.memory_space<vmem>> -> memref<1x128xi32, #tpu.memory_space<vmem>>
    %dma_start3A_24 = tpu.memref_squeeze %dma_start3A_23 : memref<1x128xi32, #tpu.memory_space<vmem>> -> memref<128xi32, #tpu.memory_space<vmem>>
    %dma_start3A_25 = arith.constant 0 : i32
    %dma_start3A_26 = arith.constant 0 : i32
    %dma_start3A_27 = tpu.memref_slice %arg2[%dma_start3A_25, %dma_start3A_26] : memref<10240x128xf32, #tpu.memory_space<hbm>> -> memref<10240x128xf32, #tpu.memory_space<hbm>>
    tpu.enqueue_indirect_dma source(%dma_start3A_27 : memref<10240x128xf32, #tpu.memory_space<hbm>>) target(%arg12 : memref<128x128xf32, #tpu.memory_space<vmem>>) offsets(%dma_start3A_24 : memref<128xi32, #tpu.memory_space<vmem>>) semaphore(%arg16 : memref<!tpu.dma_semaphore, #tpu.memory_space<semaphore_mem>>)
    %dma_start3A_28 = arith.constant 7 : i32
    %dma_start3A_29 = arith.constant 0 : i32
    %dma_start3A_30 = tpu.memref_slice %arg9[%dma_start3A_28, %dma_start3A_29] : memref<8x128xi32, #tpu.memory_space<vmem>> -> memref<1x128xi32, #tpu.memory_space<vmem>>
    %dma_start3A_31 = tpu.memref_squeeze %dma_start3A_30 : memref<1x128xi32, #tpu.memory_space<vmem>> -> memref<128xi32, #tpu.memory_space<vmem>>
    %dma_start3A_32 = arith.constant 0 : i32
    %dma_start3A_33 = arith.constant 0 : i32
    %dma_start3A_34 = tpu.memref_slice %arg3[%dma_start3A_32, %dma_start3A_33] : memref<10240x128xf32, #tpu.memory_space<hbm>> -> memref<10240x128xf32, #tpu.memory_space<hbm>>
    tpu.enqueue_indirect_dma source(%dma_start3A_34 : memref<10240x128xf32, #tpu.memory_space<hbm>>) target(%arg13 : memref<128x128xf32, #tpu.memory_space<vmem>>) offsets(%dma_start3A_31 : memref<128xi32, #tpu.memory_space<vmem>>) semaphore(%arg17 : memref<!tpu.dma_semaphore, #tpu.memory_space<semaphore_mem>>)
    %add3A_35 = arith.constant 768 : i32
    %add3A_36 = arith.addi %mul3A_2, %add3A_35 : i32
    %dma_wait3A = arith.constant 6 : i32
    %dma_wait3A_37 = arith.constant 0 : i32
    %dma_wait3A_38 = tpu.memref_slice %arg8[%dma_wait3A, %dma_wait3A_37] : memref<8x128xi32, #tpu.memory_space<vmem>> -> memref<1x128xi32, #tpu.memory_space<vmem>>
    %dma_wait3A_39 = tpu.memref_squeeze %dma_wait3A_38 : memref<1x128xi32, #tpu.memory_space<vmem>> -> memref<128xi32, #tpu.memory_space<vmem>>
    %dma_wait3A_40 = arith.constant 0 : i32
    %dma_wait3A_41 = arith.constant 0 : i32
    %dma_wait3A_42 = tpu.memref_slice %arg2[%dma_wait3A_40, %dma_wait3A_41] : memref<10240x128xf32, #tpu.memory_space<hbm>> -> memref<10240x128xf32, #tpu.memory_space<hbm>>
    tpu.wait_indirect_dma semaphore(%arg14 : memref<!tpu.dma_semaphore, #tpu.memory_space<semaphore_mem>>) src(%dma_wait3A_42 : memref<10240x128xf32, #tpu.memory_space<hbm>>) dst(%arg10 : memref<128x128xf32, #tpu.memory_space<vmem>>)
    "tpu.region"() ({
      %run_scoped3A = tpu.sem_alloc : memref<!tpu.dma_semaphore, #tpu.memory_space<semaphore_mem>>
      %dma_start3A_66 = arith.constant 0 : i32
      %dma_start3A_67 = tpu.memref_slice %arg6[%add3A_36, %dma_start3A_66] : memref<32768x128xf32, #tpu.memory_space<hbm>> -> memref<128x128xf32, #tpu.memory_space<hbm>>
      %dma_start3A_68 = arith.constant 0 : i32
      %dma_start3A_69 = tpu.memref_slice %arg6[%add3A_36, %dma_start3A_68] : memref<32768x128xf32, #tpu.memory_space<hbm>> -> memref<128x128xf32, #tpu.memory_space<hbm>>
      tpu.enqueue_dma source(%arg10 : memref<128x128xf32, #tpu.memory_space<vmem>>) target(%dma_start3A_69 : memref<128x128xf32, #tpu.memory_space<hbm>>) target_semaphore(%run_scoped3A : memref<!tpu.dma_semaphore, #tpu.memory_space<semaphore_mem>>)
      %dma_wait3A_70 = arith.constant 0 : i32
      %dma_wait3A_71 = tpu.memref_slice %arg6[%add3A_36, %dma_wait3A_70] : memref<32768x128xf32, #tpu.memory_space<hbm>> -> memref<128x128xf32, #tpu.memory_space<hbm>>
      %dma_wait3A_72 = arith.constant 0 : i32
      %dma_wait3A_73 = tpu.memref_slice %arg6[%add3A_36, %dma_wait3A_72] : memref<32768x128xf32, #tpu.memory_space<hbm>> -> memref<128x128xf32, #tpu.memory_space<hbm>>
      tpu.wait_dma2 semaphore(%run_scoped3A : memref<!tpu.dma_semaphore, #tpu.memory_space<semaphore_mem>>) src(%arg10 : memref<128x128xf32, #tpu.memory_space<vmem>>) dst(%dma_wait3A_73 : memref<128x128xf32, #tpu.memory_space<hbm>>)
      tpu.yield
    }) : () -> ()
    %dma_wait3A_43 = arith.constant 6 : i32
    %dma_wait3A_44 = arith.constant 0 : i32
    %dma_wait3A_45 = tpu.memref_slice %arg9[%dma_wait3A_43, %dma_wait3A_44] : memref<8x128xi32, #tpu.memory_space<vmem>> -> memref<1x128xi32, #tpu.memory_space<vmem>>
    %dma_wait3A_46 = tpu.memref_squeeze %dma_wait3A_45 : memref<1x128xi32, #tpu.memory_space<vmem>> -> memref<128xi32, #tpu.memory_space<vmem>>
    %dma_wait3A_47 = arith.constant 0 : i32
    %dma_wait3A_48 = arith.constant 0 : i32
    %dma_wait3A_49 = tpu.memref_slice %arg3[%dma_wait3A_47, %dma_wait3A_48] : memref<10240x128xf32, #tpu.memory_space<hbm>> -> memref<10240x128xf32, #tpu.memory_space<hbm>>
    tpu.wait_indirect_dma semaphore(%arg15 : memref<!tpu.dma_semaphore, #tpu.memory_space<semaphore_mem>>) src(%dma_wait3A_49 : memref<10240x128xf32, #tpu.memory_space<hbm>>) dst(%arg11 : memref<128x128xf32, #tpu.memory_space<vmem>>)
    "tpu.region"() ({
      %run_scoped3A = tpu.sem_alloc : memref<!tpu.dma_semaphore, #tpu.memory_space<semaphore_mem>>
      %dma_start3A_66 = arith.constant 0 : i32
      %dma_start3A_67 = tpu.memref_slice %arg7[%add3A_36, %dma_start3A_66] : memref<32768x128xf32, #tpu.memory_space<hbm>> -> memref<128x128xf32, #tpu.memory_space<hbm>>
      %dma_start3A_68 = arith.constant 0 : i32
      %dma_start3A_69 = tpu.memref_slice %arg7[%add3A_36, %dma_start3A_68] : memref<32768x128xf32, #tpu.memory_space<hbm>> -> memref<128x128xf32, #tpu.memory_space<hbm>>
      tpu.enqueue_dma source(%arg11 : memref<128x128xf32, #tpu.memory_space<vmem>>) target(%dma_start3A_69 : memref<128x128xf32, #tpu.memory_space<hbm>>) target_semaphore(%run_scoped3A : memref<!tpu.dma_semaphore, #tpu.memory_space<semaphore_mem>>)
      %dma_wait3A_70 = arith.constant 0 : i32
      %dma_wait3A_71 = tpu.memref_slice %arg7[%add3A_36, %dma_wait3A_70] : memref<32768x128xf32, #tpu.memory_space<hbm>> -> memref<128x128xf32, #tpu.memory_space<hbm>>
      %dma_wait3A_72 = arith.constant 0 : i32
      %dma_wait3A_73 = tpu.memref_slice %arg7[%add3A_36, %dma_wait3A_72] : memref<32768x128xf32, #tpu.memory_space<hbm>> -> memref<128x128xf32, #tpu.memory_space<hbm>>
      tpu.wait_dma2 semaphore(%run_scoped3A : memref<!tpu.dma_semaphore, #tpu.memory_space<semaphore_mem>>) src(%arg11 : memref<128x128xf32, #tpu.memory_space<vmem>>) dst(%dma_wait3A_73 : memref<128x128xf32, #tpu.memory_space<hbm>>)
      tpu.yield
    }) : () -> ()
    %add3A_50 = arith.constant 896 : i32
    %add3A_51 = arith.addi %mul3A_2, %add3A_50 : i32
    %dma_wait3A_52 = arith.constant 7 : i32
    %dma_wait3A_53 = arith.constant 0 : i32
    %dma_wait3A_54 = tpu.memref_slice %arg8[%dma_wait3A_52, %dma_wait3A_53] : memref<8x128xi32, #tpu.memory_space<vmem>> -> memref<1x128xi32, #tpu.memory_space<vmem>>
    %dma_wait3A_55 = tpu.memref_squeeze %dma_wait3A_54 : memref<1x128xi32, #tpu.memory_space<vmem>> -> memref<128xi32, #tpu.memory_space<vmem>>
    %dma_wait3A_56 = arith.constant 0 : i32
    %dma_wait3A_57 = arith.constant 0 : i32
    %dma_wait3A_58 = tpu.memref_slice %arg2[%dma_wait3A_56, %dma_wait3A_57] : memref<10240x128xf32, #tpu.memory_space<hbm>> -> memref<10240x128xf32, #tpu.memory_space<hbm>>
    tpu.wait_indirect_dma semaphore(%arg16 : memref<!tpu.dma_semaphore, #tpu.memory_space<semaphore_mem>>) src(%dma_wait3A_58 : memref<10240x128xf32, #tpu.memory_space<hbm>>) dst(%arg12 : memref<128x128xf32, #tpu.memory_space<vmem>>)
    "tpu.region"() ({
      %run_scoped3A = tpu.sem_alloc : memref<!tpu.dma_semaphore, #tpu.memory_space<semaphore_mem>>
      %dma_start3A_66 = arith.constant 0 : i32
      %dma_start3A_67 = tpu.memref_slice %arg6[%add3A_51, %dma_start3A_66] : memref<32768x128xf32, #tpu.memory_space<hbm>> -> memref<128x128xf32, #tpu.memory_space<hbm>>
      %dma_start3A_68 = arith.constant 0 : i32
      %dma_start3A_69 = tpu.memref_slice %arg6[%add3A_51, %dma_start3A_68] : memref<32768x128xf32, #tpu.memory_space<hbm>> -> memref<128x128xf32, #tpu.memory_space<hbm>>
      tpu.enqueue_dma source(%arg12 : memref<128x128xf32, #tpu.memory_space<vmem>>) target(%dma_start3A_69 : memref<128x128xf32, #tpu.memory_space<hbm>>) target_semaphore(%run_scoped3A : memref<!tpu.dma_semaphore, #tpu.memory_space<semaphore_mem>>)
      %dma_wait3A_70 = arith.constant 0 : i32
      %dma_wait3A_71 = tpu.memref_slice %arg6[%add3A_51, %dma_wait3A_70] : memref<32768x128xf32, #tpu.memory_space<hbm>> -> memref<128x128xf32, #tpu.memory_space<hbm>>
      %dma_wait3A_72 = arith.constant 0 : i32
      %dma_wait3A_73 = tpu.memref_slice %arg6[%add3A_51, %dma_wait3A_72] : memref<32768x128xf32, #tpu.memory_space<hbm>> -> memref<128x128xf32, #tpu.memory_space<hbm>>
      tpu.wait_dma2 semaphore(%run_scoped3A : memref<!tpu.dma_semaphore, #tpu.memory_space<semaphore_mem>>) src(%arg12 : memref<128x128xf32, #tpu.memory_space<vmem>>) dst(%dma_wait3A_73 : memref<128x128xf32, #tpu.memory_space<hbm>>)
      tpu.yield
    }) : () -> ()
    %dma_wait3A_59 = arith.constant 7 : i32
    %dma_wait3A_60 = arith.constant 0 : i32
    %dma_wait3A_61 = tpu.memref_slice %arg9[%dma_wait3A_59, %dma_wait3A_60] : memref<8x128xi32, #tpu.memory_space<vmem>> -> memref<1x128xi32, #tpu.memory_space<vmem>>
    %dma_wait3A_62 = tpu.memref_squeeze %dma_wait3A_61 : memref<1x128xi32, #tpu.memory_space<vmem>> -> memref<128xi32, #tpu.memory_space<vmem>>
    %dma_wait3A_63 = arith.constant 0 : i32
    %dma_wait3A_64 = arith.constant 0 : i32
    %dma_wait3A_65 = tpu.memref_slice %arg3[%dma_wait3A_63, %dma_wait3A_64] : memref<10240x128xf32, #tpu.memory_space<hbm>> -> memref<10240x128xf32, #tpu.memory_space<hbm>>
    tpu.wait_indirect_dma semaphore(%arg17 : memref<!tpu.dma_semaphore, #tpu.memory_space<semaphore_mem>>) src(%dma_wait3A_65 : memref<10240x128xf32, #tpu.memory_space<hbm>>) dst(%arg13 : memref<128x128xf32, #tpu.memory_space<vmem>>)
    "tpu.region"() ({
      %run_scoped3A = tpu.sem_alloc : memref<!tpu.dma_semaphore, #tpu.memory_space<semaphore_mem>>
      %dma_start3A_66 = arith.constant 0 : i32
      %dma_start3A_67 = tpu.memref_slice %arg7[%add3A_51, %dma_start3A_66] : memref<32768x128xf32, #tpu.memory_space<hbm>> -> memref<128x128xf32, #tpu.memory_space<hbm>>
      %dma_start3A_68 = arith.constant 0 : i32
      %dma_start3A_69 = tpu.memref_slice %arg7[%add3A_51, %dma_start3A_68] : memref<32768x128xf32, #tpu.memory_space<hbm>> -> memref<128x128xf32, #tpu.memory_space<hbm>>
      tpu.enqueue_dma source(%arg13 : memref<128x128xf32, #tpu.memory_space<vmem>>) target(%dma_start3A_69 : memref<128x128xf32, #tpu.memory_space<hbm>>) target_semaphore(%run_scoped3A : memref<!tpu.dma_semaphore, #tpu.memory_space<semaphore_mem>>)
      %dma_wait3A_70 = arith.constant 0 : i32
      %dma_wait3A_71 = tpu.memref_slice %arg7[%add3A_51, %dma_wait3A_70] : memref<32768x128xf32, #tpu.memory_space<hbm>> -> memref<128x128xf32, #tpu.memory_space<hbm>>
      %dma_wait3A_72 = arith.constant 0 : i32
      %dma_wait3A_73 = tpu.memref_slice %arg7[%add3A_51, %dma_wait3A_72] : memref<32768x128xf32, #tpu.memory_space<hbm>> -> memref<128x128xf32, #tpu.memory_space<hbm>>
      tpu.wait_dma2 semaphore(%run_scoped3A : memref<!tpu.dma_semaphore, #tpu.memory_space<semaphore_mem>>) src(%arg13 : memref<128x128xf32, #tpu.memory_space<vmem>>) dst(%dma_wait3A_73 : memref<128x128xf32, #tpu.memory_space<hbm>>)
      tpu.yield
    }) : () -> ()
    return
  }
}

#map = affine_map<(d0, d1) -> (0, 0)>
#map1 = affine_map<(d0, d1) -> (0, 0, 0)>
module attributes {stable_mosaic.version = 14 : i64} {
  func.func @_decode_gather_kernel(%arg0: i32, %arg1: i32, %arg2: memref<10240x128xf32, #tpu.memory_space<hbm>>, %arg3: memref<10240x128xf32, #tpu.memory_space<hbm>>, %arg4: memref<32x8x128xi32, #tpu.memory_space<hbm>>, %arg5: memref<32x8x128xi32, #tpu.memory_space<hbm>>, %arg6: memref<32768x128xf32, #tpu.memory_space<hbm>>, %arg7: memref<32768x128xf32, #tpu.memory_space<hbm>>, %arg8: memref<8x128xi32, #tpu.memory_space<vmem>>, %arg9: memref<8x128xi32, #tpu.memory_space<vmem>>, %arg10: memref<128x128xf32, #tpu.memory_space<vmem>>, %arg11: memref<128x128xf32, #tpu.memory_space<vmem>>, %arg12: memref<128x128xf32, #tpu.memory_space<vmem>>, %arg13: memref<128x128xf32, #tpu.memory_space<vmem>>, %arg14: memref<!tpu.dma_semaphore, #tpu.memory_space<semaphore_mem>>, %arg15: memref<!tpu.dma_semaphore, #tpu.memory_space<semaphore_mem>>, %arg16: memref<!tpu.dma_semaphore, #tpu.memory_space<semaphore_mem>>, %arg17: memref<!tpu.dma_semaphore, #tpu.memory_space<semaphore_mem>>) attributes {dimension_semantics = [#tpu.dimension_semantics<core_parallel>, #tpu.dimension_semantics<subcore_parallel>], iteration_bounds = array<i64: 2, 16>, scalar_prefetch = 0 : i64, scratch_operands = 10 : i64, tpu.core_type = #tpu.core_type<sc_vector_subcore>, window_params = [{transform_indices = #map}, {transform_indices = #map}, {transform_indices = #map1}, {transform_indices = #map1}, {transform_indices = #map}, {transform_indices = #map}]} {
    %mul3A = arith.constant 16 : i32
    %mul3A_0 = arith.muli %arg0, %mul3A : i32
    %add3A = arith.addi %mul3A_0, %arg1 : i32
    %mul3A_1 = arith.constant 1024 : i32
    %mul3A_2 = arith.muli %add3A, %mul3A_1 : i32
    "tpu.region"() ({
      %run_scoped3A = tpu.sem_alloc : memref<!tpu.dma_semaphore, #tpu.memory_space<semaphore_mem>>
      %dma_start3A_66 = arith.constant 0 : i32
      %dma_start3A_67 = arith.constant 0 : i32
      %dma_start3A_68 = tpu.memref_slice %arg4[%add3A, %dma_start3A_66, %dma_start3A_67] : memref<32x8x128xi32, #tpu.memory_space<hbm>> -> memref<1x8x128xi32, #tpu.memory_space<hbm>>
      %dma_start3A_69 = tpu.memref_squeeze %dma_start3A_68 : memref<1x8x128xi32, #tpu.memory_space<hbm>> -> memref<8x128xi32, #tpu.memory_space<hbm>>
      %dma_start3A_70 = arith.constant 0 : i32
      %dma_start3A_71 = arith.constant 0 : i32
      %dma_start3A_72 = tpu.memref_slice %arg4[%add3A, %dma_start3A_70, %dma_start3A_71] : memref<32x8x128xi32, #tpu.memory_space<hbm>> -> memref<1x8x128xi32, #tpu.memory_space<hbm>>
      %dma_start3A_73 = tpu.memref_squeeze %dma_start3A_72 : memref<1x8x128xi32, #tpu.memory_space<hbm>> -> memref<8x128xi32, #tpu.memory_space<hbm>>
      tpu.enqueue_dma source(%dma_start3A_73 : memref<8x128xi32, #tpu.memory_space<hbm>>) target(%arg8 : memref<8x128xi32, #tpu.memory_space<vmem>>) target_semaphore(%run_scoped3A : memref<!tpu.dma_semaphore, #tpu.memory_space<semaphore_mem>>)
      %dma_wait3A_74 = arith.constant 0 : i32
      %dma_wait3A_75 = arith.constant 0 : i32
      %dma_wait3A_76 = tpu.memref_slice %arg4[%add3A, %dma_wait3A_74, %dma_wait3A_75] : memref<32x8x128xi32, #tpu.memory_space<hbm>> -> memref<1x8x128xi32, #tpu.memory_space<hbm>>
      %dma_wait3A_77 = tpu.memref_squeeze %dma_wait3A_76 : memref<1x8x128xi32, #tpu.memory_space<hbm>> -> memref<8x128xi32, #tpu.memory_space<hbm>>
      %dma_wait3A_78 = arith.constant 0 : i32
      %dma_wait3A_79 = arith.constant 0 : i32
      %dma_wait3A_80 = tpu.memref_slice %arg4[%add3A, %dma_wait3A_78, %dma_wait3A_79] : memref<32x8x128xi32, #tpu.memory_space<hbm>> -> memref<1x8x128xi32, #tpu.memory_space<hbm>>
      %dma_wait3A_81 = tpu.memref_squeeze %dma_wait3A_80 : memref<1x8x128xi32, #tpu.memory_space<hbm>> -> memref<8x128xi32, #tpu.memory_space<hbm>>
      tpu.wait_dma2 semaphore(%run_scoped3A : memref<!tpu.dma_semaphore, #tpu.memory_space<semaphore_mem>>) src(%dma_wait3A_81 : memref<8x128xi32, #tpu.memory_space<hbm>>) dst(%arg8 : memref<8x128xi32, #tpu.memory_space<vmem>>)
      tpu.yield
    }) : () -> ()
    "tpu.region"() ({
      %run_scoped3A = tpu.sem_alloc : memref<!tpu.dma_semaphore, #tpu.memory_space<semaphore_mem>>
      %dma_start3A_66 = arith.constant 0 : i32
      %dma_start3A_67 = arith.constant 0 : i32
      %dma_start3A_68 = tpu.memref_slice %arg5[%add3A, %dma_start3A_66, %dma_start3A_67] : memref<32x8x128xi32, #tpu.memory_space<hbm>> -> memref<1x8x128xi32, #tpu.memory_space<hbm>>
      %dma_start3A_69 = tpu.memref_squeeze %dma_start3A_68 : memref<1x8x128xi32, #tpu.memory_space<hbm>> -> memref<8x128xi32, #tpu.memory_space<hbm>>
      %dma_start3A_70 = arith.constant 0 : i32
      %dma_start3A_71 = arith.constant 0 : i32
      %dma_start3A_72 = tpu.memref_slice %arg5[%add3A, %dma_start3A_70, %dma_start3A_71] : memref<32x8x128xi32, #tpu.memory_space<hbm>> -> memref<1x8x128xi32, #tpu.memory_space<hbm>>
      %dma_start3A_73 = tpu.memref_squeeze %dma_start3A_72 : memref<1x8x128xi32, #tpu.memory_space<hbm>> -> memref<8x128xi32, #tpu.memory_space<hbm>>
      tpu.enqueue_dma source(%dma_start3A_73 : memref<8x128xi32, #tpu.memory_space<hbm>>) target(%arg9 : memref<8x128xi32, #tpu.memory_space<vmem>>) target_semaphore(%run_scoped3A : memref<!tpu.dma_semaphore, #tpu.memory_space<semaphore_mem>>)
      %dma_wait3A_74 = arith.constant 0 : i32
      %dma_wait3A_75 = arith.constant 0 : i32
      %dma_wait3A_76 = tpu.memref_slice %arg5[%add3A, %dma_wait3A_74, %dma_wait3A_75] : memref<32x8x128xi32, #tpu.memory_space<hbm>> -> memref<1x8x128xi32, #tpu.memory_space<hbm>>
      %dma_wait3A_77 = tpu.memref_squeeze %dma_wait3A_76 : memref<1x8x128xi32, #tpu.memory_space<hbm>> -> memref<8x128xi32, #tpu.memory_space<hbm>>
      %dma_wait3A_78 = arith.constant 0 : i32
      %dma_wait3A_79 = arith.constant 0 : i32
      %dma_wait3A_80 = tpu.memref_slice %arg5[%add3A, %dma_wait3A_78, %dma_wait3A_79] : memref<32x8x128xi32, #tpu.memory_space<hbm>> -> memref<1x8x128xi32, #tpu.memory_space<hbm>>
      %dma_wait3A_81 = tpu.memref_squeeze %dma_wait3A_80 : memref<1x8x128xi32, #tpu.memory_space<hbm>> -> memref<8x128xi32, #tpu.memory_space<hbm>>
      tpu.wait_dma2 semaphore(%run_scoped3A : memref<!tpu.dma_semaphore, #tpu.memory_space<semaphore_mem>>) src(%dma_wait3A_81 : memref<8x128xi32, #tpu.memory_space<hbm>>) dst(%arg9 : memref<8x128xi32, #tpu.memory_space<vmem>>)
      tpu.yield
    }) : () -> ()
    %dma_start3A = arith.constant 0 : i32
    %dma_start3A_3 = arith.constant 0 : i32
    %dma_start3A_4 = tpu.memref_slice %arg8[%dma_start3A, %dma_start3A_3] : memref<8x128xi32, #tpu.memory_space<vmem>> -> memref<1x128xi32, #tpu.memory_space<vmem>>
    %dma_start3A_5 = tpu.memref_squeeze %dma_start3A_4 : memref<1x128xi32, #tpu.memory_space<vmem>> -> memref<128xi32, #tpu.memory_space<vmem>>
    %dma_start3A_6 = arith.constant 0 : i32
    %dma_start3A_7 = arith.constant 0 : i32
    %dma_start3A_8 = tpu.memref_slice %arg2[%dma_start3A_6, %dma_start3A_7] : memref<10240x128xf32, #tpu.memory_space<hbm>> -> memref<10240x128xf32, #tpu.memory_space<hbm>>
    tpu.enqueue_indirect_dma source(%dma_start3A_8 : memref<10240x128xf32, #tpu.memory_space<hbm>>) target(%arg10 : memref<128x128xf32, #tpu.memory_space<vmem>>) offsets(%dma_start3A_5 : memref<128xi32, #tpu.memory_space<vmem>>) semaphore(%arg14 : memref<!tpu.dma_semaphore, #tpu.memory_space<semaphore_mem>>)
    %dma_start3A_9 = arith.constant 0 : i32
    %dma_start3A_10 = arith.constant 0 : i32
    %dma_start3A_11 = tpu.memref_slice %arg9[%dma_start3A_9, %dma_start3A_10] : memref<8x128xi32, #tpu.memory_space<vmem>> -> memref<1x128xi32, #tpu.memory_space<vmem>>
    %dma_start3A_12 = tpu.memref_squeeze %dma_start3A_11 : memref<1x128xi32, #tpu.memory_space<vmem>> -> memref<128xi32, #tpu.memory_space<vmem>>
    %dma_start3A_13 = arith.constant 0 : i32
    %dma_start3A_14 = arith.constant 0 : i32
    %dma_start3A_15 = tpu.memref_slice %arg3[%dma_start3A_13, %dma_start3A_14] : memref<10240x128xf32, #tpu.memory_space<hbm>> -> memref<10240x128xf32, #tpu.memory_space<hbm>>
    tpu.enqueue_indirect_dma source(%dma_start3A_15 : memref<10240x128xf32, #tpu.memory_space<hbm>>) target(%arg11 : memref<128x128xf32, #tpu.memory_space<vmem>>) offsets(%dma_start3A_12 : memref<128xi32, #tpu.memory_space<vmem>>) semaphore(%arg15 : memref<!tpu.dma_semaphore, #tpu.memory_space<semaphore_mem>>)
    %scan3A = arith.constant 0 : i32
    %scan3A_16 = arith.constant 0 : i32
    %scan3A_17 = arith.constant 3 : i32
    %scan3A_18 = arith.addi %scan3A_16, %scan3A_17 : i32
    %scan3A_19 = arith.constant 1 : i32
    scf.for %scan3A_66 = %scan3A_16 to %scan3A_18 step %scan3A_19  : i32 {
      %mul3A_67 = arith.constant 2 : i32
      %mul3A_68 = arith.muli %mul3A_67, %scan3A_66 : i32
      %add3A_69 = arith.constant 1 : i32
      %add3A_70 = arith.addi %mul3A_68, %add3A_69 : i32
      %dma_start3A_71 = arith.constant 0 : i32
      %dma_start3A_72 = tpu.memref_slice %arg8[%add3A_70, %dma_start3A_71] : memref<8x128xi32, #tpu.memory_space<vmem>> -> memref<1x128xi32, #tpu.memory_space<vmem>>
      %dma_start3A_73 = tpu.memref_squeeze %dma_start3A_72 : memref<1x128xi32, #tpu.memory_space<vmem>> -> memref<128xi32, #tpu.memory_space<vmem>>
      %dma_start3A_74 = arith.constant 0 : i32
      %dma_start3A_75 = arith.constant 0 : i32
      %dma_start3A_76 = tpu.memref_slice %arg2[%dma_start3A_74, %dma_start3A_75] : memref<10240x128xf32, #tpu.memory_space<hbm>> -> memref<10240x128xf32, #tpu.memory_space<hbm>>
      tpu.enqueue_indirect_dma source(%dma_start3A_76 : memref<10240x128xf32, #tpu.memory_space<hbm>>) target(%arg12 : memref<128x128xf32, #tpu.memory_space<vmem>>) offsets(%dma_start3A_73 : memref<128xi32, #tpu.memory_space<vmem>>) semaphore(%arg16 : memref<!tpu.dma_semaphore, #tpu.memory_space<semaphore_mem>>)
      %add3A_77 = arith.constant 1 : i32
      %add3A_78 = arith.addi %mul3A_68, %add3A_77 : i32
      %dma_start3A_79 = arith.constant 0 : i32
      %dma_start3A_80 = tpu.memref_slice %arg9[%add3A_78, %dma_start3A_79] : memref<8x128xi32, #tpu.memory_space<vmem>> -> memref<1x128xi32, #tpu.memory_space<vmem>>
      %dma_start3A_81 = tpu.memref_squeeze %dma_start3A_80 : memref<1x128xi32, #tpu.memory_space<vmem>> -> memref<128xi32, #tpu.memory_space<vmem>>
      %dma_start3A_82 = arith.constant 0 : i32
      %dma_start3A_83 = arith.constant 0 : i32
      %dma_start3A_84 = tpu.memref_slice %arg3[%dma_start3A_82, %dma_start3A_83] : memref<10240x128xf32, #tpu.memory_space<hbm>> -> memref<10240x128xf32, #tpu.memory_space<hbm>>
      tpu.enqueue_indirect_dma source(%dma_start3A_84 : memref<10240x128xf32, #tpu.memory_space<hbm>>) target(%arg13 : memref<128x128xf32, #tpu.memory_space<vmem>>) offsets(%dma_start3A_81 : memref<128xi32, #tpu.memory_space<vmem>>) semaphore(%arg17 : memref<!tpu.dma_semaphore, #tpu.memory_space<semaphore_mem>>)
      %mul3A_85 = arith.constant 128 : i32
      %mul3A_86 = arith.muli %mul3A_68, %mul3A_85 : i32
      %add3A_87 = arith.addi %mul3A_2, %mul3A_86 : i32
      %dma_wait3A_88 = arith.constant 0 : i32
      %dma_wait3A_89 = tpu.memref_slice %arg8[%mul3A_68, %dma_wait3A_88] : memref<8x128xi32, #tpu.memory_space<vmem>> -> memref<1x128xi32, #tpu.memory_space<vmem>>
      %dma_wait3A_90 = tpu.memref_squeeze %dma_wait3A_89 : memref<1x128xi32, #tpu.memory_space<vmem>> -> memref<128xi32, #tpu.memory_space<vmem>>
      %dma_wait3A_91 = arith.constant 0 : i32
      %dma_wait3A_92 = arith.constant 0 : i32
      %dma_wait3A_93 = tpu.memref_slice %arg2[%dma_wait3A_91, %dma_wait3A_92] : memref<10240x128xf32, #tpu.memory_space<hbm>> -> memref<10240x128xf32, #tpu.memory_space<hbm>>
      tpu.wait_indirect_dma semaphore(%arg14 : memref<!tpu.dma_semaphore, #tpu.memory_space<semaphore_mem>>) src(%dma_wait3A_93 : memref<10240x128xf32, #tpu.memory_space<hbm>>) dst(%arg10 : memref<128x128xf32, #tpu.memory_space<vmem>>)
      "tpu.region"() ({
        %run_scoped3A = tpu.sem_alloc : memref<!tpu.dma_semaphore, #tpu.memory_space<semaphore_mem>>
        %dma_start3A_133 = arith.constant 0 : i32
        %dma_start3A_134 = tpu.memref_slice %arg6[%add3A_87, %dma_start3A_133] : memref<32768x128xf32, #tpu.memory_space<hbm>> -> memref<128x128xf32, #tpu.memory_space<hbm>>
        %dma_start3A_135 = arith.constant 0 : i32
        %dma_start3A_136 = tpu.memref_slice %arg6[%add3A_87, %dma_start3A_135] : memref<32768x128xf32, #tpu.memory_space<hbm>> -> memref<128x128xf32, #tpu.memory_space<hbm>>
        tpu.enqueue_dma source(%arg10 : memref<128x128xf32, #tpu.memory_space<vmem>>) target(%dma_start3A_136 : memref<128x128xf32, #tpu.memory_space<hbm>>) target_semaphore(%run_scoped3A : memref<!tpu.dma_semaphore, #tpu.memory_space<semaphore_mem>>)
        %dma_wait3A_137 = arith.constant 0 : i32
        %dma_wait3A_138 = tpu.memref_slice %arg6[%add3A_87, %dma_wait3A_137] : memref<32768x128xf32, #tpu.memory_space<hbm>> -> memref<128x128xf32, #tpu.memory_space<hbm>>
        %dma_wait3A_139 = arith.constant 0 : i32
        %dma_wait3A_140 = tpu.memref_slice %arg6[%add3A_87, %dma_wait3A_139] : memref<32768x128xf32, #tpu.memory_space<hbm>> -> memref<128x128xf32, #tpu.memory_space<hbm>>
        tpu.wait_dma2 semaphore(%run_scoped3A : memref<!tpu.dma_semaphore, #tpu.memory_space<semaphore_mem>>) src(%arg10 : memref<128x128xf32, #tpu.memory_space<vmem>>) dst(%dma_wait3A_140 : memref<128x128xf32, #tpu.memory_space<hbm>>)
        tpu.yield
      }) : () -> ()
      %dma_wait3A_94 = arith.constant 0 : i32
      %dma_wait3A_95 = tpu.memref_slice %arg9[%mul3A_68, %dma_wait3A_94] : memref<8x128xi32, #tpu.memory_space<vmem>> -> memref<1x128xi32, #tpu.memory_space<vmem>>
      %dma_wait3A_96 = tpu.memref_squeeze %dma_wait3A_95 : memref<1x128xi32, #tpu.memory_space<vmem>> -> memref<128xi32, #tpu.memory_space<vmem>>
      %dma_wait3A_97 = arith.constant 0 : i32
      %dma_wait3A_98 = arith.constant 0 : i32
      %dma_wait3A_99 = tpu.memref_slice %arg3[%dma_wait3A_97, %dma_wait3A_98] : memref<10240x128xf32, #tpu.memory_space<hbm>> -> memref<10240x128xf32, #tpu.memory_space<hbm>>
      tpu.wait_indirect_dma semaphore(%arg15 : memref<!tpu.dma_semaphore, #tpu.memory_space<semaphore_mem>>) src(%dma_wait3A_99 : memref<10240x128xf32, #tpu.memory_space<hbm>>) dst(%arg11 : memref<128x128xf32, #tpu.memory_space<vmem>>)
      "tpu.region"() ({
        %run_scoped3A = tpu.sem_alloc : memref<!tpu.dma_semaphore, #tpu.memory_space<semaphore_mem>>
        %dma_start3A_133 = arith.constant 0 : i32
        %dma_start3A_134 = tpu.memref_slice %arg7[%add3A_87, %dma_start3A_133] : memref<32768x128xf32, #tpu.memory_space<hbm>> -> memref<128x128xf32, #tpu.memory_space<hbm>>
        %dma_start3A_135 = arith.constant 0 : i32
        %dma_start3A_136 = tpu.memref_slice %arg7[%add3A_87, %dma_start3A_135] : memref<32768x128xf32, #tpu.memory_space<hbm>> -> memref<128x128xf32, #tpu.memory_space<hbm>>
        tpu.enqueue_dma source(%arg11 : memref<128x128xf32, #tpu.memory_space<vmem>>) target(%dma_start3A_136 : memref<128x128xf32, #tpu.memory_space<hbm>>) target_semaphore(%run_scoped3A : memref<!tpu.dma_semaphore, #tpu.memory_space<semaphore_mem>>)
        %dma_wait3A_137 = arith.constant 0 : i32
        %dma_wait3A_138 = tpu.memref_slice %arg7[%add3A_87, %dma_wait3A_137] : memref<32768x128xf32, #tpu.memory_space<hbm>> -> memref<128x128xf32, #tpu.memory_space<hbm>>
        %dma_wait3A_139 = arith.constant 0 : i32
        %dma_wait3A_140 = tpu.memref_slice %arg7[%add3A_87, %dma_wait3A_139] : memref<32768x128xf32, #tpu.memory_space<hbm>> -> memref<128x128xf32, #tpu.memory_space<hbm>>
        tpu.wait_dma2 semaphore(%run_scoped3A : memref<!tpu.dma_semaphore, #tpu.memory_space<semaphore_mem>>) src(%arg11 : memref<128x128xf32, #tpu.memory_space<vmem>>) dst(%dma_wait3A_140 : memref<128x128xf32, #tpu.memory_space<hbm>>)
        tpu.yield
      }) : () -> ()
      %add3A_100 = arith.constant 2 : i32
      %add3A_101 = arith.addi %mul3A_68, %add3A_100 : i32
      %dma_start3A_102 = arith.constant 0 : i32
      %dma_start3A_103 = tpu.memref_slice %arg8[%add3A_101, %dma_start3A_102] : memref<8x128xi32, #tpu.memory_space<vmem>> -> memref<1x128xi32, #tpu.memory_space<vmem>>
      %dma_start3A_104 = tpu.memref_squeeze %dma_start3A_103 : memref<1x128xi32, #tpu.memory_space<vmem>> -> memref<128xi32, #tpu.memory_space<vmem>>
      %dma_start3A_105 = arith.constant 0 : i32
      %dma_start3A_106 = arith.constant 0 : i32
      %dma_start3A_107 = tpu.memref_slice %arg2[%dma_start3A_105, %dma_start3A_106] : memref<10240x128xf32, #tpu.memory_space<hbm>> -> memref<10240x128xf32, #tpu.memory_space<hbm>>
      tpu.enqueue_indirect_dma source(%dma_start3A_107 : memref<10240x128xf32, #tpu.memory_space<hbm>>) target(%arg10 : memref<128x128xf32, #tpu.memory_space<vmem>>) offsets(%dma_start3A_104 : memref<128xi32, #tpu.memory_space<vmem>>) semaphore(%arg14 : memref<!tpu.dma_semaphore, #tpu.memory_space<semaphore_mem>>)
      %add3A_108 = arith.constant 2 : i32
      %add3A_109 = arith.addi %mul3A_68, %add3A_108 : i32
      %dma_start3A_110 = arith.constant 0 : i32
      %dma_start3A_111 = tpu.memref_slice %arg9[%add3A_109, %dma_start3A_110] : memref<8x128xi32, #tpu.memory_space<vmem>> -> memref<1x128xi32, #tpu.memory_space<vmem>>
      %dma_start3A_112 = tpu.memref_squeeze %dma_start3A_111 : memref<1x128xi32, #tpu.memory_space<vmem>> -> memref<128xi32, #tpu.memory_space<vmem>>
      %dma_start3A_113 = arith.constant 0 : i32
      %dma_start3A_114 = arith.constant 0 : i32
      %dma_start3A_115 = tpu.memref_slice %arg3[%dma_start3A_113, %dma_start3A_114] : memref<10240x128xf32, #tpu.memory_space<hbm>> -> memref<10240x128xf32, #tpu.memory_space<hbm>>
      tpu.enqueue_indirect_dma source(%dma_start3A_115 : memref<10240x128xf32, #tpu.memory_space<hbm>>) target(%arg11 : memref<128x128xf32, #tpu.memory_space<vmem>>) offsets(%dma_start3A_112 : memref<128xi32, #tpu.memory_space<vmem>>) semaphore(%arg15 : memref<!tpu.dma_semaphore, #tpu.memory_space<semaphore_mem>>)
      %add3A_116 = arith.constant 1 : i32
      %add3A_117 = arith.addi %mul3A_68, %add3A_116 : i32
      %mul3A_118 = arith.constant 128 : i32
      %mul3A_119 = arith.muli %add3A_117, %mul3A_118 : i32
      %add3A_120 = arith.addi %mul3A_2, %mul3A_119 : i32
      %dma_wait3A_121 = arith.constant 0 : i32
      %dma_wait3A_122 = tpu.memref_slice %arg8[%add3A_117, %dma_wait3A_121] : memref<8x128xi32, #tpu.memory_space<vmem>> -> memref<1x128xi32, #tpu.memory_space<vmem>>
      %dma_wait3A_123 = tpu.memref_squeeze %dma_wait3A_122 : memref<1x128xi32, #tpu.memory_space<vmem>> -> memref<128xi32, #tpu.memory_space<vmem>>
      %dma_wait3A_124 = arith.constant 0 : i32
      %dma_wait3A_125 = arith.constant 0 : i32
      %dma_wait3A_126 = tpu.memref_slice %arg2[%dma_wait3A_124, %dma_wait3A_125] : memref<10240x128xf32, #tpu.memory_space<hbm>> -> memref<10240x128xf32, #tpu.memory_space<hbm>>
      tpu.wait_indirect_dma semaphore(%arg16 : memref<!tpu.dma_semaphore, #tpu.memory_space<semaphore_mem>>) src(%dma_wait3A_126 : memref<10240x128xf32, #tpu.memory_space<hbm>>) dst(%arg12 : memref<128x128xf32, #tpu.memory_space<vmem>>)
      "tpu.region"() ({
        %run_scoped3A = tpu.sem_alloc : memref<!tpu.dma_semaphore, #tpu.memory_space<semaphore_mem>>
        %dma_start3A_133 = arith.constant 0 : i32
        %dma_start3A_134 = tpu.memref_slice %arg6[%add3A_120, %dma_start3A_133] : memref<32768x128xf32, #tpu.memory_space<hbm>> -> memref<128x128xf32, #tpu.memory_space<hbm>>
        %dma_start3A_135 = arith.constant 0 : i32
        %dma_start3A_136 = tpu.memref_slice %arg6[%add3A_120, %dma_start3A_135] : memref<32768x128xf32, #tpu.memory_space<hbm>> -> memref<128x128xf32, #tpu.memory_space<hbm>>
        tpu.enqueue_dma source(%arg12 : memref<128x128xf32, #tpu.memory_space<vmem>>) target(%dma_start3A_136 : memref<128x128xf32, #tpu.memory_space<hbm>>) target_semaphore(%run_scoped3A : memref<!tpu.dma_semaphore, #tpu.memory_space<semaphore_mem>>)
        %dma_wait3A_137 = arith.constant 0 : i32
        %dma_wait3A_138 = tpu.memref_slice %arg6[%add3A_120, %dma_wait3A_137] : memref<32768x128xf32, #tpu.memory_space<hbm>> -> memref<128x128xf32, #tpu.memory_space<hbm>>
        %dma_wait3A_139 = arith.constant 0 : i32
        %dma_wait3A_140 = tpu.memref_slice %arg6[%add3A_120, %dma_wait3A_139] : memref<32768x128xf32, #tpu.memory_space<hbm>> -> memref<128x128xf32, #tpu.memory_space<hbm>>
        tpu.wait_dma2 semaphore(%run_scoped3A : memref<!tpu.dma_semaphore, #tpu.memory_space<semaphore_mem>>) src(%arg12 : memref<128x128xf32, #tpu.memory_space<vmem>>) dst(%dma_wait3A_140 : memref<128x128xf32, #tpu.memory_space<hbm>>)
        tpu.yield
      }) : () -> ()
      %dma_wait3A_127 = arith.constant 0 : i32
      %dma_wait3A_128 = tpu.memref_slice %arg9[%add3A_117, %dma_wait3A_127] : memref<8x128xi32, #tpu.memory_space<vmem>> -> memref<1x128xi32, #tpu.memory_space<vmem>>
      %dma_wait3A_129 = tpu.memref_squeeze %dma_wait3A_128 : memref<1x128xi32, #tpu.memory_space<vmem>> -> memref<128xi32, #tpu.memory_space<vmem>>
      %dma_wait3A_130 = arith.constant 0 : i32
      %dma_wait3A_131 = arith.constant 0 : i32
      %dma_wait3A_132 = tpu.memref_slice %arg3[%dma_wait3A_130, %dma_wait3A_131] : memref<10240x128xf32, #tpu.memory_space<hbm>> -> memref<10240x128xf32, #tpu.memory_space<hbm>>
      tpu.wait_indirect_dma semaphore(%arg17 : memref<!tpu.dma_semaphore, #tpu.memory_space<semaphore_mem>>) src(%dma_wait3A_132 : memref<10240x128xf32, #tpu.memory_space<hbm>>) dst(%arg13 : memref<128x128xf32, #tpu.memory_space<vmem>>)
      "tpu.region"() ({
        %run_scoped3A = tpu.sem_alloc : memref<!tpu.dma_semaphore, #tpu.memory_space<semaphore_mem>>
        %dma_start3A_133 = arith.constant 0 : i32
        %dma_start3A_134 = tpu.memref_slice %arg7[%add3A_120, %dma_start3A_133] : memref<32768x128xf32, #tpu.memory_space<hbm>> -> memref<128x128xf32, #tpu.memory_space<hbm>>
        %dma_start3A_135 = arith.constant 0 : i32
        %dma_start3A_136 = tpu.memref_slice %arg7[%add3A_120, %dma_start3A_135] : memref<32768x128xf32, #tpu.memory_space<hbm>> -> memref<128x128xf32, #tpu.memory_space<hbm>>
        tpu.enqueue_dma source(%arg13 : memref<128x128xf32, #tpu.memory_space<vmem>>) target(%dma_start3A_136 : memref<128x128xf32, #tpu.memory_space<hbm>>) target_semaphore(%run_scoped3A : memref<!tpu.dma_semaphore, #tpu.memory_space<semaphore_mem>>)
        %dma_wait3A_137 = arith.constant 0 : i32
        %dma_wait3A_138 = tpu.memref_slice %arg7[%add3A_120, %dma_wait3A_137] : memref<32768x128xf32, #tpu.memory_space<hbm>> -> memref<128x128xf32, #tpu.memory_space<hbm>>
        %dma_wait3A_139 = arith.constant 0 : i32
        %dma_wait3A_140 = tpu.memref_slice %arg7[%add3A_120, %dma_wait3A_139] : memref<32768x128xf32, #tpu.memory_space<hbm>> -> memref<128x128xf32, #tpu.memory_space<hbm>>
        tpu.wait_dma2 semaphore(%run_scoped3A : memref<!tpu.dma_semaphore, #tpu.memory_space<semaphore_mem>>) src(%arg13 : memref<128x128xf32, #tpu.memory_space<vmem>>) dst(%dma_wait3A_140 : memref<128x128xf32, #tpu.memory_space<hbm>>)
        tpu.yield
      }) : () -> ()
    }
    %scan3A_20 = arith.constant 3 : i32
    %dma_start3A_21 = arith.constant 7 : i32
    %dma_start3A_22 = arith.constant 0 : i32
    %dma_start3A_23 = tpu.memref_slice %arg8[%dma_start3A_21, %dma_start3A_22] : memref<8x128xi32, #tpu.memory_space<vmem>> -> memref<1x128xi32, #tpu.memory_space<vmem>>
    %dma_start3A_24 = tpu.memref_squeeze %dma_start3A_23 : memref<1x128xi32, #tpu.memory_space<vmem>> -> memref<128xi32, #tpu.memory_space<vmem>>
    %dma_start3A_25 = arith.constant 0 : i32
    %dma_start3A_26 = arith.constant 0 : i32
    %dma_start3A_27 = tpu.memref_slice %arg2[%dma_start3A_25, %dma_start3A_26] : memref<10240x128xf32, #tpu.memory_space<hbm>> -> memref<10240x128xf32, #tpu.memory_space<hbm>>
    tpu.enqueue_indirect_dma source(%dma_start3A_27 : memref<10240x128xf32, #tpu.memory_space<hbm>>) target(%arg12 : memref<128x128xf32, #tpu.memory_space<vmem>>) offsets(%dma_start3A_24 : memref<128xi32, #tpu.memory_space<vmem>>) semaphore(%arg16 : memref<!tpu.dma_semaphore, #tpu.memory_space<semaphore_mem>>)
    %dma_start3A_28 = arith.constant 7 : i32
    %dma_start3A_29 = arith.constant 0 : i32
    %dma_start3A_30 = tpu.memref_slice %arg9[%dma_start3A_28, %dma_start3A_29] : memref<8x128xi32, #tpu.memory_space<vmem>> -> memref<1x128xi32, #tpu.memory_space<vmem>>
    %dma_start3A_31 = tpu.memref_squeeze %dma_start3A_30 : memref<1x128xi32, #tpu.memory_space<vmem>> -> memref<128xi32, #tpu.memory_space<vmem>>
    %dma_start3A_32 = arith.constant 0 : i32
    %dma_start3A_33 = arith.constant 0 : i32
    %dma_start3A_34 = tpu.memref_slice %arg3[%dma_start3A_32, %dma_start3A_33] : memref<10240x128xf32, #tpu.memory_space<hbm>> -> memref<10240x128xf32, #tpu.memory_space<hbm>>
    tpu.enqueue_indirect_dma source(%dma_start3A_34 : memref<10240x128xf32, #tpu.memory_space<hbm>>) target(%arg13 : memref<128x128xf32, #tpu.memory_space<vmem>>) offsets(%dma_start3A_31 : memref<128xi32, #tpu.memory_space<vmem>>) semaphore(%arg17 : memref<!tpu.dma_semaphore, #tpu.memory_space<semaphore_mem>>)
    %add3A_35 = arith.constant 768 : i32
    %add3A_36 = arith.addi %mul3A_2, %add3A_35 : i32
    %dma_wait3A = arith.constant 6 : i32
    %dma_wait3A_37 = arith.constant 0 : i32
    %dma_wait3A_38 = tpu.memref_slice %arg8[%dma_wait3A, %dma_wait3A_37] : memref<8x128xi32, #tpu.memory_space<vmem>> -> memref<1x128xi32, #tpu.memory_space<vmem>>
    %dma_wait3A_39 = tpu.memref_squeeze %dma_wait3A_38 : memref<1x128xi32, #tpu.memory_space<vmem>> -> memref<128xi32, #tpu.memory_space<vmem>>
    %dma_wait3A_40 = arith.constant 0 : i32
    %dma_wait3A_41 = arith.constant 0 : i32
    %dma_wait3A_42 = tpu.memref_slice %arg2[%dma_wait3A_40, %dma_wait3A_41] : memref<10240x128xf32, #tpu.memory_space<hbm>> -> memref<10240x128xf32, #tpu.memory_space<hbm>>
    tpu.wait_indirect_dma semaphore(%arg14 : memref<!tpu.dma_semaphore, #tpu.memory_space<semaphore_mem>>) src(%dma_wait3A_42 : memref<10240x128xf32, #tpu.memory_space<hbm>>) dst(%arg10 : memref<128x128xf32, #tpu.memory_space<vmem>>)
    "tpu.region"() ({
      %run_scoped3A = tpu.sem_alloc : memref<!tpu.dma_semaphore, #tpu.memory_space<semaphore_mem>>
      %dma_start3A_66 = arith.constant 0 : i32
      %dma_start3A_67 = tpu.memref_slice %arg6[%add3A_36, %dma_start3A_66] : memref<32768x128xf32, #tpu.memory_space<hbm>> -> memref<128x128xf32, #tpu.memory_space<hbm>>
      %dma_start3A_68 = arith.constant 0 : i32
      %dma_start3A_69 = tpu.memref_slice %arg6[%add3A_36, %dma_start3A_68] : memref<32768x128xf32, #tpu.memory_space<hbm>> -> memref<128x128xf32, #tpu.memory_space<hbm>>
      tpu.enqueue_dma source(%arg10 : memref<128x128xf32, #tpu.memory_space<vmem>>) target(%dma_start3A_69 : memref<128x128xf32, #tpu.memory_space<hbm>>) target_semaphore(%run_scoped3A : memref<!tpu.dma_semaphore, #tpu.memory_space<semaphore_mem>>)
      %dma_wait3A_70 = arith.constant 0 : i32
      %dma_wait3A_71 = tpu.memref_slice %arg6[%add3A_36, %dma_wait3A_70] : memref<32768x128xf32, #tpu.memory_space<hbm>> -> memref<128x128xf32, #tpu.memory_space<hbm>>
      %dma_wait3A_72 = arith.constant 0 : i32
      %dma_wait3A_73 = tpu.memref_slice %arg6[%add3A_36, %dma_wait3A_72] : memref<32768x128xf32, #tpu.memory_space<hbm>> -> memref<128x128xf32, #tpu.memory_space<hbm>>
      tpu.wait_dma2 semaphore(%run_scoped3A : memref<!tpu.dma_semaphore, #tpu.memory_space<semaphore_mem>>) src(%arg10 : memref<128x128xf32, #tpu.memory_space<vmem>>) dst(%dma_wait3A_73 : memref<128x128xf32, #tpu.memory_space<hbm>>)
      tpu.yield
    }) : () -> ()
    %dma_wait3A_43 = arith.constant 6 : i32
    %dma_wait3A_44 = arith.constant 0 : i32
    %dma_wait3A_45 = tpu.memref_slice %arg9[%dma_wait3A_43, %dma_wait3A_44] : memref<8x128xi32, #tpu.memory_space<vmem>> -> memref<1x128xi32, #tpu.memory_space<vmem>>
    %dma_wait3A_46 = tpu.memref_squeeze %dma_wait3A_45 : memref<1x128xi32, #tpu.memory_space<vmem>> -> memref<128xi32, #tpu.memory_space<vmem>>
    %dma_wait3A_47 = arith.constant 0 : i32
    %dma_wait3A_48 = arith.constant 0 : i32
    %dma_wait3A_49 = tpu.memref_slice %arg3[%dma_wait3A_47, %dma_wait3A_48] : memref<10240x128xf32, #tpu.memory_space<hbm>> -> memref<10240x128xf32, #tpu.memory_space<hbm>>
    tpu.wait_indirect_dma semaphore(%arg15 : memref<!tpu.dma_semaphore, #tpu.memory_space<semaphore_mem>>) src(%dma_wait3A_49 : memref<10240x128xf32, #tpu.memory_space<hbm>>) dst(%arg11 : memref<128x128xf32, #tpu.memory_space<vmem>>)
    "tpu.region"() ({
      %run_scoped3A = tpu.sem_alloc : memref<!tpu.dma_semaphore, #tpu.memory_space<semaphore_mem>>
      %dma_start3A_66 = arith.constant 0 : i32
      %dma_start3A_67 = tpu.memref_slice %arg7[%add3A_36, %dma_start3A_66] : memref<32768x128xf32, #tpu.memory_space<hbm>> -> memref<128x128xf32, #tpu.memory_space<hbm>>
      %dma_start3A_68 = arith.constant 0 : i32
      %dma_start3A_69 = tpu.memref_slice %arg7[%add3A_36, %dma_start3A_68] : memref<32768x128xf32, #tpu.memory_space<hbm>> -> memref<128x128xf32, #tpu.memory_space<hbm>>
      tpu.enqueue_dma source(%arg11 : memref<128x128xf32, #tpu.memory_space<vmem>>) target(%dma_start3A_69 : memref<128x128xf32, #tpu.memory_space<hbm>>) target_semaphore(%run_scoped3A : memref<!tpu.dma_semaphore, #tpu.memory_space<semaphore_mem>>)
      %dma_wait3A_70 = arith.constant 0 : i32
      %dma_wait3A_71 = tpu.memref_slice %arg7[%add3A_36, %dma_wait3A_70] : memref<32768x128xf32, #tpu.memory_space<hbm>> -> memref<128x128xf32, #tpu.memory_space<hbm>>
      %dma_wait3A_72 = arith.constant 0 : i32
      %dma_wait3A_73 = tpu.memref_slice %arg7[%add3A_36, %dma_wait3A_72] : memref<32768x128xf32, #tpu.memory_space<hbm>> -> memref<128x128xf32, #tpu.memory_space<hbm>>
      tpu.wait_dma2 semaphore(%run_scoped3A : memref<!tpu.dma_semaphore, #tpu.memory_space<semaphore_mem>>) src(%arg11 : memref<128x128xf32, #tpu.memory_space<vmem>>) dst(%dma_wait3A_73 : memref<128x128xf32, #tpu.memory_space<hbm>>)
      tpu.yield
    }) : () -> ()
    %add3A_50 = arith.constant 896 : i32
    %add3A_51 = arith.addi %mul3A_2, %add3A_50 : i32
    %dma_wait3A_52 = arith.constant 7 : i32
    %dma_wait3A_53 = arith.constant 0 : i32
    %dma_wait3A_54 = tpu.memref_slice %arg8[%dma_wait3A_52, %dma_wait3A_53] : memref<8x128xi32, #tpu.memory_space<vmem>> -> memref<1x128xi32, #tpu.memory_space<vmem>>
    %dma_wait3A_55 = tpu.memref_squeeze %dma_wait3A_54 : memref<1x128xi32, #tpu.memory_space<vmem>> -> memref<128xi32, #tpu.memory_space<vmem>>
    %dma_wait3A_56 = arith.constant 0 : i32
    %dma_wait3A_57 = arith.constant 0 : i32
    %dma_wait3A_58 = tpu.memref_slice %arg2[%dma_wait3A_56, %dma_wait3A_57] : memref<10240x128xf32, #tpu.memory_space<hbm>> -> memref<10240x128xf32, #tpu.memory_space<hbm>>
    tpu.wait_indirect_dma semaphore(%arg16 : memref<!tpu.dma_semaphore, #tpu.memory_space<semaphore_mem>>) src(%dma_wait3A_58 : memref<10240x128xf32, #tpu.memory_space<hbm>>) dst(%arg12 : memref<128x128xf32, #tpu.memory_space<vmem>>)
    "tpu.region"() ({
      %run_scoped3A = tpu.sem_alloc : memref<!tpu.dma_semaphore, #tpu.memory_space<semaphore_mem>>
      %dma_start3A_66 = arith.constant 0 : i32
      %dma_start3A_67 = tpu.memref_slice %arg6[%add3A_51, %dma_start3A_66] : memref<32768x128xf32, #tpu.memory_space<hbm>> -> memref<128x128xf32, #tpu.memory_space<hbm>>
      %dma_start3A_68 = arith.constant 0 : i32
      %dma_start3A_69 = tpu.memref_slice %arg6[%add3A_51, %dma_start3A_68] : memref<32768x128xf32, #tpu.memory_space<hbm>> -> memref<128x128xf32, #tpu.memory_space<hbm>>
      tpu.enqueue_dma source(%arg12 : memref<128x128xf32, #tpu.memory_space<vmem>>) target(%dma_start3A_69 : memref<128x128xf32, #tpu.memory_space<hbm>>) target_semaphore(%run_scoped3A : memref<!tpu.dma_semaphore, #tpu.memory_space<semaphore_mem>>)
      %dma_wait3A_70 = arith.constant 0 : i32
      %dma_wait3A_71 = tpu.memref_slice %arg6[%add3A_51, %dma_wait3A_70] : memref<32768x128xf32, #tpu.memory_space<hbm>> -> memref<128x128xf32, #tpu.memory_space<hbm>>
      %dma_wait3A_72 = arith.constant 0 : i32
      %dma_wait3A_73 = tpu.memref_slice %arg6[%add3A_51, %dma_wait3A_72] : memref<32768x128xf32, #tpu.memory_space<hbm>> -> memref<128x128xf32, #tpu.memory_space<hbm>>
      tpu.wait_dma2 semaphore(%run_scoped3A : memref<!tpu.dma_semaphore, #tpu.memory_space<semaphore_mem>>) src(%arg12 : memref<128x128xf32, #tpu.memory_space<vmem>>) dst(%dma_wait3A_73 : memref<128x128xf32, #tpu.memory_space<hbm>>)
      tpu.yield
    }) : () -> ()
    %dma_wait3A_59 = arith.constant 7 : i32
    %dma_wait3A_60 = arith.constant 0 : i32
    %dma_wait3A_61 = tpu.memref_slice %arg9[%dma_wait3A_59, %dma_wait3A_60] : memref<8x128xi32, #tpu.memory_space<vmem>> -> memref<1x128xi32, #tpu.memory_space<vmem>>
    %dma_wait3A_62 = tpu.memref_squeeze %dma_wait3A_61 : memref<1x128xi32, #tpu.memory_space<vmem>> -> memref<128xi32, #tpu.memory_space<vmem>>
    %dma_wait3A_63 = arith.constant 0 : i32
    %dma_wait3A_64 = arith.constant 0 : i32
    %dma_wait3A_65 = tpu.memref_slice %arg3[%dma_wait3A_63, %dma_wait3A_64] : memref<10240x128xf32, #tpu.memory_space<hbm>> -> memref<10240x128xf32, #tpu.memory_space<hbm>>
    tpu.wait_indirect_dma semaphore(%arg17 : memref<!tpu.dma_semaphore, #tpu.memory_space<semaphore_mem>>) src(%dma_wait3A_65 : memref<10240x128xf32, #tpu.memory_space<hbm>>) dst(%arg13 : memref<128x128xf32, #tpu.memory_space<vmem>>)
    "tpu.region"() ({
      %run_scoped3A = tpu.sem_alloc : memref<!tpu.dma_semaphore, #tpu.memory_space<semaphore_mem>>
      %dma_start3A_66 = arith.constant 0 : i32
      %dma_start3A_67 = tpu.memref_slice %arg7[%add3A_51, %dma_start3A_66] : memref<32768x128xf32, #tpu.memory_space<hbm>> -> memref<128x128xf32, #tpu.memory_space<hbm>>
      %dma_start3A_68 = arith.constant 0 : i32
      %dma_start3A_69 = tpu.memref_slice %arg7[%add3A_51, %dma_start3A_68] : memref<32768x128xf32, #tpu.memory_space<hbm>> -> memref<128x128xf32, #tpu.memory_space<hbm>>
      tpu.enqueue_dma source(%arg13 : memref<128x128xf32, #tpu.memory_space<vmem>>) target(%dma_start3A_69 : memref<128x128xf32, #tpu.memory_space<hbm>>) target_semaphore(%run_scoped3A : memref<!tpu.dma_semaphore, #tpu.memory_space<semaphore_mem>>)
      %dma_wait3A_70 = arith.constant 0 : i32
      %dma_wait3A_71 = tpu.memref_slice %arg7[%add3A_51, %dma_wait3A_70] : memref<32768x128xf32, #tpu.memory_space<hbm>> -> memref<128x128xf32, #tpu.memory_space<hbm>>
      %dma_wait3A_72 = arith.constant 0 : i32
      %dma_wait3A_73 = tpu.memref_slice %arg7[%add3A_51, %dma_wait3A_72] : memref<32768x128xf32, #tpu.memory_space<hbm>> -> memref<128x128xf32, #tpu.memory_space<hbm>>
      tpu.wait_dma2 semaphore(%run_scoped3A : memref<!tpu.dma_semaphore, #tpu.memory_space<semaphore_mem>>) src(%arg13 : memref<128x128xf32, #tpu.memory_space<vmem>>) dst(%dma_wait3A_73 : memref<128x128xf32, #tpu.memory_space<hbm>>)
      tpu.yield
    }) : () -> ()
    return
  }
}

module attributes {stable_mosaic.version = 14 : i64} {
  func.func @_tc_mm0_body(%arg0: i32, %arg1: memref<2048x128xf32, #tpu.memory_space<vmem>>, %arg2: memref<128x128xf32, #tpu.memory_space<vmem>>, %arg3: memref<2048x128xf32, #tpu.memory_space<vmem>>) attributes {dimension_semantics = [#tpu.dimension_semantics<arbitrary>], iteration_bounds = array<i64: 5>, scalar_prefetch = 0 : i64, scratch_operands = 0 : i64, tpu.core_type = #tpu.core_type<tc>, window_params = [{transform_indices = @transform_0, window_bounds = array<i64: 2048, 128>}, {pipeline_mode = #tpu.pipeline_mode<synchronous>, transform_indices = @transform_1, window_bounds = array<i64: 128, 128>}, {transform_indices = @transform_2, window_bounds = array<i64: 2048, 128>}]} {
    %get3A = arith.constant 0 : index
    %get3A_0 = arith.constant 0 : index
    %get3A_1 = vector.load %arg1[%get3A, %get3A_0] : memref<2048x128xf32, #tpu.memory_space<vmem>>, vector<2048x128xf32>
    %get3A_2 = arith.constant 0 : index
    %get3A_3 = arith.constant 0 : index
    %get3A_4 = vector.load %arg2[%get3A_2, %get3A_3] : memref<128x128xf32, #tpu.memory_space<vmem>>, vector<128x128xf32>
    %dot_general3A = arith.constant dense<0.000000e+00> : vector<2048x128xf32>
    %dot_general3A_5 = tpu.matmul %get3A_1, %get3A_4, %dot_general3A {dimension_numbers = #tpu.dot_dimension_numbers<[1], [0], [0], [1], [0, 0, 1, 1], [], []>, transpose_lhs_hint = false} : vector<2048x128xf32>, vector<128x128xf32>, vector<2048x128xf32> -> vector<2048x128xf32>
    %swap3A = arith.constant 0 : index
    %swap3A_6 = arith.constant 0 : index
    %swap3A_7 = vector.load %arg3[%swap3A, %swap3A_6] : memref<2048x128xf32, #tpu.memory_space<vmem>>, vector<2048x128xf32>
    tpu.vector_store %arg3[%swap3A, %swap3A_6], %dot_general3A_5 {strides = array<i32>} : memref<2048x128xf32, #tpu.memory_space<vmem>>, vector<2048x128xf32>,
    return
  }
  func.func @transform_0(%arg0: i32) -> (i32, i32) {
    %c0_i32 = arith.constant 0 : i32
    %c0_i32_0 = arith.constant 0 : i32
    return %arg0, %c0_i32 : i32, i32
  }
  func.func @transform_1(%arg0: i32) -> (i32, i32) {
    %c0_i32 = arith.constant 0 : i32
    %c0_i32_0 = arith.constant 0 : i32
    %c0_i32_1 = arith.constant 0 : i32
    return %c0_i32, %c0_i32_0 : i32, i32
  }
  func.func @transform_2(%arg0: i32) -> (i32, i32) {
    %c0_i32 = arith.constant 0 : i32
    %c0_i32_0 = arith.constant 0 : i32
    return %arg0, %c0_i32 : i32, i32
  }
}

module attributes {stable_mosaic.version = 14 : i64} {
  func.func @_tc_scale_body(%arg0: i32, %arg1: memref<2048x128xf32, #tpu.memory_space<vmem>>, %arg2: memref<2048x2xf32, #tpu.memory_space<vmem>>, %arg3: memref<2048x128xf32, #tpu.memory_space<vmem>>) attributes {dimension_semantics = [#tpu.dimension_semantics<arbitrary>], iteration_bounds = array<i64: 5>, scalar_prefetch = 0 : i64, scratch_operands = 0 : i64, tpu.core_type = #tpu.core_type<tc>, window_params = [{transform_indices = @transform_0, window_bounds = array<i64: 2048, 128>}, {transform_indices = @transform_1, window_bounds = array<i64: 2048, 2>}, {transform_indices = @transform_2, window_bounds = array<i64: 2048, 128>}]} {
    %get3A = arith.constant 0 : index
    %get3A_0 = arith.constant 0 : index
    %get3A_1 = vector.load %arg2[%get3A, %get3A_0] : memref<2048x2xf32, #tpu.memory_space<vmem>>, vector<2048x1xf32>
    %get3A_2 = arith.constant 0 : index
    %get3A_3 = arith.constant 1 : index
    %get3A_4 = vector.load %arg2[%get3A_2, %get3A_3] : memref<2048x2xf32, #tpu.memory_space<vmem>>, vector<2048x1xf32>
    %add3A = arith.addf %get3A_1, %get3A_4 : vector<2048x1xf32>
    %add3A_5 = arith.constant 1.000000e+00 : f32
    %add3A_6 = vector.broadcast %add3A_5 : f32 to vector<2048x1xf32>
    %add3A_7 = arith.addf %add3A, %add3A_6 : vector<2048x1xf32>
    %rsqrt3A = math.rsqrt %add3A_7 : vector<2048x1xf32>
    %get3A_8 = arith.constant 0 : index
    %get3A_9 = arith.constant 0 : index
    %get3A_10 = vector.load %arg1[%get3A_8, %get3A_9] : memref<2048x128xf32, #tpu.memory_space<vmem>>, vector<2048x128xf32>
    %mul3A = vector.broadcast %rsqrt3A : vector<2048x1xf32> to vector<2048x128xf32>
    %mul3A_11 = arith.mulf %mul3A, %get3A_10 : vector<2048x128xf32>
    %swap3A = arith.constant 0 : index
    %swap3A_12 = arith.constant 0 : index
    %swap3A_13 = vector.load %arg3[%swap3A, %swap3A_12] : memref<2048x128xf32, #tpu.memory_space<vmem>>, vector<2048x128xf32>
    tpu.vector_store %arg3[%swap3A, %swap3A_12], %mul3A_11 {strides = array<i32>} : memref<2048x128xf32, #tpu.memory_space<vmem>>, vector<2048x128xf32>,
    return
  }
  func.func @transform_0(%arg0: i32) -> (i32, i32) {
    %c0_i32 = arith.constant 0 : i32
    %c0_i32_0 = arith.constant 0 : i32
    return %arg0, %c0_i32 : i32, i32
  }
  func.func @transform_1(%arg0: i32) -> (i32, i32) {
    %c0_i32 = arith.constant 0 : i32
    %c0_i32_0 = arith.constant 0 : i32
    return %arg0, %c0_i32 : i32, i32
  }
  func.func @transform_2(%arg0: i32) -> (i32, i32) {
    %c0_i32 = arith.constant 0 : i32
    %c0_i32_0 = arith.constant 0 : i32
    return %arg0, %c0_i32 : i32, i32
  }
}

module attributes {stable_mosaic.version = 14 : i64} {
  func.func @_tc_layer_body(%arg0: i32, %arg1: memref<2x2048x128xf32, #tpu.memory_space<vmem>>, %arg2: memref<2048x2xf32, #tpu.memory_space<vmem>>, %arg3: memref<1x128xf32, #tpu.memory_space<vmem>>, %arg4: memref<1x128xf32, #tpu.memory_space<vmem>>, %arg5: memref<1x128xf32, #tpu.memory_space<vmem>>, %arg6: memref<128x128xf32, #tpu.memory_space<vmem>>, %arg7: memref<2048x128xf32, #tpu.memory_space<vmem>>) attributes {dimension_semantics = [#tpu.dimension_semantics<arbitrary>], iteration_bounds = array<i64: 5>, scalar_prefetch = 0 : i64, scratch_operands = 0 : i64, tpu.core_type = #tpu.core_type<tc>, window_params = [{transform_indices = @transform_0, window_bounds = array<i64: 2, 2048, 128>}, {transform_indices = @transform_1, window_bounds = array<i64: 2048, 2>}, {pipeline_mode = #tpu.pipeline_mode<synchronous>, transform_indices = @transform_2, window_bounds = array<i64: 1, 128>}, {pipeline_mode = #tpu.pipeline_mode<synchronous>, transform_indices = @transform_3, window_bounds = array<i64: 1, 128>}, {pipeline_mode = #tpu.pipeline_mode<synchronous>, transform_indices = @transform_4, window_bounds = array<i64: 1, 128>}, {pipeline_mode = #tpu.pipeline_mode<synchronous>, transform_indices = @transform_5, window_bounds = array<i64: 128, 128>}, {transform_indices = @transform_6, window_bounds = array<i64: 2048, 128>}]} {
    %get3A = arith.constant 0 : index
    %get3A_0 = arith.constant 0 : index
    %get3A_1 = vector.load %arg2[%get3A, %get3A_0] : memref<2048x2xf32, #tpu.memory_space<vmem>>, vector<2048x1xf32>
    %get3A_2 = arith.constant 0 : index
    %get3A_3 = arith.constant 1 : index
    %get3A_4 = vector.load %arg2[%get3A_2, %get3A_3] : memref<2048x2xf32, #tpu.memory_space<vmem>>, vector<2048x1xf32>
    %add3A = arith.addf %get3A_1, %get3A_4 : vector<2048x1xf32>
    %add3A_5 = arith.constant 1.000000e+00 : f32
    %add3A_6 = vector.broadcast %add3A_5 : f32 to vector<2048x1xf32>
    %add3A_7 = arith.addf %add3A, %add3A_6 : vector<2048x1xf32>
    %rsqrt3A = math.rsqrt %add3A_7 : vector<2048x1xf32>
    %get3A_8 = arith.constant 0 : index
    %get3A_9 = arith.constant 0 : index
    %get3A_10 = arith.constant 0 : index
    %get3A_11 = vector.load %arg1[%get3A_8, %get3A_9, %get3A_10] : memref<2x2048x128xf32, #tpu.memory_space<vmem>>, vector<2x2048x128xf32>
    %slice3A = vector.extract_strided_slice %get3A_11 {offsets = [0, 0, 0], sizes = [1, 2048, 128], strides = [1, 1, 1]} : vector<2x2048x128xf32> to vector<1x2048x128xf32>
    %squeeze3A = vector.shape_cast %slice3A : vector<1x2048x128xf32> to vector<2048x128xf32>
    %slice3A_12 = vector.extract_strided_slice %get3A_11 {offsets = [1, 0, 0], sizes = [1, 2048, 128], strides = [1, 1, 1]} : vector<2x2048x128xf32> to vector<1x2048x128xf32>
    %squeeze3A_13 = vector.shape_cast %slice3A_12 : vector<1x2048x128xf32> to vector<2048x128xf32>
    %add3A_14 = arith.addf %squeeze3A, %squeeze3A_13 : vector<2048x128xf32>
    %mul3A = vector.broadcast %rsqrt3A : vector<2048x1xf32> to vector<2048x128xf32>
    %mul3A_15 = arith.mulf %mul3A, %add3A_14 : vector<2048x128xf32>
    %get3A_16 = arith.constant 0 : index
    %get3A_17 = arith.constant 0 : index
    %get3A_18 = vector.load %arg3[%get3A_16, %get3A_17] : memref<1x128xf32, #tpu.memory_space<vmem>>, vector<1x128xf32>
    %add3A_19 = vector.broadcast %get3A_18 : vector<1x128xf32> to vector<2048x128xf32>
    %add3A_20 = arith.addf %mul3A_15, %add3A_19 : vector<2048x128xf32>
    %get3A_21 = arith.constant 0 : index
    %get3A_22 = arith.constant 0 : index
    %get3A_23 = vector.load %arg4[%get3A_21, %get3A_22] : memref<1x128xf32, #tpu.memory_space<vmem>>, vector<1x128xf32>
    %mul3A_24 = arith.constant 0.999994993 : f32
    %mul3A_25 = vector.broadcast %mul3A_24 : f32 to vector<1x128xf32>
    %mul3A_26 = arith.mulf %get3A_23, %mul3A_25 : vector<1x128xf32>
    %mul3A_27 = vector.broadcast %mul3A_26 : vector<1x128xf32> to vector<2048x128xf32>
    %mul3A_28 = arith.mulf %add3A_20, %mul3A_27 : vector<2048x128xf32>
    %get3A_29 = arith.constant 0 : index
    %get3A_30 = arith.constant 0 : index
    %get3A_31 = vector.load %arg5[%get3A_29, %get3A_30] : memref<1x128xf32, #tpu.memory_space<vmem>>, vector<1x128xf32>
    %add3A_32 = vector.broadcast %get3A_31 : vector<1x128xf32> to vector<2048x128xf32>
    %add3A_33 = arith.addf %mul3A_28, %add3A_32 : vector<2048x128xf32>
    %max3A = arith.constant 0.000000e+00 : f32
    %max3A_34 = vector.broadcast %max3A : f32 to vector<2048x128xf32>
    %max3A_35 = arith.maximumf %add3A_33, %max3A_34 : vector<2048x128xf32>
    %get3A_36 = arith.constant 0 : index
    %get3A_37 = arith.constant 0 : index
    %get3A_38 = vector.load %arg6[%get3A_36, %get3A_37] : memref<128x128xf32, #tpu.memory_space<vmem>>, vector<128x128xf32>
    %dot_general3A = arith.constant dense<0.000000e+00> : vector<2048x128xf32>
    %dot_general3A_39 = tpu.matmul %max3A_35, %get3A_38, %dot_general3A {dimension_numbers = #tpu.dot_dimension_numbers<[1], [0], [0], [1], [0, 0, 1, 1], [], []>, transpose_lhs_hint = false} : vector<2048x128xf32>, vector<128x128xf32>, vector<2048x128xf32> -> vector<2048x128xf32>
    %mul3A_40 = vector.broadcast %rsqrt3A : vector<2048x1xf32> to vector<2048x128xf32>
    %mul3A_41 = arith.mulf %mul3A_40, %dot_general3A_39 : vector<2048x128xf32>
    %swap3A = arith.constant 0 : index
    %swap3A_42 = arith.constant 0 : index
    %swap3A_43 = vector.load %arg7[%swap3A, %swap3A_42] : memref<2048x128xf32, #tpu.memory_space<vmem>>, vector<2048x128xf32>
    tpu.vector_store %arg7[%swap3A, %swap3A_42], %mul3A_41 {strides = array<i32>} : memref<2048x128xf32, #tpu.memory_space<vmem>>, vector<2048x128xf32>,
    return
  }
  func.func @transform_0(%arg0: i32) -> (i32, i32, i32) {
    %c0_i32 = arith.constant 0 : i32
    %c0_i32_0 = arith.constant 0 : i32
    %c0_i32_1 = arith.constant 0 : i32
    return %c0_i32, %arg0, %c0_i32_0 : i32, i32, i32
  }
  func.func @transform_1(%arg0: i32) -> (i32, i32) {
    %c0_i32 = arith.constant 0 : i32
    %c0_i32_0 = arith.constant 0 : i32
    return %arg0, %c0_i32 : i32, i32
  }
  func.func @transform_2(%arg0: i32) -> (i32, i32) {
    %c0_i32 = arith.constant 0 : i32
    %c0_i32_0 = arith.constant 0 : i32
    %c0_i32_1 = arith.constant 0 : i32
    return %c0_i32, %c0_i32_0 : i32, i32
  }
  func.func @transform_3(%arg0: i32) -> (i32, i32) {
    %c0_i32 = arith.constant 0 : i32
    %c0_i32_0 = arith.constant 0 : i32
    %c0_i32_1 = arith.constant 0 : i32
    return %c0_i32, %c0_i32_0 : i32, i32
  }
  func.func @transform_4(%arg0: i32) -> (i32, i32) {
    %c0_i32 = arith.constant 0 : i32
    %c0_i32_0 = arith.constant 0 : i32
    %c0_i32_1 = arith.constant 0 : i32
    return %c0_i32, %c0_i32_0 : i32, i32
  }
  func.func @transform_5(%arg0: i32) -> (i32, i32) {
    %c0_i32 = arith.constant 0 : i32
    %c0_i32_0 = arith.constant 0 : i32
    %c0_i32_1 = arith.constant 0 : i32
    return %c0_i32, %c0_i32_0 : i32, i32
  }
  func.func @transform_6(%arg0: i32) -> (i32, i32) {
    %c0_i32 = arith.constant 0 : i32
    %c0_i32_0 = arith.constant 0 : i32
    return %arg0, %c0_i32 : i32, i32
  }
}

module attributes {stable_mosaic.version = 14 : i64} {
  func.func @_tc_z_body(%arg0: i32, %arg1: memref<2x2048x128xf32, #tpu.memory_space<vmem>>, %arg2: memref<2048x2xf32, #tpu.memory_space<vmem>>, %arg3: memref<1x128xf32, #tpu.memory_space<vmem>>, %arg4: memref<128x128xf32, #tpu.memory_space<vmem>>, %arg5: memref<128x128xf32, #tpu.memory_space<vmem>>, %arg6: memref<1x128xf32, #tpu.memory_space<vmem>>, %arg7: memref<2048x128xf32, #tpu.memory_space<vmem>>, %arg8: memref<2048x128xf32, #tpu.memory_space<vmem>>) attributes {dimension_semantics = [#tpu.dimension_semantics<arbitrary>], iteration_bounds = array<i64: 5>, scalar_prefetch = 0 : i64, scratch_operands = 0 : i64, tpu.core_type = #tpu.core_type<tc>, window_params = [{transform_indices = @transform_0, window_bounds = array<i64: 2, 2048, 128>}, {transform_indices = @transform_1, window_bounds = array<i64: 2048, 2>}, {pipeline_mode = #tpu.pipeline_mode<synchronous>, transform_indices = @transform_2, window_bounds = array<i64: 1, 128>}, {pipeline_mode = #tpu.pipeline_mode<synchronous>, transform_indices = @transform_3, window_bounds = array<i64: 128, 128>}, {pipeline_mode = #tpu.pipeline_mode<synchronous>, transform_indices = @transform_4, window_bounds = array<i64: 128, 128>}, {pipeline_mode = #tpu.pipeline_mode<synchronous>, transform_indices = @transform_5, window_bounds = array<i64: 1, 128>}, {transform_indices = @transform_6, window_bounds = array<i64: 2048, 128>}, {transform_indices = @transform_7, window_bounds = array<i64: 2048, 128>}]} {
    %get3A = arith.constant 0 : index
    %get3A_0 = arith.constant 0 : index
    %get3A_1 = vector.load %arg2[%get3A, %get3A_0] : memref<2048x2xf32, #tpu.memory_space<vmem>>, vector<2048x1xf32>
    %get3A_2 = arith.constant 0 : index
    %get3A_3 = arith.constant 1 : index
    %get3A_4 = vector.load %arg2[%get3A_2, %get3A_3] : memref<2048x2xf32, #tpu.memory_space<vmem>>, vector<2048x1xf32>
    %add3A = arith.addf %get3A_1, %get3A_4 : vector<2048x1xf32>
    %add3A_5 = arith.constant 1.000000e+00 : f32
    %add3A_6 = vector.broadcast %add3A_5 : f32 to vector<2048x1xf32>
    %add3A_7 = arith.addf %add3A, %add3A_6 : vector<2048x1xf32>
    %rsqrt3A = math.rsqrt %add3A_7 : vector<2048x1xf32>
    %get3A_8 = arith.constant 0 : index
    %get3A_9 = arith.constant 0 : index
    %get3A_10 = arith.constant 0 : index
    %get3A_11 = vector.load %arg1[%get3A_8, %get3A_9, %get3A_10] : memref<2x2048x128xf32, #tpu.memory_space<vmem>>, vector<2x2048x128xf32>
    %slice3A = vector.extract_strided_slice %get3A_11 {offsets = [0, 0, 0], sizes = [1, 2048, 128], strides = [1, 1, 1]} : vector<2x2048x128xf32> to vector<1x2048x128xf32>
    %squeeze3A = vector.shape_cast %slice3A : vector<1x2048x128xf32> to vector<2048x128xf32>
    %slice3A_12 = vector.extract_strided_slice %get3A_11 {offsets = [1, 0, 0], sizes = [1, 2048, 128], strides = [1, 1, 1]} : vector<2x2048x128xf32> to vector<1x2048x128xf32>
    %squeeze3A_13 = vector.shape_cast %slice3A_12 : vector<1x2048x128xf32> to vector<2048x128xf32>
    %add3A_14 = arith.addf %squeeze3A, %squeeze3A_13 : vector<2048x128xf32>
    %mul3A = vector.broadcast %rsqrt3A : vector<2048x1xf32> to vector<2048x128xf32>
    %mul3A_15 = arith.mulf %mul3A, %add3A_14 : vector<2048x128xf32>
    %get3A_16 = arith.constant 0 : index
    %get3A_17 = arith.constant 0 : index
    %get3A_18 = vector.load %arg3[%get3A_16, %get3A_17] : memref<1x128xf32, #tpu.memory_space<vmem>>, vector<1x128xf32>
    %add3A_19 = vector.broadcast %get3A_18 : vector<1x128xf32> to vector<2048x128xf32>
    %add3A_20 = arith.addf %mul3A_15, %add3A_19 : vector<2048x128xf32>
    %get3A_21 = arith.constant 0 : index
    %get3A_22 = arith.constant 0 : index
    %get3A_23 = vector.load %arg4[%get3A_21, %get3A_22] : memref<128x128xf32, #tpu.memory_space<vmem>>, vector<128x128xf32>
    %dot_general3A = arith.constant dense<0.000000e+00> : vector<2048x128xf32>
    %dot_general3A_24 = tpu.matmul %add3A_20, %get3A_23, %dot_general3A {dimension_numbers = #tpu.dot_dimension_numbers<[1], [0], [0], [1], [0, 0, 1, 1], [], []>, transpose_lhs_hint = false} : vector<2048x128xf32>, vector<128x128xf32>, vector<2048x128xf32> -> vector<2048x128xf32>
    %get3A_25 = arith.constant 0 : index
    %get3A_26 = arith.constant 0 : index
    %get3A_27 = vector.load %arg6[%get3A_25, %get3A_26] : memref<1x128xf32, #tpu.memory_space<vmem>>, vector<1x128xf32>
    %add3A_28 = vector.broadcast %get3A_27 : vector<1x128xf32> to vector<2048x128xf32>
    %add3A_29 = arith.addf %dot_general3A_24, %add3A_28 : vector<2048x128xf32>
    %swap3A = arith.constant 0 : index
    %swap3A_30 = arith.constant 0 : index
    %swap3A_31 = vector.load %arg7[%swap3A, %swap3A_30] : memref<2048x128xf32, #tpu.memory_space<vmem>>, vector<2048x128xf32>
    tpu.vector_store %arg7[%swap3A, %swap3A_30], %add3A_29 {strides = array<i32>} : memref<2048x128xf32, #tpu.memory_space<vmem>>, vector<2048x128xf32>,
    %get3A_32 = arith.constant 0 : index
    %get3A_33 = arith.constant 0 : index
    %get3A_34 = vector.load %arg5[%get3A_32, %get3A_33] : memref<128x128xf32, #tpu.memory_space<vmem>>, vector<128x128xf32>
    %dot_general3A_35 = arith.constant dense<0.000000e+00> : vector<2048x128xf32>
    %dot_general3A_36 = tpu.matmul %add3A_20, %get3A_34, %dot_general3A_35 {dimension_numbers = #tpu.dot_dimension_numbers<[1], [0], [0], [1], [0, 0, 1, 1], [], []>, transpose_lhs_hint = false} : vector<2048x128xf32>, vector<128x128xf32>, vector<2048x128xf32> -> vector<2048x128xf32>
    %swap3A_37 = arith.constant 0 : index
    %swap3A_38 = arith.constant 0 : index
    %swap3A_39 = vector.load %arg8[%swap3A_37, %swap3A_38] : memref<2048x128xf32, #tpu.memory_space<vmem>>, vector<2048x128xf32>
    tpu.vector_store %arg8[%swap3A_37, %swap3A_38], %dot_general3A_36 {strides = array<i32>} : memref<2048x128xf32, #tpu.memory_space<vmem>>, vector<2048x128xf32>,
    return
  }
  func.func @transform_0(%arg0: i32) -> (i32, i32, i32) {
    %c0_i32 = arith.constant 0 : i32
    %c0_i32_0 = arith.constant 0 : i32
    %c0_i32_1 = arith.constant 0 : i32
    return %c0_i32, %arg0, %c0_i32_0 : i32, i32, i32
  }
  func.func @transform_1(%arg0: i32) -> (i32, i32) {
    %c0_i32 = arith.constant 0 : i32
    %c0_i32_0 = arith.constant 0 : i32
    return %arg0, %c0_i32 : i32, i32
  }
  func.func @transform_2(%arg0: i32) -> (i32, i32) {
    %c0_i32 = arith.constant 0 : i32
    %c0_i32_0 = arith.constant 0 : i32
    %c0_i32_1 = arith.constant 0 : i32
    return %c0_i32, %c0_i32_0 : i32, i32
  }
  func.func @transform_3(%arg0: i32) -> (i32, i32) {
    %c0_i32 = arith.constant 0 : i32
    %c0_i32_0 = arith.constant 0 : i32
    %c0_i32_1 = arith.constant 0 : i32
    return %c0_i32, %c0_i32_0 : i32, i32
  }
  func.func @transform_4(%arg0: i32) -> (i32, i32) {
    %c0_i32 = arith.constant 0 : i32
    %c0_i32_0 = arith.constant 0 : i32
    %c0_i32_1 = arith.constant 0 : i32
    return %c0_i32, %c0_i32_0 : i32, i32
  }
  func.func @transform_5(%arg0: i32) -> (i32, i32) {
    %c0_i32 = arith.constant 0 : i32
    %c0_i32_0 = arith.constant 0 : i32
    %c0_i32_1 = arith.constant 0 : i32
    return %c0_i32, %c0_i32_0 : i32, i32
  }
  func.func @transform_6(%arg0: i32) -> (i32, i32) {
    %c0_i32 = arith.constant 0 : i32
    %c0_i32_0 = arith.constant 0 : i32
    return %arg0, %c0_i32 : i32, i32
  }
  func.func @transform_7(%arg0: i32) -> (i32, i32) {
    %c0_i32 = arith.constant 0 : i32
    %c0_i32_0 = arith.constant 0 : i32
    return %arg0, %c0_i32 : i32, i32
  }
}

module attributes {stable_mosaic.version = 14 : i64} {
  func.func @_dec_mlp_body(%arg0: i32, %arg1: memref<8192x128xf32, #tpu.memory_space<vmem>>, %arg2: memref<8192x128xf32, #tpu.memory_space<vmem>>, %arg3: memref<128x64xf32, #tpu.memory_space<vmem>>, %arg4: memref<1x64xf32, #tpu.memory_space<vmem>>, %arg5: memref<1x64xf32, #tpu.memory_space<vmem>>, %arg6: memref<1x1xf32, #tpu.memory_space<vmem>>, %arg7: memref<8192xf32, #tpu.memory_space<vmem>>) attributes {dimension_semantics = [#tpu.dimension_semantics<arbitrary>], iteration_bounds = array<i64: 4>, scalar_prefetch = 0 : i64, scratch_operands = 0 : i64, tpu.core_type = #tpu.core_type<tc>, window_params = [{transform_indices = @transform_0, window_bounds = array<i64: 8192, 128>}, {transform_indices = @transform_1, window_bounds = array<i64: 8192, 128>}, {pipeline_mode = #tpu.pipeline_mode<synchronous>, transform_indices = @transform_2, window_bounds = array<i64: 128, 64>}, {pipeline_mode = #tpu.pipeline_mode<synchronous>, transform_indices = @transform_3, window_bounds = array<i64: 1, 64>}, {pipeline_mode = #tpu.pipeline_mode<synchronous>, transform_indices = @transform_4, window_bounds = array<i64: 1, 64>}, {pipeline_mode = #tpu.pipeline_mode<synchronous>, transform_indices = @transform_5, window_bounds = array<i64: 1, 1>}, {transform_indices = @transform_6, window_bounds = array<i64: 8192>}]} {
    %get3A = arith.constant 0 : index
    %get3A_0 = arith.constant 0 : index
    %get3A_1 = vector.load %arg1[%get3A, %get3A_0] : memref<8192x128xf32, #tpu.memory_space<vmem>>, vector<8192x128xf32>
    %get3A_2 = arith.constant 0 : index
    %get3A_3 = arith.constant 0 : index
    %get3A_4 = vector.load %arg2[%get3A_2, %get3A_3] : memref<8192x128xf32, #tpu.memory_space<vmem>>, vector<8192x128xf32>
    %add3A = arith.addf %get3A_1, %get3A_4 : vector<8192x128xf32>
    %max3A = arith.constant 0.000000e+00 : f32
    %max3A_5 = vector.broadcast %max3A : f32 to vector<8192x128xf32>
    %max3A_6 = arith.maximumf %add3A, %max3A_5 : vector<8192x128xf32>
    %get3A_7 = arith.constant 0 : index
    %get3A_8 = arith.constant 0 : index
    %get3A_9 = vector.load %arg3[%get3A_7, %get3A_8] : memref<128x64xf32, #tpu.memory_space<vmem>>, vector<128x64xf32>
    %dot_general3A = arith.constant dense<0.000000e+00> : vector<8192x64xf32>
    %dot_general3A_10 = tpu.matmul %max3A_6, %get3A_9, %dot_general3A {dimension_numbers = #tpu.dot_dimension_numbers<[1], [0], [0], [1], [0, 0, 1, 1], [], []>, transpose_lhs_hint = false} : vector<8192x128xf32>, vector<128x64xf32>, vector<8192x64xf32> -> vector<8192x64xf32>
    %get3A_11 = arith.constant 0 : index
    %get3A_12 = arith.constant 0 : index
    %get3A_13 = vector.load %arg4[%get3A_11, %get3A_12] : memref<1x64xf32, #tpu.memory_space<vmem>>, vector<1x64xf32>
    %add3A_14 = vector.broadcast %get3A_13 : vector<1x64xf32> to vector<8192x64xf32>
    %add3A_15 = arith.addf %dot_general3A_10, %add3A_14 : vector<8192x64xf32>
    %max3A_16 = arith.constant 0.000000e+00 : f32
    %max3A_17 = vector.broadcast %max3A_16 : f32 to vector<8192x64xf32>
    %max3A_18 = arith.maximumf %add3A_15, %max3A_17 : vector<8192x64xf32>
    %get3A_19 = arith.constant 0 : index
    %get3A_20 = arith.constant 0 : index
    %get3A_21 = vector.load %arg5[%get3A_19, %get3A_20] : memref<1x64xf32, #tpu.memory_space<vmem>>, vector<1x64xf32>
    %mul3A = vector.broadcast %get3A_21 : vector<1x64xf32> to vector<8192x64xf32>
    %mul3A_22 = arith.mulf %max3A_18, %mul3A : vector<8192x64xf32>
    %reduce_sum3A = arith.constant dense<0.000000e+00> : vector<8192xf32>
    %reduce_sum3A_23 = vector.multi_reduction <add>, %mul3A_22, %reduce_sum3A [1] : vector<8192x64xf32> to vector<8192xf32>
    %get3A_24 = arith.constant 0 : index
    %get3A_25 = arith.constant 0 : index
    %get3A_26 = vector.load %arg6[%get3A_24, %get3A_25] : memref<1x1xf32, #tpu.memory_space<vmem>>, vector<1x1xf32>
    %get3A_27 = vector.extract %get3A_26[0, 0] : f32 from vector<1x1xf32>
    %add3A_28 = vector.broadcast %get3A_27 : f32 to vector<8192xf32>
    %add3A_29 = arith.addf %reduce_sum3A_23, %add3A_28 : vector<8192xf32>
    %swap3A = arith.constant 0 : index
    %swap3A_30 = vector.load %arg7[%swap3A] : memref<8192xf32, #tpu.memory_space<vmem>>, vector<8192xf32>
    tpu.vector_store %arg7[%swap3A], %add3A_29 {strides = array<i32>} : memref<8192xf32, #tpu.memory_space<vmem>>, vector<8192xf32>,
    return
  }
  func.func @transform_0(%arg0: i32) -> (i32, i32) {
    %c0_i32 = arith.constant 0 : i32
    %c0_i32_0 = arith.constant 0 : i32
    return %arg0, %c0_i32 : i32, i32
  }
  func.func @transform_1(%arg0: i32) -> (i32, i32) {
    %c0_i32 = arith.constant 0 : i32
    %c0_i32_0 = arith.constant 0 : i32
    return %arg0, %c0_i32 : i32, i32
  }
  func.func @transform_2(%arg0: i32) -> (i32, i32) {
    %c0_i32 = arith.constant 0 : i32
    %c0_i32_0 = arith.constant 0 : i32
    %c0_i32_1 = arith.constant 0 : i32
    return %c0_i32, %c0_i32_0 : i32, i32
  }
  func.func @transform_3(%arg0: i32) -> (i32, i32) {
    %c0_i32 = arith.constant 0 : i32
    %c0_i32_0 = arith.constant 0 : i32
    %c0_i32_1 = arith.constant 0 : i32
    return %c0_i32, %c0_i32_0 : i32, i32
  }
  func.func @transform_4(%arg0: i32) -> (i32, i32) {
    %c0_i32 = arith.constant 0 : i32
    %c0_i32_0 = arith.constant 0 : i32
    %c0_i32_1 = arith.constant 0 : i32
    return %c0_i32, %c0_i32_0 : i32, i32
  }
  func.func @transform_5(%arg0: i32) -> (i32, i32) {
    %c0_i32 = arith.constant 0 : i32
    %c0_i32_0 = arith.constant 0 : i32
    %c0_i32_1 = arith.constant 0 : i32
    return %c0_i32, %c0_i32_0 : i32, i32
  }
  func.func @transform_6(%arg0: i32) -> i32 {
    %c0_i32 = arith.constant 0 : i32
    return %arg0 : i32
  }
}

</mosaic_0001>

<sc_bundles>
// kernel: kernel.15.cloned.1.call-start
scs
__scs_entry_jumppad:
0x0: {  	(pc) =	sbr.rel $0x88, $3  }
0x1: {  	(tag) =	ssettag $0x0;
	lr =	simm.s32 $0x1  }
0x2: {  	[smem:$0x3F8E] =	sst lr;
	_ =	strace $0xD0000000  }
0x3: {  	_ = 	snop  }
0x4: {  	_ = 	snop  }
0x5: {  	_ = 	snop  }
0x6: {  	_ = 	snop  }
0x7: {  	_ = 	snop  }
__scs_overlays_trampoline_lowered:
0x8: {  	[smem:$0x3F9D] =	sst s0  }
0x9: {  	[smem:$0x3F9E] =	sst s1  }
0xa: {  	[smem:$0x3F9F] =	sst s2  }
0xb: {  	[smem:$0x3FA0] =	sst s3  }
0xc: {  	[smem:$0x3FA1] =	sst s4  }
0xd: {  	[smem:$0x3FA2] =	sst s5  }
0xe: {  	[smem:$0x3FA3] =	sst s6  }
0xf: {  	[smem:$0x3FA4] =	sst s7  }
0x10: {  	[smem:$0x3FA5] =	sst s8  }
0x11: {  	[smem:$0x3FA6] =	sst s9;
	s0 =	simm.s32 @!p0 $0x0  }
0x12: {  	s1 =	sld [smem:$0x3F8C];
	s0 =	simm.s32 @p0 $0x1  }
0x13: {  	[smem:$0x3FA7] =	sst s0;
	s0 =	simm.s32 @!p1 $0x0  }
0x14: {  	s2 =	sld [smem:$0x3F8B];
	s0 =	simm.s32 @p1 $0x1  }
0x15: {  	[smem:$0x3FA8] =	sst s0;
	s0 =	simm.s32 @!p2 $0x0  }
0x16: {  	s3 =	sld [smem:$0x3FDB];
	s0 =	simm.s32 @p2 $0x1  }
0x17: {  	s4 =	simm.s32 $0x1BF5;
	[smem:$0x3FAA] =	sst s0  }
0x18: {  	s0 =	sld [smem:$0x3F8D];
	_ =	swait.ge [sflag:s4], $0x0  }
0x19: {  	s7 =	sld [smem:$0x3F8E]  }
0x1a: {  	s8 =	sadd.s32 $0xFFFFE003, lr  }
0x1b: {  	s9 =	sadd.s32 $0xFFFFFEF7, lr;
	s5 =	simm.s32 $0xFFFFFFFF;
	p2 =	slt.u32 s8, $0xFFFFF086  }
0x1c: {  	p1 =	slt.u32 s9, $0xF7A;
	s5 =	simm.s32 @!p2 $0x0  }
0x1d: {  	s5 =	simm.s32 @p1 $0x1;
	p0 =	seq.s32 s7, s2  }
0x1e: {  	s7 =	smul.u32 @!p0 $0xF7A, s2;
	p2 =	seq.s32 @!p0 s5, $0x0  }
0x1f: {  	s9 =	smul.u32 $0xF7A, s1;
	s8 =	simm.s32 @!p0 $0x1BF5;
	p2 =	por !p2, p0  }
0x20: {  	[sflag:s8] =	ssyncset.s32 @!p0 $0xFFFFF086;
	s6 =	sadd.s32 @!p0 s3, s7;
	s7 =	simm.s32 @!p0 $0x108  }
0x21: {  	s3 =	sadd.s32 s3, s9;
	s6 =	sadd.s32 @!p0 $0x88, s6;
	s7 =	simm.s32 @p2 $0x1082  }
0x22: {  	[simem:s7], [sflag:s8] =	dma.local @!p0 [hbm:s6], $0xF7A  }
0x23: {  	s9 =	sor.u32 $0xD0000000, s2;
	s6 =	simm.s32 $0x108;
	_ =	swait.ge @!p0 [sflag:s8], $0x0  }
0x24: {  	s3 =	sadd.s32 $0x88, s3;
	s6 =	simm.s32 @!p1 $0x1082;
	[sflag:s4] =	ssyncset.s32 $0xFFFFF086  }
0x25: {  	[simem:s6], [sflag:s4] =	dma.local [hbm:s3], $0xF7A  }
0x26: {  	[smem:$0x3F8E] =	sst s1;
	(tag) =	ssettag s2;
	_ =	strace s9  }
0x27: {  	s1 =	sld [smem:$0x3F9E]  }
0x28: {  	s2 =	sld [smem:$0x3F9F]  }
0x29: {  	s4 =	sld [smem:$0x3FA1]  }
0x2a: {  	p0 =	seq.s32 s5, $0x0;
	s5 =	sld [smem:$0x3FA2]  }
0x2b: {  	s6 =	sld [smem:$0x3FA3]  }
0x2c: {  	s7 =	sld [smem:$0x3FA4]  }
0x2d: {  	s3 =	simm.s32 $0x108;
	s8 =	sld [smem:$0x3FA5]  }
0x2e: {  	s3 =	simm.s32 @!p0 $0x1082;
	s9 =	sld [smem:$0x3FA6]  }
0x2f: {  	lr =	sadd.s32 s0, s3;
	s0 =	sld [smem:$0x3F9D]  }
0x30: {  	s3 =	sld [smem:$0x3FA0]  }
0x31: {  	[smem:$0x3FA9] =	sst s10  }
0x32: {  	s10 =	sld [smem:$0x3FA7];
	_ =	sdelay $0x3  }
0x33: {  	p0 =	seq.s32 s10, $0x1;
	s10 =	sld [smem:$0x3FA9];
	_ =	sdelay $0x3  }
0x34: {  	[smem:$0x3FA9] =	sst s10  }
0x35: {  	s10 =	sld [smem:$0x3FA8];
	_ =	sdelay $0x3  }
0x36: {  	p1 =	seq.s32 s10, $0x1;
	s10 =	sld [smem:$0x3FA9];
	_ =	sdelay $0x3  }
0x37: {  	[smem:$0x3FA9] =	sst s10  }
0x38: {  	s10 =	sld [smem:$0x3FAA]  }
0x39: {  	_ = 	snop;
	(pc) =	sbr.ind lr, $3  }
0x3a: {  	_ = 	snop  }
0x3b: {  	_ = 	snop  }
0x3c: {  	p2 =	seq.s32 s10, $0x1;
	s10 =	sld [smem:$0x3FA9]  }
0x3d: {  	_ =	shalt  }
0x3e: {  	_ =	shalt  }
0x3f: {  	_ =	shalt  }
0x40: {  	_ =	shalt  }
0x41: {  	_ =	shalt  }
0x42: {  	_ =	shalt  }
0x43: {  	_ =	shalt  }
0x44: {  	_ =	shalt  }
0x45: {  	_ =	shalt  }
0x46: {  	_ =	shalt  }
0x47: {  	_ =	shalt  }
0x48: {  	_ =	shalt  }
0x49: {  	_ =	shalt  }
0x4a: {  	_ =	shalt  }
0x4b: {  	_ =	shalt  }
0x4c: {  	_ =	shalt  }
0x4d: {  	_ =	shalt  }
0x4e: {  	_ =	shalt  }
0x4f: {  	_ =	shalt  }
0x50: {  	_ =	shalt  }
0x51: {  	_ =	shalt  }
0x52: {  	_ =	shalt  }
0x53: {  	_ =	shalt  }
0x54: {  	_ =	shalt  }
0x55: {  	_ =	shalt  }
0x56: {  	_ =	shalt  }
0x57: {  	_ =	shalt  }
0x58: {  	_ =	shalt  }
0x59: {  	_ =	shalt  }
0x5a: {  	_ =	shalt  }
0x5b: {  	_ =	shalt  }
0x5c: {  	_ =	shalt  }
0x5d: {  	_ =	shalt  }
0x5e: {  	_ =	shalt  }
0x5f: {  	_ =	shalt  }
0x60: {  	_ =	shalt  }
0x61: {  	_ =	shalt  }
0x62: {  	_ =	shalt  }
0x63: {  	_ =	shalt  }
0x64: {  	_ =	shalt  }
0x65: {  	_ =	shalt  }
0x66: {  	_ =	shalt  }
0x67: {  	_ =	shalt  }
0x68: {  	_ =	shalt  }
0x69: {  	_ =	shalt  }
0x6a: {  	_ =	shalt  }
0x6b: {  	_ =	shalt  }
0x6c: {  	_ =	shalt  }
0x6d: {  	_ =	shalt  }
0x6e: {  	_ =	shalt  }
0x6f: {  	_ =	shalt  }
0x70: {  	_ =	shalt  }
0x71: {  	_ =	shalt  }
0x72: {  	_ =	shalt  }
0x73: {  	_ =	shalt  }
0x74: {  	_ =	shalt  }
0x75: {  	_ =	shalt  }
0x76: {  	_ =	shalt  }
0x77: {  	_ =	shalt  }
0x78: {  	_ =	shalt  }
0x79: {  	_ =	shalt  }
0x7a: {  	_ =	shalt  }
0x7b: {  	_ =	shalt  }
0x7c: {  	_ =	shalt  }
0x7d: {  	_ =	shalt  }
0x7e: {  	_ =	shalt  }
0x7f: {  	_ =	shalt  }
0x80: {  	_ =	shalt  }
0x81: {  	_ =	shalt  }
0x82: {  	_ =	shalt  }
0x83: {  	_ =	shalt  }
0x84: {  	_ =	shalt  }
0x85: {  	_ =	shalt  }
0x86: {  	_ =	shalt  }
0x87: {  	_ =	shalt  }
.Lfunc_end0:
.L_simem_size_0:
called_computation_lowered:
.L_overlay_start_0:
0x88: {  	s2 =	sld [smem:$0x3FD9]  }
0x89: {  	s3 =	sld [smem:$0x3FFE];
	_ =	sdelay $0x1  }
0x8a: {  	s1 =	srdreg.scid  }
0x8b: {  	s0 =	sand.u32 $0x1, s1  }
0x8c: {  	s17 =	sshll.u32 s0, $0xA;
	s2 =	sadd.s32 s3, s2  }
0x8d: {  	s2 =	sadd.s32 s2, s17  }
0x8e: {  	[smem:$0x3FB5] =	sst s2  }
0x8f: {  	_ = 	snop  }
0x90: {  	s2 =	sld [smem:$0x3FD0];
	(tm) =	ssettm $0x1  }
0x91: {  	s18 =	sld [smem:$0x3FFB];
	_ =	sdelay $0x3  }
0x92: {  	_ =	strace s18  }
0x93: {  	s3 =	sld [smem:$0x3FFC];
	_ =	sdelay $0x3  }
0x94: {  	_ =	strace s3  }
0x95: {  	s3 =	sld [smem:$0x3FFD];
	_ =	sdelay $0x3  }
0x96: {  	_ =	strace s3  }
0x97: {  	_ =	strace $0x8FFFFFFF  }
0x98: {  	s19 =	sld [smem:$0x3FDB];
	_ =	sdelay $0x1  }
0x99: {  	s4 =	simm.s32 $_scs_section_size  }
0x9a: {  	s5 =	simm.s32 $_size__tile_overlayer_lowered;
	s6 =	simm.s32 $_tile_overlayer_lowered  }
0x9b: {  	s22 =	simm.s32 $0x1BFF;
	s21 =	sshll.u32 s6, $0x1;
	s3 =	sadd.s32 s4, s19  }
0x9c: {  	s7 =	simm.s32 $0x0;
	s20 =	sshll.u32 s5, $0x1;
	s5 =	sadd.s32 s21, s3  }
0x9d: {  	[timem:s7], [sflag:s22] =	dma.local [hbm:s5], s20  }
0x9e: {  	_ =	swait.ge [sflag:s22], s20  }
0x9f: {  	s4 =	ssub.s32 $0x0, s20;
	[sflag:s22] =	ssyncset.done $0x0  }
0xa0: {  	[sflag:s22] =	ssyncadd.s32 s4;
	_ =	sdelay $0x1  }
0xa1: {  	s23 =	simm.s32 $0x1B8B  }
0xa2: {  	_ =	swait.ge [sflag:s23], $0x1  }
0xa3: {  	[sflag:s23] =	ssyncset.done $0x0  }
0xa4: {  	s25 =	simm.s32 $0x1B8E;
	s24 =	sld [smem:$0x3FFE];
	[sflag:s23] =	ssyncadd.s32 $0xFFFFFFFF  }
0xa5: {  	s26 =	simm.s32 $execute0_lowered;
	[smem:$0x3FD2] =	sst s25  }
0xa6: {  	s5 =	sshll.u32 s26, $0x1;
	_ =	strace $0x80000046;
	[dreg:$0x1] =	wrdreg $0xFFFFFFFF  }
0xa7: {  	s28 =	simm.s32 $_size_execute0_lowered;
	s3 =	sadd.s32 s3, s5;
	[dreg:$0x0] =	wrdreg $0x0  }
0xa8: {  	s5 =	sshll.u32 s28, $0x1;
	[dreg:$0x2] =	wrdreg s3  }
0xa9: {  	[dreg:$0x3] =	wrdreg s5  }
0xaa: {  	[dreg:$0x4] =	wrdreg $0xC0  }
0xab: {  	_ =	task [dreg:s7], $0x5FFFF  }
0xac: {  	[dreg:$0x1] =	wrdreg $0xFFFFFFFF  }
0xad: {  	[dreg:$0x0] =	wrdreg $0x60  }
0xae: {  	[dreg:$0x2] =	wrdreg s24  }
0xaf: {  	[dreg:$0x3] =	wrdreg s2  }
0xb0: {  	[dreg:$0x4] =	wrdreg $0x28800  }
0xb1: {  	[dreg:$0x5] =	wrdreg $0x9  }
0xb2: {  	_ =	task.clear_ibuf [dreg:s7], $0x6FFFF;
	_ =	strace $0x90000046  }
0xb3: {  	s29 =	simm.s32 $0x9;
	_ =	strace $0x80000048  }
0xb4: {  	_ =	swait.ge [sflag:s29], $0x1  }
0xb5: {  	[sflag:s29] =	ssyncadd.s32 $0xFFFFFFFF  }
0xb6: {  	_ =	strace $0x90000048  }
0xb7: {  	_ =	sfence  }
0xb8: {  	s30 =	sld [smem:$0x0];
	_ =	sdelay $0x2  }
0xb9: {  	s31 =	sshll.u32 s1, $0xD;
	s1 =	sshrl.u32 s1, $0x2  }
0xba: {  	s3 =	sand.u32 $0x4000, s31;
	s1 =	sadd.s32 s1, s30  }
0xbb: {  	s0 =	sor.u32 s3, s0;
	s1 =	sshll.u32 s1, $0x11  }
0xbc: {  	s0 =	sor.u32 s1, s0  }
0xbd: {  	s0 =	sadd.s32 $0x8F2B, s0  }
0xbe: {  	[sflag:s0] =	ssyncadd.remote.s32 $0x1  }
0xbf: {  	_ =	sfence.sel $0xFFFF  }
0xc0: {  	[dreg:$0x0] =	wrdreg $0xFFFFFFFF;
	(pc) =	sbr.abs _section_cstart, $3  }
0xc1: {  	[dreg:$0x1] =	wrdreg $0xFFFFFFFF  }
0xc2: {  	_ =	task.clear_ibuf [dreg:s7], $0x2FFFF;
	_ =	strace $0x9FFFFFFF  }
0xc3: {  	(tm) =	ssettm $0x7FFFFFFF  }
tec
execute0_lowered:
.L_overlay_start_1:
0x0: {  	(tag) =	ssettag $0x1  }
0x1: {  	s4 =	rddreg [dreg:$0x0]  }
0x2: {  	s7 =	rddreg [dreg:$0x1]  }
0x3: {  	s0 =	srdreg.scid;
	s2 =	rddreg [dreg:$0x2]  }
0x4: {  	s3 =	simm.s32 $0x0;
	s14 =	simm.s32 $0x1;
	s15 =	simm.s32 $0x20  }
0x5: {  	s16 =	simm.s32 $0x10;
	s5 =	sand.u32 $0x1, s0;
	s0 =	stileid.u32  }
0x6: {  	s17 =	simm.s32 $0x0;
	[smem:$0x7FF] =	sst s3;
	s8 =	smul.u32 $0x280, s0  }
0x7: {  	s1 =	sshll.u32 s5, $0x4;
	s10 =	ssub.s32 $0x2, s5;
	s11 =	smul.u32 $0x500, s0  }
0x8: {  	s13 =	sshll.u32 s5, $0x7;
	s31 =	sshll.u32 s0, $0x6;
	s1 =	sor.u32 s0, s1  }
0x9: {  	s12 =	sshrl.u32 s10, $0x1;
	s6 =	smul.u32 $0x500, s1;
	s1 =	rddreg [dreg:$0x3]  }
0xa: {  	_ =	strace $0x80000047;
	s9 =	sshrl.u32 s8, $0x3;
	s10 =	ssub.s32 s10, s12  }
0xb: {  	s11 =	sor.u32 s13, s11;
	s29 =	sadd.s32 s8, s2;
	s13 =	simm.s32 $0x7D  }
0xc: {  	s9 =	sadd.s32 s9, s4;
	s30 =	sshrl.u32 s11, $0x3;
	s8 =	smax.u32 s10, $0x1  }
0xd: {  	s10 =	simm.s32 $0x2800;
	s11 =	sor.u32 $0x1C02, s31;
	s12 =	sshrl.u32 s29, $0x3  }
0xe: {  	s6 =	sadd.s32 s6, s4;
	s4 =	sadd.s32 $0xFC00, s4;
	s7 =	sadd.s32 s7, s30  }
0xf: {  	s5 =	sadd.s32 $0x5600, s6;
	s6 =	sadd.s32 $0xF600, s9;
	s9 =	simm.s32 $0x2  }
.LBB2_1:
0x10: {  	[tilespmem:s3], [sflag:$0x2] =	stream.linear.gather [hbm4b:s5+s3], $0x2800, $0x38;
	[tilespmem:$0x2B00] =	vst v63  }
0x11: {  	_ =	swait.ge [sflag:s9], $0x2800  }
0x12: {  	[sflag:s9] =	ssyncset.done $0x0  }
0x13: {  	[sflag:s9] =	ssyncadd.s32 $0xFFFFD800  }
0x14: {  	[tilespmem:s10], [sflag:$0x2] =	stream.linear.gather [hbm4b:s4+s3], $0x80, $0x38;
	[tilespmem:$0x2B00] =	vst v63  }
0x15: {  	_ =	swait.ge [sflag:s9], $0x80  }
0x16: {  	[sflag:s9] =	ssyncset.done $0x0  }
0x17: {  	[sflag:s9] =	ssyncadd.s32 $0xFFFFFF80  }
0x18: {  	[spmem:s12], [sflag:s11] =	dma.local [hbm:s6], $0x50  }
0x19: {  	_ =	swait.ge [sflag:s9], $0x50  }
0x1a: {  	[sflag:s9] =	ssyncset.done $0x0  }
0x1b: {  	[sflag:s9] =	ssyncadd.s32 $0xFFFFFFB0  }
0x1c: {  	s18 =	simm.s32 $0x0;
	[bflag:$0x0] =	sbarrier.arrive $0xFFFF  }
0x1d: {  	[spmem:s2] =	stream.indirect.scatter.add.f32 [tilespmem:s10], [sflag:$0x1], $0x1, s18, s13, $0xb8;
	[tilespmem:$0x2B00] =	vst v63  }
0x1e: {  	s24 =	simm.s32 $0x80  }
0x1f: {  	[spmem:s2] =	stream.indirect.scatter.add.f32 [tilespmem:s10], [sflag:$0x1], $0x1, s24, s13, $0xb8;
	[tilespmem:$0x2B00] =	vst v63  }
0x20: {  	s25 =	simm.s32 $0x100  }
0x21: {  	[spmem:s2] =	stream.indirect.scatter.add.f32 [tilespmem:s10], [sflag:$0x1], $0x1, s25, s13, $0xb8;
	[tilespmem:$0x2B00] =	vst v63  }
0x22: {  	s26 =	simm.s32 $0x180  }
0x23: {  	[spmem:s2] =	stream.indirect.scatter.add.f32 [tilespmem:s10], [sflag:$0x1], $0x1, s26, s13, $0xb8;
	[tilespmem:$0x2B00] =	vst v63  }
0x24: {  	s28 =	simm.s32 $0x200  }
0x25: {  	[spmem:s2] =	stream.indirect.scatter.add.f32 [tilespmem:s10], [sflag:$0x1], $0x1, s28, s13, $0xb8;
	[tilespmem:$0x2B00] =	vst v63  }
0x26: {  	s29 =	simm.s32 $0x280  }
0x27: {  	[spmem:s2] =	stream.indirect.scatter.add.f32 [tilespmem:s10], [sflag:$0x1], $0x1, s29, s13, $0xb8;
	[tilespmem:$0x2B00] =	vst v63  }
0x28: {  	s30 =	simm.s32 $0x300  }
0x29: {  	[spmem:s2] =	stream.indirect.scatter.add.f32 [tilespmem:s10], [sflag:$0x1], $0x1, s30, s13, $0xb8;
	[tilespmem:$0x2B00] =	vst v63  }
0x2a: {  	s31 =	simm.s32 $0x380  }
0x2b: {  	[spmem:s2] =	stream.indirect.scatter.add.f32 [tilespmem:s10], [sflag:$0x1], $0x1, s31, s13, $0xb8;
	[tilespmem:$0x2B00] =	vst v63  }
0x2c: {  	_ =	swait.ge [sflag:s14], $0x7D  }
0x2d: {  	[sflag:s14] =	ssyncset.done $0x0  }
0x2e: {  	[sflag:s14] =	ssyncadd.s32 $0xFFFFFF83  }
0x2f: {  	_ =	swait.ge [sflag:s14], $0x7D  }
0x30: {  	[sflag:s14] =	ssyncset.done $0x0  }
0x31: {  	[sflag:s14] =	ssyncadd.s32 $0xFFFFFF83  }
0x32: {  	_ =	swait.ge [sflag:s14], $0x7D  }
0x33: {  	[sflag:s14] =	ssyncset.done $0x0  }
0x34: {  	[sflag:s14] =	ssyncadd.s32 $0xFFFFFF83  }
0x35: {  	_ =	swait.ge [sflag:s14], $0x7D  }
0x36: {  	[sflag:s14] =	ssyncset.done $0x0  }
0x37: {  	[sflag:s14] =	ssyncadd.s32 $0xFFFFFF83  }
0x38: {  	_ =	swait.ge [sflag:s14], $0x7D  }
0x39: {  	[sflag:s14] =	ssyncset.done $0x0  }
0x3a: {  	[sflag:s14] =	ssyncadd.s32 $0xFFFFFF83  }
0x3b: {  	_ =	swait.ge [sflag:s14], $0x7D  }
0x3c: {  	[sflag:s14] =	ssyncset.done $0x0  }
0x3d: {  	[sflag:s14] =	ssyncadd.s32 $0xFFFFFF83  }
0x3e: {  	_ =	swait.ge [sflag:s14], $0x7D  }
0x3f: {  	[sflag:s14] =	ssyncset.done $0x0  }
0x40: {  	[sflag:s14] =	ssyncadd.s32 $0xFFFFFF83  }
0x41: {  	_ =	swait.ge [sflag:s14], $0x7D  }
0x42: {  	s20 =	simm.s32 $0x2000;
	s18 =	simm.s32 $0x1000;
	[sflag:s14] =	ssyncset.done $0x0  }
.LBB2_2:
0x43: {  	s21 =	sshra.s32 s18, $0x2  }
0x44: {  	[sflag:s14] =	ssyncadd.s32 $0xFFFFFF83;
	s18 =	smov.u32 s20;
	s19 =	sadd.s32 $0x1000, s20  }
0x45: {  	[spmem:s2] =	stream.indirect.scatter.add.f32 [tilespmem:s10], [sflag:$0x1], $0x1, s21, s13, $0xb8;
	[tilespmem:$0x2B00] =	vst v63  }
0x46: {  	p0 =	sne.s32 s20, $0x9000;
	s20 =	sadd.s32 $0x80, s21  }
0x47: {  	[spmem:s2] =	stream.indirect.scatter.add.f32 [tilespmem:s10], [sflag:$0x1], $0x1, s20, s13, $0xb8;
	[tilespmem:$0x2B00] =	vst v63  }
0x48: {  	s20 =	sadd.s32 $0x100, s21  }
0x49: {  	[spmem:s2] =	stream.indirect.scatter.add.f32 [tilespmem:s10], [sflag:$0x1], $0x1, s20, s13, $0xb8;
	[tilespmem:$0x2B00] =	vst v63  }
0x4a: {  	s20 =	sadd.s32 $0x180, s21  }
0x4b: {  	[spmem:s2] =	stream.indirect.scatter.add.f32 [tilespmem:s10], [sflag:$0x1], $0x1, s20, s13, $0xb8;
	[tilespmem:$0x2B00] =	vst v63  }
0x4c: {  	s20 =	sadd.s32 $0x200, s21  }
0x4d: {  	[spmem:s2] =	stream.indirect.scatter.add.f32 [tilespmem:s10], [sflag:$0x1], $0x1, s20, s13, $0xb8;
	[tilespmem:$0x2B00] =	vst v63  }
0x4e: {  	s20 =	sadd.s32 $0x280, s21  }
0x4f: {  	[spmem:s2] =	stream.indirect.scatter.add.f32 [tilespmem:s10], [sflag:$0x1], $0x1, s20, s13, $0xb8;
	[tilespmem:$0x2B00] =	vst v63  }
0x50: {  	s20 =	sadd.s32 $0x300, s21  }
0x51: {  	[spmem:s2] =	stream.indirect.scatter.add.f32 [tilespmem:s10], [sflag:$0x1], $0x1, s20, s13, $0xb8;
	[tilespmem:$0x2B00] =	vst v63  }
0x52: {  	s20 =	sadd.s32 $0x380, s21  }
0x53: {  	[spmem:s2] =	stream.indirect.scatter.add.f32 [tilespmem:s10], [sflag:$0x1], $0x1, s20, s13, $0xb8;
	[tilespmem:$0x2B00] =	vst v63  }
0x54: {  	_ =	swait.ge [sflag:s14], $0x7D  }
0x55: {  	[sflag:s14] =	ssyncset.done $0x0  }
0x56: {  	[sflag:s14] =	ssyncadd.s32 $0xFFFFFF83  }
0x57: {  	_ =	swait.ge [sflag:s14], $0x7D  }
0x58: {  	[sflag:s14] =	ssyncset.done $0x0  }
0x59: {  	[sflag:s14] =	ssyncadd.s32 $0xFFFFFF83  }
0x5a: {  	_ =	swait.ge [sflag:s14], $0x7D  }
0x5b: {  	[sflag:s14] =	ssyncset.done $0x0  }
0x5c: {  	[sflag:s14] =	ssyncadd.s32 $0xFFFFFF83  }
0x5d: {  	_ =	swait.ge [sflag:s14], $0x7D  }
0x5e: {  	[sflag:s14] =	ssyncset.done $0x0  }
0x5f: {  	[sflag:s14] =	ssyncadd.s32 $0xFFFFFF83  }
0x60: {  	_ =	swait.ge [sflag:s14], $0x7D  }
0x61: {  	[sflag:s14] =	ssyncset.done $0x0  }
0x62: {  	[sflag:s14] =	ssyncadd.s32 $0xFFFFFF83  }
0x63: {  	_ =	swait.ge [sflag:s14], $0x7D  }
0x64: {  	[sflag:s14] =	ssyncset.done $0x0  }
0x65: {  	[sflag:s14] =	ssyncadd.s32 $0xFFFFFF83  }
.Ltmp0:
0x66: {  	_ =	swait.ge [sflag:s14], $0x7D;
	(pc) =	sbr.rel @p0 .LBB2_2-.Ltmp0, $4  }
0x67: {  	[sflag:s14] =	ssyncset.done $0x0  }
0x68: {  	[sflag:s14] =	ssyncadd.s32 $0xFFFFFF83  }
0x69: {  	_ =	swait.ge [sflag:s14], $0x7D  }
0x6a: {  	s20 =	smov.u32 s19;
	[sflag:s14] =	ssyncset.done $0x0  }
0x6b: {  	s18 =	sshra.s32 s18, $0x2;
	[sflag:s14] =	ssyncadd.s32 $0xFFFFFF83  }
0x6c: {  	[spmem:s2] =	stream.indirect.scatter.add.f32 [tilespmem:s10], [sflag:$0x1], $0x1, s18, s13, $0xb8;
	[tilespmem:$0x2B00] =	vst v63  }
0x6d: {  	s19 =	sadd.s32 $0x80, s18  }
0x6e: {  	[spmem:s2] =	stream.indirect.scatter.add.f32 [tilespmem:s10], [sflag:$0x1], $0x1, s19, s13, $0xb8;
	[tilespmem:$0x2B00] =	vst v63  }
0x6f: {  	s26 =	sadd.s32 $0x100, s18  }
0x70: {  	[spmem:s2] =	stream.indirect.scatter.add.f32 [tilespmem:s10], [sflag:$0x1], $0x1, s26, s13, $0xb8;
	[tilespmem:$0x2B00] =	vst v63  }
0x71: {  	s28 =	sadd.s32 $0x180, s18  }
0x72: {  	[spmem:s2] =	stream.indirect.scatter.add.f32 [tilespmem:s10], [sflag:$0x1], $0x1, s28, s13, $0xb8;
	[tilespmem:$0x2B00] =	vst v63  }
0x73: {  	s29 =	sadd.s32 $0x200, s18  }
0x74: {  	[spmem:s2] =	stream.indirect.scatter.add.f32 [tilespmem:s10], [sflag:$0x1], $0x1, s29, s13, $0xb8;
	[tilespmem:$0x2B00] =	vst v63  }
0x75: {  	s30 =	sadd.s32 $0x280, s18  }
0x76: {  	[spmem:s2] =	stream.indirect.scatter.add.f32 [tilespmem:s10], [sflag:$0x1], $0x1, s30, s13, $0xb8;
	[tilespmem:$0x2B00] =	vst v63  }
0x77: {  	s31 =	sadd.s32 $0x300, s18  }
0x78: {  	[spmem:s2] =	stream.indirect.scatter.add.f32 [tilespmem:s10], [sflag:$0x1], $0x1, s31, s13, $0xb8;
	[tilespmem:$0x2B00] =	vst v63  }
0x79: {  	s18 =	sadd.s32 $0x380, s18  }
0x7a: {  	[spmem:s2] =	stream.indirect.scatter.add.f32 [tilespmem:s10], [sflag:$0x1], $0x1, s18, s13, $0xb8;
	[tilespmem:$0x2B00] =	vst v63  }
0x7b: {  	_ =	swait.ge [sflag:s14], $0x7D  }
0x7c: {  	[sflag:s14] =	ssyncset.done $0x0  }
0x7d: {  	[sflag:s14] =	ssyncadd.s32 $0xFFFFFF83  }
0x7e: {  	_ =	swait.ge [sflag:s14], $0x7D  }
0x7f: {  	[sflag:s14] =	ssyncset.done $0x0  }
0x80: {  	[sflag:s14] =	ssyncadd.s32 $0xFFFFFF83  }
0x81: {  	_ =	swait.ge [sflag:s14], $0x7D  }
0x82: {  	[sflag:s14] =	ssyncset.done $0x0  }
0x83: {  	[sflag:s14] =	ssyncadd.s32 $0xFFFFFF83  }
0x84: {  	_ =	swait.ge [sflag:s14], $0x7D  }
0x85: {  	[sflag:s14] =	ssyncset.done $0x0  }
0x86: {  	[sflag:s14] =	ssyncadd.s32 $0xFFFFFF83  }
0x87: {  	_ =	swait.ge [sflag:s14], $0x7D  }
0x88: {  	[sflag:s14] =	ssyncset.done $0x0  }
0x89: {  	[sflag:s14] =	ssyncadd.s32 $0xFFFFFF83  }
0x8a: {  	_ =	swait.ge [sflag:s14], $0x7D  }
0x8b: {  	[sflag:s14] =	ssyncset.done $0x0  }
0x8c: {  	[sflag:s14] =	ssyncadd.s32 $0xFFFFFF83  }
0x8d: {  	_ =	swait.ge [sflag:s14], $0x7D  }
0x8e: {  	[sflag:s14] =	ssyncset.done $0x0  }
0x8f: {  	[sflag:s14] =	ssyncadd.s32 $0xFFFFFF83  }
0x90: {  	_ =	swait.ge [sflag:s14], $0x7D  }
0x91: {  	s17 =	sadd.s32 $0x1, s17;
	[sflag:s14] =	ssyncset.done $0x0  }
0x92: {  	p0 =	sne.s32 s17, s8;
	[sflag:s14] =	ssyncadd.s32 $0xFFFFFF83  }
.Ltmp1:
0x93: {  	[bflag:$0x0] =	sbarrier.arrive $0xFFFF;
	(pc) =	sbr.rel @p0 .LBB2_1-.Ltmp1, $4  }
0x94: {  	[hbm:s7@s15], [sflag:s11] =	dma.strided [spmem:s12@s16], $0x50, s14, $0x10   }
0x95: {  	_ =	swait.ge [sflag:s9], $0x50  }
0x96: {  	[sflag:s9] =	ssyncset.done $0x0  }
0x97: {  	[sflag:s9] =	ssyncadd.s32 $0xFFFFFFB0  }
0x98: {  	_ =	sfence.sel $0x180000  }
0x99: {  	[bflag:$0x0] =	sbarrier.arrive $0xFFFF  }
0x9a: {  	p0 =	sne.s32 s0, $0x0;
	_ =	strace $0x90000047  }
0x9b: {  	s0 =	sadd.s32 @!p0 $0x100000, s1;
	[bflag:$0x2] =	sbarrier.arrive $0xFFFF  }
0x9c: {  	[sflag:s0] =	ssyncadd.tile.s32 @!p0 $0x1;
	_ =	shalt  }
.Lfunc_end2:
_tile_overlayer_lowered:
.L_overlay_start_2:
0x9d: {  	(tag) =	ssettag $0x2  }
0x9e: {  	s0 =	rddreg [dreg:$0x0];
	s2 =	stileid.u32  }
0x9f: {  	s1 =	rddreg [dreg:$0x1];
	p0 =	sne.s32 s2, $0x0  }
0xa0: {  	s3 =	rddreg [dreg:$0x2];
	[bflag:$0x3] =	sbarrier.arrive $0xFFFF;
	s2 =	simm.s32 @!p0 $0x1C02  }
0xa1: {  	[timem:s3], [sflag:s2] =	dma.local @!p0 [hbm:s0], s1  }
0xa2: {  	s0 =	simm.s32 @!p0 $0x2  }
0xa3: {  	_ =	swait.ge @!p0 [sflag:s0], s1  }
0xa4: {  	s1 =	ssub.s32 @!p0 $0x0, s1;
	[sflag:s0] =	ssyncset.done @!p0 $0x0  }
0xa5: {  	[sflag:s0] =	ssyncadd.s32 @!p0 s1  }
0xa6: {  	[bflag:$0x3] =	sbarrier.arrive $0xFFFF  }
0xa7: {  	_ =	shalt  }

// kernel: kernel.18.cloned.1.call-start
scs
__scs_entry_jumppad:
0x0: {  	(pc) =	sbr.rel $0x88, $3  }
0x1: {  	(tag) =	ssettag $0x0;
	lr =	simm.s32 $0x1  }
0x2: {  	[smem:$0x3F8E] =	sst lr;
	_ =	strace $0xD0000000  }
0x3: {  	_ = 	snop  }
0x4: {  	_ = 	snop  }
0x5: {  	_ = 	snop  }
0x6: {  	_ = 	snop  }
0x7: {  	_ = 	snop  }
__scs_overlays_trampoline_lowered:
0x8: {  	[smem:$0x3F9D] =	sst s0  }
0x9: {  	[smem:$0x3F9E] =	sst s1  }
0xa: {  	[smem:$0x3F9F] =	sst s2  }
0xb: {  	[smem:$0x3FA0] =	sst s3  }
0xc: {  	[smem:$0x3FA1] =	sst s4  }
0xd: {  	[smem:$0x3FA2] =	sst s5  }
0xe: {  	[smem:$0x3FA3] =	sst s6  }
0xf: {  	[smem:$0x3FA4] =	sst s7  }
0x10: {  	[smem:$0x3FA5] =	sst s8  }
0x11: {  	[smem:$0x3FA6] =	sst s9;
	s0 =	simm.s32 @!p0 $0x0  }
0x12: {  	s1 =	sld [smem:$0x3F8C];
	s0 =	simm.s32 @p0 $0x1  }
0x13: {  	[smem:$0x3FA7] =	sst s0;
	s0 =	simm.s32 @!p1 $0x0  }
0x14: {  	s2 =	sld [smem:$0x3F8B];
	s0 =	simm.s32 @p1 $0x1  }
0x15: {  	[smem:$0x3FA8] =	sst s0;
	s0 =	simm.s32 @!p2 $0x0  }
0x16: {  	s3 =	sld [smem:$0x3FDB];
	s0 =	simm.s32 @p2 $0x1  }
0x17: {  	s4 =	simm.s32 $0x1BF5;
	[smem:$0x3FAA] =	sst s0  }
0x18: {  	s0 =	sld [smem:$0x3F8D];
	_ =	swait.ge [sflag:s4], $0x0  }
0x19: {  	s7 =	sld [smem:$0x3F8E]  }
0x1a: {  	s8 =	sadd.s32 $0xFFFFE003, lr  }
0x1b: {  	s9 =	sadd.s32 $0xFFFFFEF7, lr;
	s5 =	simm.s32 $0xFFFFFFFF;
	p2 =	slt.u32 s8, $0xFFFFF086  }
0x1c: {  	p1 =	slt.u32 s9, $0xF7A;
	s5 =	simm.s32 @!p2 $0x0  }
0x1d: {  	s5 =	simm.s32 @p1 $0x1;
	p0 =	seq.s32 s7, s2  }
0x1e: {  	s7 =	smul.u32 @!p0 $0xF7A, s2;
	p2 =	seq.s32 @!p0 s5, $0x0  }
0x1f: {  	s9 =	smul.u32 $0xF7A, s1;
	s8 =	simm.s32 @!p0 $0x1BF5;
	p2 =	por !p2, p0  }
0x20: {  	[sflag:s8] =	ssyncset.s32 @!p0 $0xFFFFF086;
	s6 =	sadd.s32 @!p0 s3, s7;
	s7 =	simm.s32 @!p0 $0x108  }
0x21: {  	s3 =	sadd.s32 s3, s9;
	s6 =	sadd.s32 @!p0 $0x88, s6;
	s7 =	simm.s32 @p2 $0x1082  }
0x22: {  	[simem:s7], [sflag:s8] =	dma.local @!p0 [hbm:s6], $0xF7A  }
0x23: {  	s9 =	sor.u32 $0xD0000000, s2;
	s6 =	simm.s32 $0x108;
	_ =	swait.ge @!p0 [sflag:s8], $0x0  }
0x24: {  	s3 =	sadd.s32 $0x88, s3;
	s6 =	simm.s32 @!p1 $0x1082;
	[sflag:s4] =	ssyncset.s32 $0xFFFFF086  }
0x25: {  	[simem:s6], [sflag:s4] =	dma.local [hbm:s3], $0xF7A  }
0x26: {  	[smem:$0x3F8E] =	sst s1;
	(tag) =	ssettag s2;
	_ =	strace s9  }
0x27: {  	s1 =	sld [smem:$0x3F9E]  }
0x28: {  	s2 =	sld [smem:$0x3F9F]  }
0x29: {  	s4 =	sld [smem:$0x3FA1]  }
0x2a: {  	p0 =	seq.s32 s5, $0x0;
	s5 =	sld [smem:$0x3FA2]  }
0x2b: {  	s6 =	sld [smem:$0x3FA3]  }
0x2c: {  	s7 =	sld [smem:$0x3FA4]  }
0x2d: {  	s3 =	simm.s32 $0x108;
	s8 =	sld [smem:$0x3FA5]  }
0x2e: {  	s3 =	simm.s32 @!p0 $0x1082;
	s9 =	sld [smem:$0x3FA6]  }
0x2f: {  	lr =	sadd.s32 s0, s3;
	s0 =	sld [smem:$0x3F9D]  }
0x30: {  	s3 =	sld [smem:$0x3FA0]  }
0x31: {  	[smem:$0x3FA9] =	sst s10  }
0x32: {  	s10 =	sld [smem:$0x3FA7];
	_ =	sdelay $0x3  }
0x33: {  	p0 =	seq.s32 s10, $0x1;
	s10 =	sld [smem:$0x3FA9];
	_ =	sdelay $0x3  }
0x34: {  	[smem:$0x3FA9] =	sst s10  }
0x35: {  	s10 =	sld [smem:$0x3FA8];
	_ =	sdelay $0x3  }
0x36: {  	p1 =	seq.s32 s10, $0x1;
	s10 =	sld [smem:$0x3FA9];
	_ =	sdelay $0x3  }
0x37: {  	[smem:$0x3FA9] =	sst s10  }
0x38: {  	s10 =	sld [smem:$0x3FAA]  }
0x39: {  	_ = 	snop;
	(pc) =	sbr.ind lr, $3  }
0x3a: {  	_ = 	snop  }
0x3b: {  	_ = 	snop  }
0x3c: {  	p2 =	seq.s32 s10, $0x1;
	s10 =	sld [smem:$0x3FA9]  }
0x3d: {  	_ =	shalt  }
0x3e: {  	_ =	shalt  }
0x3f: {  	_ =	shalt  }
0x40: {  	_ =	shalt  }
0x41: {  	_ =	shalt  }
0x42: {  	_ =	shalt  }
0x43: {  	_ =	shalt  }
0x44: {  	_ =	shalt  }
0x45: {  	_ =	shalt  }
0x46: {  	_ =	shalt  }
0x47: {  	_ =	shalt  }
0x48: {  	_ =	shalt  }
0x49: {  	_ =	shalt  }
0x4a: {  	_ =	shalt  }
0x4b: {  	_ =	shalt  }
0x4c: {  	_ =	shalt  }
0x4d: {  	_ =	shalt  }
0x4e: {  	_ =	shalt  }
0x4f: {  	_ =	shalt  }
0x50: {  	_ =	shalt  }
0x51: {  	_ =	shalt  }
0x52: {  	_ =	shalt  }
0x53: {  	_ =	shalt  }
0x54: {  	_ =	shalt  }
0x55: {  	_ =	shalt  }
0x56: {  	_ =	shalt  }
0x57: {  	_ =	shalt  }
0x58: {  	_ =	shalt  }
0x59: {  	_ =	shalt  }
0x5a: {  	_ =	shalt  }
0x5b: {  	_ =	shalt  }
0x5c: {  	_ =	shalt  }
0x5d: {  	_ =	shalt  }
0x5e: {  	_ =	shalt  }
0x5f: {  	_ =	shalt  }
0x60: {  	_ =	shalt  }
0x61: {  	_ =	shalt  }
0x62: {  	_ =	shalt  }
0x63: {  	_ =	shalt  }
0x64: {  	_ =	shalt  }
0x65: {  	_ =	shalt  }
0x66: {  	_ =	shalt  }
0x67: {  	_ =	shalt  }
0x68: {  	_ =	shalt  }
0x69: {  	_ =	shalt  }
0x6a: {  	_ =	shalt  }
0x6b: {  	_ =	shalt  }
0x6c: {  	_ =	shalt  }
0x6d: {  	_ =	shalt  }
0x6e: {  	_ =	shalt  }
0x6f: {  	_ =	shalt  }
0x70: {  	_ =	shalt  }
0x71: {  	_ =	shalt  }
0x72: {  	_ =	shalt  }
0x73: {  	_ =	shalt  }
0x74: {  	_ =	shalt  }
0x75: {  	_ =	shalt  }
0x76: {  	_ =	shalt  }
0x77: {  	_ =	shalt  }
0x78: {  	_ =	shalt  }
0x79: {  	_ =	shalt  }
0x7a: {  	_ =	shalt  }
0x7b: {  	_ =	shalt  }
0x7c: {  	_ =	shalt  }
0x7d: {  	_ =	shalt  }
0x7e: {  	_ =	shalt  }
0x7f: {  	_ =	shalt  }
0x80: {  	_ =	shalt  }
0x81: {  	_ =	shalt  }
0x82: {  	_ =	shalt  }
0x83: {  	_ =	shalt  }
0x84: {  	_ =	shalt  }
0x85: {  	_ =	shalt  }
0x86: {  	_ =	shalt  }
0x87: {  	_ =	shalt  }
.Lfunc_end0:
.L_simem_size_0:
called_computation.1_lowered:
.L_overlay_start_0:
0x88: {  	s2 =	sld [smem:$0x3FD9]  }
0x89: {  	s3 =	sld [smem:$0x3FFE];
	_ =	sdelay $0x1  }
0x8a: {  	s1 =	srdreg.scid  }
0x8b: {  	s0 =	sand.u32 $0x1, s1  }
0x8c: {  	s16 =	sshll.u32 s0, $0xA;
	s2 =	sadd.s32 s3, s2  }
0x8d: {  	s2 =	sadd.s32 s2, s16  }
0x8e: {  	[smem:$0x3FB5] =	sst s2  }
0x8f: {  	_ = 	snop  }
0x90: {  	(tm) =	ssettm $0x1  }
0x91: {  	s17 =	sld [smem:$0x3FFB];
	_ =	sdelay $0x3  }
0x92: {  	_ =	strace s17  }
0x93: {  	s2 =	sld [smem:$0x3FFC];
	_ =	sdelay $0x3  }
0x94: {  	_ =	strace s2  }
0x95: {  	s2 =	sld [smem:$0x3FFD];
	_ =	sdelay $0x3  }
0x96: {  	_ =	strace s2  }
0x97: {  	_ =	strace $0x8FFFFFFF  }
0x98: {  	s18 =	sld [smem:$0x3FDB];
	_ =	sdelay $0x1  }
0x99: {  	s19 =	simm.s32 $_scs_section_size  }
0x9a: {  	s4 =	simm.s32 $_size__tile_overlayer_lowered;
	s5 =	simm.s32 $_tile_overlayer_lowered  }
0x9b: {  	s22 =	simm.s32 $0x1BFF;
	s21 =	sshll.u32 s5, $0x1;
	s2 =	sadd.s32 s19, s18  }
0x9c: {  	s6 =	simm.s32 $0x0;
	s20 =	sshll.u32 s4, $0x1;
	s4 =	sadd.s32 s21, s2  }
0x9d: {  	[timem:s6], [sflag:s22] =	dma.local [hbm:s4], s20  }
0x9e: {  	_ =	swait.ge [sflag:s22], s20  }
0x9f: {  	s3 =	ssub.s32 $0x0, s20;
	[sflag:s22] =	ssyncset.done $0x0  }
0xa0: {  	[sflag:s22] =	ssyncadd.s32 s3;
	_ =	sdelay $0x1  }
0xa1: {  	s23 =	simm.s32 $0x1B8B  }
0xa2: {  	_ =	swait.ge [sflag:s23], $0x1  }
0xa3: {  	[sflag:s23] =	ssyncset.done $0x0  }
0xa4: {  	s25 =	simm.s32 $0x1B8E;
	s24 =	sld [smem:$0x3FFE];
	[sflag:s23] =	ssyncadd.s32 $0xFFFFFFFF  }
0xa5: {  	s26 =	simm.s32 $execute0_lowered;
	[smem:$0x3FD2] =	sst s25  }
0xa6: {  	s4 =	sshll.u32 s26, $0x1;
	_ =	strace $0x80000049;
	[dreg:$0x1] =	wrdreg $0xFFFFFFFF  }
0xa7: {  	s28 =	simm.s32 $_size_execute0_lowered;
	s2 =	sadd.s32 s2, s4;
	[dreg:$0x0] =	wrdreg $0x0  }
0xa8: {  	s4 =	sshll.u32 s28, $0x1;
	[dreg:$0x2] =	wrdreg s2  }
0xa9: {  	[dreg:$0x3] =	wrdreg s4  }
0xaa: {  	[dreg:$0x4] =	wrdreg $0xC0  }
0xab: {  	_ =	task [dreg:s6], $0x5FFFF  }
0xac: {  	[dreg:$0x1] =	wrdreg $0xFFFFFFFF  }
0xad: {  	[dreg:$0x0] =	wrdreg $0x60  }
0xae: {  	[dreg:$0x2] =	wrdreg s24  }
0xaf: {  	[dreg:$0x3] =	wrdreg $0xA8000  }
0xb0: {  	[dreg:$0x4] =	wrdreg $0x9  }
0xb1: {  	_ =	task.clear_ibuf [dreg:s6], $0x5FFFF;
	_ =	strace $0x90000049  }
0xb2: {  	s29 =	simm.s32 $0x9;
	_ =	strace $0x8000004B  }
0xb3: {  	_ =	swait.ge [sflag:s29], $0x1  }
0xb4: {  	[sflag:s29] =	ssyncadd.s32 $0xFFFFFFFF  }
0xb5: {  	_ =	strace $0x9000004B  }
0xb6: {  	_ =	sfence  }
0xb7: {  	s30 =	sld [smem:$0x0];
	_ =	sdelay $0x2  }
0xb8: {  	s31 =	sshll.u32 s1, $0xD;
	s1 =	sshrl.u32 s1, $0x2  }
0xb9: {  	s3 =	sand.u32 $0x4000, s31;
	s1 =	sadd.s32 s1, s30  }
0xba: {  	s0 =	sor.u32 s3, s0;
	s1 =	sshll.u32 s1, $0x11  }
0xbb: {  	s0 =	sor.u32 s1, s0  }
0xbc: {  	s0 =	sadd.s32 $0x8F2B, s0  }
0xbd: {  	[sflag:s0] =	ssyncadd.remote.s32 $0x1  }
0xbe: {  	_ =	sfence.sel $0xFFFF  }
0xbf: {  	[dreg:$0x0] =	wrdreg $0xFFFFFFFF;
	(pc) =	sbr.abs _section_cstart, $3  }
0xc0: {  	[dreg:$0x1] =	wrdreg $0xFFFFFFFF  }
0xc1: {  	_ =	task.clear_ibuf [dreg:s6], $0x2FFFF;
	_ =	strace $0x9FFFFFFF  }
0xc2: {  	(tm) =	ssettm $0x7FFFFFFF  }
0xc3: {  	_ =	shalt  }
tec
execute0_lowered:
.L_overlay_start_1:
0x0: {  	(tag) =	ssettag $0x1  }
0x1: {  	s5 =	rddreg [dreg:$0x0]  }
0x2: {  	s1 =	rddreg [dreg:$0x1];
	s2 =	srdreg.scid  }
0x3: {  	s0 =	rddreg [dreg:$0x2];
	s3 =	simm.s32 $0x0;
	s17 =	simm.s32 $0x2800  }
0x4: {  	s18 =	simm.s32 $0x6800;
	s19 =	simm.s32 $0x1;
	s20 =	simm.s32 $0x2  }
0x5: {  	s21 =	simm.s32 $0x1380;
	s22 =	simm.s32 $0x2700;
	s23 =	simm.s32 $0x2780  }
0x6: {  	s24 =	simm.s32 $0x0;
	s6 =	sand.u32 $0x1, s2;
	s2 =	stileid.u32  }
0x7: {  	[smem:$0x7FF] =	sst s3;
	s4 =	sadd.s32 $0x19E00, s5;
	s9 =	sadd.s32 $0xFE00, s5  }
0x8: {  	s10 =	sadd.s32 $0x5600, s5;
	s11 =	sadd.s32 $0x41E00, s5;
	s7 =	smul.u32 $0x140000, s6  }
0x9: {  	s8 =	smul.u32 $0x14000, s2;
	_ =	strace $0x8000004A;
	s29 =	ssub.s32 $0x2, s6  }
0xa: {  	s12 =	sshll.u32 s6, $0x4;
	s13 =	smul.u32 $0x50000, s2;
	p0 =	seq.s32 s6, $0x1  }
0xb: {  	s14 =	smul.u32 $0x2800, s2;
	s15 =	smov.u32 s4;
	s16 =	sshll.u32 s2, $0x6  }
0xc: {  	s30 =	sshrl.u32 s29, $0x1;
	s12 =	sor.u32 s2, s12;
	s15 =	smov.u32 @p0 s11  }
0xd: {  	s7 =	sadd.s32 s8, s7;
	s31 =	sshrl.u32 s13, $0x2;
	s12 =	smul.u32 $0x2800, s12  }
0xe: {  	s11 =	sadd.s32 s15, s14;
	s14 =	simm.s32 $0x3;
	s7 =	sshrl.u32 s7, $0x3  }
0xf: {  	s15 =	simm.s32 $0x1400;
	s5 =	sadd.s32 s7, s5;
	s7 =	ssub.s32 s29, s30  }
0x10: {  	s13 =	sadd.s32 s31, s1;
	s12 =	sshrl.u32 s12, $0x3;
	s6 =	smax.u32 s7, $0x1  }
0x11: {  	s7 =	sadd.s32 s9, s12;
	s8 =	sadd.s32 s10, s12;
	s12 =	sadd.s32 $0x280, s12  }
0x12: {  	s13 =	sshrl.u32 s13, $0x3;
	s5 =	sadd.s32 $0x69E00, s5;
	s9 =	sadd.s32 s9, s12  }
0x13: {  	s10 =	sadd.s32 s10, s12;
	s12 =	sor.u32 $0x1C03, s16;
	s16 =	simm.s32 $0x7D  }
.LBB2_1:
0x14: {  	[spmem:s13], [sflag:s12] =	dma.local [hbm:s11], $0x2800  }
0x15: {  	_ =	swait.ge [sflag:s14], $0x2800  }
0x16: {  	[sflag:s14] =	ssyncset.done $0x0  }
0x17: {  	[sflag:s14] =	ssyncadd.s32 $0xFFFFD800  }
0x18: {  	[bflag:$0x0] =	sbarrier.arrive $0xFFFF  }
0x19: {  	[tilespmem:s3], [sflag:$0x3] =	stream.linear.gather [hbm4b:s7+s3], $0x1400, $0x38;
	[tilespmem:$0x1E800] =	vst v63  }
0x1a: {  	_ =	swait.ge [sflag:s14], $0x1400  }
0x1b: {  	[sflag:s14] =	ssyncset.done $0x0  }
0x1c: {  	[sflag:s14] =	ssyncadd.s32 $0xFFFFEC00  }
0x1d: {  	[tilespmem:s15], [sflag:$0x3] =	stream.linear.gather [hbm4b:s8+s3], $0x1400, $0x38;
	[tilespmem:$0x1E800] =	vst v63  }
0x1e: {  	_ =	swait.ge [sflag:s14], $0x1400  }
0x1f: {  	[sflag:s14] =	ssyncset.done $0x0  }
0x20: {  	[sflag:s14] =	ssyncadd.s32 $0xFFFFEC00  }
0x21: {  	[tilespmem:s17], [sflag:$0x1] =	stream.indirect.gather [hbm4b:s4+s16], $0x80, s3, s16, $0xb8;
	[tilespmem:$0x1E800] =	vst v63  }
0x22: {  	s25 =	simm.s32 $0x80  }
0x23: {  	[tilespmem:s18], [sflag:$0x2] =	stream.indirect.gather [hbm4b:s4+s16], $0x80, s25, s16, $0xb8;
	[tilespmem:$0x1E800] =	vst v63  }
0x24: {  	_ =	swait.ge [sflag:s19], $0x3E80  }
0x25: {  	[sflag:s19] =	ssyncset.done $0x0  }
0x26: {  	s29 =	simm.s32 $0x1400;
	[sflag:s19] =	ssyncadd.s32 $0xFFFFC180  }
0x27: {  	[spmem:s1] =	stream.indirect.scatter.add.f32 [tilespmem:s17], [sflag:$0x3], $0x80, s29, s16, $0xb8;
	[tilespmem:$0x1E800] =	vst v63  }
0x28: {  	_ =	swait.ge [sflag:s14], $0x3E80  }
0x29: {  	[sflag:s14] =	ssyncset.done $0x0  }
0x2a: {  	s30 =	simm.s32 $0x100;
	[sflag:s14] =	ssyncadd.s32 $0xFFFFC180  }
0x2b: {  	[tilespmem:s17], [sflag:$0x1] =	stream.indirect.gather [hbm4b:s4+s16], $0x80, s30, s16, $0xb8;
	[tilespmem:$0x1E800] =	vst v63  }
0x2c: {  	_ =	swait.ge [sflag:s20], $0x3E80  }
0x2d: {  	[sflag:s20] =	ssyncset.done $0x0  }
0x2e: {  	s31 =	simm.s32 $0x1480;
	[sflag:s20] =	ssyncadd.s32 $0xFFFFC180  }
0x2f: {  	[spmem:s1] =	stream.indirect.scatter.add.f32 [tilespmem:s18], [sflag:$0x3], $0x80, s31, s16, $0xb8;
	[tilespmem:$0x1E800] =	vst v63  }
0x30: {  	_ =	swait.ge [sflag:s14], $0x3E80  }
0x31: {  	s26 =	simm.s32 $0x800;
	s25 =	simm.s32 $0x100;
	[sflag:s14] =	ssyncset.done $0x0  }
.LBB2_2:
0x32: {  	s28 =	sadd.s32 $0x80, s25  }
0x33: {  	[sflag:s14] =	ssyncadd.s32 $0xFFFFC180;
	s29 =	smov.u32 s26;
	s30 =	sadd.s32 $0x400, s26  }
0x34: {  	[tilespmem:s18], [sflag:$0x2] =	stream.indirect.gather [hbm4b:s4+s16], $0x80, s28, s16, $0xb8;
	[tilespmem:$0x1E800] =	vst v63  }
0x35: {  	p0 =	sne.s32 s26, $0x4800;
	_ =	swait.ge [sflag:s19], $0x3E80  }
0x36: {  	[sflag:s19] =	ssyncset.done $0x0  }
0x37: {  	s26 =	sadd.s32 $0x1400, s25;
	[sflag:s19] =	ssyncadd.s32 $0xFFFFC180  }
0x38: {  	[spmem:s1] =	stream.indirect.scatter.add.f32 [tilespmem:s17], [sflag:$0x3], $0x80, s26, s16, $0xb8;
	[tilespmem:$0x1E800] =	vst v63  }
0x39: {  	_ =	swait.ge [sflag:s14], $0x3E80  }
0x3a: {  	[sflag:s14] =	ssyncset.done $0x0  }
0x3b: {  	s26 =	sadd.s32 $0x100, s25;
	[sflag:s14] =	ssyncadd.s32 $0xFFFFC180  }
0x3c: {  	[tilespmem:s17], [sflag:$0x1] =	stream.indirect.gather [hbm4b:s4+s16], $0x80, s26, s16, $0xb8;
	[tilespmem:$0x1E800] =	vst v63  }
0x3d: {  	_ =	swait.ge [sflag:s20], $0x3E80  }
.Ltmp0:
0x3e: {  	[sflag:s20] =	ssyncset.done $0x0;
	(pc) =	sbr.rel @p0 .LBB2_2-.Ltmp0, $4  }
0x3f: {  	s25 =	sadd.s32 $0x1480, s25;
	[sflag:s20] =	ssyncadd.s32 $0xFFFFC180  }
0x40: {  	[spmem:s1] =	stream.indirect.scatter.add.f32 [tilespmem:s18], [sflag:$0x3], $0x80, s25, s16, $0xb8;
	[tilespmem:$0x1E800] =	vst v63  }
0x41: {  	_ =	swait.ge [sflag:s14], $0x3E80  }
0x42: {  	s26 =	smov.u32 s30;
	s25 =	sshra.s32 s29, $0x2;
	[sflag:s14] =	ssyncset.done $0x0  }
0x43: {  	s26 =	sadd.s32 $0x80, s25;
	[sflag:s14] =	ssyncadd.s32 $0xFFFFC180  }
0x44: {  	[tilespmem:s18], [sflag:$0x2] =	stream.indirect.gather [hbm4b:s4+s16], $0x80, s26, s16, $0xb8;
	[tilespmem:$0x1E800] =	vst v63  }
0x45: {  	_ =	swait.ge [sflag:s19], $0x3E80  }
0x46: {  	[sflag:s19] =	ssyncset.done $0x0  }
0x47: {  	s29 =	sadd.s32 $0x1400, s25;
	[sflag:s19] =	ssyncadd.s32 $0xFFFFC180  }
0x48: {  	[spmem:s1] =	stream.indirect.scatter.add.f32 [tilespmem:s17], [sflag:$0x3], $0x80, s29, s16, $0xb8;
	[tilespmem:$0x1E800] =	vst v63  }
0x49: {  	_ =	swait.ge [sflag:s14], $0x3E80  }
0x4a: {  	[sflag:s14] =	ssyncset.done $0x0  }
0x4b: {  	s30 =	sadd.s32 $0x100, s25;
	[sflag:s14] =	ssyncadd.s32 $0xFFFFC180  }
0x4c: {  	[tilespmem:s17], [sflag:$0x1] =	stream.indirect.gather [hbm4b:s4+s16], $0x80, s30, s16, $0xb8;
	[tilespmem:$0x1E800] =	vst v63  }
0x4d: {  	_ =	swait.ge [sflag:s20], $0x3E80  }
0x4e: {  	[sflag:s20] =	ssyncset.done $0x0  }
0x4f: {  	s31 =	sadd.s32 $0x1480, s25;
	[sflag:s20] =	ssyncadd.s32 $0xFFFFC180  }
0x50: {  	[spmem:s1] =	stream.indirect.scatter.add.f32 [tilespmem:s18], [sflag:$0x3], $0x80, s31, s16, $0xb8;
	[tilespmem:$0x1E800] =	vst v63  }
0x51: {  	_ =	swait.ge [sflag:s14], $0x3E80  }
0x52: {  	[sflag:s14] =	ssyncset.done $0x0  }
0x53: {  	[sflag:s14] =	ssyncadd.s32 $0xFFFFC180  }
0x54: {  	[tilespmem:s18], [sflag:$0x2] =	stream.indirect.gather [hbm4b:s4+s16], $0x80, s21, s16, $0xb8;
	[tilespmem:$0x1E800] =	vst v63  }
0x55: {  	_ =	swait.ge [sflag:s19], $0x3E80  }
0x56: {  	[sflag:s19] =	ssyncset.done $0x0  }
0x57: {  	[sflag:s19] =	ssyncadd.s32 $0xFFFFC180  }
0x58: {  	[spmem:s1] =	stream.indirect.scatter.add.f32 [tilespmem:s17], [sflag:$0x3], $0x80, s22, s16, $0xb8;
	[tilespmem:$0x1E800] =	vst v63  }
0x59: {  	_ =	swait.ge [sflag:s14], $0x3E80  }
0x5a: {  	[sflag:s14] =	ssyncset.done $0x0  }
0x5b: {  	[sflag:s14] =	ssyncadd.s32 $0xFFFFC180  }
0x5c: {  	_ =	swait.ge [sflag:s20], $0x3E80  }
0x5d: {  	[sflag:s20] =	ssyncset.done $0x0  }
0x5e: {  	[sflag:s20] =	ssyncadd.s32 $0xFFFFC180  }
0x5f: {  	[spmem:s1] =	stream.indirect.scatter.add.f32 [tilespmem:s18], [sflag:$0x3], $0x80, s23, s16, $0xb8;
	[tilespmem:$0x1E800] =	vst v63  }
0x60: {  	_ =	swait.ge [sflag:s14], $0x3E80  }
0x61: {  	[sflag:s14] =	ssyncset.done $0x0  }
0x62: {  	s26 =	simm.s32 $0x0;
	[sflag:s14] =	ssyncadd.s32 $0xFFFFC180  }
0x63: {  	[tilespmem:s26], [sflag:$0x3] =	stream.linear.gather [hbm4b:s9+s26], $0x1400, $0x38;
	[tilespmem:$0x1E800] =	vst v63  }
0x64: {  	_ =	swait.ge [sflag:s14], $0x1400  }
0x65: {  	[sflag:s14] =	ssyncset.done $0x0  }
0x66: {  	[sflag:s14] =	ssyncadd.s32 $0xFFFFEC00  }
0x67: {  	[tilespmem:s15], [sflag:$0x3] =	stream.linear.gather [hbm4b:s10+s26], $0x1400, $0x38;
	[tilespmem:$0x1E800] =	vst v63  }
0x68: {  	_ =	swait.ge [sflag:s14], $0x1400  }
0x69: {  	[sflag:s14] =	ssyncset.done $0x0  }
0x6a: {  	[sflag:s14] =	ssyncadd.s32 $0xFFFFEC00  }
0x6b: {  	[tilespmem:s17], [sflag:$0x1] =	stream.indirect.gather [hbm4b:s4+s16], $0x80, s26, s16, $0xb8;
	[tilespmem:$0x1E800] =	vst v63  }
0x6c: {  	s28 =	simm.s32 $0x80  }
0x6d: {  	[tilespmem:s18], [sflag:$0x2] =	stream.indirect.gather [hbm4b:s4+s16], $0x80, s28, s16, $0xb8;
	[tilespmem:$0x1E800] =	vst v63  }
0x6e: {  	_ =	swait.ge [sflag:s19], $0x3E80  }
0x6f: {  	[sflag:s19] =	ssyncset.done $0x0  }
0x70: {  	s29 =	simm.s32 $0x1400;
	[sflag:s19] =	ssyncadd.s32 $0xFFFFC180  }
0x71: {  	[spmem:s1] =	stream.indirect.scatter.add.f32 [tilespmem:s17], [sflag:$0x3], $0x80, s29, s16, $0xb8;
	[tilespmem:$0x1E800] =	vst v63  }
0x72: {  	_ =	swait.ge [sflag:s14], $0x3E80  }
0x73: {  	[sflag:s14] =	ssyncset.done $0x0  }
0x74: {  	s30 =	simm.s32 $0x100;
	[sflag:s14] =	ssyncadd.s32 $0xFFFFC180  }
0x75: {  	[tilespmem:s17], [sflag:$0x1] =	stream.indirect.gather [hbm4b:s4+s16], $0x80, s30, s16, $0xb8;
	[tilespmem:$0x1E800] =	vst v63  }
0x76: {  	_ =	swait.ge [sflag:s20], $0x3E80  }
0x77: {  	[sflag:s20] =	ssyncset.done $0x0  }
0x78: {  	s31 =	simm.s32 $0x1480;
	[sflag:s20] =	ssyncadd.s32 $0xFFFFC180  }
0x79: {  	[spmem:s1] =	stream.indirect.scatter.add.f32 [tilespmem:s18], [sflag:$0x3], $0x80, s31, s16, $0xb8;
	[tilespmem:$0x1E800] =	vst v63  }
0x7a: {  	_ =	swait.ge [sflag:s14], $0x3E80  }
0x7b: {  	s25 =	simm.s32 $0x100;
	s26 =	simm.s32 $0x800;
	[sflag:s14] =	ssyncset.done $0x0  }
.LBB2_4:
0x7c: {  	s28 =	sadd.s32 $0x80, s25  }
0x7d: {  	[sflag:s14] =	ssyncadd.s32 $0xFFFFC180;
	s29 =	smov.u32 s26;
	s30 =	sadd.s32 $0x400, s26  }
0x7e: {  	[tilespmem:s18], [sflag:$0x2] =	stream.indirect.gather [hbm4b:s4+s16], $0x80, s28, s16, $0xb8;
	[tilespmem:$0x1E800] =	vst v63  }
0x7f: {  	p0 =	sne.s32 s26, $0x4800;
	_ =	swait.ge [sflag:s19], $0x3E80  }
0x80: {  	[sflag:s19] =	ssyncset.done $0x0  }
0x81: {  	s26 =	sadd.s32 $0x1400, s25;
	[sflag:s19] =	ssyncadd.s32 $0xFFFFC180  }
0x82: {  	[spmem:s1] =	stream.indirect.scatter.add.f32 [tilespmem:s17], [sflag:$0x3], $0x80, s26, s16, $0xb8;
	[tilespmem:$0x1E800] =	vst v63  }
0x83: {  	_ =	swait.ge [sflag:s14], $0x3E80  }
0x84: {  	[sflag:s14] =	ssyncset.done $0x0  }
0x85: {  	s26 =	sadd.s32 $0x100, s25;
	[sflag:s14] =	ssyncadd.s32 $0xFFFFC180  }
0x86: {  	[tilespmem:s17], [sflag:$0x1] =	stream.indirect.gather [hbm4b:s4+s16], $0x80, s26, s16, $0xb8;
	[tilespmem:$0x1E800] =	vst v63  }
0x87: {  	_ =	swait.ge [sflag:s20], $0x3E80  }
.Ltmp1:
0x88: {  	[sflag:s20] =	ssyncset.done $0x0;
	(pc) =	sbr.rel @p0 .LBB2_4-.Ltmp1, $4  }
0x89: {  	s25 =	sadd.s32 $0x1480, s25;
	[sflag:s20] =	ssyncadd.s32 $0xFFFFC180  }
0x8a: {  	[spmem:s1] =	stream.indirect.scatter.add.f32 [tilespmem:s18], [sflag:$0x3], $0x80, s25, s16, $0xb8;
	[tilespmem:$0x1E800] =	vst v63  }
0x8b: {  	_ =	swait.ge [sflag:s14], $0x3E80  }
0x8c: {  	s26 =	smov.u32 s30;
	s25 =	sshra.s32 s29, $0x2;
	[sflag:s14] =	ssyncset.done $0x0  }
0x8d: {  	s26 =	sadd.s32 $0x80, s25;
	[sflag:s14] =	ssyncadd.s32 $0xFFFFC180  }
0x8e: {  	[tilespmem:s18], [sflag:$0x2] =	stream.indirect.gather [hbm4b:s4+s16], $0x80, s26, s16, $0xb8;
	[tilespmem:$0x1E800] =	vst v63  }
0x8f: {  	_ =	swait.ge [sflag:s19], $0x3E80  }
0x90: {  	[sflag:s19] =	ssyncset.done $0x0  }
0x91: {  	s29 =	sadd.s32 $0x1400, s25;
	[sflag:s19] =	ssyncadd.s32 $0xFFFFC180  }
0x92: {  	[spmem:s1] =	stream.indirect.scatter.add.f32 [tilespmem:s17], [sflag:$0x3], $0x80, s29, s16, $0xb8;
	[tilespmem:$0x1E800] =	vst v63  }
0x93: {  	_ =	swait.ge [sflag:s14], $0x3E80  }
0x94: {  	[sflag:s14] =	ssyncset.done $0x0  }
0x95: {  	s30 =	sadd.s32 $0x100, s25;
	[sflag:s14] =	ssyncadd.s32 $0xFFFFC180  }
0x96: {  	[tilespmem:s17], [sflag:$0x1] =	stream.indirect.gather [hbm4b:s4+s16], $0x80, s30, s16, $0xb8;
	[tilespmem:$0x1E800] =	vst v63  }
0x97: {  	_ =	swait.ge [sflag:s20], $0x3E80  }
0x98: {  	[sflag:s20] =	ssyncset.done $0x0  }
0x99: {  	s31 =	sadd.s32 $0x1480, s25;
	[sflag:s20] =	ssyncadd.s32 $0xFFFFC180  }
0x9a: {  	[spmem:s1] =	stream.indirect.scatter.add.f32 [tilespmem:s18], [sflag:$0x3], $0x80, s31, s16, $0xb8;
	[tilespmem:$0x1E800] =	vst v63  }
0x9b: {  	_ =	swait.ge [sflag:s14], $0x3E80  }
0x9c: {  	[sflag:s14] =	ssyncset.done $0x0  }
0x9d: {  	[sflag:s14] =	ssyncadd.s32 $0xFFFFC180  }
0x9e: {  	[tilespmem:s18], [sflag:$0x2] =	stream.indirect.gather [hbm4b:s4+s16], $0x80, s21, s16, $0xb8;
	[tilespmem:$0x1E800] =	vst v63  }
0x9f: {  	_ =	swait.ge [sflag:s19], $0x3E80  }
0xa0: {  	[sflag:s19] =	ssyncset.done $0x0  }
0xa1: {  	[sflag:s19] =	ssyncadd.s32 $0xFFFFC180  }
0xa2: {  	[spmem:s1] =	stream.indirect.scatter.add.f32 [tilespmem:s17], [sflag:$0x3], $0x80, s22, s16, $0xb8;
	[tilespmem:$0x1E800] =	vst v63  }
0xa3: {  	_ =	swait.ge [sflag:s14], $0x3E80  }
0xa4: {  	[sflag:s14] =	ssyncset.done $0x0  }
0xa5: {  	[sflag:s14] =	ssyncadd.s32 $0xFFFFC180  }
0xa6: {  	_ =	swait.ge [sflag:s20], $0x3E80  }
0xa7: {  	[sflag:s20] =	ssyncset.done $0x0  }
0xa8: {  	[sflag:s20] =	ssyncadd.s32 $0xFFFFC180  }
0xa9: {  	[spmem:s1] =	stream.indirect.scatter.add.f32 [tilespmem:s18], [sflag:$0x3], $0x80, s23, s16, $0xb8;
	[tilespmem:$0x1E800] =	vst v63  }
0xaa: {  	_ =	swait.ge [sflag:s14], $0x3E80  }
0xab: {  	s24 =	sadd.s32 $0x1, s24;
	[sflag:s14] =	ssyncset.done $0x0  }
0xac: {  	p0 =	sne.s32 s24, s6;
	[sflag:s14] =	ssyncadd.s32 $0xFFFFC180  }
.Ltmp2:
0xad: {  	[bflag:$0x0] =	sbarrier.arrive $0xFFFF;
	(pc) =	sbr.rel @p0 .LBB2_1-.Ltmp2, $4  }
0xae: {  	[hbm:s5], [sflag:s12] =	dma.local [spmem:s13], $0x2800  }
0xaf: {  	_ =	swait.ge [sflag:s14], $0x2800  }
0xb0: {  	[sflag:s14] =	ssyncset.done $0x0  }
0xb1: {  	[sflag:s14] =	ssyncadd.s32 $0xFFFFD800  }
0xb2: {  	_ =	sfence.sel $0x180000  }
0xb3: {  	[bflag:$0x0] =	sbarrier.arrive $0xFFFF  }
0xb4: {  	p0 =	sne.s32 s2, $0x0;
	_ =	strace $0x9000004A  }
0xb5: {  	s0 =	sadd.s32 @!p0 $0x100000, s0;
	[bflag:$0x2] =	sbarrier.arrive $0xFFFF  }
0xb6: {  	[sflag:s0] =	ssyncadd.tile.s32 @!p0 $0x1;
	_ =	shalt  }
.Lfunc_end2:
_tile_overlayer_lowered:
.L_overlay_start_2:
0xb7: {  	(tag) =	ssettag $0x2  }
0xb8: {  	s0 =	rddreg [dreg:$0x0];
	s2 =	stileid.u32  }
0xb9: {  	s1 =	rddreg [dreg:$0x1];
	p0 =	sne.s32 s2, $0x0  }
0xba: {  	s3 =	rddreg [dreg:$0x2];
	[bflag:$0x3] =	sbarrier.arrive $0xFFFF;
	s2 =	simm.s32 @!p0 $0x1C03  }
0xbb: {  	[timem:s3], [sflag:s2] =	dma.local @!p0 [hbm:s0], s1  }
0xbc: {  	s0 =	simm.s32 @!p0 $0x3  }
0xbd: {  	_ =	swait.ge @!p0 [sflag:s0], s1  }
0xbe: {  	s1 =	ssub.s32 @!p0 $0x0, s1;
	[sflag:s0] =	ssyncset.done @!p0 $0x0  }
0xbf: {  	[sflag:s0] =	ssyncadd.s32 @!p0 s1  }
0xc0: {  	[bflag:$0x3] =	sbarrier.arrive $0xFFFF  }
0xc1: {  	_ =	shalt  }

// kernel: kernel.21.cloned.1.call-start
scs
__scs_entry_jumppad:
0x0: {  	(pc) =	sbr.rel $0x88, $3  }
0x1: {  	(tag) =	ssettag $0x0;
	lr =	simm.s32 $0x1  }
0x2: {  	[smem:$0x3F8E] =	sst lr;
	_ =	strace $0xD0000000  }
0x3: {  	_ = 	snop  }
0x4: {  	_ = 	snop  }
0x5: {  	_ = 	snop  }
0x6: {  	_ = 	snop  }
0x7: {  	_ = 	snop  }
__scs_overlays_trampoline_lowered:
0x8: {  	[smem:$0x3F9D] =	sst s0  }
0x9: {  	[smem:$0x3F9E] =	sst s1  }
0xa: {  	[smem:$0x3F9F] =	sst s2  }
0xb: {  	[smem:$0x3FA0] =	sst s3  }
0xc: {  	[smem:$0x3FA1] =	sst s4  }
0xd: {  	[smem:$0x3FA2] =	sst s5  }
0xe: {  	[smem:$0x3FA3] =	sst s6  }
0xf: {  	[smem:$0x3FA4] =	sst s7  }
0x10: {  	[smem:$0x3FA5] =	sst s8  }
0x11: {  	[smem:$0x3FA6] =	sst s9;
	s0 =	simm.s32 @!p0 $0x0  }
0x12: {  	s1 =	sld [smem:$0x3F8C];
	s0 =	simm.s32 @p0 $0x1  }
0x13: {  	[smem:$0x3FA7] =	sst s0;
	s0 =	simm.s32 @!p1 $0x0  }
0x14: {  	s2 =	sld [smem:$0x3F8B];
	s0 =	simm.s32 @p1 $0x1  }
0x15: {  	[smem:$0x3FA8] =	sst s0;
	s0 =	simm.s32 @!p2 $0x0  }
0x16: {  	s3 =	sld [smem:$0x3FDB];
	s0 =	simm.s32 @p2 $0x1  }
0x17: {  	s4 =	simm.s32 $0x1BF5;
	[smem:$0x3FAA] =	sst s0  }
0x18: {  	s0 =	sld [smem:$0x3F8D];
	_ =	swait.ge [sflag:s4], $0x0  }
0x19: {  	s7 =	sld [smem:$0x3F8E]  }
0x1a: {  	s8 =	sadd.s32 $0xFFFFE003, lr  }
0x1b: {  	s9 =	sadd.s32 $0xFFFFFEF7, lr;
	s5 =	simm.s32 $0xFFFFFFFF;
	p2 =	slt.u32 s8, $0xFFFFF086  }
0x1c: {  	p1 =	slt.u32 s9, $0xF7A;
	s5 =	simm.s32 @!p2 $0x0  }
0x1d: {  	s5 =	simm.s32 @p1 $0x1;
	p0 =	seq.s32 s7, s2  }
0x1e: {  	s7 =	smul.u32 @!p0 $0xF7A, s2;
	p2 =	seq.s32 @!p0 s5, $0x0  }
0x1f: {  	s9 =	smul.u32 $0xF7A, s1;
	s8 =	simm.s32 @!p0 $0x1BF5;
	p2 =	por !p2, p0  }
0x20: {  	[sflag:s8] =	ssyncset.s32 @!p0 $0xFFFFF086;
	s6 =	sadd.s32 @!p0 s3, s7;
	s7 =	simm.s32 @!p0 $0x108  }
0x21: {  	s3 =	sadd.s32 s3, s9;
	s6 =	sadd.s32 @!p0 $0x88, s6;
	s7 =	simm.s32 @p2 $0x1082  }
0x22: {  	[simem:s7], [sflag:s8] =	dma.local @!p0 [hbm:s6], $0xF7A  }
0x23: {  	s9 =	sor.u32 $0xD0000000, s2;
	s6 =	simm.s32 $0x108;
	_ =	swait.ge @!p0 [sflag:s8], $0x0  }
0x24: {  	s3 =	sadd.s32 $0x88, s3;
	s6 =	simm.s32 @!p1 $0x1082;
	[sflag:s4] =	ssyncset.s32 $0xFFFFF086  }
0x25: {  	[simem:s6], [sflag:s4] =	dma.local [hbm:s3], $0xF7A  }
0x26: {  	[smem:$0x3F8E] =	sst s1;
	(tag) =	ssettag s2;
	_ =	strace s9  }
0x27: {  	s1 =	sld [smem:$0x3F9E]  }
0x28: {  	s2 =	sld [smem:$0x3F9F]  }
0x29: {  	s4 =	sld [smem:$0x3FA1]  }
0x2a: {  	p0 =	seq.s32 s5, $0x0;
	s5 =	sld [smem:$0x3FA2]  }
0x2b: {  	s6 =	sld [smem:$0x3FA3]  }
0x2c: {  	s7 =	sld [smem:$0x3FA4]  }
0x2d: {  	s3 =	simm.s32 $0x108;
	s8 =	sld [smem:$0x3FA5]  }
0x2e: {  	s3 =	simm.s32 @!p0 $0x1082;
	s9 =	sld [smem:$0x3FA6]  }
0x2f: {  	lr =	sadd.s32 s0, s3;
	s0 =	sld [smem:$0x3F9D]  }
0x30: {  	s3 =	sld [smem:$0x3FA0]  }
0x31: {  	[smem:$0x3FA9] =	sst s10  }
0x32: {  	s10 =	sld [smem:$0x3FA7];
	_ =	sdelay $0x3  }
0x33: {  	p0 =	seq.s32 s10, $0x1;
	s10 =	sld [smem:$0x3FA9];
	_ =	sdelay $0x3  }
0x34: {  	[smem:$0x3FA9] =	sst s10  }
0x35: {  	s10 =	sld [smem:$0x3FA8];
	_ =	sdelay $0x3  }
0x36: {  	p1 =	seq.s32 s10, $0x1;
	s10 =	sld [smem:$0x3FA9];
	_ =	sdelay $0x3  }
0x37: {  	[smem:$0x3FA9] =	sst s10  }
0x38: {  	s10 =	sld [smem:$0x3FAA]  }
0x39: {  	_ = 	snop;
	(pc) =	sbr.ind lr, $3  }
0x3a: {  	_ = 	snop  }
0x3b: {  	_ = 	snop  }
0x3c: {  	p2 =	seq.s32 s10, $0x1;
	s10 =	sld [smem:$0x3FA9]  }
0x3d: {  	_ =	shalt  }
0x3e: {  	_ =	shalt  }
0x3f: {  	_ =	shalt  }
0x40: {  	_ =	shalt  }
0x41: {  	_ =	shalt  }
0x42: {  	_ =	shalt  }
0x43: {  	_ =	shalt  }
0x44: {  	_ =	shalt  }
0x45: {  	_ =	shalt  }
0x46: {  	_ =	shalt  }
0x47: {  	_ =	shalt  }
0x48: {  	_ =	shalt  }
0x49: {  	_ =	shalt  }
0x4a: {  	_ =	shalt  }
0x4b: {  	_ =	shalt  }
0x4c: {  	_ =	shalt  }
0x4d: {  	_ =	shalt  }
0x4e: {  	_ =	shalt  }
0x4f: {  	_ =	shalt  }
0x50: {  	_ =	shalt  }
0x51: {  	_ =	shalt  }
0x52: {  	_ =	shalt  }
0x53: {  	_ =	shalt  }
0x54: {  	_ =	shalt  }
0x55: {  	_ =	shalt  }
0x56: {  	_ =	shalt  }
0x57: {  	_ =	shalt  }
0x58: {  	_ =	shalt  }
0x59: {  	_ =	shalt  }
0x5a: {  	_ =	shalt  }
0x5b: {  	_ =	shalt  }
0x5c: {  	_ =	shalt  }
0x5d: {  	_ =	shalt  }
0x5e: {  	_ =	shalt  }
0x5f: {  	_ =	shalt  }
0x60: {  	_ =	shalt  }
0x61: {  	_ =	shalt  }
0x62: {  	_ =	shalt  }
0x63: {  	_ =	shalt  }
0x64: {  	_ =	shalt  }
0x65: {  	_ =	shalt  }
0x66: {  	_ =	shalt  }
0x67: {  	_ =	shalt  }
0x68: {  	_ =	shalt  }
0x69: {  	_ =	shalt  }
0x6a: {  	_ =	shalt  }
0x6b: {  	_ =	shalt  }
0x6c: {  	_ =	shalt  }
0x6d: {  	_ =	shalt  }
0x6e: {  	_ =	shalt  }
0x6f: {  	_ =	shalt  }
0x70: {  	_ =	shalt  }
0x71: {  	_ =	shalt  }
0x72: {  	_ =	shalt  }
0x73: {  	_ =	shalt  }
0x74: {  	_ =	shalt  }
0x75: {  	_ =	shalt  }
0x76: {  	_ =	shalt  }
0x77: {  	_ =	shalt  }
0x78: {  	_ =	shalt  }
0x79: {  	_ =	shalt  }
0x7a: {  	_ =	shalt  }
0x7b: {  	_ =	shalt  }
0x7c: {  	_ =	shalt  }
0x7d: {  	_ =	shalt  }
0x7e: {  	_ =	shalt  }
0x7f: {  	_ =	shalt  }
0x80: {  	_ =	shalt  }
0x81: {  	_ =	shalt  }
0x82: {  	_ =	shalt  }
0x83: {  	_ =	shalt  }
0x84: {  	_ =	shalt  }
0x85: {  	_ =	shalt  }
0x86: {  	_ =	shalt  }
0x87: {  	_ =	shalt  }
.Lfunc_end0:
.L_simem_size_0:
called_computation.2_lowered:
.L_overlay_start_0:
0x88: {  	s2 =	sld [smem:$0x3FD9]  }
0x89: {  	s3 =	sld [smem:$0x3FFE];
	_ =	sdelay $0x1  }
0x8a: {  	s1 =	srdreg.scid  }
0x8b: {  	s0 =	sand.u32 $0x1, s1  }
0x8c: {  	s16 =	sshll.u32 s0, $0xA;
	s2 =	sadd.s32 s3, s2  }
0x8d: {  	s2 =	sadd.s32 s2, s16  }
0x8e: {  	[smem:$0x3FB5] =	sst s2  }
0x8f: {  	_ = 	snop  }
0x90: {  	(tm) =	ssettm $0x1  }
0x91: {  	s17 =	sld [smem:$0x3FFB];
	_ =	sdelay $0x3  }
0x92: {  	_ =	strace s17  }
0x93: {  	s2 =	sld [smem:$0x3FFC];
	_ =	sdelay $0x3  }
0x94: {  	_ =	strace s2  }
0x95: {  	s2 =	sld [smem:$0x3FFD];
	_ =	sdelay $0x3  }
0x96: {  	_ =	strace s2  }
0x97: {  	_ =	strace $0x8FFFFFFF  }
0x98: {  	s18 =	sld [smem:$0x3FDB];
	_ =	sdelay $0x1  }
0x99: {  	s19 =	simm.s32 $_scs_section_size  }
0x9a: {  	s4 =	simm.s32 $_size__tile_overlayer_lowered;
	s5 =	simm.s32 $_tile_overlayer_lowered  }
0x9b: {  	s22 =	simm.s32 $0x1BFF;
	s21 =	sshll.u32 s5, $0x1;
	s2 =	sadd.s32 s19, s18  }
0x9c: {  	s6 =	simm.s32 $0x0;
	s20 =	sshll.u32 s4, $0x1;
	s4 =	sadd.s32 s21, s2  }
0x9d: {  	[timem:s6], [sflag:s22] =	dma.local [hbm:s4], s20  }
0x9e: {  	_ =	swait.ge [sflag:s22], s20  }
0x9f: {  	s3 =	ssub.s32 $0x0, s20;
	[sflag:s22] =	ssyncset.done $0x0  }
0xa0: {  	[sflag:s22] =	ssyncadd.s32 s3;
	_ =	sdelay $0x1  }
0xa1: {  	s23 =	simm.s32 $0x1B8B  }
0xa2: {  	_ =	swait.ge [sflag:s23], $0x1  }
0xa3: {  	[sflag:s23] =	ssyncset.done $0x0  }
0xa4: {  	s25 =	simm.s32 $0x1B8E;
	s24 =	sld [smem:$0x3FFE];
	[sflag:s23] =	ssyncadd.s32 $0xFFFFFFFF  }
0xa5: {  	s26 =	simm.s32 $execute0_lowered;
	[smem:$0x3FD2] =	sst s25  }
0xa6: {  	s4 =	sshll.u32 s26, $0x1;
	_ =	strace $0x8000004C;
	[dreg:$0x1] =	wrdreg $0xFFFFFFFF  }
0xa7: {  	s28 =	simm.s32 $_size_execute0_lowered;
	s2 =	sadd.s32 s2, s4;
	[dreg:$0x0] =	wrdreg $0x0  }
0xa8: {  	s4 =	sshll.u32 s28, $0x1;
	[dreg:$0x2] =	wrdreg s2  }
0xa9: {  	[dreg:$0x3] =	wrdreg s4  }
0xaa: {  	[dreg:$0x4] =	wrdreg $0xC0  }
0xab: {  	_ =	task [dreg:s6], $0x5FFFF  }
0xac: {  	[dreg:$0x1] =	wrdreg $0xFFFFFFFF  }
0xad: {  	[dreg:$0x0] =	wrdreg $0x60  }
0xae: {  	[dreg:$0x2] =	wrdreg s24  }
0xaf: {  	[dreg:$0x3] =	wrdreg $0xA8000  }
0xb0: {  	[dreg:$0x4] =	wrdreg $0x9  }
0xb1: {  	_ =	task.clear_ibuf [dreg:s6], $0x5FFFF;
	_ =	strace $0x9000004C  }
0xb2: {  	s29 =	simm.s32 $0x9;
	_ =	strace $0x8000004E  }
0xb3: {  	_ =	swait.ge [sflag:s29], $0x1  }
0xb4: {  	[sflag:s29] =	ssyncadd.s32 $0xFFFFFFFF  }
0xb5: {  	_ =	strace $0x9000004E  }
0xb6: {  	_ =	sfence  }
0xb7: {  	s30 =	sld [smem:$0x0];
	_ =	sdelay $0x2  }
0xb8: {  	s31 =	sshll.u32 s1, $0xD;
	s1 =	sshrl.u32 s1, $0x2  }
0xb9: {  	s3 =	sand.u32 $0x4000, s31;
	s1 =	sadd.s32 s1, s30  }
0xba: {  	s0 =	sor.u32 s3, s0;
	s1 =	sshll.u32 s1, $0x11  }
0xbb: {  	s0 =	sor.u32 s1, s0  }
0xbc: {  	s0 =	sadd.s32 $0x8F2B, s0  }
0xbd: {  	[sflag:s0] =	ssyncadd.remote.s32 $0x1  }
0xbe: {  	_ =	sfence.sel $0xFFFF  }
0xbf: {  	[dreg:$0x0] =	wrdreg $0xFFFFFFFF;
	(pc) =	sbr.abs _section_cstart, $3  }
0xc0: {  	[dreg:$0x1] =	wrdreg $0xFFFFFFFF  }
0xc1: {  	_ =	task.clear_ibuf [dreg:s6], $0x2FFFF;
	_ =	strace $0x9FFFFFFF  }
0xc2: {  	(tm) =	ssettm $0x7FFFFFFF  }
0xc3: {  	_ =	shalt  }
tec
execute0_lowered:
.L_overlay_start_1:
0x0: {  	(tag) =	ssettag $0x1  }
0x1: {  	s5 =	rddreg [dreg:$0x0]  }
0x2: {  	s1 =	rddreg [dreg:$0x1];
	s2 =	srdreg.scid  }
0x3: {  	s0 =	rddreg [dreg:$0x2];
	s3 =	simm.s32 $0x0;
	s17 =	simm.s32 $0x2800  }
0x4: {  	s18 =	simm.s32 $0x6800;
	s19 =	simm.s32 $0x1;
	s20 =	simm.s32 $0x2  }
0x5: {  	s21 =	simm.s32 $0x1380;
	s22 =	simm.s32 $0x2700;
	s23 =	simm.s32 $0x2780  }
0x6: {  	s24 =	simm.s32 $0x0;
	s6 =	sand.u32 $0x1, s2;
	s2 =	stileid.u32  }
0x7: {  	[smem:$0x7FF] =	sst s3;
	s4 =	sadd.s32 $0x19E00, s5;
	s9 =	sadd.s32 $0xFE00, s5  }
0x8: {  	s10 =	sadd.s32 $0x5600, s5;
	s11 =	sadd.s32 $0x41E00, s5;
	s7 =	smul.u32 $0x140000, s6  }
0x9: {  	s8 =	smul.u32 $0x14000, s2;
	_ =	strace $0x8000004D;
	s29 =	ssub.s32 $0x2, s6  }
0xa: {  	s12 =	sshll.u32 s6, $0x4;
	s13 =	smul.u32 $0x50000, s2;
	p0 =	seq.s32 s6, $0x1  }
0xb: {  	s14 =	smul.u32 $0x2800, s2;
	s15 =	smov.u32 s4;
	s16 =	sshll.u32 s2, $0x6  }
0xc: {  	s30 =	sshrl.u32 s29, $0x1;
	s12 =	sor.u32 s2, s12;
	s15 =	smov.u32 @p0 s11  }
0xd: {  	s7 =	sadd.s32 s8, s7;
	s31 =	sshrl.u32 s13, $0x2;
	s12 =	smul.u32 $0x2800, s12  }
0xe: {  	s11 =	sadd.s32 s15, s14;
	s14 =	simm.s32 $0x3;
	s7 =	sshrl.u32 s7, $0x3  }
0xf: {  	s15 =	simm.s32 $0x1400;
	s5 =	sadd.s32 s7, s5;
	s7 =	ssub.s32 s29, s30  }
0x10: {  	s13 =	sadd.s32 s31, s1;
	s12 =	sshrl.u32 s12, $0x3;
	s6 =	smax.u32 s7, $0x1  }
0x11: {  	s7 =	sadd.s32 s9, s12;
	s8 =	sadd.s32 s10, s12;
	s12 =	sadd.s32 $0x280, s12  }
0x12: {  	s13 =	sshrl.u32 s13, $0x3;
	s5 =	sadd.s32 $0x69E00, s5;
	s9 =	sadd.s32 s9, s12  }
0x13: {  	s10 =	sadd.s32 s10, s12;
	s12 =	sor.u32 $0x1C03, s16;
	s16 =	simm.s32 $0x7D  }
.LBB2_1:
0x14: {  	[spmem:s13], [sflag:s12] =	dma.local [hbm:s11], $0x2800  }
0x15: {  	_ =	swait.ge [sflag:s14], $0x2800  }
0x16: {  	[sflag:s14] =	ssyncset.done $0x0  }
0x17: {  	[sflag:s14] =	ssyncadd.s32 $0xFFFFD800  }
0x18: {  	[bflag:$0x0] =	sbarrier.arrive $0xFFFF  }
0x19: {  	[tilespmem:s3], [sflag:$0x3] =	stream.linear.gather [hbm4b:s7+s3], $0x1400, $0x38;
	[tilespmem:$0x1E800] =	vst v63  }
0x1a: {  	_ =	swait.ge [sflag:s14], $0x1400  }
0x1b: {  	[sflag:s14] =	ssyncset.done $0x0  }
0x1c: {  	[sflag:s14] =	ssyncadd.s32 $0xFFFFEC00  }
0x1d: {  	[tilespmem:s15], [sflag:$0x3] =	stream.linear.gather [hbm4b:s8+s3], $0x1400, $0x38;
	[tilespmem:$0x1E800] =	vst v63  }
0x1e: {  	_ =	swait.ge [sflag:s14], $0x1400  }
0x1f: {  	[sflag:s14] =	ssyncset.done $0x0  }
0x20: {  	[sflag:s14] =	ssyncadd.s32 $0xFFFFEC00  }
0x21: {  	[tilespmem:s17], [sflag:$0x1] =	stream.indirect.gather [hbm4b:s4+s16], $0x80, s3, s16, $0xb8;
	[tilespmem:$0x1E800] =	vst v63  }
0x22: {  	s25 =	simm.s32 $0x80  }
0x23: {  	[tilespmem:s18], [sflag:$0x2] =	stream.indirect.gather [hbm4b:s4+s16], $0x80, s25, s16, $0xb8;
	[tilespmem:$0x1E800] =	vst v63  }
0x24: {  	_ =	swait.ge [sflag:s19], $0x3E80  }
0x25: {  	[sflag:s19] =	ssyncset.done $0x0  }
0x26: {  	s29 =	simm.s32 $0x1400;
	[sflag:s19] =	ssyncadd.s32 $0xFFFFC180  }
0x27: {  	[spmem:s1] =	stream.indirect.scatter.add.f32 [tilespmem:s17], [sflag:$0x3], $0x80, s29, s16, $0xb8;
	[tilespmem:$0x1E800] =	vst v63  }
0x28: {  	_ =	swait.ge [sflag:s14], $0x3E80  }
0x29: {  	[sflag:s14] =	ssyncset.done $0x0  }
0x2a: {  	s30 =	simm.s32 $0x100;
	[sflag:s14] =	ssyncadd.s32 $0xFFFFC180  }
0x2b: {  	[tilespmem:s17], [sflag:$0x1] =	stream.indirect.gather [hbm4b:s4+s16], $0x80, s30, s16, $0xb8;
	[tilespmem:$0x1E800] =	vst v63  }
0x2c: {  	_ =	swait.ge [sflag:s20], $0x3E80  }
0x2d: {  	[sflag:s20] =	ssyncset.done $0x0  }
0x2e: {  	s31 =	simm.s32 $0x1480;
	[sflag:s20] =	ssyncadd.s32 $0xFFFFC180  }
0x2f: {  	[spmem:s1] =	stream.indirect.scatter.add.f32 [tilespmem:s18], [sflag:$0x3], $0x80, s31, s16, $0xb8;
	[tilespmem:$0x1E800] =	vst v63  }
0x30: {  	_ =	swait.ge [sflag:s14], $0x3E80  }
0x31: {  	s26 =	simm.s32 $0x800;
	s25 =	simm.s32 $0x100;
	[sflag:s14] =	ssyncset.done $0x0  }
.LBB2_2:
0x32: {  	s28 =	sadd.s32 $0x80, s25  }
0x33: {  	[sflag:s14] =	ssyncadd.s32 $0xFFFFC180;
	s29 =	smov.u32 s26;
	s30 =	sadd.s32 $0x400, s26  }
0x34: {  	[tilespmem:s18], [sflag:$0x2] =	stream.indirect.gather [hbm4b:s4+s16], $0x80, s28, s16, $0xb8;
	[tilespmem:$0x1E800] =	vst v63  }
0x35: {  	p0 =	sne.s32 s26, $0x4800;
	_ =	swait.ge [sflag:s19], $0x3E80  }
0x36: {  	[sflag:s19] =	ssyncset.done $0x0  }
0x37: {  	s26 =	sadd.s32 $0x1400, s25;
	[sflag:s19] =	ssyncadd.s32 $0xFFFFC180  }
0x38: {  	[spmem:s1] =	stream.indirect.scatter.add.f32 [tilespmem:s17], [sflag:$0x3], $0x80, s26, s16, $0xb8;
	[tilespmem:$0x1E800] =	vst v63  }
0x39: {  	_ =	swait.ge [sflag:s14], $0x3E80  }
0x3a: {  	[sflag:s14] =	ssyncset.done $0x0  }
0x3b: {  	s26 =	sadd.s32 $0x100, s25;
	[sflag:s14] =	ssyncadd.s32 $0xFFFFC180  }
0x3c: {  	[tilespmem:s17], [sflag:$0x1] =	stream.indirect.gather [hbm4b:s4+s16], $0x80, s26, s16, $0xb8;
	[tilespmem:$0x1E800] =	vst v63  }
0x3d: {  	_ =	swait.ge [sflag:s20], $0x3E80  }
.Ltmp0:
0x3e: {  	[sflag:s20] =	ssyncset.done $0x0;
	(pc) =	sbr.rel @p0 .LBB2_2-.Ltmp0, $4  }
0x3f: {  	s25 =	sadd.s32 $0x1480, s25;
	[sflag:s20] =	ssyncadd.s32 $0xFFFFC180  }
0x40: {  	[spmem:s1] =	stream.indirect.scatter.add.f32 [tilespmem:s18], [sflag:$0x3], $0x80, s25, s16, $0xb8;
	[tilespmem:$0x1E800] =	vst v63  }
0x41: {  	_ =	swait.ge [sflag:s14], $0x3E80  }
0x42: {  	s26 =	smov.u32 s30;
	s25 =	sshra.s32 s29, $0x2;
	[sflag:s14] =	ssyncset.done $0x0  }
0x43: {  	s26 =	sadd.s32 $0x80, s25;
	[sflag:s14] =	ssyncadd.s32 $0xFFFFC180  }
0x44: {  	[tilespmem:s18], [sflag:$0x2] =	stream.indirect.gather [hbm4b:s4+s16], $0x80, s26, s16, $0xb8;
	[tilespmem:$0x1E800] =	vst v63  }
0x45: {  	_ =	swait.ge [sflag:s19], $0x3E80  }
0x46: {  	[sflag:s19] =	ssyncset.done $0x0  }
0x47: {  	s29 =	sadd.s32 $0x1400, s25;
	[sflag:s19] =	ssyncadd.s32 $0xFFFFC180  }
0x48: {  	[spmem:s1] =	stream.indirect.scatter.add.f32 [tilespmem:s17], [sflag:$0x3], $0x80, s29, s16, $0xb8;
	[tilespmem:$0x1E800] =	vst v63  }
0x49: {  	_ =	swait.ge [sflag:s14], $0x3E80  }
0x4a: {  	[sflag:s14] =	ssyncset.done $0x0  }
0x4b: {  	s30 =	sadd.s32 $0x100, s25;
	[sflag:s14] =	ssyncadd.s32 $0xFFFFC180  }
0x4c: {  	[tilespmem:s17], [sflag:$0x1] =	stream.indirect.gather [hbm4b:s4+s16], $0x80, s30, s16, $0xb8;
	[tilespmem:$0x1E800] =	vst v63  }
0x4d: {  	_ =	swait.ge [sflag:s20], $0x3E80  }
0x4e: {  	[sflag:s20] =	ssyncset.done $0x0  }
0x4f: {  	s31 =	sadd.s32 $0x1480, s25;
	[sflag:s20] =	ssyncadd.s32 $0xFFFFC180  }
0x50: {  	[spmem:s1] =	stream.indirect.scatter.add.f32 [tilespmem:s18], [sflag:$0x3], $0x80, s31, s16, $0xb8;
	[tilespmem:$0x1E800] =	vst v63  }
0x51: {  	_ =	swait.ge [sflag:s14], $0x3E80  }
0x52: {  	[sflag:s14] =	ssyncset.done $0x0  }
0x53: {  	[sflag:s14] =	ssyncadd.s32 $0xFFFFC180  }
0x54: {  	[tilespmem:s18], [sflag:$0x2] =	stream.indirect.gather [hbm4b:s4+s16], $0x80, s21, s16, $0xb8;
	[tilespmem:$0x1E800] =	vst v63  }
0x55: {  	_ =	swait.ge [sflag:s19], $0x3E80  }
0x56: {  	[sflag:s19] =	ssyncset.done $0x0  }
0x57: {  	[sflag:s19] =	ssyncadd.s32 $0xFFFFC180  }
0x58: {  	[spmem:s1] =	stream.indirect.scatter.add.f32 [tilespmem:s17], [sflag:$0x3], $0x80, s22, s16, $0xb8;
	[tilespmem:$0x1E800] =	vst v63  }
0x59: {  	_ =	swait.ge [sflag:s14], $0x3E80  }
0x5a: {  	[sflag:s14] =	ssyncset.done $0x0  }
0x5b: {  	[sflag:s14] =	ssyncadd.s32 $0xFFFFC180  }
0x5c: {  	_ =	swait.ge [sflag:s20], $0x3E80  }
0x5d: {  	[sflag:s20] =	ssyncset.done $0x0  }
0x5e: {  	[sflag:s20] =	ssyncadd.s32 $0xFFFFC180  }
0x5f: {  	[spmem:s1] =	stream.indirect.scatter.add.f32 [tilespmem:s18], [sflag:$0x3], $0x80, s23, s16, $0xb8;
	[tilespmem:$0x1E800] =	vst v63  }
0x60: {  	_ =	swait.ge [sflag:s14], $0x3E80  }
0x61: {  	[sflag:s14] =	ssyncset.done $0x0  }
0x62: {  	s26 =	simm.s32 $0x0;
	[sflag:s14] =	ssyncadd.s32 $0xFFFFC180  }
0x63: {  	[tilespmem:s26], [sflag:$0x3] =	stream.linear.gather [hbm4b:s9+s26], $0x1400, $0x38;
	[tilespmem:$0x1E800] =	vst v63  }
0x64: {  	_ =	swait.ge [sflag:s14], $0x1400  }
0x65: {  	[sflag:s14] =	ssyncset.done $0x0  }
0x66: {  	[sflag:s14] =	ssyncadd.s32 $0xFFFFEC00  }
0x67: {  	[tilespmem:s15], [sflag:$0x3] =	stream.linear.gather [hbm4b:s10+s26], $0x1400, $0x38;
	[tilespmem:$0x1E800] =	vst v63  }
0x68: {  	_ =	swait.ge [sflag:s14], $0x1400  }
0x69: {  	[sflag:s14] =	ssyncset.done $0x0  }
0x6a: {  	[sflag:s14] =	ssyncadd.s32 $0xFFFFEC00  }
0x6b: {  	[tilespmem:s17], [sflag:$0x1] =	stream.indirect.gather [hbm4b:s4+s16], $0x80, s26, s16, $0xb8;
	[tilespmem:$0x1E800] =	vst v63  }
0x6c: {  	s28 =	simm.s32 $0x80  }
0x6d: {  	[tilespmem:s18], [sflag:$0x2] =	stream.indirect.gather [hbm4b:s4+s16], $0x80, s28, s16, $0xb8;
	[tilespmem:$0x1E800] =	vst v63  }
0x6e: {  	_ =	swait.ge [sflag:s19], $0x3E80  }
0x6f: {  	[sflag:s19] =	ssyncset.done $0x0  }
0x70: {  	s29 =	simm.s32 $0x1400;
	[sflag:s19] =	ssyncadd.s32 $0xFFFFC180  }
0x71: {  	[spmem:s1] =	stream.indirect.scatter.add.f32 [tilespmem:s17], [sflag:$0x3], $0x80, s29, s16, $0xb8;
	[tilespmem:$0x1E800] =	vst v63  }
0x72: {  	_ =	swait.ge [sflag:s14], $0x3E80  }
0x73: {  	[sflag:s14] =	ssyncset.done $0x0  }
0x74: {  	s30 =	simm.s32 $0x100;
	[sflag:s14] =	ssyncadd.s32 $0xFFFFC180  }
0x75: {  	[tilespmem:s17], [sflag:$0x1] =	stream.indirect.gather [hbm4b:s4+s16], $0x80, s30, s16, $0xb8;
	[tilespmem:$0x1E800] =	vst v63  }
0x76: {  	_ =	swait.ge [sflag:s20], $0x3E80  }
0x77: {  	[sflag:s20] =	ssyncset.done $0x0  }
0x78: {  	s31 =	simm.s32 $0x1480;
	[sflag:s20] =	ssyncadd.s32 $0xFFFFC180  }
0x79: {  	[spmem:s1] =	stream.indirect.scatter.add.f32 [tilespmem:s18], [sflag:$0x3], $0x80, s31, s16, $0xb8;
	[tilespmem:$0x1E800] =	vst v63  }
0x7a: {  	_ =	swait.ge [sflag:s14], $0x3E80  }
0x7b: {  	s25 =	simm.s32 $0x100;
	s26 =	simm.s32 $0x800;
	[sflag:s14] =	ssyncset.done $0x0  }
.LBB2_4:
0x7c: {  	s28 =	sadd.s32 $0x80, s25  }
0x7d: {  	[sflag:s14] =	ssyncadd.s32 $0xFFFFC180;
	s29 =	smov.u32 s26;
	s30 =	sadd.s32 $0x400, s26  }
0x7e: {  	[tilespmem:s18], [sflag:$0x2] =	stream.indirect.gather [hbm4b:s4+s16], $0x80, s28, s16, $0xb8;
	[tilespmem:$0x1E800] =	vst v63  }
0x7f: {  	p0 =	sne.s32 s26, $0x4800;
	_ =	swait.ge [sflag:s19], $0x3E80  }
0x80: {  	[sflag:s19] =	ssyncset.done $0x0  }
0x81: {  	s26 =	sadd.s32 $0x1400, s25;
	[sflag:s19] =	ssyncadd.s32 $0xFFFFC180  }
0x82: {  	[spmem:s1] =	stream.indirect.scatter.add.f32 [tilespmem:s17], [sflag:$0x3], $0x80, s26, s16, $0xb8;
	[tilespmem:$0x1E800] =	vst v63  }
0x83: {  	_ =	swait.ge [sflag:s14], $0x3E80  }
0x84: {  	[sflag:s14] =	ssyncset.done $0x0  }
0x85: {  	s26 =	sadd.s32 $0x100, s25;
	[sflag:s14] =	ssyncadd.s32 $0xFFFFC180  }
0x86: {  	[tilespmem:s17], [sflag:$0x1] =	stream.indirect.gather [hbm4b:s4+s16], $0x80, s26, s16, $0xb8;
	[tilespmem:$0x1E800] =	vst v63  }
0x87: {  	_ =	swait.ge [sflag:s20], $0x3E80  }
.Ltmp1:
0x88: {  	[sflag:s20] =	ssyncset.done $0x0;
	(pc) =	sbr.rel @p0 .LBB2_4-.Ltmp1, $4  }
0x89: {  	s25 =	sadd.s32 $0x1480, s25;
	[sflag:s20] =	ssyncadd.s32 $0xFFFFC180  }
0x8a: {  	[spmem:s1] =	stream.indirect.scatter.add.f32 [tilespmem:s18], [sflag:$0x3], $0x80, s25, s16, $0xb8;
	[tilespmem:$0x1E800] =	vst v63  }
0x8b: {  	_ =	swait.ge [sflag:s14], $0x3E80  }
0x8c: {  	s26 =	smov.u32 s30;
	s25 =	sshra.s32 s29, $0x2;
	[sflag:s14] =	ssyncset.done $0x0  }
0x8d: {  	s26 =	sadd.s32 $0x80, s25;
	[sflag:s14] =	ssyncadd.s32 $0xFFFFC180  }
0x8e: {  	[tilespmem:s18], [sflag:$0x2] =	stream.indirect.gather [hbm4b:s4+s16], $0x80, s26, s16, $0xb8;
	[tilespmem:$0x1E800] =	vst v63  }
0x8f: {  	_ =	swait.ge [sflag:s19], $0x3E80  }
0x90: {  	[sflag:s19] =	ssyncset.done $0x0  }
0x91: {  	s29 =	sadd.s32 $0x1400, s25;
	[sflag:s19] =	ssyncadd.s32 $0xFFFFC180  }
0x92: {  	[spmem:s1] =	stream.indirect.scatter.add.f32 [tilespmem:s17], [sflag:$0x3], $0x80, s29, s16, $0xb8;
	[tilespmem:$0x1E800] =	vst v63  }
0x93: {  	_ =	swait.ge [sflag:s14], $0x3E80  }
0x94: {  	[sflag:s14] =	ssyncset.done $0x0  }
0x95: {  	s30 =	sadd.s32 $0x100, s25;
	[sflag:s14] =	ssyncadd.s32 $0xFFFFC180  }
0x96: {  	[tilespmem:s17], [sflag:$0x1] =	stream.indirect.gather [hbm4b:s4+s16], $0x80, s30, s16, $0xb8;
	[tilespmem:$0x1E800] =	vst v63  }
0x97: {  	_ =	swait.ge [sflag:s20], $0x3E80  }
0x98: {  	[sflag:s20] =	ssyncset.done $0x0  }
0x99: {  	s31 =	sadd.s32 $0x1480, s25;
	[sflag:s20] =	ssyncadd.s32 $0xFFFFC180  }
0x9a: {  	[spmem:s1] =	stream.indirect.scatter.add.f32 [tilespmem:s18], [sflag:$0x3], $0x80, s31, s16, $0xb8;
	[tilespmem:$0x1E800] =	vst v63  }
0x9b: {  	_ =	swait.ge [sflag:s14], $0x3E80  }
0x9c: {  	[sflag:s14] =	ssyncset.done $0x0  }
0x9d: {  	[sflag:s14] =	ssyncadd.s32 $0xFFFFC180  }
0x9e: {  	[tilespmem:s18], [sflag:$0x2] =	stream.indirect.gather [hbm4b:s4+s16], $0x80, s21, s16, $0xb8;
	[tilespmem:$0x1E800] =	vst v63  }
0x9f: {  	_ =	swait.ge [sflag:s19], $0x3E80  }
0xa0: {  	[sflag:s19] =	ssyncset.done $0x0  }
0xa1: {  	[sflag:s19] =	ssyncadd.s32 $0xFFFFC180  }
0xa2: {  	[spmem:s1] =	stream.indirect.scatter.add.f32 [tilespmem:s17], [sflag:$0x3], $0x80, s22, s16, $0xb8;
	[tilespmem:$0x1E800] =	vst v63  }
0xa3: {  	_ =	swait.ge [sflag:s14], $0x3E80  }
0xa4: {  	[sflag:s14] =	ssyncset.done $0x0  }
0xa5: {  	[sflag:s14] =	ssyncadd.s32 $0xFFFFC180  }
0xa6: {  	_ =	swait.ge [sflag:s20], $0x3E80  }
0xa7: {  	[sflag:s20] =	ssyncset.done $0x0  }
0xa8: {  	[sflag:s20] =	ssyncadd.s32 $0xFFFFC180  }
0xa9: {  	[spmem:s1] =	stream.indirect.scatter.add.f32 [tilespmem:s18], [sflag:$0x3], $0x80, s23, s16, $0xb8;
	[tilespmem:$0x1E800] =	vst v63  }
0xaa: {  	_ =	swait.ge [sflag:s14], $0x3E80  }
0xab: {  	s24 =	sadd.s32 $0x1, s24;
	[sflag:s14] =	ssyncset.done $0x0  }
0xac: {  	p0 =	sne.s32 s24, s6;
	[sflag:s14] =	ssyncadd.s32 $0xFFFFC180  }
.Ltmp2:
0xad: {  	[bflag:$0x0] =	sbarrier.arrive $0xFFFF;
	(pc) =	sbr.rel @p0 .LBB2_1-.Ltmp2, $4  }
0xae: {  	[hbm:s5], [sflag:s12] =	dma.local [spmem:s13], $0x2800  }
0xaf: {  	_ =	swait.ge [sflag:s14], $0x2800  }
0xb0: {  	[sflag:s14] =	ssyncset.done $0x0  }
0xb1: {  	[sflag:s14] =	ssyncadd.s32 $0xFFFFD800  }
0xb2: {  	_ =	sfence.sel $0x180000  }
0xb3: {  	[bflag:$0x0] =	sbarrier.arrive $0xFFFF  }
0xb4: {  	p0 =	sne.s32 s2, $0x0;
	_ =	strace $0x9000004D  }
0xb5: {  	s0 =	sadd.s32 @!p0 $0x100000, s0;
	[bflag:$0x2] =	sbarrier.arrive $0xFFFF  }
0xb6: {  	[sflag:s0] =	ssyncadd.tile.s32 @!p0 $0x1;
	_ =	shalt  }
.Lfunc_end2:
_tile_overlayer_lowered:
.L_overlay_start_2:
0xb7: {  	(tag) =	ssettag $0x2  }
0xb8: {  	s0 =	rddreg [dreg:$0x0];
	s2 =	stileid.u32  }
0xb9: {  	s1 =	rddreg [dreg:$0x1];
	p0 =	sne.s32 s2, $0x0  }
0xba: {  	s3 =	rddreg [dreg:$0x2];
	[bflag:$0x3] =	sbarrier.arrive $0xFFFF;
	s2 =	simm.s32 @!p0 $0x1C03  }
0xbb: {  	[timem:s3], [sflag:s2] =	dma.local @!p0 [hbm:s0], s1  }
0xbc: {  	s0 =	simm.s32 @!p0 $0x3  }
0xbd: {  	_ =	swait.ge @!p0 [sflag:s0], s1  }
0xbe: {  	s1 =	ssub.s32 @!p0 $0x0, s1;
	[sflag:s0] =	ssyncset.done @!p0 $0x0  }
0xbf: {  	[sflag:s0] =	ssyncadd.s32 @!p0 s1  }
0xc0: {  	[bflag:$0x3] =	sbarrier.arrive $0xFFFF  }
0xc1: {  	_ =	shalt  }

// kernel: kernel.24.cloned.1.call-start
scs
__scs_entry_jumppad:
0x0: {  	(pc) =	sbr.rel $0x88, $3  }
0x1: {  	(tag) =	ssettag $0x0;
	lr =	simm.s32 $0x1  }
0x2: {  	[smem:$0x3F8E] =	sst lr;
	_ =	strace $0xD0000000  }
0x3: {  	_ = 	snop  }
0x4: {  	_ = 	snop  }
0x5: {  	_ = 	snop  }
0x6: {  	_ = 	snop  }
0x7: {  	_ = 	snop  }
__scs_overlays_trampoline_lowered:
0x8: {  	[smem:$0x3F9D] =	sst s0  }
0x9: {  	[smem:$0x3F9E] =	sst s1  }
0xa: {  	[smem:$0x3F9F] =	sst s2  }
0xb: {  	[smem:$0x3FA0] =	sst s3  }
0xc: {  	[smem:$0x3FA1] =	sst s4  }
0xd: {  	[smem:$0x3FA2] =	sst s5  }
0xe: {  	[smem:$0x3FA3] =	sst s6  }
0xf: {  	[smem:$0x3FA4] =	sst s7  }
0x10: {  	[smem:$0x3FA5] =	sst s8  }
0x11: {  	[smem:$0x3FA6] =	sst s9;
	s0 =	simm.s32 @!p0 $0x0  }
0x12: {  	s1 =	sld [smem:$0x3F8C];
	s0 =	simm.s32 @p0 $0x1  }
0x13: {  	[smem:$0x3FA7] =	sst s0;
	s0 =	simm.s32 @!p1 $0x0  }
0x14: {  	s2 =	sld [smem:$0x3F8B];
	s0 =	simm.s32 @p1 $0x1  }
0x15: {  	[smem:$0x3FA8] =	sst s0;
	s0 =	simm.s32 @!p2 $0x0  }
0x16: {  	s3 =	sld [smem:$0x3FDB];
	s0 =	simm.s32 @p2 $0x1  }
0x17: {  	s4 =	simm.s32 $0x1BF5;
	[smem:$0x3FAA] =	sst s0  }
0x18: {  	s0 =	sld [smem:$0x3F8D];
	_ =	swait.ge [sflag:s4], $0x0  }
0x19: {  	s7 =	sld [smem:$0x3F8E]  }
0x1a: {  	s8 =	sadd.s32 $0xFFFFE003, lr  }
0x1b: {  	s9 =	sadd.s32 $0xFFFFFEF7, lr;
	s5 =	simm.s32 $0xFFFFFFFF;
	p2 =	slt.u32 s8, $0xFFFFF086  }
0x1c: {  	p1 =	slt.u32 s9, $0xF7A;
	s5 =	simm.s32 @!p2 $0x0  }
0x1d: {  	s5 =	simm.s32 @p1 $0x1;
	p0 =	seq.s32 s7, s2  }
0x1e: {  	s7 =	smul.u32 @!p0 $0xF7A, s2;
	p2 =	seq.s32 @!p0 s5, $0x0  }
0x1f: {  	s9 =	smul.u32 $0xF7A, s1;
	s8 =	simm.s32 @!p0 $0x1BF5;
	p2 =	por !p2, p0  }
0x20: {  	[sflag:s8] =	ssyncset.s32 @!p0 $0xFFFFF086;
	s6 =	sadd.s32 @!p0 s3, s7;
	s7 =	simm.s32 @!p0 $0x108  }
0x21: {  	s3 =	sadd.s32 s3, s9;
	s6 =	sadd.s32 @!p0 $0x88, s6;
	s7 =	simm.s32 @p2 $0x1082  }
0x22: {  	[simem:s7], [sflag:s8] =	dma.local @!p0 [hbm:s6], $0xF7A  }
0x23: {  	s9 =	sor.u32 $0xD0000000, s2;
	s6 =	simm.s32 $0x108;
	_ =	swait.ge @!p0 [sflag:s8], $0x0  }
0x24: {  	s3 =	sadd.s32 $0x88, s3;
	s6 =	simm.s32 @!p1 $0x1082;
	[sflag:s4] =	ssyncset.s32 $0xFFFFF086  }
0x25: {  	[simem:s6], [sflag:s4] =	dma.local [hbm:s3], $0xF7A  }
0x26: {  	[smem:$0x3F8E] =	sst s1;
	(tag) =	ssettag s2;
	_ =	strace s9  }
0x27: {  	s1 =	sld [smem:$0x3F9E]  }
0x28: {  	s2 =	sld [smem:$0x3F9F]  }
0x29: {  	s4 =	sld [smem:$0x3FA1]  }
0x2a: {  	p0 =	seq.s32 s5, $0x0;
	s5 =	sld [smem:$0x3FA2]  }
0x2b: {  	s6 =	sld [smem:$0x3FA3]  }
0x2c: {  	s7 =	sld [smem:$0x3FA4]  }
0x2d: {  	s3 =	simm.s32 $0x108;
	s8 =	sld [smem:$0x3FA5]  }
0x2e: {  	s3 =	simm.s32 @!p0 $0x1082;
	s9 =	sld [smem:$0x3FA6]  }
0x2f: {  	lr =	sadd.s32 s0, s3;
	s0 =	sld [smem:$0x3F9D]  }
0x30: {  	s3 =	sld [smem:$0x3FA0]  }
0x31: {  	[smem:$0x3FA9] =	sst s10  }
0x32: {  	s10 =	sld [smem:$0x3FA7];
	_ =	sdelay $0x3  }
0x33: {  	p0 =	seq.s32 s10, $0x1;
	s10 =	sld [smem:$0x3FA9];
	_ =	sdelay $0x3  }
0x34: {  	[smem:$0x3FA9] =	sst s10  }
0x35: {  	s10 =	sld [smem:$0x3FA8];
	_ =	sdelay $0x3  }
0x36: {  	p1 =	seq.s32 s10, $0x1;
	s10 =	sld [smem:$0x3FA9];
	_ =	sdelay $0x3  }
0x37: {  	[smem:$0x3FA9] =	sst s10  }
0x38: {  	s10 =	sld [smem:$0x3FAA]  }
0x39: {  	_ = 	snop;
	(pc) =	sbr.ind lr, $3  }
0x3a: {  	_ = 	snop  }
0x3b: {  	_ = 	snop  }
0x3c: {  	p2 =	seq.s32 s10, $0x1;
	s10 =	sld [smem:$0x3FA9]  }
0x3d: {  	_ =	shalt  }
0x3e: {  	_ =	shalt  }
0x3f: {  	_ =	shalt  }
0x40: {  	_ =	shalt  }
0x41: {  	_ =	shalt  }
0x42: {  	_ =	shalt  }
0x43: {  	_ =	shalt  }
0x44: {  	_ =	shalt  }
0x45: {  	_ =	shalt  }
0x46: {  	_ =	shalt  }
0x47: {  	_ =	shalt  }
0x48: {  	_ =	shalt  }
0x49: {  	_ =	shalt  }
0x4a: {  	_ =	shalt  }
0x4b: {  	_ =	shalt  }
0x4c: {  	_ =	shalt  }
0x4d: {  	_ =	shalt  }
0x4e: {  	_ =	shalt  }
0x4f: {  	_ =	shalt  }
0x50: {  	_ =	shalt  }
0x51: {  	_ =	shalt  }
0x52: {  	_ =	shalt  }
0x53: {  	_ =	shalt  }
0x54: {  	_ =	shalt  }
0x55: {  	_ =	shalt  }
0x56: {  	_ =	shalt  }
0x57: {  	_ =	shalt  }
0x58: {  	_ =	shalt  }
0x59: {  	_ =	shalt  }
0x5a: {  	_ =	shalt  }
0x5b: {  	_ =	shalt  }
0x5c: {  	_ =	shalt  }
0x5d: {  	_ =	shalt  }
0x5e: {  	_ =	shalt  }
0x5f: {  	_ =	shalt  }
0x60: {  	_ =	shalt  }
0x61: {  	_ =	shalt  }
0x62: {  	_ =	shalt  }
0x63: {  	_ =	shalt  }
0x64: {  	_ =	shalt  }
0x65: {  	_ =	shalt  }
0x66: {  	_ =	shalt  }
0x67: {  	_ =	shalt  }
0x68: {  	_ =	shalt  }
0x69: {  	_ =	shalt  }
0x6a: {  	_ =	shalt  }
0x6b: {  	_ =	shalt  }
0x6c: {  	_ =	shalt  }
0x6d: {  	_ =	shalt  }
0x6e: {  	_ =	shalt  }
0x6f: {  	_ =	shalt  }
0x70: {  	_ =	shalt  }
0x71: {  	_ =	shalt  }
0x72: {  	_ =	shalt  }
0x73: {  	_ =	shalt  }
0x74: {  	_ =	shalt  }
0x75: {  	_ =	shalt  }
0x76: {  	_ =	shalt  }
0x77: {  	_ =	shalt  }
0x78: {  	_ =	shalt  }
0x79: {  	_ =	shalt  }
0x7a: {  	_ =	shalt  }
0x7b: {  	_ =	shalt  }
0x7c: {  	_ =	shalt  }
0x7d: {  	_ =	shalt  }
0x7e: {  	_ =	shalt  }
0x7f: {  	_ =	shalt  }
0x80: {  	_ =	shalt  }
0x81: {  	_ =	shalt  }
0x82: {  	_ =	shalt  }
0x83: {  	_ =	shalt  }
0x84: {  	_ =	shalt  }
0x85: {  	_ =	shalt  }
0x86: {  	_ =	shalt  }
0x87: {  	_ =	shalt  }
.Lfunc_end0:
.L_simem_size_0:
called_computation.3_lowered:
.L_overlay_start_0:
0x88: {  	s2 =	sld [smem:$0x3FD9]  }
0x89: {  	s3 =	sld [smem:$0x3FFE];
	_ =	sdelay $0x1  }
0x8a: {  	s1 =	srdreg.scid  }
0x8b: {  	s0 =	sand.u32 $0x1, s1  }
0x8c: {  	s16 =	sshll.u32 s0, $0xA;
	s2 =	sadd.s32 s3, s2  }
0x8d: {  	s2 =	sadd.s32 s2, s16  }
0x8e: {  	[smem:$0x3FB5] =	sst s2  }
0x8f: {  	_ = 	snop  }
0x90: {  	(tm) =	ssettm $0x1  }
0x91: {  	s17 =	sld [smem:$0x3FFB];
	_ =	sdelay $0x3  }
0x92: {  	_ =	strace s17  }
0x93: {  	s2 =	sld [smem:$0x3FFC];
	_ =	sdelay $0x3  }
0x94: {  	_ =	strace s2  }
0x95: {  	s2 =	sld [smem:$0x3FFD];
	_ =	sdelay $0x3  }
0x96: {  	_ =	strace s2  }
0x97: {  	_ =	strace $0x8FFFFFFF  }
0x98: {  	s18 =	sld [smem:$0x3FDB];
	_ =	sdelay $0x1  }
0x99: {  	s19 =	simm.s32 $_scs_section_size  }
0x9a: {  	s4 =	simm.s32 $_size__tile_overlayer_lowered;
	s5 =	simm.s32 $_tile_overlayer_lowered  }
0x9b: {  	s22 =	simm.s32 $0x1BFF;
	s21 =	sshll.u32 s5, $0x1;
	s2 =	sadd.s32 s19, s18  }
0x9c: {  	s6 =	simm.s32 $0x0;
	s20 =	sshll.u32 s4, $0x1;
	s4 =	sadd.s32 s21, s2  }
0x9d: {  	[timem:s6], [sflag:s22] =	dma.local [hbm:s4], s20  }
0x9e: {  	_ =	swait.ge [sflag:s22], s20  }
0x9f: {  	s3 =	ssub.s32 $0x0, s20;
	[sflag:s22] =	ssyncset.done $0x0  }
0xa0: {  	[sflag:s22] =	ssyncadd.s32 s3;
	_ =	sdelay $0x1  }
0xa1: {  	s23 =	simm.s32 $0x1B8B  }
0xa2: {  	_ =	swait.ge [sflag:s23], $0x1  }
0xa3: {  	[sflag:s23] =	ssyncset.done $0x0  }
0xa4: {  	s25 =	simm.s32 $0x1B8E;
	s24 =	sld [smem:$0x3FFE];
	[sflag:s23] =	ssyncadd.s32 $0xFFFFFFFF  }
0xa5: {  	s26 =	simm.s32 $execute0_lowered;
	[smem:$0x3FD2] =	sst s25  }
0xa6: {  	s4 =	sshll.u32 s26, $0x1;
	_ =	strace $0x8000004F;
	[dreg:$0x1] =	wrdreg $0xFFFFFFFF  }
0xa7: {  	s28 =	simm.s32 $_size_execute0_lowered;
	s2 =	sadd.s32 s2, s4;
	[dreg:$0x0] =	wrdreg $0x0  }
0xa8: {  	s4 =	sshll.u32 s28, $0x1;
	[dreg:$0x2] =	wrdreg s2  }
0xa9: {  	[dreg:$0x3] =	wrdreg s4  }
0xaa: {  	[dreg:$0x4] =	wrdreg $0xC0  }
0xab: {  	_ =	task [dreg:s6], $0x5FFFF  }
0xac: {  	[dreg:$0x1] =	wrdreg $0xFFFFFFFF  }
0xad: {  	[dreg:$0x0] =	wrdreg $0x60  }
0xae: {  	[dreg:$0x2] =	wrdreg s24  }
0xaf: {  	[dreg:$0x3] =	wrdreg $0xA8000  }
0xb0: {  	[dreg:$0x4] =	wrdreg $0x9  }
0xb1: {  	_ =	task.clear_ibuf [dreg:s6], $0x5FFFF;
	_ =	strace $0x9000004F  }
0xb2: {  	s29 =	simm.s32 $0x9;
	_ =	strace $0x80000051  }
0xb3: {  	_ =	swait.ge [sflag:s29], $0x1  }
0xb4: {  	[sflag:s29] =	ssyncadd.s32 $0xFFFFFFFF  }
0xb5: {  	_ =	strace $0x90000051  }
0xb6: {  	_ =	sfence  }
0xb7: {  	s30 =	sld [smem:$0x0];
	_ =	sdelay $0x2  }
0xb8: {  	s31 =	sshll.u32 s1, $0xD;
	s1 =	sshrl.u32 s1, $0x2  }
0xb9: {  	s3 =	sand.u32 $0x4000, s31;
	s1 =	sadd.s32 s1, s30  }
0xba: {  	s0 =	sor.u32 s3, s0;
	s1 =	sshll.u32 s1, $0x11  }
0xbb: {  	s0 =	sor.u32 s1, s0  }
0xbc: {  	s0 =	sadd.s32 $0x8F2B, s0  }
0xbd: {  	[sflag:s0] =	ssyncadd.remote.s32 $0x1  }
0xbe: {  	_ =	sfence.sel $0xFFFF  }
0xbf: {  	[dreg:$0x0] =	wrdreg $0xFFFFFFFF;
	(pc) =	sbr.abs _section_cstart, $3  }
0xc0: {  	[dreg:$0x1] =	wrdreg $0xFFFFFFFF  }
0xc1: {  	_ =	task.clear_ibuf [dreg:s6], $0x2FFFF;
	_ =	strace $0x9FFFFFFF  }
0xc2: {  	(tm) =	ssettm $0x7FFFFFFF  }
0xc3: {  	_ =	shalt  }
tec
execute0_lowered:
.L_overlay_start_1:
0x0: {  	(tag) =	ssettag $0x1  }
0x1: {  	s5 =	rddreg [dreg:$0x0]  }
0x2: {  	s1 =	rddreg [dreg:$0x1];
	s2 =	srdreg.scid  }
0x3: {  	s0 =	rddreg [dreg:$0x2];
	s3 =	simm.s32 $0x0;
	s17 =	simm.s32 $0x2800  }
0x4: {  	s18 =	simm.s32 $0x6800;
	s19 =	simm.s32 $0x1;
	s20 =	simm.s32 $0x2  }
0x5: {  	s21 =	simm.s32 $0x1380;
	s22 =	simm.s32 $0x2700;
	s23 =	simm.s32 $0x2780  }
0x6: {  	s24 =	simm.s32 $0x0;
	s6 =	sand.u32 $0x1, s2;
	s2 =	stileid.u32  }
0x7: {  	[smem:$0x7FF] =	sst s3;
	s4 =	sadd.s32 $0x19E00, s5;
	s9 =	sadd.s32 $0xFE00, s5  }
0x8: {  	s10 =	sadd.s32 $0x5600, s5;
	s11 =	sadd.s32 $0x41E00, s5;
	s7 =	smul.u32 $0x140000, s6  }
0x9: {  	s8 =	smul.u32 $0x14000, s2;
	_ =	strace $0x80000050;
	s29 =	ssub.s32 $0x2, s6  }
0xa: {  	s12 =	sshll.u32 s6, $0x4;
	s13 =	smul.u32 $0x50000, s2;
	p0 =	seq.s32 s6, $0x1  }
0xb: {  	s14 =	smul.u32 $0x2800, s2;
	s15 =	smov.u32 s4;
	s16 =	sshll.u32 s2, $0x6  }
0xc: {  	s30 =	sshrl.u32 s29, $0x1;
	s12 =	sor.u32 s2, s12;
	s15 =	smov.u32 @p0 s11  }
0xd: {  	s7 =	sadd.s32 s8, s7;
	s31 =	sshrl.u32 s13, $0x2;
	s12 =	smul.u32 $0x2800, s12  }
0xe: {  	s11 =	sadd.s32 s15, s14;
	s14 =	simm.s32 $0x3;
	s7 =	sshrl.u32 s7, $0x3  }
0xf: {  	s15 =	simm.s32 $0x1400;
	s5 =	sadd.s32 s7, s5;
	s7 =	ssub.s32 s29, s30  }
0x10: {  	s13 =	sadd.s32 s31, s1;
	s12 =	sshrl.u32 s12, $0x3;
	s6 =	smax.u32 s7, $0x1  }
0x11: {  	s7 =	sadd.s32 s9, s12;
	s8 =	sadd.s32 s10, s12;
	s12 =	sadd.s32 $0x280, s12  }
0x12: {  	s13 =	sshrl.u32 s13, $0x3;
	s5 =	sadd.s32 $0x69E00, s5;
	s9 =	sadd.s32 s9, s12  }
0x13: {  	s10 =	sadd.s32 s10, s12;
	s12 =	sor.u32 $0x1C03, s16;
	s16 =	simm.s32 $0x7D  }
.LBB2_1:
0x14: {  	[spmem:s13], [sflag:s12] =	dma.local [hbm:s11], $0x2800  }
0x15: {  	_ =	swait.ge [sflag:s14], $0x2800  }
0x16: {  	[sflag:s14] =	ssyncset.done $0x0  }
0x17: {  	[sflag:s14] =	ssyncadd.s32 $0xFFFFD800  }
0x18: {  	[bflag:$0x0] =	sbarrier.arrive $0xFFFF  }
0x19: {  	[tilespmem:s3], [sflag:$0x3] =	stream.linear.gather [hbm4b:s7+s3], $0x1400, $0x38;
	[tilespmem:$0x1E800] =	vst v63  }
0x1a: {  	_ =	swait.ge [sflag:s14], $0x1400  }
0x1b: {  	[sflag:s14] =	ssyncset.done $0x0  }
0x1c: {  	[sflag:s14] =	ssyncadd.s32 $0xFFFFEC00  }
0x1d: {  	[tilespmem:s15], [sflag:$0x3] =	stream.linear.gather [hbm4b:s8+s3], $0x1400, $0x38;
	[tilespmem:$0x1E800] =	vst v63  }
0x1e: {  	_ =	swait.ge [sflag:s14], $0x1400  }
0x1f: {  	[sflag:s14] =	ssyncset.done $0x0  }
0x20: {  	[sflag:s14] =	ssyncadd.s32 $0xFFFFEC00  }
0x21: {  	[tilespmem:s17], [sflag:$0x1] =	stream.indirect.gather [hbm4b:s4+s16], $0x80, s3, s16, $0xb8;
	[tilespmem:$0x1E800] =	vst v63  }
0x22: {  	s25 =	simm.s32 $0x80  }
0x23: {  	[tilespmem:s18], [sflag:$0x2] =	stream.indirect.gather [hbm4b:s4+s16], $0x80, s25, s16, $0xb8;
	[tilespmem:$0x1E800] =	vst v63  }
0x24: {  	_ =	swait.ge [sflag:s19], $0x3E80  }
0x25: {  	[sflag:s19] =	ssyncset.done $0x0  }
0x26: {  	s29 =	simm.s32 $0x1400;
	[sflag:s19] =	ssyncadd.s32 $0xFFFFC180  }
0x27: {  	[spmem:s1] =	stream.indirect.scatter.add.f32 [tilespmem:s17], [sflag:$0x3], $0x80, s29, s16, $0xb8;
	[tilespmem:$0x1E800] =	vst v63  }
0x28: {  	_ =	swait.ge [sflag:s14], $0x3E80  }
0x29: {  	[sflag:s14] =	ssyncset.done $0x0  }
0x2a: {  	s30 =	simm.s32 $0x100;
	[sflag:s14] =	ssyncadd.s32 $0xFFFFC180  }
0x2b: {  	[tilespmem:s17], [sflag:$0x1] =	stream.indirect.gather [hbm4b:s4+s16], $0x80, s30, s16, $0xb8;
	[tilespmem:$0x1E800] =	vst v63  }
0x2c: {  	_ =	swait.ge [sflag:s20], $0x3E80  }
0x2d: {  	[sflag:s20] =	ssyncset.done $0x0  }
0x2e: {  	s31 =	simm.s32 $0x1480;
	[sflag:s20] =	ssyncadd.s32 $0xFFFFC180  }
0x2f: {  	[spmem:s1] =	stream.indirect.scatter.add.f32 [tilespmem:s18], [sflag:$0x3], $0x80, s31, s16, $0xb8;
	[tilespmem:$0x1E800] =	vst v63  }
0x30: {  	_ =	swait.ge [sflag:s14], $0x3E80  }
0x31: {  	s26 =	simm.s32 $0x800;
	s25 =	simm.s32 $0x100;
	[sflag:s14] =	ssyncset.done $0x0  }
.LBB2_2:
0x32: {  	s28 =	sadd.s32 $0x80, s25  }
0x33: {  	[sflag:s14] =	ssyncadd.s32 $0xFFFFC180;
	s29 =	smov.u32 s26;
	s30 =	sadd.s32 $0x400, s26  }
0x34: {  	[tilespmem:s18], [sflag:$0x2] =	stream.indirect.gather [hbm4b:s4+s16], $0x80, s28, s16, $0xb8;
	[tilespmem:$0x1E800] =	vst v63  }
0x35: {  	p0 =	sne.s32 s26, $0x4800;
	_ =	swait.ge [sflag:s19], $0x3E80  }
0x36: {  	[sflag:s19] =	ssyncset.done $0x0  }
0x37: {  	s26 =	sadd.s32 $0x1400, s25;
	[sflag:s19] =	ssyncadd.s32 $0xFFFFC180  }
0x38: {  	[spmem:s1] =	stream.indirect.scatter.add.f32 [tilespmem:s17], [sflag:$0x3], $0x80, s26, s16, $0xb8;
	[tilespmem:$0x1E800] =	vst v63  }
0x39: {  	_ =	swait.ge [sflag:s14], $0x3E80  }
0x3a: {  	[sflag:s14] =	ssyncset.done $0x0  }
0x3b: {  	s26 =	sadd.s32 $0x100, s25;
	[sflag:s14] =	ssyncadd.s32 $0xFFFFC180  }
0x3c: {  	[tilespmem:s17], [sflag:$0x1] =	stream.indirect.gather [hbm4b:s4+s16], $0x80, s26, s16, $0xb8;
	[tilespmem:$0x1E800] =	vst v63  }
0x3d: {  	_ =	swait.ge [sflag:s20], $0x3E80  }
.Ltmp0:
0x3e: {  	[sflag:s20] =	ssyncset.done $0x0;
	(pc) =	sbr.rel @p0 .LBB2_2-.Ltmp0, $4  }
0x3f: {  	s25 =	sadd.s32 $0x1480, s25;
	[sflag:s20] =	ssyncadd.s32 $0xFFFFC180  }
0x40: {  	[spmem:s1] =	stream.indirect.scatter.add.f32 [tilespmem:s18], [sflag:$0x3], $0x80, s25, s16, $0xb8;
	[tilespmem:$0x1E800] =	vst v63  }
0x41: {  	_ =	swait.ge [sflag:s14], $0x3E80  }
0x42: {  	s26 =	smov.u32 s30;
	s25 =	sshra.s32 s29, $0x2;
	[sflag:s14] =	ssyncset.done $0x0  }
0x43: {  	s26 =	sadd.s32 $0x80, s25;
	[sflag:s14] =	ssyncadd.s32 $0xFFFFC180  }
0x44: {  	[tilespmem:s18], [sflag:$0x2] =	stream.indirect.gather [hbm4b:s4+s16], $0x80, s26, s16, $0xb8;
	[tilespmem:$0x1E800] =	vst v63  }
0x45: {  	_ =	swait.ge [sflag:s19], $0x3E80  }
0x46: {  	[sflag:s19] =	ssyncset.done $0x0  }
0x47: {  	s29 =	sadd.s32 $0x1400, s25;
	[sflag:s19] =	ssyncadd.s32 $0xFFFFC180  }
0x48: {  	[spmem:s1] =	stream.indirect.scatter.add.f32 [tilespmem:s17], [sflag:$0x3], $0x80, s29, s16, $0xb8;
	[tilespmem:$0x1E800] =	vst v63  }
0x49: {  	_ =	swait.ge [sflag:s14], $0x3E80  }
0x4a: {  	[sflag:s14] =	ssyncset.done $0x0  }
0x4b: {  	s30 =	sadd.s32 $0x100, s25;
	[sflag:s14] =	ssyncadd.s32 $0xFFFFC180  }
0x4c: {  	[tilespmem:s17], [sflag:$0x1] =	stream.indirect.gather [hbm4b:s4+s16], $0x80, s30, s16, $0xb8;
	[tilespmem:$0x1E800] =	vst v63  }
0x4d: {  	_ =	swait.ge [sflag:s20], $0x3E80  }
0x4e: {  	[sflag:s20] =	ssyncset.done $0x0  }
0x4f: {  	s31 =	sadd.s32 $0x1480, s25;
	[sflag:s20] =	ssyncadd.s32 $0xFFFFC180  }
0x50: {  	[spmem:s1] =	stream.indirect.scatter.add.f32 [tilespmem:s18], [sflag:$0x3], $0x80, s31, s16, $0xb8;
	[tilespmem:$0x1E800] =	vst v63  }
0x51: {  	_ =	swait.ge [sflag:s14], $0x3E80  }
0x52: {  	[sflag:s14] =	ssyncset.done $0x0  }
0x53: {  	[sflag:s14] =	ssyncadd.s32 $0xFFFFC180  }
0x54: {  	[tilespmem:s18], [sflag:$0x2] =	stream.indirect.gather [hbm4b:s4+s16], $0x80, s21, s16, $0xb8;
	[tilespmem:$0x1E800] =	vst v63  }
0x55: {  	_ =	swait.ge [sflag:s19], $0x3E80  }
0x56: {  	[sflag:s19] =	ssyncset.done $0x0  }
0x57: {  	[sflag:s19] =	ssyncadd.s32 $0xFFFFC180  }
0x58: {  	[spmem:s1] =	stream.indirect.scatter.add.f32 [tilespmem:s17], [sflag:$0x3], $0x80, s22, s16, $0xb8;
	[tilespmem:$0x1E800] =	vst v63  }
0x59: {  	_ =	swait.ge [sflag:s14], $0x3E80  }
0x5a: {  	[sflag:s14] =	ssyncset.done $0x0  }
0x5b: {  	[sflag:s14] =	ssyncadd.s32 $0xFFFFC180  }
0x5c: {  	_ =	swait.ge [sflag:s20], $0x3E80  }
0x5d: {  	[sflag:s20] =	ssyncset.done $0x0  }
0x5e: {  	[sflag:s20] =	ssyncadd.s32 $0xFFFFC180  }
0x5f: {  	[spmem:s1] =	stream.indirect.scatter.add.f32 [tilespmem:s18], [sflag:$0x3], $0x80, s23, s16, $0xb8;
	[tilespmem:$0x1E800] =	vst v63  }
0x60: {  	_ =	swait.ge [sflag:s14], $0x3E80  }
0x61: {  	[sflag:s14] =	ssyncset.done $0x0  }
0x62: {  	s26 =	simm.s32 $0x0;
	[sflag:s14] =	ssyncadd.s32 $0xFFFFC180  }
0x63: {  	[tilespmem:s26], [sflag:$0x3] =	stream.linear.gather [hbm4b:s9+s26], $0x1400, $0x38;
	[tilespmem:$0x1E800] =	vst v63  }
0x64: {  	_ =	swait.ge [sflag:s14], $0x1400  }
0x65: {  	[sflag:s14] =	ssyncset.done $0x0  }
0x66: {  	[sflag:s14] =	ssyncadd.s32 $0xFFFFEC00  }
0x67: {  	[tilespmem:s15], [sflag:$0x3] =	stream.linear.gather [hbm4b:s10+s26], $0x1400, $0x38;
	[tilespmem:$0x1E800] =	vst v63  }
0x68: {  	_ =	swait.ge [sflag:s14], $0x1400  }
0x69: {  	[sflag:s14] =	ssyncset.done $0x0  }
0x6a: {  	[sflag:s14] =	ssyncadd.s32 $0xFFFFEC00  }
0x6b: {  	[tilespmem:s17], [sflag:$0x1] =	stream.indirect.gather [hbm4b:s4+s16], $0x80, s26, s16, $0xb8;
	[tilespmem:$0x1E800] =	vst v63  }
0x6c: {  	s28 =	simm.s32 $0x80  }
0x6d: {  	[tilespmem:s18], [sflag:$0x2] =	stream.indirect.gather [hbm4b:s4+s16], $0x80, s28, s16, $0xb8;
	[tilespmem:$0x1E800] =	vst v63  }
0x6e: {  	_ =	swait.ge [sflag:s19], $0x3E80  }
0x6f: {  	[sflag:s19] =	ssyncset.done $0x0  }
0x70: {  	s29 =	simm.s32 $0x1400;
	[sflag:s19] =	ssyncadd.s32 $0xFFFFC180  }
0x71: {  	[spmem:s1] =	stream.indirect.scatter.add.f32 [tilespmem:s17], [sflag:$0x3], $0x80, s29, s16, $0xb8;
	[tilespmem:$0x1E800] =	vst v63  }
0x72: {  	_ =	swait.ge [sflag:s14], $0x3E80  }
0x73: {  	[sflag:s14] =	ssyncset.done $0x0  }
0x74: {  	s30 =	simm.s32 $0x100;
	[sflag:s14] =	ssyncadd.s32 $0xFFFFC180  }
0x75: {  	[tilespmem:s17], [sflag:$0x1] =	stream.indirect.gather [hbm4b:s4+s16], $0x80, s30, s16, $0xb8;
	[tilespmem:$0x1E800] =	vst v63  }
0x76: {  	_ =	swait.ge [sflag:s20], $0x3E80  }
0x77: {  	[sflag:s20] =	ssyncset.done $0x0  }
0x78: {  	s31 =	simm.s32 $0x1480;
	[sflag:s20] =	ssyncadd.s32 $0xFFFFC180  }
0x79: {  	[spmem:s1] =	stream.indirect.scatter.add.f32 [tilespmem:s18], [sflag:$0x3], $0x80, s31, s16, $0xb8;
	[tilespmem:$0x1E800] =	vst v63  }
0x7a: {  	_ =	swait.ge [sflag:s14], $0x3E80  }
0x7b: {  	s25 =	simm.s32 $0x100;
	s26 =	simm.s32 $0x800;
	[sflag:s14] =	ssyncset.done $0x0  }
.LBB2_4:
0x7c: {  	s28 =	sadd.s32 $0x80, s25  }
0x7d: {  	[sflag:s14] =	ssyncadd.s32 $0xFFFFC180;
	s29 =	smov.u32 s26;
	s30 =	sadd.s32 $0x400, s26  }
0x7e: {  	[tilespmem:s18], [sflag:$0x2] =	stream.indirect.gather [hbm4b:s4+s16], $0x80, s28, s16, $0xb8;
	[tilespmem:$0x1E800] =	vst v63  }
0x7f: {  	p0 =	sne.s32 s26, $0x4800;
	_ =	swait.ge [sflag:s19], $0x3E80  }
0x80: {  	[sflag:s19] =	ssyncset.done $0x0  }
0x81: {  	s26 =	sadd.s32 $0x1400, s25;
	[sflag:s19] =	ssyncadd.s32 $0xFFFFC180  }
0x82: {  	[spmem:s1] =	stream.indirect.scatter.add.f32 [tilespmem:s17], [sflag:$0x3], $0x80, s26, s16, $0xb8;
	[tilespmem:$0x1E800] =	vst v63  }
0x83: {  	_ =	swait.ge [sflag:s14], $0x3E80  }
0x84: {  	[sflag:s14] =	ssyncset.done $0x0  }
0x85: {  	s26 =	sadd.s32 $0x100, s25;
	[sflag:s14] =	ssyncadd.s32 $0xFFFFC180  }
0x86: {  	[tilespmem:s17], [sflag:$0x1] =	stream.indirect.gather [hbm4b:s4+s16], $0x80, s26, s16, $0xb8;
	[tilespmem:$0x1E800] =	vst v63  }
0x87: {  	_ =	swait.ge [sflag:s20], $0x3E80  }
.Ltmp1:
0x88: {  	[sflag:s20] =	ssyncset.done $0x0;
	(pc) =	sbr.rel @p0 .LBB2_4-.Ltmp1, $4  }
0x89: {  	s25 =	sadd.s32 $0x1480, s25;
	[sflag:s20] =	ssyncadd.s32 $0xFFFFC180  }
0x8a: {  	[spmem:s1] =	stream.indirect.scatter.add.f32 [tilespmem:s18], [sflag:$0x3], $0x80, s25, s16, $0xb8;
	[tilespmem:$0x1E800] =	vst v63  }
0x8b: {  	_ =	swait.ge [sflag:s14], $0x3E80  }
0x8c: {  	s26 =	smov.u32 s30;
	s25 =	sshra.s32 s29, $0x2;
	[sflag:s14] =	ssyncset.done $0x0  }
0x8d: {  	s26 =	sadd.s32 $0x80, s25;
	[sflag:s14] =	ssyncadd.s32 $0xFFFFC180  }
0x8e: {  	[tilespmem:s18], [sflag:$0x2] =	stream.indirect.gather [hbm4b:s4+s16], $0x80, s26, s16, $0xb8;
	[tilespmem:$0x1E800] =	vst v63  }
0x8f: {  	_ =	swait.ge [sflag:s19], $0x3E80  }
0x90: {  	[sflag:s19] =	ssyncset.done $0x0  }
0x91: {  	s29 =	sadd.s32 $0x1400, s25;
	[sflag:s19] =	ssyncadd.s32 $0xFFFFC180  }
0x92: {  	[spmem:s1] =	stream.indirect.scatter.add.f32 [tilespmem:s17], [sflag:$0x3], $0x80, s29, s16, $0xb8;
	[tilespmem:$0x1E800] =	vst v63  }
0x93: {  	_ =	swait.ge [sflag:s14], $0x3E80  }
0x94: {  	[sflag:s14] =	ssyncset.done $0x0  }
0x95: {  	s30 =	sadd.s32 $0x100, s25;
	[sflag:s14] =	ssyncadd.s32 $0xFFFFC180  }
0x96: {  	[tilespmem:s17], [sflag:$0x1] =	stream.indirect.gather [hbm4b:s4+s16], $0x80, s30, s16, $0xb8;
	[tilespmem:$0x1E800] =	vst v63  }
0x97: {  	_ =	swait.ge [sflag:s20], $0x3E80  }
0x98: {  	[sflag:s20] =	ssyncset.done $0x0  }
0x99: {  	s31 =	sadd.s32 $0x1480, s25;
	[sflag:s20] =	ssyncadd.s32 $0xFFFFC180  }
0x9a: {  	[spmem:s1] =	stream.indirect.scatter.add.f32 [tilespmem:s18], [sflag:$0x3], $0x80, s31, s16, $0xb8;
	[tilespmem:$0x1E800] =	vst v63  }
0x9b: {  	_ =	swait.ge [sflag:s14], $0x3E80  }
0x9c: {  	[sflag:s14] =	ssyncset.done $0x0  }
0x9d: {  	[sflag:s14] =	ssyncadd.s32 $0xFFFFC180  }
0x9e: {  	[tilespmem:s18], [sflag:$0x2] =	stream.indirect.gather [hbm4b:s4+s16], $0x80, s21, s16, $0xb8;
	[tilespmem:$0x1E800] =	vst v63  }
0x9f: {  	_ =	swait.ge [sflag:s19], $0x3E80  }
0xa0: {  	[sflag:s19] =	ssyncset.done $0x0  }
0xa1: {  	[sflag:s19] =	ssyncadd.s32 $0xFFFFC180  }
0xa2: {  	[spmem:s1] =	stream.indirect.scatter.add.f32 [tilespmem:s17], [sflag:$0x3], $0x80, s22, s16, $0xb8;
	[tilespmem:$0x1E800] =	vst v63  }
0xa3: {  	_ =	swait.ge [sflag:s14], $0x3E80  }
0xa4: {  	[sflag:s14] =	ssyncset.done $0x0  }
0xa5: {  	[sflag:s14] =	ssyncadd.s32 $0xFFFFC180  }
0xa6: {  	_ =	swait.ge [sflag:s20], $0x3E80  }
0xa7: {  	[sflag:s20] =	ssyncset.done $0x0  }
0xa8: {  	[sflag:s20] =	ssyncadd.s32 $0xFFFFC180  }
0xa9: {  	[spmem:s1] =	stream.indirect.scatter.add.f32 [tilespmem:s18], [sflag:$0x3], $0x80, s23, s16, $0xb8;
	[tilespmem:$0x1E800] =	vst v63  }
0xaa: {  	_ =	swait.ge [sflag:s14], $0x3E80  }
0xab: {  	s24 =	sadd.s32 $0x1, s24;
	[sflag:s14] =	ssyncset.done $0x0  }
0xac: {  	p0 =	sne.s32 s24, s6;
	[sflag:s14] =	ssyncadd.s32 $0xFFFFC180  }
.Ltmp2:
0xad: {  	[bflag:$0x0] =	sbarrier.arrive $0xFFFF;
	(pc) =	sbr.rel @p0 .LBB2_1-.Ltmp2, $4  }
0xae: {  	[hbm:s5], [sflag:s12] =	dma.local [spmem:s13], $0x2800  }
0xaf: {  	_ =	swait.ge [sflag:s14], $0x2800  }
0xb0: {  	[sflag:s14] =	ssyncset.done $0x0  }
0xb1: {  	[sflag:s14] =	ssyncadd.s32 $0xFFFFD800  }
0xb2: {  	_ =	sfence.sel $0x180000  }
0xb3: {  	[bflag:$0x0] =	sbarrier.arrive $0xFFFF  }
0xb4: {  	p0 =	sne.s32 s2, $0x0;
	_ =	strace $0x90000050  }
0xb5: {  	s0 =	sadd.s32 @!p0 $0x100000, s0;
	[bflag:$0x2] =	sbarrier.arrive $0xFFFF  }
0xb6: {  	[sflag:s0] =	ssyncadd.tile.s32 @!p0 $0x1;
	_ =	shalt  }
.Lfunc_end2:
_tile_overlayer_lowered:
.L_overlay_start_2:
0xb7: {  	(tag) =	ssettag $0x2  }
0xb8: {  	s0 =	rddreg [dreg:$0x0];
	s2 =	stileid.u32  }
0xb9: {  	s1 =	rddreg [dreg:$0x1];
	p0 =	sne.s32 s2, $0x0  }
0xba: {  	s3 =	rddreg [dreg:$0x2];
	[bflag:$0x3] =	sbarrier.arrive $0xFFFF;
	s2 =	simm.s32 @!p0 $0x1C03  }
0xbb: {  	[timem:s3], [sflag:s2] =	dma.local @!p0 [hbm:s0], s1  }
0xbc: {  	s0 =	simm.s32 @!p0 $0x3  }
0xbd: {  	_ =	swait.ge @!p0 [sflag:s0], s1  }
0xbe: {  	s1 =	ssub.s32 @!p0 $0x0, s1;
	[sflag:s0] =	ssyncset.done @!p0 $0x0  }
0xbf: {  	[sflag:s0] =	ssyncadd.s32 @!p0 s1  }
0xc0: {  	[bflag:$0x3] =	sbarrier.arrive $0xFFFF  }
0xc1: {  	_ =	shalt  }

// kernel: kernel.27.cloned.1.call-start
scs
__scs_entry_jumppad:
0x0: {  	(pc) =	sbr.rel $0x88, $3  }
0x1: {  	(tag) =	ssettag $0x0;
	lr =	simm.s32 $0x1  }
0x2: {  	[smem:$0x3F8E] =	sst lr;
	_ =	strace $0xD0000000  }
0x3: {  	_ = 	snop  }
0x4: {  	_ = 	snop  }
0x5: {  	_ = 	snop  }
0x6: {  	_ = 	snop  }
0x7: {  	_ = 	snop  }
__scs_overlays_trampoline_lowered:
0x8: {  	[smem:$0x3F9D] =	sst s0  }
0x9: {  	[smem:$0x3F9E] =	sst s1  }
0xa: {  	[smem:$0x3F9F] =	sst s2  }
0xb: {  	[smem:$0x3FA0] =	sst s3  }
0xc: {  	[smem:$0x3FA1] =	sst s4  }
0xd: {  	[smem:$0x3FA2] =	sst s5  }
0xe: {  	[smem:$0x3FA3] =	sst s6  }
0xf: {  	[smem:$0x3FA4] =	sst s7  }
0x10: {  	[smem:$0x3FA5] =	sst s8  }
0x11: {  	[smem:$0x3FA6] =	sst s9;
	s0 =	simm.s32 @!p0 $0x0  }
0x12: {  	s1 =	sld [smem:$0x3F8C];
	s0 =	simm.s32 @p0 $0x1  }
0x13: {  	[smem:$0x3FA7] =	sst s0;
	s0 =	simm.s32 @!p1 $0x0  }
0x14: {  	s2 =	sld [smem:$0x3F8B];
	s0 =	simm.s32 @p1 $0x1  }
0x15: {  	[smem:$0x3FA8] =	sst s0;
	s0 =	simm.s32 @!p2 $0x0  }
0x16: {  	s3 =	sld [smem:$0x3FDB];
	s0 =	simm.s32 @p2 $0x1  }
0x17: {  	s4 =	simm.s32 $0x1BF5;
	[smem:$0x3FAA] =	sst s0  }
0x18: {  	s0 =	sld [smem:$0x3F8D];
	_ =	swait.ge [sflag:s4], $0x0  }
0x19: {  	s7 =	sld [smem:$0x3F8E]  }
0x1a: {  	s8 =	sadd.s32 $0xFFFFE003, lr  }
0x1b: {  	s9 =	sadd.s32 $0xFFFFFEF7, lr;
	s5 =	simm.s32 $0xFFFFFFFF;
	p2 =	slt.u32 s8, $0xFFFFF086  }
0x1c: {  	p1 =	slt.u32 s9, $0xF7A;
	s5 =	simm.s32 @!p2 $0x0  }
0x1d: {  	s5 =	simm.s32 @p1 $0x1;
	p0 =	seq.s32 s7, s2  }
0x1e: {  	s7 =	smul.u32 @!p0 $0xF7A, s2;
	p2 =	seq.s32 @!p0 s5, $0x0  }
0x1f: {  	s9 =	smul.u32 $0xF7A, s1;
	s8 =	simm.s32 @!p0 $0x1BF5;
	p2 =	por !p2, p0  }
0x20: {  	[sflag:s8] =	ssyncset.s32 @!p0 $0xFFFFF086;
	s6 =	sadd.s32 @!p0 s3, s7;
	s7 =	simm.s32 @!p0 $0x108  }
0x21: {  	s3 =	sadd.s32 s3, s9;
	s6 =	sadd.s32 @!p0 $0x88, s6;
	s7 =	simm.s32 @p2 $0x1082  }
0x22: {  	[simem:s7], [sflag:s8] =	dma.local @!p0 [hbm:s6], $0xF7A  }
0x23: {  	s9 =	sor.u32 $0xD0000000, s2;
	s6 =	simm.s32 $0x108;
	_ =	swait.ge @!p0 [sflag:s8], $0x0  }
0x24: {  	s3 =	sadd.s32 $0x88, s3;
	s6 =	simm.s32 @!p1 $0x1082;
	[sflag:s4] =	ssyncset.s32 $0xFFFFF086  }
0x25: {  	[simem:s6], [sflag:s4] =	dma.local [hbm:s3], $0xF7A  }
0x26: {  	[smem:$0x3F8E] =	sst s1;
	(tag) =	ssettag s2;
	_ =	strace s9  }
0x27: {  	s1 =	sld [smem:$0x3F9E]  }
0x28: {  	s2 =	sld [smem:$0x3F9F]  }
0x29: {  	s4 =	sld [smem:$0x3FA1]  }
0x2a: {  	p0 =	seq.s32 s5, $0x0;
	s5 =	sld [smem:$0x3FA2]  }
0x2b: {  	s6 =	sld [smem:$0x3FA3]  }
0x2c: {  	s7 =	sld [smem:$0x3FA4]  }
0x2d: {  	s3 =	simm.s32 $0x108;
	s8 =	sld [smem:$0x3FA5]  }
0x2e: {  	s3 =	simm.s32 @!p0 $0x1082;
	s9 =	sld [smem:$0x3FA6]  }
0x2f: {  	lr =	sadd.s32 s0, s3;
	s0 =	sld [smem:$0x3F9D]  }
0x30: {  	s3 =	sld [smem:$0x3FA0]  }
0x31: {  	[smem:$0x3FA9] =	sst s10  }
0x32: {  	s10 =	sld [smem:$0x3FA7];
	_ =	sdelay $0x3  }
0x33: {  	p0 =	seq.s32 s10, $0x1;
	s10 =	sld [smem:$0x3FA9];
	_ =	sdelay $0x3  }
0x34: {  	[smem:$0x3FA9] =	sst s10  }
0x35: {  	s10 =	sld [smem:$0x3FA8];
	_ =	sdelay $0x3  }
0x36: {  	p1 =	seq.s32 s10, $0x1;
	s10 =	sld [smem:$0x3FA9];
	_ =	sdelay $0x3  }
0x37: {  	[smem:$0x3FA9] =	sst s10  }
0x38: {  	s10 =	sld [smem:$0x3FAA]  }
0x39: {  	_ = 	snop;
	(pc) =	sbr.ind lr, $3  }
0x3a: {  	_ = 	snop  }
0x3b: {  	_ = 	snop  }
0x3c: {  	p2 =	seq.s32 s10, $0x1;
	s10 =	sld [smem:$0x3FA9]  }
0x3d: {  	_ =	shalt  }
0x3e: {  	_ =	shalt  }
0x3f: {  	_ =	shalt  }
0x40: {  	_ =	shalt  }
0x41: {  	_ =	shalt  }
0x42: {  	_ =	shalt  }
0x43: {  	_ =	shalt  }
0x44: {  	_ =	shalt  }
0x45: {  	_ =	shalt  }
0x46: {  	_ =	shalt  }
0x47: {  	_ =	shalt  }
0x48: {  	_ =	shalt  }
0x49: {  	_ =	shalt  }
0x4a: {  	_ =	shalt  }
0x4b: {  	_ =	shalt  }
0x4c: {  	_ =	shalt  }
0x4d: {  	_ =	shalt  }
0x4e: {  	_ =	shalt  }
0x4f: {  	_ =	shalt  }
0x50: {  	_ =	shalt  }
0x51: {  	_ =	shalt  }
0x52: {  	_ =	shalt  }
0x53: {  	_ =	shalt  }
0x54: {  	_ =	shalt  }
0x55: {  	_ =	shalt  }
0x56: {  	_ =	shalt  }
0x57: {  	_ =	shalt  }
0x58: {  	_ =	shalt  }
0x59: {  	_ =	shalt  }
0x5a: {  	_ =	shalt  }
0x5b: {  	_ =	shalt  }
0x5c: {  	_ =	shalt  }
0x5d: {  	_ =	shalt  }
0x5e: {  	_ =	shalt  }
0x5f: {  	_ =	shalt  }
0x60: {  	_ =	shalt  }
0x61: {  	_ =	shalt  }
0x62: {  	_ =	shalt  }
0x63: {  	_ =	shalt  }
0x64: {  	_ =	shalt  }
0x65: {  	_ =	shalt  }
0x66: {  	_ =	shalt  }
0x67: {  	_ =	shalt  }
0x68: {  	_ =	shalt  }
0x69: {  	_ =	shalt  }
0x6a: {  	_ =	shalt  }
0x6b: {  	_ =	shalt  }
0x6c: {  	_ =	shalt  }
0x6d: {  	_ =	shalt  }
0x6e: {  	_ =	shalt  }
0x6f: {  	_ =	shalt  }
0x70: {  	_ =	shalt  }
0x71: {  	_ =	shalt  }
0x72: {  	_ =	shalt  }
0x73: {  	_ =	shalt  }
0x74: {  	_ =	shalt  }
0x75: {  	_ =	shalt  }
0x76: {  	_ =	shalt  }
0x77: {  	_ =	shalt  }
0x78: {  	_ =	shalt  }
0x79: {  	_ =	shalt  }
0x7a: {  	_ =	shalt  }
0x7b: {  	_ =	shalt  }
0x7c: {  	_ =	shalt  }
0x7d: {  	_ =	shalt  }
0x7e: {  	_ =	shalt  }
0x7f: {  	_ =	shalt  }
0x80: {  	_ =	shalt  }
0x81: {  	_ =	shalt  }
0x82: {  	_ =	shalt  }
0x83: {  	_ =	shalt  }
0x84: {  	_ =	shalt  }
0x85: {  	_ =	shalt  }
0x86: {  	_ =	shalt  }
0x87: {  	_ =	shalt  }
.Lfunc_end0:
.L_simem_size_0:
called_computation.4_lowered:
.L_overlay_start_0:
0x88: {  	s2 =	sld [smem:$0x3FD9]  }
0x89: {  	s3 =	sld [smem:$0x3FFE];
	_ =	sdelay $0x1  }
0x8a: {  	s1 =	srdreg.scid  }
0x8b: {  	s0 =	sand.u32 $0x1, s1  }
0x8c: {  	s16 =	sshll.u32 s0, $0xA;
	s2 =	sadd.s32 s3, s2  }
0x8d: {  	s2 =	sadd.s32 s2, s16  }
0x8e: {  	[smem:$0x3FB5] =	sst s2  }
0x8f: {  	_ = 	snop  }
0x90: {  	(tm) =	ssettm $0x1  }
0x91: {  	s17 =	sld [smem:$0x3FFB];
	_ =	sdelay $0x3  }
0x92: {  	_ =	strace s17  }
0x93: {  	s2 =	sld [smem:$0x3FFC];
	_ =	sdelay $0x3  }
0x94: {  	_ =	strace s2  }
0x95: {  	s2 =	sld [smem:$0x3FFD];
	_ =	sdelay $0x3  }
0x96: {  	_ =	strace s2  }
0x97: {  	_ =	strace $0x8FFFFFFF  }
0x98: {  	s18 =	sld [smem:$0x3FDB];
	_ =	sdelay $0x1  }
0x99: {  	s19 =	simm.s32 $_scs_section_size  }
0x9a: {  	s4 =	simm.s32 $_size__tile_overlayer_lowered;
	s5 =	simm.s32 $_tile_overlayer_lowered  }
0x9b: {  	s22 =	simm.s32 $0x1BFF;
	s21 =	sshll.u32 s5, $0x1;
	s2 =	sadd.s32 s19, s18  }
0x9c: {  	s6 =	simm.s32 $0x0;
	s20 =	sshll.u32 s4, $0x1;
	s4 =	sadd.s32 s21, s2  }
0x9d: {  	[timem:s6], [sflag:s22] =	dma.local [hbm:s4], s20  }
0x9e: {  	_ =	swait.ge [sflag:s22], s20  }
0x9f: {  	s3 =	ssub.s32 $0x0, s20;
	[sflag:s22] =	ssyncset.done $0x0  }
0xa0: {  	[sflag:s22] =	ssyncadd.s32 s3;
	_ =	sdelay $0x1  }
0xa1: {  	s23 =	simm.s32 $0x1B8B  }
0xa2: {  	_ =	swait.ge [sflag:s23], $0x1  }
0xa3: {  	[sflag:s23] =	ssyncset.done $0x0  }
0xa4: {  	s25 =	simm.s32 $0x1B8E;
	s24 =	sld [smem:$0x3FFE];
	[sflag:s23] =	ssyncadd.s32 $0xFFFFFFFF  }
0xa5: {  	s26 =	simm.s32 $execute0_lowered;
	[smem:$0x3FD2] =	sst s25  }
0xa6: {  	s4 =	sshll.u32 s26, $0x1;
	_ =	strace $0x80000052;
	[dreg:$0x1] =	wrdreg $0xFFFFFFFF  }
0xa7: {  	s28 =	simm.s32 $_size_execute0_lowered;
	s2 =	sadd.s32 s2, s4;
	[dreg:$0x0] =	wrdreg $0x0  }
0xa8: {  	s4 =	sshll.u32 s28, $0x1;
	[dreg:$0x2] =	wrdreg s2  }
0xa9: {  	[dreg:$0x3] =	wrdreg s4  }
0xaa: {  	[dreg:$0x4] =	wrdreg $0xC0  }
0xab: {  	_ =	task [dreg:s6], $0x5FFFF  }
0xac: {  	[dreg:$0x1] =	wrdreg $0xFFFFFFFF  }
0xad: {  	[dreg:$0x0] =	wrdreg $0x60  }
0xae: {  	[dreg:$0x2] =	wrdreg s24  }
0xaf: {  	[dreg:$0x3] =	wrdreg $0x9  }
0xb0: {  	_ =	task.clear_ibuf [dreg:s6], $0x4FFFF;
	_ =	strace $0x90000052  }
0xb1: {  	s29 =	simm.s32 $0x9;
	_ =	strace $0x80000054  }
0xb2: {  	_ =	swait.ge [sflag:s29], $0x1  }
0xb3: {  	[sflag:s29] =	ssyncadd.s32 $0xFFFFFFFF  }
0xb4: {  	_ =	strace $0x90000054  }
0xb5: {  	_ =	sfence  }
0xb6: {  	s30 =	sld [smem:$0x0];
	_ =	sdelay $0x2  }
0xb7: {  	s31 =	sshll.u32 s1, $0xD;
	s1 =	sshrl.u32 s1, $0x2  }
0xb8: {  	s3 =	sand.u32 $0x4000, s31;
	s1 =	sadd.s32 s1, s30  }
0xb9: {  	s0 =	sor.u32 s3, s0;
	s1 =	sshll.u32 s1, $0x11  }
0xba: {  	s0 =	sor.u32 s1, s0  }
0xbb: {  	s0 =	sadd.s32 $0x8F2B, s0  }
0xbc: {  	[sflag:s0] =	ssyncadd.remote.s32 $0x1  }
0xbd: {  	_ =	sfence.sel $0xFFFF  }
0xbe: {  	[dreg:$0x0] =	wrdreg $0xFFFFFFFF;
	(pc) =	sbr.abs _section_cstart, $3  }
0xbf: {  	[dreg:$0x1] =	wrdreg $0xFFFFFFFF  }
0xc0: {  	_ =	task.clear_ibuf [dreg:s6], $0x2FFFF;
	_ =	strace $0x9FFFFFFF  }
0xc1: {  	(tm) =	ssettm $0x7FFFFFFF  }
tec
execute0_lowered:
.L_overlay_start_1:
0x0: {  	(tag) =	ssettag $0x1  }
0x1: {  	s0 =	srdreg.scid  }
0x2: {  	s2 =	stileid.u32;
	s1 =	rddreg [dreg:$0x0];
	s30 =	simm.s32 $0x400  }
0x3: {  	s31 =	simm.s32 $0x480;
	s28 =	simm.s32 $0x100;
	s29 =	simm.s32 $0x500  }
0x4: {  	p0 =	por $0x0, $0x0;
	s0 =	sand.u32 $0x1, s0;
	s4 =	sshll.u32 s2, $0xA  }
0x5: {  	s2 =	simm.s32 $0x0;
	s6 =	sadd.s32 $0xBBE00, s1;
	s7 =	sadd.s32 $0x13BE00, s1  }
0x6: {  	s3 =	sshll.u32 s0, $0xE;
	[smem:$0x7FF] =	sst s2;
	s0 =	ssub.s32 $0x2, s0  }
0x7: {  	s3 =	sor.u32 s4, s3;
	_ =	strace $0x80000053;
	s23 =	sshrl.u32 s0, $0x1  }
0x8: {  	s4 =	sshrl.u32 s3, $0x3;
	s3 =	sshll.u32 s3, $0x4;
	s0 =	ssub.s32 s0, s23  }
0x9: {  	s23 =	simm.s32 $0x200;
	s4 =	sadd.s32 s4, s1;
	s8 =	sor.u32 $0x3000, s3  }
0xa: {  	s11 =	sor.u32 $0x3800, s3;
	s14 =	sadd.s32 s6, s3;
	s15 =	sadd.s32 s7, s3  }
0xb: {  	s19 =	sor.u32 $0x1800, s3;
	s22 =	sor.u32 $0x2000, s3;
	s0 =	smax.u32 s0, $0x1  }
0xc: {  	s26 =	sor.u32 $0x2800, s3;
	s5 =	sadd.s32 $0xBAE00, s4;
	[dreg:$0x8] =	wrdreg s14  }
0xd: {  	s4 =	sadd.s32 $0xB9E00, s4;
	s9 =	sadd.s32 s6, s8;
	[dreg:$0x9] =	wrdreg s15  }
0xe: {  	s10 =	sadd.s32 s7, s8;
	s12 =	sadd.s32 s6, s11;
	[dreg:$0x2] =	wrdreg s5  }
0xf: {  	s13 =	sadd.s32 s7, s11;
	s8 =	sor.u32 $0x800, s3;
	[dreg:$0x3] =	wrdreg s4  }
0x10: {  	s20 =	sadd.s32 s6, s19;
	s21 =	sadd.s32 s7, s19;
	[dreg:$0x4] =	wrdreg s9  }
0x11: {  	s24 =	sadd.s32 s6, s22;
	s25 =	sadd.s32 s7, s22;
	[dreg:$0x5] =	wrdreg s10  }
0x12: {  	s14 =	sadd.s32 s7, s26;
	s15 =	simm.s32 $0x1;
	[dreg:$0x6] =	wrdreg s12  }
0x13: {  	s11 =	simm.s32 $0x2;
	p1 =	sne.s32 s0, $0x1;
	[dreg:$0x7] =	wrdreg s13  }
0x14: {  	s22 =	simm.s32 $0x680;
	s19 =	simm.s32 $0x300;
	[dreg:$0xe] =	wrdreg s20  }
0x15: {  	s4 =	sadd.s32 $0x5600, s1;
	s16 =	sadd.s32 s6, s8;
	[dreg:$0xf] =	wrdreg s21  }
0x16: {  	s8 =	sadd.s32 s7, s8;
	s9 =	sor.u32 $0x1000, s3;
	[dreg:$0x10] =	wrdreg s24  }
0x17: {  	s5 =	sadd.s32 $0x2D600, s1;
	[dreg:$0x11] =	wrdreg s25;
	s3 =	simm.s32 $0x5  }
0x18: {  	s13 =	simm.s32 $0x80;
	s12 =	simm.s32 $0x800;
	s10 =	simm.s32 $0x3  }
0x19: {  	s25 =	simm.s32 $0x180;
	s24 =	simm.s32 $0x600;
	s1 =	sadd.s32 $0xFFFFFFFF, s0  }
0x1a: {  	s21 =	simm.s32 $0x280;
	s20 =	simm.s32 $0x700;
	[dreg:$0xa] =	wrdreg s16  }
.Ltmp0:
0x1b: {  	[dreg:$0xb] =	wrdreg s8;
	s17 =	sadd.s32 s6, s9;
	(pc) =	sbr.rel @!p1 .LBB2_3-.Ltmp0, $4  }
0x1c: {  	s18 =	sadd.s32 s7, s9;
	s16 =	sadd.s32 s6, s26;
	s9 =	simm.s32 $0x4800  }
0x1d: {  	s7 =	simm.s32 $0x8800;
	s6 =	simm.s32 $0xC800;
	s0 =	rddreg [dreg:$0x2]  }
0x1e: {  	s8 =	simm.s32 $0x4;
	s26 =	simm.s32 $0x580;
	[dreg:$0xc] =	wrdreg s17  }
0x1f: {  	[dreg:$0xd] =	wrdreg s18;
	s17 =	simm.s32 $0x380;
	s18 =	simm.s32 $0x780  }
0x20: {  	[tilespmem:s2], [sflag:$0x5] =	stream.linear.gather [hbm4b:s0+s2], $0x400, $0x38;
	[tilespmem:$0x10800] =	vst v63  }
0x21: {  	_ =	swait.ge [sflag:s3], $0x400  }
0x22: {  	[sflag:s3] =	ssyncset.done $0x0  }
0x23: {  	s0 =	rddreg [dreg:$0x3];
	[sflag:s3] =	ssyncadd.s32 $0xFFFFFC00  }
0x24: {  	[tilespmem:s30], [sflag:$0x5] =	stream.linear.gather [hbm4b:s0+s2], $0x400, $0x38;
	[tilespmem:$0x10800] =	vst v63  }
0x25: {  	_ =	swait.ge [sflag:s3], $0x400  }
0x26: {  	[sflag:s3] =	ssyncset.done $0x0  }
0x27: {  	[sflag:s3] =	ssyncadd.s32 $0xFFFFFC00  }
0x28: {  	[tilespmem:s12], [sflag:$0x1] =	stream.indirect.gather [hbm4b:s4+s13], $0x80, s2, s13, $0xb8;
	[tilespmem:$0x10800] =	vst v63  }
0x29: {  	_ = 	snop  }
0x2a: {  	[tilespmem:s9], [sflag:$0x2] =	stream.indirect.gather [hbm4b:s5+s13], $0x80, s30, s13, $0xb8;
	[tilespmem:$0x10800] =	vst v63  }
0x2b: {  	_ = 	snop  }
0x2c: {  	[tilespmem:s7], [sflag:$0x3] =	stream.indirect.gather [hbm4b:s4+s13], $0x80, s13, s13, $0xb8;
	[tilespmem:$0x10800] =	vst v63  }
0x2d: {  	_ = 	snop  }
0x2e: {  	[tilespmem:s6], [sflag:$0x4] =	stream.indirect.gather [hbm4b:s5+s13], $0x80, s31, s13, $0xb8;
	[tilespmem:$0x10800] =	vst v63  }
0x2f: {  	_ =	swait.ge [sflag:s15], $0x4000  }
0x30: {  	[sflag:s15] =	ssyncset.done $0x0  }
0x31: {  	s0 =	rddreg [dreg:$0x8];
	[sflag:s15] =	ssyncadd.s32 $0xFFFFC000  }
0x32: {  	[hbm4b:s0+s2] =	stream.linear.scatter [tilespmem:s12], [sflag:$0x5], $0x4000, $0x38;
	[tilespmem:$0x10800] =	vst v63  }
0x33: {  	_ =	swait.ge [sflag:s3], $0x4000  }
0x34: {  	[sflag:s3] =	ssyncset.done $0x0  }
0x35: {  	[sflag:s3] =	ssyncadd.s32 $0xFFFFC000  }
0x36: {  	_ =	swait.ge [sflag:s11], $0x4000  }
0x37: {  	[sflag:s11] =	ssyncset.done $0x0  }
0x38: {  	s0 =	rddreg [dreg:$0x9];
	[sflag:s11] =	ssyncadd.s32 $0xFFFFC000  }
0x39: {  	[hbm4b:s0+s2] =	stream.linear.scatter [tilespmem:s9], [sflag:$0x5], $0x4000, $0x38;
	[tilespmem:$0x10800] =	vst v63  }
0x3a: {  	_ =	swait.ge [sflag:s3], $0x4000  }
0x3b: {  	[sflag:s3] =	ssyncset.done $0x0  }
0x3c: {  	[sflag:s3] =	ssyncadd.s32 $0xFFFFC000  }
0x3d: {  	[tilespmem:s12], [sflag:$0x1] =	stream.indirect.gather [hbm4b:s4+s13], $0x80, s28, s13, $0xb8;
	[tilespmem:$0x10800] =	vst v63  }
0x3e: {  	_ = 	snop  }
0x3f: {  	[tilespmem:s9], [sflag:$0x2] =	stream.indirect.gather [hbm4b:s5+s13], $0x80, s29, s13, $0xb8;
	[tilespmem:$0x10800] =	vst v63  }
0x40: {  	_ =	swait.ge [sflag:s10], $0x4000  }
0x41: {  	[sflag:s10] =	ssyncset.done $0x0  }
0x42: {  	s0 =	rddreg [dreg:$0xa];
	[sflag:s10] =	ssyncadd.s32 $0xFFFFC000  }
0x43: {  	[hbm4b:s0+s2] =	stream.linear.scatter [tilespmem:s7], [sflag:$0x5], $0x4000, $0x38;
	[tilespmem:$0x10800] =	vst v63  }
0x44: {  	_ =	swait.ge [sflag:s3], $0x4000  }
0x45: {  	[sflag:s3] =	ssyncset.done $0x0  }
0x46: {  	[sflag:s3] =	ssyncadd.s32 $0xFFFFC000  }
0x47: {  	_ =	swait.ge [sflag:s8], $0x4000  }
0x48: {  	[sflag:s8] =	ssyncset.done $0x0  }
0x49: {  	s0 =	rddreg [dreg:$0xb];
	[sflag:s8] =	ssyncadd.s32 $0xFFFFC000  }
0x4a: {  	[hbm4b:s0+s2] =	stream.linear.scatter [tilespmem:s6], [sflag:$0x5], $0x4000, $0x38;
	[tilespmem:$0x10800] =	vst v63  }
0x4b: {  	_ =	swait.ge [sflag:s3], $0x4000  }
0x4c: {  	[sflag:s3] =	ssyncset.done $0x0  }
0x4d: {  	[sflag:s3] =	ssyncadd.s32 $0xFFFFC000  }
0x4e: {  	[tilespmem:s7], [sflag:$0x3] =	stream.indirect.gather [hbm4b:s4+s13], $0x80, s25, s13, $0xb8;
	[tilespmem:$0x10800] =	vst v63  }
0x4f: {  	_ = 	snop  }
0x50: {  	[tilespmem:s6], [sflag:$0x4] =	stream.indirect.gather [hbm4b:s5+s13], $0x80, s26, s13, $0xb8;
	[tilespmem:$0x10800] =	vst v63  }
0x51: {  	_ =	swait.ge [sflag:s15], $0x4000  }
0x52: {  	[sflag:s15] =	ssyncset.done $0x0  }
0x53: {  	s0 =	rddreg [dreg:$0xc];
	[sflag:s15] =	ssyncadd.s32 $0xFFFFC000  }
0x54: {  	[hbm4b:s0+s2] =	stream.linear.scatter [tilespmem:s12], [sflag:$0x5], $0x4000, $0x38;
	[tilespmem:$0x10800] =	vst v63  }
0x55: {  	_ =	swait.ge [sflag:s3], $0x4000  }
0x56: {  	[sflag:s3] =	ssyncset.done $0x0  }
0x57: {  	[sflag:s3] =	ssyncadd.s32 $0xFFFFC000  }
0x58: {  	_ =	swait.ge [sflag:s11], $0x4000  }
0x59: {  	[sflag:s11] =	ssyncset.done $0x0  }
0x5a: {  	s0 =	rddreg [dreg:$0xd];
	[sflag:s11] =	ssyncadd.s32 $0xFFFFC000  }
0x5b: {  	[hbm4b:s0+s2] =	stream.linear.scatter [tilespmem:s9], [sflag:$0x5], $0x4000, $0x38;
	[tilespmem:$0x10800] =	vst v63  }
0x5c: {  	_ =	swait.ge [sflag:s3], $0x4000  }
0x5d: {  	[sflag:s3] =	ssyncset.done $0x0  }
0x5e: {  	[sflag:s3] =	ssyncadd.s32 $0xFFFFC000  }
0x5f: {  	[tilespmem:s12], [sflag:$0x1] =	stream.indirect.gather [hbm4b:s4+s13], $0x80, s23, s13, $0xb8;
	[tilespmem:$0x10800] =	vst v63  }
0x60: {  	_ = 	snop  }
0x61: {  	[tilespmem:s9], [sflag:$0x2] =	stream.indirect.gather [hbm4b:s5+s13], $0x80, s24, s13, $0xb8;
	[tilespmem:$0x10800] =	vst v63  }
0x62: {  	_ =	swait.ge [sflag:s10], $0x4000  }
0x63: {  	[sflag:s10] =	ssyncset.done $0x0  }
0x64: {  	s0 =	rddreg [dreg:$0xe];
	[sflag:s10] =	ssyncadd.s32 $0xFFFFC000  }
0x65: {  	[hbm4b:s0+s2] =	stream.linear.scatter [tilespmem:s7], [sflag:$0x5], $0x4000, $0x38;
	[tilespmem:$0x10800] =	vst v63  }
0x66: {  	_ =	swait.ge [sflag:s3], $0x4000  }
0x67: {  	[sflag:s3] =	ssyncset.done $0x0  }
0x68: {  	[sflag:s3] =	ssyncadd.s32 $0xFFFFC000  }
0x69: {  	_ =	swait.ge [sflag:s8], $0x4000  }
0x6a: {  	[sflag:s8] =	ssyncset.done $0x0  }
0x6b: {  	s0 =	rddreg [dreg:$0xf];
	[sflag:s8] =	ssyncadd.s32 $0xFFFFC000  }
0x6c: {  	[hbm4b:s0+s2] =	stream.linear.scatter [tilespmem:s6], [sflag:$0x5], $0x4000, $0x38;
	[tilespmem:$0x10800] =	vst v63  }
0x6d: {  	_ =	swait.ge [sflag:s3], $0x4000  }
0x6e: {  	[sflag:s3] =	ssyncset.done $0x0  }
0x6f: {  	[sflag:s3] =	ssyncadd.s32 $0xFFFFC000  }
0x70: {  	[tilespmem:s7], [sflag:$0x3] =	stream.indirect.gather [hbm4b:s4+s13], $0x80, s21, s13, $0xb8;
	[tilespmem:$0x10800] =	vst v63  }
0x71: {  	_ = 	snop  }
0x72: {  	[tilespmem:s6], [sflag:$0x4] =	stream.indirect.gather [hbm4b:s5+s13], $0x80, s22, s13, $0xb8;
	[tilespmem:$0x10800] =	vst v63  }
0x73: {  	_ =	swait.ge [sflag:s15], $0x4000  }
0x74: {  	[sflag:s15] =	ssyncset.done $0x0  }
0x75: {  	s0 =	rddreg [dreg:$0x10];
	[sflag:s15] =	ssyncadd.s32 $0xFFFFC000  }
0x76: {  	[hbm4b:s0+s2] =	stream.linear.scatter [tilespmem:s12], [sflag:$0x5], $0x4000, $0x38;
	[tilespmem:$0x10800] =	vst v63  }
0x77: {  	_ =	swait.ge [sflag:s3], $0x4000  }
0x78: {  	[sflag:s3] =	ssyncset.done $0x0  }
0x79: {  	[sflag:s3] =	ssyncadd.s32 $0xFFFFC000  }
0x7a: {  	_ =	swait.ge [sflag:s11], $0x4000  }
0x7b: {  	[sflag:s11] =	ssyncset.done $0x0  }
0x7c: {  	s0 =	rddreg [dreg:$0x11];
	[sflag:s11] =	ssyncadd.s32 $0xFFFFC000  }
0x7d: {  	[hbm4b:s0+s2] =	stream.linear.scatter [tilespmem:s9], [sflag:$0x5], $0x4000, $0x38;
	[tilespmem:$0x10800] =	vst v63  }
0x7e: {  	_ =	swait.ge [sflag:s3], $0x4000  }
0x7f: {  	[sflag:s3] =	ssyncset.done $0x0  }
0x80: {  	[sflag:s3] =	ssyncadd.s32 $0xFFFFC000  }
0x81: {  	[tilespmem:s12], [sflag:$0x1] =	stream.indirect.gather [hbm4b:s4+s13], $0x80, s19, s13, $0xb8;
	[tilespmem:$0x10800] =	vst v63  }
0x82: {  	_ = 	snop  }
0x83: {  	[tilespmem:s9], [sflag:$0x2] =	stream.indirect.gather [hbm4b:s5+s13], $0x80, s20, s13, $0xb8;
	[tilespmem:$0x10800] =	vst v63  }
0x84: {  	_ =	swait.ge [sflag:s10], $0x4000  }
0x85: {  	[sflag:s10] =	ssyncset.done $0x0  }
0x86: {  	[sflag:s10] =	ssyncadd.s32 $0xFFFFC000  }
0x87: {  	[hbm4b:s16+s2] =	stream.linear.scatter [tilespmem:s7], [sflag:$0x5], $0x4000, $0x38;
	[tilespmem:$0x10800] =	vst v63  }
0x88: {  	_ =	swait.ge [sflag:s3], $0x4000  }
0x89: {  	[sflag:s3] =	ssyncset.done $0x0  }
0x8a: {  	[sflag:s3] =	ssyncadd.s32 $0xFFFFC000  }
0x8b: {  	_ =	swait.ge [sflag:s8], $0x4000  }
0x8c: {  	[sflag:s8] =	ssyncset.done $0x0  }
0x8d: {  	[sflag:s8] =	ssyncadd.s32 $0xFFFFC000  }
0x8e: {  	[hbm4b:s14+s2] =	stream.linear.scatter [tilespmem:s6], [sflag:$0x5], $0x4000, $0x38;
	[tilespmem:$0x10800] =	vst v63  }
0x8f: {  	_ =	swait.ge [sflag:s3], $0x4000  }
0x90: {  	[sflag:s3] =	ssyncset.done $0x0  }
0x91: {  	[sflag:s3] =	ssyncadd.s32 $0xFFFFC000  }
0x92: {  	[tilespmem:s7], [sflag:$0x3] =	stream.indirect.gather [hbm4b:s4+s13], $0x80, s17, s13, $0xb8;
	[tilespmem:$0x10800] =	vst v63  }
0x93: {  	_ = 	snop  }
0x94: {  	[tilespmem:s6], [sflag:$0x4] =	stream.indirect.gather [hbm4b:s5+s13], $0x80, s18, s13, $0xb8;
	[tilespmem:$0x10800] =	vst v63  }
0x95: {  	_ =	swait.ge [sflag:s15], $0x4000  }
0x96: {  	[sflag:s15] =	ssyncset.done $0x0  }
0x97: {  	s0 =	rddreg [dreg:$0x4];
	[sflag:s15] =	ssyncadd.s32 $0xFFFFC000  }
0x98: {  	[hbm4b:s0+s2] =	stream.linear.scatter [tilespmem:s12], [sflag:$0x5], $0x4000, $0x38;
	[tilespmem:$0x10800] =	vst v63  }
0x99: {  	_ =	swait.ge [sflag:s3], $0x4000  }
0x9a: {  	[sflag:s3] =	ssyncset.done $0x0  }
0x9b: {  	[sflag:s3] =	ssyncadd.s32 $0xFFFFC000  }
0x9c: {  	_ =	swait.ge [sflag:s11], $0x4000  }
0x9d: {  	[sflag:s11] =	ssyncset.done $0x0  }
0x9e: {  	s0 =	rddreg [dreg:$0x5];
	[sflag:s11] =	ssyncadd.s32 $0xFFFFC000  }
0x9f: {  	[hbm4b:s0+s2] =	stream.linear.scatter [tilespmem:s9], [sflag:$0x5], $0x4000, $0x38;
	[tilespmem:$0x10800] =	vst v63  }
0xa0: {  	_ =	swait.ge [sflag:s3], $0x4000  }
0xa1: {  	[sflag:s3] =	ssyncset.done $0x0  }
0xa2: {  	[sflag:s3] =	ssyncadd.s32 $0xFFFFC000  }
0xa3: {  	_ =	swait.ge [sflag:s10], $0x4000  }
0xa4: {  	[sflag:s10] =	ssyncset.done $0x0  }
0xa5: {  	s0 =	rddreg [dreg:$0x6];
	[sflag:s10] =	ssyncadd.s32 $0xFFFFC000  }
0xa6: {  	[hbm4b:s0+s2] =	stream.linear.scatter [tilespmem:s7], [sflag:$0x5], $0x4000, $0x38;
	[tilespmem:$0x10800] =	vst v63  }
0xa7: {  	_ =	swait.ge [sflag:s3], $0x4000  }
0xa8: {  	[sflag:s3] =	ssyncset.done $0x0  }
0xa9: {  	[sflag:s3] =	ssyncadd.s32 $0xFFFFC000  }
0xaa: {  	p1 =	sne.s32 s1, $0x1;
	_ =	swait.ge [sflag:s8], $0x4000  }
.Ltmp1:
0xab: {  	[sflag:s8] =	ssyncset.done $0x0;
	(pc) =	sbr.rel @!p1 .LBB2_3-.Ltmp1, $4  }
0xac: {  	s0 =	rddreg [dreg:$0x7];
	[sflag:s8] =	ssyncadd.s32 $0xFFFFC000  }
0xad: {  	[hbm4b:s0+s2] =	stream.linear.scatter [tilespmem:s6], [sflag:$0x5], $0x4000, $0x38;
	[tilespmem:$0x10800] =	vst v63  }
0xae: {  	s1 =	sadd.s32 $0xFFFFFFFF, s1;
	_ =	swait.ge [sflag:s3], $0x4000  }
0xaf: {  	p0 =	por $0x1, $0x1;
	s0 =	rddreg [dreg:$0x2];
	[sflag:s3] =	ssyncset.done $0x0  }
.LBB2_2:
0xb0: {  	[sflag:s3] =	ssyncadd.s32 $0xFFFFC000  }
0xb1: {  	[tilespmem:s2], [sflag:$0x5] =	stream.linear.gather [hbm4b:s0+s2], $0x400, $0x38;
	[tilespmem:$0x10800] =	vst v63  }
0xb2: {  	_ =	swait.ge [sflag:s3], $0x400  }
0xb3: {  	[sflag:s3] =	ssyncset.done $0x0  }
0xb4: {  	s0 =	rddreg [dreg:$0x3];
	[sflag:s3] =	ssyncadd.s32 $0xFFFFFC00  }
0xb5: {  	[tilespmem:s30], [sflag:$0x5] =	stream.linear.gather [hbm4b:s0+s2], $0x400, $0x38;
	[tilespmem:$0x10800] =	vst v63  }
0xb6: {  	_ =	swait.ge [sflag:s3], $0x400  }
0xb7: {  	[sflag:s3] =	ssyncset.done $0x0  }
0xb8: {  	[sflag:s3] =	ssyncadd.s32 $0xFFFFFC00  }
0xb9: {  	[tilespmem:s12], [sflag:$0x1] =	stream.indirect.gather [hbm4b:s4+s13], $0x80, s2, s13, $0xb8;
	[tilespmem:$0x10800] =	vst v63  }
0xba: {  	_ = 	snop  }
0xbb: {  	[tilespmem:s9], [sflag:$0x2] =	stream.indirect.gather [hbm4b:s5+s13], $0x80, s30, s13, $0xb8;
	[tilespmem:$0x10800] =	vst v63  }
0xbc: {  	_ = 	snop  }
0xbd: {  	[tilespmem:s7], [sflag:$0x3] =	stream.indirect.gather [hbm4b:s4+s13], $0x80, s13, s13, $0xb8;
	[tilespmem:$0x10800] =	vst v63  }
0xbe: {  	_ = 	snop  }
0xbf: {  	[tilespmem:s6], [sflag:$0x4] =	stream.indirect.gather [hbm4b:s5+s13], $0x80, s31, s13, $0xb8;
	[tilespmem:$0x10800] =	vst v63  }
0xc0: {  	_ =	swait.ge [sflag:s15], $0x4000  }
0xc1: {  	[sflag:s15] =	ssyncset.done $0x0  }
0xc2: {  	s0 =	rddreg [dreg:$0x8];
	[sflag:s15] =	ssyncadd.s32 $0xFFFFC000  }
0xc3: {  	[hbm4b:s0+s2] =	stream.linear.scatter [tilespmem:s12], [sflag:$0x5], $0x4000, $0x38;
	[tilespmem:$0x10800] =	vst v63  }
0xc4: {  	_ =	swait.ge [sflag:s3], $0x4000  }
0xc5: {  	[sflag:s3] =	ssyncset.done $0x0  }
0xc6: {  	[sflag:s3] =	ssyncadd.s32 $0xFFFFC000  }
0xc7: {  	_ =	swait.ge [sflag:s11], $0x4000  }
0xc8: {  	[sflag:s11] =	ssyncset.done $0x0  }
0xc9: {  	s0 =	rddreg [dreg:$0x9];
	[sflag:s11] =	ssyncadd.s32 $0xFFFFC000  }
0xca: {  	[hbm4b:s0+s2] =	stream.linear.scatter [tilespmem:s9], [sflag:$0x5], $0x4000, $0x38;
	[tilespmem:$0x10800] =	vst v63  }
0xcb: {  	_ =	swait.ge [sflag:s3], $0x4000  }
0xcc: {  	[sflag:s3] =	ssyncset.done $0x0  }
0xcd: {  	[sflag:s3] =	ssyncadd.s32 $0xFFFFC000  }
0xce: {  	[tilespmem:s12], [sflag:$0x1] =	stream.indirect.gather [hbm4b:s4+s13], $0x80, s28, s13, $0xb8;
	[tilespmem:$0x10800] =	vst v63  }
0xcf: {  	_ = 	snop  }
0xd0: {  	[tilespmem:s9], [sflag:$0x2] =	stream.indirect.gather [hbm4b:s5+s13], $0x80, s29, s13, $0xb8;
	[tilespmem:$0x10800] =	vst v63  }
0xd1: {  	_ =	swait.ge [sflag:s10], $0x4000  }
0xd2: {  	[sflag:s10] =	ssyncset.done $0x0  }
0xd3: {  	s0 =	rddreg [dreg:$0xa];
	[sflag:s10] =	ssyncadd.s32 $0xFFFFC000  }
0xd4: {  	[hbm4b:s0+s2] =	stream.linear.scatter [tilespmem:s7], [sflag:$0x5], $0x4000, $0x38;
	[tilespmem:$0x10800] =	vst v63  }
0xd5: {  	_ =	swait.ge [sflag:s3], $0x4000  }
0xd6: {  	[sflag:s3] =	ssyncset.done $0x0  }
0xd7: {  	[sflag:s3] =	ssyncadd.s32 $0xFFFFC000  }
0xd8: {  	_ =	swait.ge [sflag:s8], $0x4000  }
0xd9: {  	[sflag:s8] =	ssyncset.done $0x0  }
0xda: {  	s0 =	rddreg [dreg:$0xb];
	[sflag:s8] =	ssyncadd.s32 $0xFFFFC000  }
0xdb: {  	[hbm4b:s0+s2] =	stream.linear.scatter [tilespmem:s6], [sflag:$0x5], $0x4000, $0x38;
	[tilespmem:$0x10800] =	vst v63  }
0xdc: {  	_ =	swait.ge [sflag:s3], $0x4000  }
0xdd: {  	[sflag:s3] =	ssyncset.done $0x0  }
0xde: {  	[sflag:s3] =	ssyncadd.s32 $0xFFFFC000  }
0xdf: {  	[tilespmem:s7], [sflag:$0x3] =	stream.indirect.gather [hbm4b:s4+s13], $0x80, s25, s13, $0xb8;
	[tilespmem:$0x10800] =	vst v63  }
0xe0: {  	_ = 	snop  }
0xe1: {  	[tilespmem:s6], [sflag:$0x4] =	stream.indirect.gather [hbm4b:s5+s13], $0x80, s26, s13, $0xb8;
	[tilespmem:$0x10800] =	vst v63  }
0xe2: {  	_ =	swait.ge [sflag:s15], $0x4000  }
0xe3: {  	[sflag:s15] =	ssyncset.done $0x0  }
0xe4: {  	s0 =	rddreg [dreg:$0xc];
	[sflag:s15] =	ssyncadd.s32 $0xFFFFC000  }
0xe5: {  	[hbm4b:s0+s2] =	stream.linear.scatter [tilespmem:s12], [sflag:$0x5], $0x4000, $0x38;
	[tilespmem:$0x10800] =	vst v63  }
0xe6: {  	_ =	swait.ge [sflag:s3], $0x4000  }
0xe7: {  	[sflag:s3] =	ssyncset.done $0x0  }
0xe8: {  	[sflag:s3] =	ssyncadd.s32 $0xFFFFC000  }
0xe9: {  	_ =	swait.ge [sflag:s11], $0x4000  }
0xea: {  	[sflag:s11] =	ssyncset.done $0x0  }
0xeb: {  	s0 =	rddreg [dreg:$0xd];
	[sflag:s11] =	ssyncadd.s32 $0xFFFFC000  }
0xec: {  	[hbm4b:s0+s2] =	stream.linear.scatter [tilespmem:s9], [sflag:$0x5], $0x4000, $0x38;
	[tilespmem:$0x10800] =	vst v63  }
0xed: {  	_ =	swait.ge [sflag:s3], $0x4000  }
0xee: {  	[sflag:s3] =	ssyncset.done $0x0  }
0xef: {  	[sflag:s3] =	ssyncadd.s32 $0xFFFFC000  }
0xf0: {  	[tilespmem:s12], [sflag:$0x1] =	stream.indirect.gather [hbm4b:s4+s13], $0x80, s23, s13, $0xb8;
	[tilespmem:$0x10800] =	vst v63  }
0xf1: {  	_ = 	snop  }
0xf2: {  	[tilespmem:s9], [sflag:$0x2] =	stream.indirect.gather [hbm4b:s5+s13], $0x80, s24, s13, $0xb8;
	[tilespmem:$0x10800] =	vst v63  }
0xf3: {  	_ =	swait.ge [sflag:s10], $0x4000  }
0xf4: {  	[sflag:s10] =	ssyncset.done $0x0  }
0xf5: {  	s0 =	rddreg [dreg:$0xe];
	[sflag:s10] =	ssyncadd.s32 $0xFFFFC000  }
0xf6: {  	[hbm4b:s0+s2] =	stream.linear.scatter [tilespmem:s7], [sflag:$0x5], $0x4000, $0x38;
	[tilespmem:$0x10800] =	vst v63  }
0xf7: {  	_ =	swait.ge [sflag:s3], $0x4000  }
0xf8: {  	[sflag:s3] =	ssyncset.done $0x0  }
0xf9: {  	[sflag:s3] =	ssyncadd.s32 $0xFFFFC000  }
0xfa: {  	_ =	swait.ge [sflag:s8], $0x4000  }
0xfb: {  	[sflag:s8] =	ssyncset.done $0x0  }
0xfc: {  	s0 =	rddreg [dreg:$0xf];
	[sflag:s8] =	ssyncadd.s32 $0xFFFFC000  }
0xfd: {  	[hbm4b:s0+s2] =	stream.linear.scatter [tilespmem:s6], [sflag:$0x5], $0x4000, $0x38;
	[tilespmem:$0x10800] =	vst v63  }
0xfe: {  	_ =	swait.ge [sflag:s3], $0x4000  }
0xff: {  	[sflag:s3] =	ssyncset.done $0x0  }
0x100: {  	[sflag:s3] =	ssyncadd.s32 $0xFFFFC000  }
0x101: {  	[tilespmem:s7], [sflag:$0x3] =	stream.indirect.gather [hbm4b:s4+s13], $0x80, s21, s13, $0xb8;
	[tilespmem:$0x10800] =	vst v63  }
0x102: {  	_ = 	snop  }
0x103: {  	[tilespmem:s6], [sflag:$0x4] =	stream.indirect.gather [hbm4b:s5+s13], $0x80, s22, s13, $0xb8;
	[tilespmem:$0x10800] =	vst v63  }
0x104: {  	_ =	swait.ge [sflag:s15], $0x4000  }
0x105: {  	[sflag:s15] =	ssyncset.done $0x0  }
0x106: {  	s0 =	rddreg [dreg:$0x10];
	[sflag:s15] =	ssyncadd.s32 $0xFFFFC000  }
0x107: {  	[hbm4b:s0+s2] =	stream.linear.scatter [tilespmem:s12], [sflag:$0x5], $0x4000, $0x38;
	[tilespmem:$0x10800] =	vst v63  }
0x108: {  	_ =	swait.ge [sflag:s3], $0x4000  }
0x109: {  	[sflag:s3] =	ssyncset.done $0x0  }
0x10a: {  	[sflag:s3] =	ssyncadd.s32 $0xFFFFC000  }
0x10b: {  	_ =	swait.ge [sflag:s11], $0x4000  }
0x10c: {  	[sflag:s11] =	ssyncset.done $0x0  }
0x10d: {  	s0 =	rddreg [dreg:$0x11];
	[sflag:s11] =	ssyncadd.s32 $0xFFFFC000  }
0x10e: {  	[hbm4b:s0+s2] =	stream.linear.scatter [tilespmem:s9], [sflag:$0x5], $0x4000, $0x38;
	[tilespmem:$0x10800] =	vst v63  }
0x10f: {  	_ =	swait.ge [sflag:s3], $0x4000  }
0x110: {  	[sflag:s3] =	ssyncset.done $0x0  }
0x111: {  	[sflag:s3] =	ssyncadd.s32 $0xFFFFC000  }
0x112: {  	[tilespmem:s12], [sflag:$0x1] =	stream.indirect.gather [hbm4b:s4+s13], $0x80, s19, s13, $0xb8;
	[tilespmem:$0x10800] =	vst v63  }
0x113: {  	_ = 	snop  }
0x114: {  	[tilespmem:s9], [sflag:$0x2] =	stream.indirect.gather [hbm4b:s5+s13], $0x80, s20, s13, $0xb8;
	[tilespmem:$0x10800] =	vst v63  }
0x115: {  	_ =	swait.ge [sflag:s10], $0x4000  }
0x116: {  	[sflag:s10] =	ssyncset.done $0x0  }
0x117: {  	[sflag:s10] =	ssyncadd.s32 $0xFFFFC000  }
0x118: {  	[hbm4b:s16+s2] =	stream.linear.scatter [tilespmem:s7], [sflag:$0x5], $0x4000, $0x38;
	[tilespmem:$0x10800] =	vst v63  }
0x119: {  	_ =	swait.ge [sflag:s3], $0x4000  }
0x11a: {  	[sflag:s3] =	ssyncset.done $0x0  }
0x11b: {  	[sflag:s3] =	ssyncadd.s32 $0xFFFFC000  }
0x11c: {  	_ =	swait.ge [sflag:s8], $0x4000  }
0x11d: {  	[sflag:s8] =	ssyncset.done $0x0  }
0x11e: {  	[sflag:s8] =	ssyncadd.s32 $0xFFFFC000  }
0x11f: {  	[hbm4b:s14+s2] =	stream.linear.scatter [tilespmem:s6], [sflag:$0x5], $0x4000, $0x38;
	[tilespmem:$0x10800] =	vst v63  }
0x120: {  	_ =	swait.ge [sflag:s3], $0x4000  }
0x121: {  	[sflag:s3] =	ssyncset.done $0x0  }
0x122: {  	[sflag:s3] =	ssyncadd.s32 $0xFFFFC000  }
0x123: {  	[tilespmem:s7], [sflag:$0x3] =	stream.indirect.gather [hbm4b:s4+s13], $0x80, s17, s13, $0xb8;
	[tilespmem:$0x10800] =	vst v63  }
0x124: {  	_ = 	snop  }
0x125: {  	[tilespmem:s6], [sflag:$0x4] =	stream.indirect.gather [hbm4b:s5+s13], $0x80, s18, s13, $0xb8;
	[tilespmem:$0x10800] =	vst v63  }
0x126: {  	_ =	swait.ge [sflag:s15], $0x4000  }
0x127: {  	[sflag:s15] =	ssyncset.done $0x0  }
0x128: {  	s0 =	rddreg [dreg:$0x4];
	[sflag:s15] =	ssyncadd.s32 $0xFFFFC000  }
0x129: {  	[hbm4b:s0+s2] =	stream.linear.scatter [tilespmem:s12], [sflag:$0x5], $0x4000, $0x38;
	[tilespmem:$0x10800] =	vst v63  }
0x12a: {  	_ =	swait.ge [sflag:s3], $0x4000  }
0x12b: {  	[sflag:s3] =	ssyncset.done $0x0  }
0x12c: {  	[sflag:s3] =	ssyncadd.s32 $0xFFFFC000  }
0x12d: {  	_ =	swait.ge [sflag:s11], $0x4000  }
0x12e: {  	[sflag:s11] =	ssyncset.done $0x0  }
0x12f: {  	s0 =	rddreg [dreg:$0x5];
	[sflag:s11] =	ssyncadd.s32 $0xFFFFC000  }
0x130: {  	[hbm4b:s0+s2] =	stream.linear.scatter [tilespmem:s9], [sflag:$0x5], $0x4000, $0x38;
	[tilespmem:$0x10800] =	vst v63  }
0x131: {  	_ =	swait.ge [sflag:s3], $0x4000  }
0x132: {  	[sflag:s3] =	ssyncset.done $0x0  }
0x133: {  	[sflag:s3] =	ssyncadd.s32 $0xFFFFC000  }
0x134: {  	_ =	swait.ge [sflag:s10], $0x4000  }
0x135: {  	[sflag:s10] =	ssyncset.done $0x0  }
0x136: {  	s0 =	rddreg [dreg:$0x6];
	[sflag:s10] =	ssyncadd.s32 $0xFFFFC000  }
0x137: {  	[hbm4b:s0+s2] =	stream.linear.scatter [tilespmem:s7], [sflag:$0x5], $0x4000, $0x38;
	[tilespmem:$0x10800] =	vst v63  }
0x138: {  	_ =	swait.ge [sflag:s3], $0x4000  }
0x139: {  	[sflag:s3] =	ssyncset.done $0x0  }
0x13a: {  	[sflag:s3] =	ssyncadd.s32 $0xFFFFC000  }
0x13b: {  	p1 =	sne.s32 s1, $0x1;
	_ =	swait.ge [sflag:s8], $0x4000  }
.Ltmp2:
0x13c: {  	[sflag:s8] =	ssyncset.done $0x0;
	(pc) =	sbr.rel @p1 .LBB2_2-.Ltmp2, $4  }
0x13d: {  	s0 =	rddreg [dreg:$0x7];
	[sflag:s8] =	ssyncadd.s32 $0xFFFFC000  }
0x13e: {  	[hbm4b:s0+s2] =	stream.linear.scatter [tilespmem:s6], [sflag:$0x5], $0x4000, $0x38;
	[tilespmem:$0x10800] =	vst v63  }
0x13f: {  	_ =	swait.ge [sflag:s3], $0x4000  }
0x140: {  	s1 =	sadd.s32 $0xFFFFFFFF, s1;
	s0 =	rddreg [dreg:$0x2];
	[sflag:s3] =	ssyncset.done $0x0  }
.LBB2_3:
0x141: {  	[sflag:s3] =	ssyncadd.s32 @p0 $0xFFFFC000  }
0x142: {  	[tilespmem:s2], [sflag:$0x5] =	stream.linear.gather [hbm4b:s0+s2], $0x400, $0x38;
	[tilespmem:$0x10800] =	vst v63  }
0x143: {  	_ =	swait.ge [sflag:s3], $0x400  }
0x144: {  	[sflag:s3] =	ssyncset.done $0x0  }
0x145: {  	s1 =	rddreg [dreg:$0x3];
	[sflag:s3] =	ssyncadd.s32 $0xFFFFFC00  }
0x146: {  	[tilespmem:s30], [sflag:$0x5] =	stream.linear.gather [hbm4b:s1+s2], $0x400, $0x38;
	[tilespmem:$0x10800] =	vst v63  }
0x147: {  	_ =	swait.ge [sflag:s3], $0x400  }
0x148: {  	[sflag:s3] =	ssyncset.done $0x0  }
0x149: {  	[sflag:s3] =	ssyncadd.s32 $0xFFFFFC00  }
0x14a: {  	[tilespmem:s12], [sflag:$0x1] =	stream.indirect.gather [hbm4b:s4+s13], $0x80, s2, s13, $0xb8;
	[tilespmem:$0x10800] =	vst v63  }
0x14b: {  	_ = 	snop  }
0x14c: {  	[tilespmem:s9], [sflag:$0x2] =	stream.indirect.gather [hbm4b:s5+s13], $0x80, s30, s13, $0xb8;
	[tilespmem:$0x10800] =	vst v63  }
0x14d: {  	_ = 	snop  }
0x14e: {  	[tilespmem:s7], [sflag:$0x3] =	stream.indirect.gather [hbm4b:s4+s13], $0x80, s13, s13, $0xb8;
	[tilespmem:$0x10800] =	vst v63  }
0x14f: {  	_ = 	snop  }
0x150: {  	[tilespmem:s6], [sflag:$0x4] =	stream.indirect.gather [hbm4b:s5+s13], $0x80, s31, s13, $0xb8;
	[tilespmem:$0x10800] =	vst v63  }
0x151: {  	_ =	swait.ge [sflag:s15], $0x4000  }
0x152: {  	[sflag:s15] =	ssyncset.done $0x0  }
0x153: {  	s31 =	rddreg [dreg:$0x8];
	[sflag:s15] =	ssyncadd.s32 $0xFFFFC000  }
0x154: {  	[hbm4b:s31+s2] =	stream.linear.scatter [tilespmem:s12], [sflag:$0x5], $0x4000, $0x38;
	[tilespmem:$0x10800] =	vst v63  }
0x155: {  	_ =	swait.ge [sflag:s3], $0x4000  }
0x156: {  	[sflag:s3] =	ssyncset.done $0x0  }
0x157: {  	[sflag:s3] =	ssyncadd.s32 $0xFFFFC000  }
0x158: {  	_ =	swait.ge [sflag:s11], $0x4000  }
0x159: {  	[sflag:s11] =	ssyncset.done $0x0  }
0x15a: {  	s1 =	rddreg [dreg:$0x9];
	[sflag:s11] =	ssyncadd.s32 $0xFFFFC000  }
0x15b: {  	[hbm4b:s1+s2] =	stream.linear.scatter [tilespmem:s9], [sflag:$0x5], $0x4000, $0x38;
	[tilespmem:$0x10800] =	vst v63  }
0x15c: {  	_ =	swait.ge [sflag:s3], $0x4000  }
0x15d: {  	[sflag:s3] =	ssyncset.done $0x0  }
0x15e: {  	[sflag:s3] =	ssyncadd.s32 $0xFFFFC000  }
0x15f: {  	[tilespmem:s12], [sflag:$0x1] =	stream.indirect.gather [hbm4b:s4+s13], $0x80, s28, s13, $0xb8;
	[tilespmem:$0x10800] =	vst v63  }
0x160: {  	_ = 	snop  }
0x161: {  	[tilespmem:s9], [sflag:$0x2] =	stream.indirect.gather [hbm4b:s5+s13], $0x80, s29, s13, $0xb8;
	[tilespmem:$0x10800] =	vst v63  }
0x162: {  	_ =	swait.ge [sflag:s10], $0x4000  }
0x163: {  	[sflag:s10] =	ssyncset.done $0x0  }
0x164: {  	s28 =	rddreg [dreg:$0xa];
	[sflag:s10] =	ssyncadd.s32 $0xFFFFC000  }
0x165: {  	[hbm4b:s28+s2] =	stream.linear.scatter [tilespmem:s7], [sflag:$0x5], $0x4000, $0x38;
	[tilespmem:$0x10800] =	vst v63  }
0x166: {  	_ =	swait.ge [sflag:s3], $0x4000  }
0x167: {  	[sflag:s3] =	ssyncset.done $0x0  }
0x168: {  	[sflag:s3] =	ssyncadd.s32 $0xFFFFC000  }
0x169: {  	_ =	swait.ge [sflag:s8], $0x4000  }
0x16a: {  	[sflag:s8] =	ssyncset.done $0x0  }
0x16b: {  	s29 =	rddreg [dreg:$0xb];
	[sflag:s8] =	ssyncadd.s32 $0xFFFFC000  }
0x16c: {  	[hbm4b:s29+s2] =	stream.linear.scatter [tilespmem:s6], [sflag:$0x5], $0x4000, $0x38;
	[tilespmem:$0x10800] =	vst v63  }
0x16d: {  	_ =	swait.ge [sflag:s3], $0x4000  }
0x16e: {  	[sflag:s3] =	ssyncset.done $0x0  }
0x16f: {  	[sflag:s3] =	ssyncadd.s32 $0xFFFFC000  }
0x170: {  	[tilespmem:s7], [sflag:$0x3] =	stream.indirect.gather [hbm4b:s4+s13], $0x80, s25, s13, $0xb8;
	[tilespmem:$0x10800] =	vst v63  }
0x171: {  	_ = 	snop  }
0x172: {  	[tilespmem:s6], [sflag:$0x4] =	stream.indirect.gather [hbm4b:s5+s13], $0x80, s26, s13, $0xb8;
	[tilespmem:$0x10800] =	vst v63  }
0x173: {  	_ =	swait.ge [sflag:s15], $0x4000  }
0x174: {  	[sflag:s15] =	ssyncset.done $0x0  }
0x175: {  	s30 =	rddreg [dreg:$0xc];
	[sflag:s15] =	ssyncadd.s32 $0xFFFFC000  }
0x176: {  	[hbm4b:s30+s2] =	stream.linear.scatter [tilespmem:s12], [sflag:$0x5], $0x4000, $0x38;
	[tilespmem:$0x10800] =	vst v63  }
0x177: {  	_ =	swait.ge [sflag:s3], $0x4000  }
0x178: {  	[sflag:s3] =	ssyncset.done $0x0  }
0x179: {  	[sflag:s3] =	ssyncadd.s32 $0xFFFFC000  }
0x17a: {  	_ =	swait.ge [sflag:s11], $0x4000  }
0x17b: {  	[sflag:s11] =	ssyncset.done $0x0  }
0x17c: {  	s31 =	rddreg [dreg:$0xd];
	[sflag:s11] =	ssyncadd.s32 $0xFFFFC000  }
0x17d: {  	[hbm4b:s31+s2] =	stream.linear.scatter [tilespmem:s9], [sflag:$0x5], $0x4000, $0x38;
	[tilespmem:$0x10800] =	vst v63  }
0x17e: {  	_ =	swait.ge [sflag:s3], $0x4000  }
0x17f: {  	[sflag:s3] =	ssyncset.done $0x0  }
0x180: {  	[sflag:s3] =	ssyncadd.s32 $0xFFFFC000  }
0x181: {  	[tilespmem:s12], [sflag:$0x1] =	stream.indirect.gather [hbm4b:s4+s13], $0x80, s23, s13, $0xb8;
	[tilespmem:$0x10800] =	vst v63  }
0x182: {  	_ = 	snop  }
0x183: {  	[tilespmem:s9], [sflag:$0x2] =	stream.indirect.gather [hbm4b:s5+s13], $0x80, s24, s13, $0xb8;
	[tilespmem:$0x10800] =	vst v63  }
0x184: {  	_ =	swait.ge [sflag:s10], $0x4000  }
0x185: {  	[sflag:s10] =	ssyncset.done $0x0  }
0x186: {  	s1 =	rddreg [dreg:$0xe];
	[sflag:s10] =	ssyncadd.s32 $0xFFFFC000  }
0x187: {  	[hbm4b:s1+s2] =	stream.linear.scatter [tilespmem:s7], [sflag:$0x5], $0x4000, $0x38;
	[tilespmem:$0x10800] =	vst v63  }
0x188: {  	_ =	swait.ge [sflag:s3], $0x4000  }
0x189: {  	[sflag:s3] =	ssyncset.done $0x0  }
0x18a: {  	[sflag:s3] =	ssyncadd.s32 $0xFFFFC000  }
0x18b: {  	_ =	swait.ge [sflag:s8], $0x4000  }
0x18c: {  	[sflag:s8] =	ssyncset.done $0x0  }
0x18d: {  	s23 =	rddreg [dreg:$0xf];
	[sflag:s8] =	ssyncadd.s32 $0xFFFFC000  }
0x18e: {  	[hbm4b:s23+s2] =	stream.linear.scatter [tilespmem:s6], [sflag:$0x5], $0x4000, $0x38;
	[tilespmem:$0x10800] =	vst v63  }
0x18f: {  	_ =	swait.ge [sflag:s3], $0x4000  }
0x190: {  	[sflag:s3] =	ssyncset.done $0x0  }
0x191: {  	[sflag:s3] =	ssyncadd.s32 $0xFFFFC000  }
0x192: {  	[tilespmem:s7], [sflag:$0x3] =	stream.indirect.gather [hbm4b:s4+s13], $0x80, s21, s13, $0xb8;
	[tilespmem:$0x10800] =	vst v63  }
0x193: {  	_ = 	snop  }
0x194: {  	[tilespmem:s6], [sflag:$0x4] =	stream.indirect.gather [hbm4b:s5+s13], $0x80, s22, s13, $0xb8;
	[tilespmem:$0x10800] =	vst v63  }
0x195: {  	_ =	swait.ge [sflag:s15], $0x4000  }
0x196: {  	[sflag:s15] =	ssyncset.done $0x0  }
0x197: {  	s24 =	rddreg [dreg:$0x10];
	[sflag:s15] =	ssyncadd.s32 $0xFFFFC000  }
0x198: {  	[hbm4b:s24+s2] =	stream.linear.scatter [tilespmem:s12], [sflag:$0x5], $0x4000, $0x38;
	[tilespmem:$0x10800] =	vst v63  }
0x199: {  	_ =	swait.ge [sflag:s3], $0x4000  }
0x19a: {  	[sflag:s3] =	ssyncset.done $0x0  }
0x19b: {  	[sflag:s3] =	ssyncadd.s32 $0xFFFFC000  }
0x19c: {  	_ =	swait.ge [sflag:s11], $0x4000  }
0x19d: {  	[sflag:s11] =	ssyncset.done $0x0  }
0x19e: {  	s25 =	rddreg [dreg:$0x11];
	[sflag:s11] =	ssyncadd.s32 $0xFFFFC000  }
0x19f: {  	[hbm4b:s25+s2] =	stream.linear.scatter [tilespmem:s9], [sflag:$0x5], $0x4000, $0x38;
	[tilespmem:$0x10800] =	vst v63  }
0x1a0: {  	_ =	swait.ge [sflag:s3], $0x4000  }
0x1a1: {  	[sflag:s3] =	ssyncset.done $0x0  }
0x1a2: {  	[sflag:s3] =	ssyncadd.s32 $0xFFFFC000  }
0x1a3: {  	[tilespmem:s12], [sflag:$0x1] =	stream.indirect.gather [hbm4b:s4+s13], $0x80, s19, s13, $0xb8;
	[tilespmem:$0x10800] =	vst v63  }
0x1a4: {  	_ = 	snop  }
0x1a5: {  	[tilespmem:s9], [sflag:$0x2] =	stream.indirect.gather [hbm4b:s5+s13], $0x80, s20, s13, $0xb8;
	[tilespmem:$0x10800] =	vst v63  }
0x1a6: {  	_ =	swait.ge [sflag:s10], $0x4000  }
0x1a7: {  	[sflag:s10] =	ssyncset.done $0x0  }
0x1a8: {  	[sflag:s10] =	ssyncadd.s32 $0xFFFFC000  }
0x1a9: {  	[hbm4b:s16+s2] =	stream.linear.scatter [tilespmem:s7], [sflag:$0x5], $0x4000, $0x38;
	[tilespmem:$0x10800] =	vst v63  }
0x1aa: {  	_ =	swait.ge [sflag:s3], $0x4000  }
0x1ab: {  	[sflag:s3] =	ssyncset.done $0x0  }
0x1ac: {  	[sflag:s3] =	ssyncadd.s32 $0xFFFFC000  }
0x1ad: {  	_ =	swait.ge [sflag:s8], $0x4000  }
0x1ae: {  	[sflag:s8] =	ssyncset.done $0x0  }
0x1af: {  	[sflag:s8] =	ssyncadd.s32 $0xFFFFC000  }
0x1b0: {  	[hbm4b:s14+s2] =	stream.linear.scatter [tilespmem:s6], [sflag:$0x5], $0x4000, $0x38;
	[tilespmem:$0x10800] =	vst v63  }
0x1b1: {  	_ =	swait.ge [sflag:s3], $0x4000  }
0x1b2: {  	[sflag:s3] =	ssyncset.done $0x0  }
0x1b3: {  	[sflag:s3] =	ssyncadd.s32 $0xFFFFC000  }
0x1b4: {  	[tilespmem:s7], [sflag:$0x3] =	stream.indirect.gather [hbm4b:s4+s13], $0x80, s17, s13, $0xb8;
	[tilespmem:$0x10800] =	vst v63  }
0x1b5: {  	_ = 	snop  }
0x1b6: {  	[tilespmem:s6], [sflag:$0x4] =	stream.indirect.gather [hbm4b:s5+s13], $0x80, s18, s13, $0xb8;
	[tilespmem:$0x10800] =	vst v63  }
0x1b7: {  	_ =	swait.ge [sflag:s15], $0x4000  }
0x1b8: {  	[sflag:s15] =	ssyncset.done $0x0  }
0x1b9: {  	s26 =	rddreg [dreg:$0x4];
	[sflag:s15] =	ssyncadd.s32 $0xFFFFC000  }
0x1ba: {  	[hbm4b:s26+s2] =	stream.linear.scatter [tilespmem:s12], [sflag:$0x5], $0x4000, $0x38;
	[tilespmem:$0x10800] =	vst v63  }
0x1bb: {  	_ =	swait.ge [sflag:s3], $0x4000  }
0x1bc: {  	[sflag:s3] =	ssyncset.done $0x0  }
0x1bd: {  	[sflag:s3] =	ssyncadd.s32 $0xFFFFC000  }
0x1be: {  	_ =	swait.ge [sflag:s11], $0x4000  }
0x1bf: {  	[sflag:s11] =	ssyncset.done $0x0  }
0x1c0: {  	s28 =	rddreg [dreg:$0x5];
	[sflag:s11] =	ssyncadd.s32 $0xFFFFC000  }
0x1c1: {  	[hbm4b:s28+s2] =	stream.linear.scatter [tilespmem:s9], [sflag:$0x5], $0x4000, $0x38;
	[tilespmem:$0x10800] =	vst v63  }
0x1c2: {  	_ =	swait.ge [sflag:s3], $0x4000  }
0x1c3: {  	[sflag:s3] =	ssyncset.done $0x0  }
0x1c4: {  	[sflag:s3] =	ssyncadd.s32 $0xFFFFC000  }
0x1c5: {  	_ =	swait.ge [sflag:s10], $0x4000  }
0x1c6: {  	[sflag:s10] =	ssyncset.done $0x0  }
0x1c7: {  	s29 =	rddreg [dreg:$0x6];
	[sflag:s10] =	ssyncadd.s32 $0xFFFFC000  }
0x1c8: {  	[hbm4b:s29+s2] =	stream.linear.scatter [tilespmem:s7], [sflag:$0x5], $0x4000, $0x38;
	[tilespmem:$0x10800] =	vst v63  }
0x1c9: {  	_ =	swait.ge [sflag:s3], $0x4000  }
0x1ca: {  	[sflag:s3] =	ssyncset.done $0x0  }
0x1cb: {  	[sflag:s3] =	ssyncadd.s32 $0xFFFFC000  }
0x1cc: {  	_ =	swait.ge [sflag:s8], $0x4000  }
0x1cd: {  	[sflag:s8] =	ssyncset.done $0x0  }
0x1ce: {  	s30 =	rddreg [dreg:$0x7];
	[sflag:s8] =	ssyncadd.s32 $0xFFFFC000  }
0x1cf: {  	[hbm4b:s30+s2] =	stream.linear.scatter [tilespmem:s6], [sflag:$0x5], $0x4000, $0x38;
	[tilespmem:$0x10800] =	vst v63  }
0x1d0: {  	_ =	swait.ge [sflag:s3], $0x4000  }
0x1d1: {  	[sflag:s3] =	ssyncset.done $0x0  }
0x1d2: {  	[sflag:s3] =	ssyncadd.s32 $0xFFFFC000  }
0x1d3: {  	_ =	sfence.sel $0x180000  }
0x1d4: {  	[bflag:$0x0] =	sbarrier.arrive $0xFFFF  }
0x1d5: {  	_ =	strace $0x90000053  }
0x1d6: {  	s31 =	stileid.u32;
	[bflag:$0x2] =	sbarrier.arrive $0xFFFF  }
0x1d7: {  	p0 =	sne.s32 s31, $0x0;
	s0 =	rddreg [dreg:$0x1]  }
0x1d8: {  	s0 =	sadd.s32 @!p0 $0x100000, s0  }
0x1d9: {  	[sflag:s0] =	ssyncadd.tile.s32 @!p0 $0x1;
	_ =	shalt  }
.Lfunc_end2:
_tile_overlayer_lowered:
.L_overlay_start_2:
0x1da: {  	(tag) =	ssettag $0x2  }
0x1db: {  	s0 =	rddreg [dreg:$0x0];
	s2 =	stileid.u32  }
0x1dc: {  	s1 =	rddreg [dreg:$0x1];
	p0 =	sne.s32 s2, $0x0  }
0x1dd: {  	s3 =	rddreg [dreg:$0x2];
	[bflag:$0x3] =	sbarrier.arrive $0xFFFF;
	s2 =	simm.s32 @!p0 $0x1C05  }
0x1de: {  	[timem:s3], [sflag:s2] =	dma.local @!p0 [hbm:s0], s1  }
0x1df: {  	s0 =	simm.s32 @!p0 $0x5  }
0x1e0: {  	_ =	swait.ge @!p0 [sflag:s0], s1  }
0x1e1: {  	s1 =	ssub.s32 @!p0 $0x0, s1;
	[sflag:s0] =	ssyncset.done @!p0 $0x0  }
0x1e2: {  	[sflag:s0] =	ssyncadd.s32 @!p0 s1  }
0x1e3: {  	[bflag:$0x3] =	sbarrier.arrive $0xFFFF  }
0x1e4: {  	_ =	shalt  }

// kernel: kernel.30.cloned.1.call-start
scs
__scs_entry_jumppad:
0x0: {  	(pc) =	sbr.rel $0x88, $3  }
0x1: {  	(tag) =	ssettag $0x0;
	lr =	simm.s32 $0x1  }
0x2: {  	[smem:$0x3F8E] =	sst lr;
	_ =	strace $0xD0000000  }
0x3: {  	_ = 	snop  }
0x4: {  	_ = 	snop  }
0x5: {  	_ = 	snop  }
0x6: {  	_ = 	snop  }
0x7: {  	_ = 	snop  }
__scs_overlays_trampoline_lowered:
0x8: {  	[smem:$0x3F9D] =	sst s0  }
0x9: {  	[smem:$0x3F9E] =	sst s1  }
0xa: {  	[smem:$0x3F9F] =	sst s2  }
0xb: {  	[smem:$0x3FA0] =	sst s3  }
0xc: {  	[smem:$0x3FA1] =	sst s4  }
0xd: {  	[smem:$0x3FA2] =	sst s5  }
0xe: {  	[smem:$0x3FA3] =	sst s6  }
0xf: {  	[smem:$0x3FA4] =	sst s7  }
0x10: {  	[smem:$0x3FA5] =	sst s8  }
0x11: {  	[smem:$0x3FA6] =	sst s9;
	s0 =	simm.s32 @!p0 $0x0  }
0x12: {  	s1 =	sld [smem:$0x3F8C];
	s0 =	simm.s32 @p0 $0x1  }
0x13: {  	[smem:$0x3FA7] =	sst s0;
	s0 =	simm.s32 @!p1 $0x0  }
0x14: {  	s2 =	sld [smem:$0x3F8B];
	s0 =	simm.s32 @p1 $0x1  }
0x15: {  	[smem:$0x3FA8] =	sst s0;
	s0 =	simm.s32 @!p2 $0x0  }
0x16: {  	s3 =	sld [smem:$0x3FDB];
	s0 =	simm.s32 @p2 $0x1  }
0x17: {  	s4 =	simm.s32 $0x1BF5;
	[smem:$0x3FAA] =	sst s0  }
0x18: {  	s0 =	sld [smem:$0x3F8D];
	_ =	swait.ge [sflag:s4], $0x0  }
0x19: {  	s7 =	sld [smem:$0x3F8E]  }
0x1a: {  	s8 =	sadd.s32 $0xFFFFE003, lr  }
0x1b: {  	s9 =	sadd.s32 $0xFFFFFEF7, lr;
	s5 =	simm.s32 $0xFFFFFFFF;
	p2 =	slt.u32 s8, $0xFFFFF086  }
0x1c: {  	p1 =	slt.u32 s9, $0xF7A;
	s5 =	simm.s32 @!p2 $0x0  }
0x1d: {  	s5 =	simm.s32 @p1 $0x1;
	p0 =	seq.s32 s7, s2  }
0x1e: {  	s7 =	smul.u32 @!p0 $0xF7A, s2;
	p2 =	seq.s32 @!p0 s5, $0x0  }
0x1f: {  	s9 =	smul.u32 $0xF7A, s1;
	s8 =	simm.s32 @!p0 $0x1BF5;
	p2 =	por !p2, p0  }
0x20: {  	[sflag:s8] =	ssyncset.s32 @!p0 $0xFFFFF086;
	s6 =	sadd.s32 @!p0 s3, s7;
	s7 =	simm.s32 @!p0 $0x108  }
0x21: {  	s3 =	sadd.s32 s3, s9;
	s6 =	sadd.s32 @!p0 $0x88, s6;
	s7 =	simm.s32 @p2 $0x1082  }
0x22: {  	[simem:s7], [sflag:s8] =	dma.local @!p0 [hbm:s6], $0xF7A  }
0x23: {  	s9 =	sor.u32 $0xD0000000, s2;
	s6 =	simm.s32 $0x108;
	_ =	swait.ge @!p0 [sflag:s8], $0x0  }
0x24: {  	s3 =	sadd.s32 $0x88, s3;
	s6 =	simm.s32 @!p1 $0x1082;
	[sflag:s4] =	ssyncset.s32 $0xFFFFF086  }
0x25: {  	[simem:s6], [sflag:s4] =	dma.local [hbm:s3], $0xF7A  }
0x26: {  	[smem:$0x3F8E] =	sst s1;
	(tag) =	ssettag s2;
	_ =	strace s9  }
0x27: {  	s1 =	sld [smem:$0x3F9E]  }
0x28: {  	s2 =	sld [smem:$0x3F9F]  }
0x29: {  	s4 =	sld [smem:$0x3FA1]  }
0x2a: {  	p0 =	seq.s32 s5, $0x0;
	s5 =	sld [smem:$0x3FA2]  }
0x2b: {  	s6 =	sld [smem:$0x3FA3]  }
0x2c: {  	s7 =	sld [smem:$0x3FA4]  }
0x2d: {  	s3 =	simm.s32 $0x108;
	s8 =	sld [smem:$0x3FA5]  }
0x2e: {  	s3 =	simm.s32 @!p0 $0x1082;
	s9 =	sld [smem:$0x3FA6]  }
0x2f: {  	lr =	sadd.s32 s0, s3;
	s0 =	sld [smem:$0x3F9D]  }
0x30: {  	s3 =	sld [smem:$0x3FA0]  }
0x31: {  	[smem:$0x3FA9] =	sst s10  }
0x32: {  	s10 =	sld [smem:$0x3FA7];
	_ =	sdelay $0x3  }
0x33: {  	p0 =	seq.s32 s10, $0x1;
	s10 =	sld [smem:$0x3FA9];
	_ =	sdelay $0x3  }
0x34: {  	[smem:$0x3FA9] =	sst s10  }
0x35: {  	s10 =	sld [smem:$0x3FA8];
	_ =	sdelay $0x3  }
0x36: {  	p1 =	seq.s32 s10, $0x1;
	s10 =	sld [smem:$0x3FA9];
	_ =	sdelay $0x3  }
0x37: {  	[smem:$0x3FA9] =	sst s10  }
0x38: {  	s10 =	sld [smem:$0x3FAA]  }
0x39: {  	_ = 	snop;
	(pc) =	sbr.ind lr, $3  }
0x3a: {  	_ = 	snop  }
0x3b: {  	_ = 	snop  }
0x3c: {  	p2 =	seq.s32 s10, $0x1;
	s10 =	sld [smem:$0x3FA9]  }
0x3d: {  	_ =	shalt  }
0x3e: {  	_ =	shalt  }
0x3f: {  	_ =	shalt  }
0x40: {  	_ =	shalt  }
0x41: {  	_ =	shalt  }
0x42: {  	_ =	shalt  }
0x43: {  	_ =	shalt  }
0x44: {  	_ =	shalt  }
0x45: {  	_ =	shalt  }
0x46: {  	_ =	shalt  }
0x47: {  	_ =	shalt  }
0x48: {  	_ =	shalt  }
0x49: {  	_ =	shalt  }
0x4a: {  	_ =	shalt  }
0x4b: {  	_ =	shalt  }
0x4c: {  	_ =	shalt  }
0x4d: {  	_ =	shalt  }
0x4e: {  	_ =	shalt  }
0x4f: {  	_ =	shalt  }
0x50: {  	_ =	shalt  }
0x51: {  	_ =	shalt  }
0x52: {  	_ =	shalt  }
0x53: {  	_ =	shalt  }
0x54: {  	_ =	shalt  }
0x55: {  	_ =	shalt  }
0x56: {  	_ =	shalt  }
0x57: {  	_ =	shalt  }
0x58: {  	_ =	shalt  }
0x59: {  	_ =	shalt  }
0x5a: {  	_ =	shalt  }
0x5b: {  	_ =	shalt  }
0x5c: {  	_ =	shalt  }
0x5d: {  	_ =	shalt  }
0x5e: {  	_ =	shalt  }
0x5f: {  	_ =	shalt  }
0x60: {  	_ =	shalt  }
0x61: {  	_ =	shalt  }
0x62: {  	_ =	shalt  }
0x63: {  	_ =	shalt  }
0x64: {  	_ =	shalt  }
0x65: {  	_ =	shalt  }
0x66: {  	_ =	shalt  }
0x67: {  	_ =	shalt  }
0x68: {  	_ =	shalt  }
0x69: {  	_ =	shalt  }
0x6a: {  	_ =	shalt  }
0x6b: {  	_ =	shalt  }
0x6c: {  	_ =	shalt  }
0x6d: {  	_ =	shalt  }
0x6e: {  	_ =	shalt  }
0x6f: {  	_ =	shalt  }
0x70: {  	_ =	shalt  }
0x71: {  	_ =	shalt  }
0x72: {  	_ =	shalt  }
0x73: {  	_ =	shalt  }
0x74: {  	_ =	shalt  }
0x75: {  	_ =	shalt  }
0x76: {  	_ =	shalt  }
0x77: {  	_ =	shalt  }
0x78: {  	_ =	shalt  }
0x79: {  	_ =	shalt  }
0x7a: {  	_ =	shalt  }
0x7b: {  	_ =	shalt  }
0x7c: {  	_ =	shalt  }
0x7d: {  	_ =	shalt  }
0x7e: {  	_ =	shalt  }
0x7f: {  	_ =	shalt  }
0x80: {  	_ =	shalt  }
0x81: {  	_ =	shalt  }
0x82: {  	_ =	shalt  }
0x83: {  	_ =	shalt  }
0x84: {  	_ =	shalt  }
0x85: {  	_ =	shalt  }
0x86: {  	_ =	shalt  }
0x87: {  	_ =	shalt  }
.Lfunc_end0:
.L_simem_size_0:
called_computation.5_lowered:
.L_overlay_start_0:
0x88: {  	s2 =	sld [smem:$0x3FD9]  }
0x89: {  	s3 =	sld [smem:$0x3FFE];
	_ =	sdelay $0x1  }
0x8a: {  	s1 =	srdreg.scid  }
0x8b: {  	s0 =	sand.u32 $0x1, s1  }
0x8c: {  	s17 =	sshll.u32 s0, $0xA;
	s2 =	sadd.s32 s3, s2  }
0x8d: {  	s2 =	sadd.s32 s2, s17  }
0x8e: {  	[smem:$0x3FB5] =	sst s2  }
0x8f: {  	_ = 	snop  }
0x90: {  	s18 =	sld [smem:$0x3FD0];
	(tm) =	ssettm $0x1  }
0x91: {  	s19 =	sld [smem:$0x3FFB];
	_ =	sdelay $0x3  }
0x92: {  	_ =	strace s19  }
0x93: {  	s2 =	sld [smem:$0x3FFC];
	_ =	sdelay $0x3  }
0x94: {  	_ =	strace s2  }
0x95: {  	s2 =	sld [smem:$0x3FFD];
	_ =	sdelay $0x3  }
0x96: {  	_ =	strace s2  }
0x97: {  	_ =	strace $0x8FFFFFFF  }
0x98: {  	s20 =	sld [smem:$0x3FDB];
	_ =	sdelay $0x1  }
0x99: {  	s4 =	simm.s32 $_scs_section_size  }
0x9a: {  	s5 =	simm.s32 $_size__tile_overlayer_lowered;
	s6 =	simm.s32 $_tile_overlayer_lowered  }
0x9b: {  	s7 =	simm.s32 $0x1BFF;
	s21 =	sshll.u32 s6, $0x1;
	s4 =	sadd.s32 s4, s20  }
0x9c: {  	s22 =	simm.s32 $0x0;
	s5 =	sshll.u32 s5, $0x1;
	s6 =	sadd.s32 s21, s4  }
0x9d: {  	[timem:s22], [sflag:s7] =	dma.local [hbm:s6], s5  }
0x9e: {  	_ =	swait.ge [sflag:s7], s5  }
0x9f: {  	s5 =	ssub.s32 $0x0, s5;
	[sflag:s7] =	ssyncset.done $0x0  }
0xa0: {  	[sflag:s7] =	ssyncadd.s32 s5;
	_ =	sdelay $0x1  }
0xa1: {  	s23 =	simm.s32 $0x1B8B  }
0xa2: {  	_ =	swait.ge [sflag:s23], $0x1  }
0xa3: {  	[sflag:s23] =	ssyncset.done $0x0  }
0xa4: {  	[sflag:s23] =	ssyncadd.s32 $0xFFFFFFFF  }
0xa5: {  	s5 =	sld [smem:$0x0]  }
0xa6: {  	s6 =	sand.u32 $0xFFFFFFFE, s1  }
0xa7: {  	p0 =	sne.s32 s1, s6  }
0xa8: {  	s6 =	sshll.u32 @p0 s6, $0xE  }
0xa9: {  	s6 =	sadd.s32 @p0 $0x11B8D, s6;
	s7 =	sshll.u32 @p0 s5, $0x11  }
0xaa: {  	s6 =	sor.u32 @p0 s7, s6  }
0xab: {  	[sflag:s6] =	ssyncadd.remote.s32 @p0 $0x1;
	_ =	sdelay $0x1  }
0xac: {  	s6 =	simm.s32 @p0 $0x1B8D  }
0xad: {  	_ =	swait.eq @p0 [sflag:s6], $0x1  }
0xae: {  	[sflag:s6] =	ssyncadd.s32 @p0 $0xFFFFFFFF  }
0xaf: {  	s7 =	sshll.u32 @!p0 s1, $0xE  }
0xb0: {  	s7 =	sor.u32 @!p0 $0x4000, s7;
	s6 =	simm.s32 @!p0 $0x1B8D  }
0xb1: {  	s5 =	sshll.u32 @!p0 s5, $0x11;
	s7 =	sadd.s32 @!p0 $0x11B8D, s7;
	_ =	swait.eq @!p0 [sflag:s6], $0x1  }
0xb2: {  	s5 =	sor.u32 @!p0 s5, s7;
	[sflag:s6] =	ssyncadd.s32 @!p0 $0xFFFFFFFF  }
0xb3: {  	s25 =	simm.s32 $0x1B8E;
	s24 =	sld [smem:$0x3FFE];
	[sflag:s5] =	ssyncadd.remote.s32 @!p0 $0x1  }
0xb4: {  	s26 =	simm.s32 $execute0_lowered;
	[smem:$0x3FD2] =	sst s25  }
0xb5: {  	s6 =	sshll.u32 s26, $0x1;
	_ =	strace $0x80000055;
	[dreg:$0x1] =	wrdreg $0xFFFFFFFF  }
0xb6: {  	s28 =	simm.s32 $_size_execute0_lowered;
	s4 =	sadd.s32 s4, s6;
	[dreg:$0x0] =	wrdreg $0x0  }
0xb7: {  	s6 =	sshll.u32 s28, $0x1;
	[dreg:$0x2] =	wrdreg s4  }
0xb8: {  	[dreg:$0x3] =	wrdreg s6  }
0xb9: {  	[dreg:$0x4] =	wrdreg $0xC0  }
0xba: {  	_ =	task [dreg:s22], $0x5FFFF  }
0xbb: {  	[dreg:$0x1] =	wrdreg $0xFFFFFFFF  }
0xbc: {  	[dreg:$0x0] =	wrdreg $0x60  }
0xbd: {  	[dreg:$0x2] =	wrdreg s24  }
0xbe: {  	[dreg:$0x3] =	wrdreg s18  }
0xbf: {  	[dreg:$0x4] =	wrdreg $0xA  }
0xc0: {  	_ =	task.clear_ibuf [dreg:s22], $0x5FFFF;
	_ =	strace $0x90000055  }
0xc1: {  	s29 =	simm.s32 $0xA;
	_ =	strace $0x80000057  }
0xc2: {  	_ =	swait.ge [sflag:s29], $0x1  }
0xc3: {  	[sflag:s29] =	ssyncadd.s32 $0xFFFFFFFF  }
0xc4: {  	_ =	strace $0x90000057  }
0xc5: {  	_ =	sfence  }
0xc6: {  	s30 =	sld [smem:$0x0];
	_ =	sdelay $0x2  }
0xc7: {  	s31 =	sshll.u32 s1, $0xD;
	s1 =	sshrl.u32 s1, $0x2  }
0xc8: {  	s4 =	sand.u32 $0x4000, s31;
	s1 =	sadd.s32 s1, s30  }
0xc9: {  	s0 =	sor.u32 s4, s0;
	s1 =	sshll.u32 s1, $0x11  }
0xca: {  	s0 =	sor.u32 s1, s0  }
0xcb: {  	s0 =	sadd.s32 $0x8F2B, s0  }
0xcc: {  	[sflag:s0] =	ssyncadd.remote.s32 $0x1  }
0xcd: {  	_ =	sfence.sel $0xFFFF  }
0xce: {  	[dreg:$0x0] =	wrdreg $0xFFFFFFFF;
	(pc) =	sbr.abs _section_cstart, $3  }
0xcf: {  	[dreg:$0x1] =	wrdreg $0xFFFFFFFF  }
0xd0: {  	_ =	task.clear_ibuf [dreg:s22], $0x2FFFF;
	_ =	strace $0x9FFFFFFF  }
0xd1: {  	(tm) =	ssettm $0x7FFFFFFF  }
tec
execute0_lowered:
.L_overlay_start_1:
0x0: {  	(tag) =	ssettag $0x1  }
0x1: {  	s0 =	srdreg.scid;
	s1 =	rddreg [dreg:$0x0]  }
0x2: {  	s2 =	stileid.u32;
	s3 =	rddreg [dreg:$0x1];
	s30 =	simm.s32 $0x400  }
0x3: {  	s31 =	simm.s32 $0x480;
	s28 =	simm.s32 $0x100;
	s29 =	simm.s32 $0x500  }
0x4: {  	p0 =	por $0x0, $0x0;
	s0 =	sand.u32 $0x1, s0;
	s5 =	sshll.u32 s2, $0xA  }
0x5: {  	s2 =	simm.s32 $0x0;
	s7 =	sadd.s32 $0x1BBE00, s1;
	s4 =	sshll.u32 s0, $0xE  }
0x6: {  	[smem:$0x7FF] =	sst s2;
	s0 =	ssub.s32 $0x2, s0;
	s4 =	sor.u32 s5, s4  }
0x7: {  	_ =	strace $0x80000056;
	s23 =	sshrl.u32 s0, $0x1;
	s5 =	sshrl.u32 s4, $0x3  }
0x8: {  	s8 =	sshll.u32 s4, $0x4;
	s0 =	ssub.s32 s0, s23;
	s23 =	simm.s32 $0x200  }
0x9: {  	s6 =	sadd.s32 s5, s1;
	s3 =	sadd.s32 s3, s5;
	s4 =	sor.u32 $0x3000, s8  }
0xa: {  	s9 =	sor.u32 $0x3800, s8;
	s12 =	sadd.s32 s7, s8;
	[dreg:$0x4] =	wrdreg s3  }
0xb: {  	s14 =	sor.u32 $0x800, s8;
	s6 =	sadd.s32 $0x55600, s6;
	[dreg:$0x9] =	wrdreg s12  }
0xc: {  	s19 =	sor.u32 $0x1800, s8;
	s26 =	sadd.s32 s7, s4;
	[dreg:$0x3] =	wrdreg s6  }
0xd: {  	s22 =	sor.u32 $0x2000, s8;
	s10 =	sadd.s32 s7, s9;
	[dreg:$0x5] =	wrdreg s26  }
0xe: {  	s0 =	smax.u32 s0, $0x1;
	s15 =	sadd.s32 s7, s14;
	[dreg:$0x7] =	wrdreg s10  }
0xf: {  	s20 =	sadd.s32 s7, s19;
	s24 =	sadd.s32 s7, s22;
	[dreg:$0xb] =	wrdreg s15  }
0x10: {  	s3 =	simm.s32 $0x5;
	s12 =	simm.s32 $0x800;
	[dreg:$0xf] =	wrdreg s20  }
0x11: {  	p1 =	sne.s32 s0, $0x1;
	s6 =	sadd.s32 $0x23BE00, s1;
	[dreg:$0x11] =	wrdreg s24  }
0x12: {  	s26 =	sor.u32 $0x2800, s8;
	s15 =	simm.s32 $0x1;
	s10 =	simm.s32 $0x3  }
0x13: {  	s24 =	simm.s32 $0x600;
	s20 =	simm.s32 $0x700;
	s5 =	sadd.s32 s6, s4  }
0x14: {  	s11 =	sadd.s32 s6, s9;
	s13 =	sadd.s32 s6, s8;
	s4 =	sadd.s32 $0x5600, s1  }
0x15: {  	s16 =	sadd.s32 s6, s14;
	s9 =	sor.u32 $0x1000, s8;
	[dreg:$0x6] =	wrdreg s5  }
0x16: {  	s21 =	sadd.s32 s6, s19;
	s25 =	sadd.s32 s6, s22;
	[dreg:$0x8] =	wrdreg s11  }
0x17: {  	s14 =	sadd.s32 s6, s26;
	s8 =	simm.s32 $0x4;
	[dreg:$0xa] =	wrdreg s13  }
0x18: {  	s22 =	simm.s32 $0x680;
	s19 =	simm.s32 $0x300;
	[dreg:$0xc] =	wrdreg s16  }
0x19: {  	s5 =	sadd.s32 $0x2D600, s1;
	s17 =	sadd.s32 s7, s9;
	[dreg:$0x10] =	wrdreg s21  }
0x1a: {  	s18 =	sadd.s32 s6, s9;
	[dreg:$0x12] =	wrdreg s25;
	s16 =	sadd.s32 s7, s26  }
.Ltmp0:
0x1b: {  	s13 =	simm.s32 $0x80;
	s9 =	simm.s32 $0x4800;
	(pc) =	sbr.rel @!p1 .LBB2_3-.Ltmp0, $4  }
0x1c: {  	s7 =	simm.s32 $0x8800;
	s6 =	simm.s32 $0xC800;
	s11 =	simm.s32 $0x2  }
0x1d: {  	s25 =	simm.s32 $0x180;
	s1 =	sadd.s32 $0xFFFFFFFF, s0;
	s0 =	rddreg [dreg:$0x3]  }
0x1e: {  	s26 =	simm.s32 $0x580;
	s21 =	simm.s32 $0x280;
	[dreg:$0xd] =	wrdreg s17  }
0x1f: {  	[dreg:$0xe] =	wrdreg s18;
	s17 =	simm.s32 $0x380;
	s18 =	simm.s32 $0x780  }
0x20: {  	[tilespmem:s2], [sflag:$0x5] =	stream.linear.gather [hbm4b:s0+s2], $0x400, $0x38;
	[tilespmem:$0x10800] =	vst v63  }
0x21: {  	_ =	swait.ge [sflag:s3], $0x400  }
0x22: {  	[sflag:s3] =	ssyncset.done $0x0  }
0x23: {  	s0 =	rddreg [dreg:$0x4];
	[sflag:s3] =	ssyncadd.s32 $0xFFFFFC00  }
0x24: {  	[tilespmem:s30], [sflag:$0x5] =	stream.linear.gather [hbm4b:s0+s2], $0x400, $0x38;
	[tilespmem:$0x10800] =	vst v63  }
0x25: {  	_ =	swait.ge [sflag:s3], $0x400  }
0x26: {  	[sflag:s3] =	ssyncset.done $0x0  }
0x27: {  	[sflag:s3] =	ssyncadd.s32 $0xFFFFFC00  }
0x28: {  	[tilespmem:s12], [sflag:$0x1] =	stream.indirect.gather [hbm4b:s4+s13], $0x80, s2, s13, $0xb8;
	[tilespmem:$0x10800] =	vst v63  }
0x29: {  	_ = 	snop  }
0x2a: {  	[tilespmem:s9], [sflag:$0x2] =	stream.indirect.gather [hbm4b:s5+s13], $0x80, s30, s13, $0xb8;
	[tilespmem:$0x10800] =	vst v63  }
0x2b: {  	_ = 	snop  }
0x2c: {  	[tilespmem:s7], [sflag:$0x3] =	stream.indirect.gather [hbm4b:s4+s13], $0x80, s13, s13, $0xb8;
	[tilespmem:$0x10800] =	vst v63  }
0x2d: {  	_ = 	snop  }
0x2e: {  	[tilespmem:s6], [sflag:$0x4] =	stream.indirect.gather [hbm4b:s5+s13], $0x80, s31, s13, $0xb8;
	[tilespmem:$0x10800] =	vst v63  }
0x2f: {  	_ =	swait.ge [sflag:s15], $0x4000  }
0x30: {  	[sflag:s15] =	ssyncset.done $0x0  }
0x31: {  	s0 =	rddreg [dreg:$0x9];
	[sflag:s15] =	ssyncadd.s32 $0xFFFFC000  }
0x32: {  	[hbm4b:s0+s2] =	stream.linear.scatter [tilespmem:s12], [sflag:$0x5], $0x4000, $0x38;
	[tilespmem:$0x10800] =	vst v63  }
0x33: {  	_ =	swait.ge [sflag:s3], $0x4000  }
0x34: {  	[sflag:s3] =	ssyncset.done $0x0  }
0x35: {  	[sflag:s3] =	ssyncadd.s32 $0xFFFFC000  }
0x36: {  	_ =	swait.ge [sflag:s11], $0x4000  }
0x37: {  	[sflag:s11] =	ssyncset.done $0x0  }
0x38: {  	s0 =	rddreg [dreg:$0xa];
	[sflag:s11] =	ssyncadd.s32 $0xFFFFC000  }
0x39: {  	[hbm4b:s0+s2] =	stream.linear.scatter [tilespmem:s9], [sflag:$0x5], $0x4000, $0x38;
	[tilespmem:$0x10800] =	vst v63  }
0x3a: {  	_ =	swait.ge [sflag:s3], $0x4000  }
0x3b: {  	[sflag:s3] =	ssyncset.done $0x0  }
0x3c: {  	[sflag:s3] =	ssyncadd.s32 $0xFFFFC000  }
0x3d: {  	[tilespmem:s12], [sflag:$0x1] =	stream.indirect.gather [hbm4b:s4+s13], $0x80, s28, s13, $0xb8;
	[tilespmem:$0x10800] =	vst v63  }
0x3e: {  	_ = 	snop  }
0x3f: {  	[tilespmem:s9], [sflag:$0x2] =	stream.indirect.gather [hbm4b:s5+s13], $0x80, s29, s13, $0xb8;
	[tilespmem:$0x10800] =	vst v63  }
0x40: {  	_ =	swait.ge [sflag:s10], $0x4000  }
0x41: {  	[sflag:s10] =	ssyncset.done $0x0  }
0x42: {  	s0 =	rddreg [dreg:$0xb];
	[sflag:s10] =	ssyncadd.s32 $0xFFFFC000  }
0x43: {  	[hbm4b:s0+s2] =	stream.linear.scatter [tilespmem:s7], [sflag:$0x5], $0x4000, $0x38;
	[tilespmem:$0x10800] =	vst v63  }
0x44: {  	_ =	swait.ge [sflag:s3], $0x4000  }
0x45: {  	[sflag:s3] =	ssyncset.done $0x0  }
0x46: {  	[sflag:s3] =	ssyncadd.s32 $0xFFFFC000  }
0x47: {  	_ =	swait.ge [sflag:s8], $0x4000  }
0x48: {  	[sflag:s8] =	ssyncset.done $0x0  }
0x49: {  	s0 =	rddreg [dreg:$0xc];
	[sflag:s8] =	ssyncadd.s32 $0xFFFFC000  }
0x4a: {  	[hbm4b:s0+s2] =	stream.linear.scatter [tilespmem:s6], [sflag:$0x5], $0x4000, $0x38;
	[tilespmem:$0x10800] =	vst v63  }
0x4b: {  	_ =	swait.ge [sflag:s3], $0x4000  }
0x4c: {  	[sflag:s3] =	ssyncset.done $0x0  }
0x4d: {  	[sflag:s3] =	ssyncadd.s32 $0xFFFFC000  }
0x4e: {  	[tilespmem:s7], [sflag:$0x3] =	stream.indirect.gather [hbm4b:s4+s13], $0x80, s25, s13, $0xb8;
	[tilespmem:$0x10800] =	vst v63  }
0x4f: {  	_ = 	snop  }
0x50: {  	[tilespmem:s6], [sflag:$0x4] =	stream.indirect.gather [hbm4b:s5+s13], $0x80, s26, s13, $0xb8;
	[tilespmem:$0x10800] =	vst v63  }
0x51: {  	_ =	swait.ge [sflag:s15], $0x4000  }
0x52: {  	[sflag:s15] =	ssyncset.done $0x0  }
0x53: {  	s0 =	rddreg [dreg:$0xd];
	[sflag:s15] =	ssyncadd.s32 $0xFFFFC000  }
0x54: {  	[hbm4b:s0+s2] =	stream.linear.scatter [tilespmem:s12], [sflag:$0x5], $0x4000, $0x38;
	[tilespmem:$0x10800] =	vst v63  }
0x55: {  	_ =	swait.ge [sflag:s3], $0x4000  }
0x56: {  	[sflag:s3] =	ssyncset.done $0x0  }
0x57: {  	[sflag:s3] =	ssyncadd.s32 $0xFFFFC000  }
0x58: {  	_ =	swait.ge [sflag:s11], $0x4000  }
0x59: {  	[sflag:s11] =	ssyncset.done $0x0  }
0x5a: {  	s0 =	rddreg [dreg:$0xe];
	[sflag:s11] =	ssyncadd.s32 $0xFFFFC000  }
0x5b: {  	[hbm4b:s0+s2] =	stream.linear.scatter [tilespmem:s9], [sflag:$0x5], $0x4000, $0x38;
	[tilespmem:$0x10800] =	vst v63  }
0x5c: {  	_ =	swait.ge [sflag:s3], $0x4000  }
0x5d: {  	[sflag:s3] =	ssyncset.done $0x0  }
0x5e: {  	[sflag:s3] =	ssyncadd.s32 $0xFFFFC000  }
0x5f: {  	[tilespmem:s12], [sflag:$0x1] =	stream.indirect.gather [hbm4b:s4+s13], $0x80, s23, s13, $0xb8;
	[tilespmem:$0x10800] =	vst v63  }
0x60: {  	_ = 	snop  }
0x61: {  	[tilespmem:s9], [sflag:$0x2] =	stream.indirect.gather [hbm4b:s5+s13], $0x80, s24, s13, $0xb8;
	[tilespmem:$0x10800] =	vst v63  }
0x62: {  	_ =	swait.ge [sflag:s10], $0x4000  }
0x63: {  	[sflag:s10] =	ssyncset.done $0x0  }
0x64: {  	s0 =	rddreg [dreg:$0xf];
	[sflag:s10] =	ssyncadd.s32 $0xFFFFC000  }
0x65: {  	[hbm4b:s0+s2] =	stream.linear.scatter [tilespmem:s7], [sflag:$0x5], $0x4000, $0x38;
	[tilespmem:$0x10800] =	vst v63  }
0x66: {  	_ =	swait.ge [sflag:s3], $0x4000  }
0x67: {  	[sflag:s3] =	ssyncset.done $0x0  }
0x68: {  	[sflag:s3] =	ssyncadd.s32 $0xFFFFC000  }
0x69: {  	_ =	swait.ge [sflag:s8], $0x4000  }
0x6a: {  	[sflag:s8] =	ssyncset.done $0x0  }
0x6b: {  	s0 =	rddreg [dreg:$0x10];
	[sflag:s8] =	ssyncadd.s32 $0xFFFFC000  }
0x6c: {  	[hbm4b:s0+s2] =	stream.linear.scatter [tilespmem:s6], [sflag:$0x5], $0x4000, $0x38;
	[tilespmem:$0x10800] =	vst v63  }
0x6d: {  	_ =	swait.ge [sflag:s3], $0x4000  }
0x6e: {  	[sflag:s3] =	ssyncset.done $0x0  }
0x6f: {  	[sflag:s3] =	ssyncadd.s32 $0xFFFFC000  }
0x70: {  	[tilespmem:s7], [sflag:$0x3] =	stream.indirect.gather [hbm4b:s4+s13], $0x80, s21, s13, $0xb8;
	[tilespmem:$0x10800] =	vst v63  }
0x71: {  	_ = 	snop  }
0x72: {  	[tilespmem:s6], [sflag:$0x4] =	stream.indirect.gather [hbm4b:s5+s13], $0x80, s22, s13, $0xb8;
	[tilespmem:$0x10800] =	vst v63  }
0x73: {  	_ =	swait.ge [sflag:s15], $0x4000  }
0x74: {  	[sflag:s15] =	ssyncset.done $0x0  }
0x75: {  	s0 =	rddreg [dreg:$0x11];
	[sflag:s15] =	ssyncadd.s32 $0xFFFFC000  }
0x76: {  	[hbm4b:s0+s2] =	stream.linear.scatter [tilespmem:s12], [sflag:$0x5], $0x4000, $0x38;
	[tilespmem:$0x10800] =	vst v63  }
0x77: {  	_ =	swait.ge [sflag:s3], $0x4000  }
0x78: {  	[sflag:s3] =	ssyncset.done $0x0  }
0x79: {  	[sflag:s3] =	ssyncadd.s32 $0xFFFFC000  }
0x7a: {  	_ =	swait.ge [sflag:s11], $0x4000  }
0x7b: {  	[sflag:s11] =	ssyncset.done $0x0  }
0x7c: {  	s0 =	rddreg [dreg:$0x12];
	[sflag:s11] =	ssyncadd.s32 $0xFFFFC000  }
0x7d: {  	[hbm4b:s0+s2] =	stream.linear.scatter [tilespmem:s9], [sflag:$0x5], $0x4000, $0x38;
	[tilespmem:$0x10800] =	vst v63  }
0x7e: {  	_ =	swait.ge [sflag:s3], $0x4000  }
0x7f: {  	[sflag:s3] =	ssyncset.done $0x0  }
0x80: {  	[sflag:s3] =	ssyncadd.s32 $0xFFFFC000  }
0x81: {  	[tilespmem:s12], [sflag:$0x1] =	stream.indirect.gather [hbm4b:s4+s13], $0x80, s19, s13, $0xb8;
	[tilespmem:$0x10800] =	vst v63  }
0x82: {  	_ = 	snop  }
0x83: {  	[tilespmem:s9], [sflag:$0x2] =	stream.indirect.gather [hbm4b:s5+s13], $0x80, s20, s13, $0xb8;
	[tilespmem:$0x10800] =	vst v63  }
0x84: {  	_ =	swait.ge [sflag:s10], $0x4000  }
0x85: {  	[sflag:s10] =	ssyncset.done $0x0  }
0x86: {  	[sflag:s10] =	ssyncadd.s32 $0xFFFFC000  }
0x87: {  	[hbm4b:s16+s2] =	stream.linear.scatter [tilespmem:s7], [sflag:$0x5], $0x4000, $0x38;
	[tilespmem:$0x10800] =	vst v63  }
0x88: {  	_ =	swait.ge [sflag:s3], $0x4000  }
0x89: {  	[sflag:s3] =	ssyncset.done $0x0  }
0x8a: {  	[sflag:s3] =	ssyncadd.s32 $0xFFFFC000  }
0x8b: {  	_ =	swait.ge [sflag:s8], $0x4000  }
0x8c: {  	[sflag:s8] =	ssyncset.done $0x0  }
0x8d: {  	[sflag:s8] =	ssyncadd.s32 $0xFFFFC000  }
0x8e: {  	[hbm4b:s14+s2] =	stream.linear.scatter [tilespmem:s6], [sflag:$0x5], $0x4000, $0x38;
	[tilespmem:$0x10800] =	vst v63  }
0x8f: {  	_ =	swait.ge [sflag:s3], $0x4000  }
0x90: {  	[sflag:s3] =	ssyncset.done $0x0  }
0x91: {  	[sflag:s3] =	ssyncadd.s32 $0xFFFFC000  }
0x92: {  	[tilespmem:s7], [sflag:$0x3] =	stream.indirect.gather [hbm4b:s4+s13], $0x80, s17, s13, $0xb8;
	[tilespmem:$0x10800] =	vst v63  }
0x93: {  	_ = 	snop  }
0x94: {  	[tilespmem:s6], [sflag:$0x4] =	stream.indirect.gather [hbm4b:s5+s13], $0x80, s18, s13, $0xb8;
	[tilespmem:$0x10800] =	vst v63  }
0x95: {  	_ =	swait.ge [sflag:s15], $0x4000  }
0x96: {  	[sflag:s15] =	ssyncset.done $0x0  }
0x97: {  	s0 =	rddreg [dreg:$0x5];
	[sflag:s15] =	ssyncadd.s32 $0xFFFFC000  }
0x98: {  	[hbm4b:s0+s2] =	stream.linear.scatter [tilespmem:s12], [sflag:$0x5], $0x4000, $0x38;
	[tilespmem:$0x10800] =	vst v63  }
0x99: {  	_ =	swait.ge [sflag:s3], $0x4000  }
0x9a: {  	[sflag:s3] =	ssyncset.done $0x0  }
0x9b: {  	[sflag:s3] =	ssyncadd.s32 $0xFFFFC000  }
0x9c: {  	_ =	swait.ge [sflag:s11], $0x4000  }
0x9d: {  	[sflag:s11] =	ssyncset.done $0x0  }
0x9e: {  	s0 =	rddreg [dreg:$0x6];
	[sflag:s11] =	ssyncadd.s32 $0xFFFFC000  }
0x9f: {  	[hbm4b:s0+s2] =	stream.linear.scatter [tilespmem:s9], [sflag:$0x5], $0x4000, $0x38;
	[tilespmem:$0x10800] =	vst v63  }
0xa0: {  	_ =	swait.ge [sflag:s3], $0x4000  }
0xa1: {  	[sflag:s3] =	ssyncset.done $0x0  }
0xa2: {  	[sflag:s3] =	ssyncadd.s32 $0xFFFFC000  }
0xa3: {  	_ =	swait.ge [sflag:s10], $0x4000  }
0xa4: {  	[sflag:s10] =	ssyncset.done $0x0  }
0xa5: {  	s0 =	rddreg [dreg:$0x7];
	[sflag:s10] =	ssyncadd.s32 $0xFFFFC000  }
0xa6: {  	[hbm4b:s0+s2] =	stream.linear.scatter [tilespmem:s7], [sflag:$0x5], $0x4000, $0x38;
	[tilespmem:$0x10800] =	vst v63  }
0xa7: {  	_ =	swait.ge [sflag:s3], $0x4000  }
0xa8: {  	[sflag:s3] =	ssyncset.done $0x0  }
0xa9: {  	[sflag:s3] =	ssyncadd.s32 $0xFFFFC000  }
0xaa: {  	p1 =	sne.s32 s1, $0x1;
	_ =	swait.ge [sflag:s8], $0x4000  }
.Ltmp1:
0xab: {  	[sflag:s8] =	ssyncset.done $0x0;
	(pc) =	sbr.rel @!p1 .LBB2_3-.Ltmp1, $4  }
0xac: {  	s0 =	rddreg [dreg:$0x8];
	[sflag:s8] =	ssyncadd.s32 $0xFFFFC000  }
0xad: {  	[hbm4b:s0+s2] =	stream.linear.scatter [tilespmem:s6], [sflag:$0x5], $0x4000, $0x38;
	[tilespmem:$0x10800] =	vst v63  }
0xae: {  	s1 =	sadd.s32 $0xFFFFFFFF, s1;
	_ =	swait.ge [sflag:s3], $0x4000  }
0xaf: {  	p0 =	por $0x1, $0x1;
	s0 =	rddreg [dreg:$0x3];
	[sflag:s3] =	ssyncset.done $0x0  }
.LBB2_2:
0xb0: {  	[sflag:s3] =	ssyncadd.s32 $0xFFFFC000  }
0xb1: {  	[tilespmem:s2], [sflag:$0x5] =	stream.linear.gather [hbm4b:s0+s2], $0x400, $0x38;
	[tilespmem:$0x10800] =	vst v63  }
0xb2: {  	_ =	swait.ge [sflag:s3], $0x400  }
0xb3: {  	[sflag:s3] =	ssyncset.done $0x0  }
0xb4: {  	s0 =	rddreg [dreg:$0x4];
	[sflag:s3] =	ssyncadd.s32 $0xFFFFFC00  }
0xb5: {  	[tilespmem:s30], [sflag:$0x5] =	stream.linear.gather [hbm4b:s0+s2], $0x400, $0x38;
	[tilespmem:$0x10800] =	vst v63  }
0xb6: {  	_ =	swait.ge [sflag:s3], $0x400  }
0xb7: {  	[sflag:s3] =	ssyncset.done $0x0  }
0xb8: {  	[sflag:s3] =	ssyncadd.s32 $0xFFFFFC00  }
0xb9: {  	[tilespmem:s12], [sflag:$0x1] =	stream.indirect.gather [hbm4b:s4+s13], $0x80, s2, s13, $0xb8;
	[tilespmem:$0x10800] =	vst v63  }
0xba: {  	_ = 	snop  }
0xbb: {  	[tilespmem:s9], [sflag:$0x2] =	stream.indirect.gather [hbm4b:s5+s13], $0x80, s30, s13, $0xb8;
	[tilespmem:$0x10800] =	vst v63  }
0xbc: {  	_ = 	snop  }
0xbd: {  	[tilespmem:s7], [sflag:$0x3] =	stream.indirect.gather [hbm4b:s4+s13], $0x80, s13, s13, $0xb8;
	[tilespmem:$0x10800] =	vst v63  }
0xbe: {  	_ = 	snop  }
0xbf: {  	[tilespmem:s6], [sflag:$0x4] =	stream.indirect.gather [hbm4b:s5+s13], $0x80, s31, s13, $0xb8;
	[tilespmem:$0x10800] =	vst v63  }
0xc0: {  	_ =	swait.ge [sflag:s15], $0x4000  }
0xc1: {  	[sflag:s15] =	ssyncset.done $0x0  }
0xc2: {  	s0 =	rddreg [dreg:$0x9];
	[sflag:s15] =	ssyncadd.s32 $0xFFFFC000  }
0xc3: {  	[hbm4b:s0+s2] =	stream.linear.scatter [tilespmem:s12], [sflag:$0x5], $0x4000, $0x38;
	[tilespmem:$0x10800] =	vst v63  }
0xc4: {  	_ =	swait.ge [sflag:s3], $0x4000  }
0xc5: {  	[sflag:s3] =	ssyncset.done $0x0  }
0xc6: {  	[sflag:s3] =	ssyncadd.s32 $0xFFFFC000  }
0xc7: {  	_ =	swait.ge [sflag:s11], $0x4000  }
0xc8: {  	[sflag:s11] =	ssyncset.done $0x0  }
0xc9: {  	s0 =	rddreg [dreg:$0xa];
	[sflag:s11] =	ssyncadd.s32 $0xFFFFC000  }
0xca: {  	[hbm4b:s0+s2] =	stream.linear.scatter [tilespmem:s9], [sflag:$0x5], $0x4000, $0x38;
	[tilespmem:$0x10800] =	vst v63  }
0xcb: {  	_ =	swait.ge [sflag:s3], $0x4000  }
0xcc: {  	[sflag:s3] =	ssyncset.done $0x0  }
0xcd: {  	[sflag:s3] =	ssyncadd.s32 $0xFFFFC000  }
0xce: {  	[tilespmem:s12], [sflag:$0x1] =	stream.indirect.gather [hbm4b:s4+s13], $0x80, s28, s13, $0xb8;
	[tilespmem:$0x10800] =	vst v63  }
0xcf: {  	_ = 	snop  }
0xd0: {  	[tilespmem:s9], [sflag:$0x2] =	stream.indirect.gather [hbm4b:s5+s13], $0x80, s29, s13, $0xb8;
	[tilespmem:$0x10800] =	vst v63  }
0xd1: {  	_ =	swait.ge [sflag:s10], $0x4000  }
0xd2: {  	[sflag:s10] =	ssyncset.done $0x0  }
0xd3: {  	s0 =	rddreg [dreg:$0xb];
	[sflag:s10] =	ssyncadd.s32 $0xFFFFC000  }
0xd4: {  	[hbm4b:s0+s2] =	stream.linear.scatter [tilespmem:s7], [sflag:$0x5], $0x4000, $0x38;
	[tilespmem:$0x10800] =	vst v63  }
0xd5: {  	_ =	swait.ge [sflag:s3], $0x4000  }
0xd6: {  	[sflag:s3] =	ssyncset.done $0x0  }
0xd7: {  	[sflag:s3] =	ssyncadd.s32 $0xFFFFC000  }
0xd8: {  	_ =	swait.ge [sflag:s8], $0x4000  }
0xd9: {  	[sflag:s8] =	ssyncset.done $0x0  }
0xda: {  	s0 =	rddreg [dreg:$0xc];
	[sflag:s8] =	ssyncadd.s32 $0xFFFFC000  }
0xdb: {  	[hbm4b:s0+s2] =	stream.linear.scatter [tilespmem:s6], [sflag:$0x5], $0x4000, $0x38;
	[tilespmem:$0x10800] =	vst v63  }
0xdc: {  	_ =	swait.ge [sflag:s3], $0x4000  }
0xdd: {  	[sflag:s3] =	ssyncset.done $0x0  }
0xde: {  	[sflag:s3] =	ssyncadd.s32 $0xFFFFC000  }
0xdf: {  	[tilespmem:s7], [sflag:$0x3] =	stream.indirect.gather [hbm4b:s4+s13], $0x80, s25, s13, $0xb8;
	[tilespmem:$0x10800] =	vst v63  }
0xe0: {  	_ = 	snop  }
0xe1: {  	[tilespmem:s6], [sflag:$0x4] =	stream.indirect.gather [hbm4b:s5+s13], $0x80, s26, s13, $0xb8;
	[tilespmem:$0x10800] =	vst v63  }
0xe2: {  	_ =	swait.ge [sflag:s15], $0x4000  }
0xe3: {  	[sflag:s15] =	ssyncset.done $0x0  }
0xe4: {  	s0 =	rddreg [dreg:$0xd];
	[sflag:s15] =	ssyncadd.s32 $0xFFFFC000  }
0xe5: {  	[hbm4b:s0+s2] =	stream.linear.scatter [tilespmem:s12], [sflag:$0x5], $0x4000, $0x38;
	[tilespmem:$0x10800] =	vst v63  }
0xe6: {  	_ =	swait.ge [sflag:s3], $0x4000  }
0xe7: {  	[sflag:s3] =	ssyncset.done $0x0  }
0xe8: {  	[sflag:s3] =	ssyncadd.s32 $0xFFFFC000  }
0xe9: {  	_ =	swait.ge [sflag:s11], $0x4000  }
0xea: {  	[sflag:s11] =	ssyncset.done $0x0  }
0xeb: {  	s0 =	rddreg [dreg:$0xe];
	[sflag:s11] =	ssyncadd.s32 $0xFFFFC000  }
0xec: {  	[hbm4b:s0+s2] =	stream.linear.scatter [tilespmem:s9], [sflag:$0x5], $0x4000, $0x38;
	[tilespmem:$0x10800] =	vst v63  }
0xed: {  	_ =	swait.ge [sflag:s3], $0x4000  }
0xee: {  	[sflag:s3] =	ssyncset.done $0x0  }
0xef: {  	[sflag:s3] =	ssyncadd.s32 $0xFFFFC000  }
0xf0: {  	[tilespmem:s12], [sflag:$0x1] =	stream.indirect.gather [hbm4b:s4+s13], $0x80, s23, s13, $0xb8;
	[tilespmem:$0x10800] =	vst v63  }
0xf1: {  	_ = 	snop  }
0xf2: {  	[tilespmem:s9], [sflag:$0x2] =	stream.indirect.gather [hbm4b:s5+s13], $0x80, s24, s13, $0xb8;
	[tilespmem:$0x10800] =	vst v63  }
0xf3: {  	_ =	swait.ge [sflag:s10], $0x4000  }
0xf4: {  	[sflag:s10] =	ssyncset.done $0x0  }
0xf5: {  	s0 =	rddreg [dreg:$0xf];
	[sflag:s10] =	ssyncadd.s32 $0xFFFFC000  }
0xf6: {  	[hbm4b:s0+s2] =	stream.linear.scatter [tilespmem:s7], [sflag:$0x5], $0x4000, $0x38;
	[tilespmem:$0x10800] =	vst v63  }
0xf7: {  	_ =	swait.ge [sflag:s3], $0x4000  }
0xf8: {  	[sflag:s3] =	ssyncset.done $0x0  }
0xf9: {  	[sflag:s3] =	ssyncadd.s32 $0xFFFFC000  }
0xfa: {  	_ =	swait.ge [sflag:s8], $0x4000  }
0xfb: {  	[sflag:s8] =	ssyncset.done $0x0  }
0xfc: {  	s0 =	rddreg [dreg:$0x10];
	[sflag:s8] =	ssyncadd.s32 $0xFFFFC000  }
0xfd: {  	[hbm4b:s0+s2] =	stream.linear.scatter [tilespmem:s6], [sflag:$0x5], $0x4000, $0x38;
	[tilespmem:$0x10800] =	vst v63  }
0xfe: {  	_ =	swait.ge [sflag:s3], $0x4000  }
0xff: {  	[sflag:s3] =	ssyncset.done $0x0  }
0x100: {  	[sflag:s3] =	ssyncadd.s32 $0xFFFFC000  }
0x101: {  	[tilespmem:s7], [sflag:$0x3] =	stream.indirect.gather [hbm4b:s4+s13], $0x80, s21, s13, $0xb8;
	[tilespmem:$0x10800] =	vst v63  }
0x102: {  	_ = 	snop  }
0x103: {  	[tilespmem:s6], [sflag:$0x4] =	stream.indirect.gather [hbm4b:s5+s13], $0x80, s22, s13, $0xb8;
	[tilespmem:$0x10800] =	vst v63  }
0x104: {  	_ =	swait.ge [sflag:s15], $0x4000  }
0x105: {  	[sflag:s15] =	ssyncset.done $0x0  }
0x106: {  	s0 =	rddreg [dreg:$0x11];
	[sflag:s15] =	ssyncadd.s32 $0xFFFFC000  }
0x107: {  	[hbm4b:s0+s2] =	stream.linear.scatter [tilespmem:s12], [sflag:$0x5], $0x4000, $0x38;
	[tilespmem:$0x10800] =	vst v63  }
0x108: {  	_ =	swait.ge [sflag:s3], $0x4000  }
0x109: {  	[sflag:s3] =	ssyncset.done $0x0  }
0x10a: {  	[sflag:s3] =	ssyncadd.s32 $0xFFFFC000  }
0x10b: {  	_ =	swait.ge [sflag:s11], $0x4000  }
0x10c: {  	[sflag:s11] =	ssyncset.done $0x0  }
0x10d: {  	s0 =	rddreg [dreg:$0x12];
	[sflag:s11] =	ssyncadd.s32 $0xFFFFC000  }
0x10e: {  	[hbm4b:s0+s2] =	stream.linear.scatter [tilespmem:s9], [sflag:$0x5], $0x4000, $0x38;
	[tilespmem:$0x10800] =	vst v63  }
0x10f: {  	_ =	swait.ge [sflag:s3], $0x4000  }
0x110: {  	[sflag:s3] =	ssyncset.done $0x0  }
0x111: {  	[sflag:s3] =	ssyncadd.s32 $0xFFFFC000  }
0x112: {  	[tilespmem:s12], [sflag:$0x1] =	stream.indirect.gather [hbm4b:s4+s13], $0x80, s19, s13, $0xb8;
	[tilespmem:$0x10800] =	vst v63  }
0x113: {  	_ = 	snop  }
0x114: {  	[tilespmem:s9], [sflag:$0x2] =	stream.indirect.gather [hbm4b:s5+s13], $0x80, s20, s13, $0xb8;
	[tilespmem:$0x10800] =	vst v63  }
0x115: {  	_ =	swait.ge [sflag:s10], $0x4000  }
0x116: {  	[sflag:s10] =	ssyncset.done $0x0  }
0x117: {  	[sflag:s10] =	ssyncadd.s32 $0xFFFFC000  }
0x118: {  	[hbm4b:s16+s2] =	stream.linear.scatter [tilespmem:s7], [sflag:$0x5], $0x4000, $0x38;
	[tilespmem:$0x10800] =	vst v63  }
0x119: {  	_ =	swait.ge [sflag:s3], $0x4000  }
0x11a: {  	[sflag:s3] =	ssyncset.done $0x0  }
0x11b: {  	[sflag:s3] =	ssyncadd.s32 $0xFFFFC000  }
0x11c: {  	_ =	swait.ge [sflag:s8], $0x4000  }
0x11d: {  	[sflag:s8] =	ssyncset.done $0x0  }
0x11e: {  	[sflag:s8] =	ssyncadd.s32 $0xFFFFC000  }
0x11f: {  	[hbm4b:s14+s2] =	stream.linear.scatter [tilespmem:s6], [sflag:$0x5], $0x4000, $0x38;
	[tilespmem:$0x10800] =	vst v63  }
0x120: {  	_ =	swait.ge [sflag:s3], $0x4000  }
0x121: {  	[sflag:s3] =	ssyncset.done $0x0  }
0x122: {  	[sflag:s3] =	ssyncadd.s32 $0xFFFFC000  }
0x123: {  	[tilespmem:s7], [sflag:$0x3] =	stream.indirect.gather [hbm4b:s4+s13], $0x80, s17, s13, $0xb8;
	[tilespmem:$0x10800] =	vst v63  }
0x124: {  	_ = 	snop  }
0x125: {  	[tilespmem:s6], [sflag:$0x4] =	stream.indirect.gather [hbm4b:s5+s13], $0x80, s18, s13, $0xb8;
	[tilespmem:$0x10800] =	vst v63  }
0x126: {  	_ =	swait.ge [sflag:s15], $0x4000  }
0x127: {  	[sflag:s15] =	ssyncset.done $0x0  }
0x128: {  	s0 =	rddreg [dreg:$0x5];
	[sflag:s15] =	ssyncadd.s32 $0xFFFFC000  }
0x129: {  	[hbm4b:s0+s2] =	stream.linear.scatter [tilespmem:s12], [sflag:$0x5], $0x4000, $0x38;
	[tilespmem:$0x10800] =	vst v63  }
0x12a: {  	_ =	swait.ge [sflag:s3], $0x4000  }
0x12b: {  	[sflag:s3] =	ssyncset.done $0x0  }
0x12c: {  	[sflag:s3] =	ssyncadd.s32 $0xFFFFC000  }
0x12d: {  	_ =	swait.ge [sflag:s11], $0x4000  }
0x12e: {  	[sflag:s11] =	ssyncset.done $0x0  }
0x12f: {  	s0 =	rddreg [dreg:$0x6];
	[sflag:s11] =	ssyncadd.s32 $0xFFFFC000  }
0x130: {  	[hbm4b:s0+s2] =	stream.linear.scatter [tilespmem:s9], [sflag:$0x5], $0x4000, $0x38;
	[tilespmem:$0x10800] =	vst v63  }
0x131: {  	_ =	swait.ge [sflag:s3], $0x4000  }
0x132: {  	[sflag:s3] =	ssyncset.done $0x0  }
0x133: {  	[sflag:s3] =	ssyncadd.s32 $0xFFFFC000  }
0x134: {  	_ =	swait.ge [sflag:s10], $0x4000  }
0x135: {  	[sflag:s10] =	ssyncset.done $0x0  }
0x136: {  	s0 =	rddreg [dreg:$0x7];
	[sflag:s10] =	ssyncadd.s32 $0xFFFFC000  }
0x137: {  	[hbm4b:s0+s2] =	stream.linear.scatter [tilespmem:s7], [sflag:$0x5], $0x4000, $0x38;
	[tilespmem:$0x10800] =	vst v63  }
0x138: {  	_ =	swait.ge [sflag:s3], $0x4000  }
0x139: {  	[sflag:s3] =	ssyncset.done $0x0  }
0x13a: {  	[sflag:s3] =	ssyncadd.s32 $0xFFFFC000  }
0x13b: {  	p1 =	sne.s32 s1, $0x1;
	_ =	swait.ge [sflag:s8], $0x4000  }
.Ltmp2:
0x13c: {  	[sflag:s8] =	ssyncset.done $0x0;
	(pc) =	sbr.rel @p1 .LBB2_2-.Ltmp2, $4  }
0x13d: {  	s0 =	rddreg [dreg:$0x8];
	[sflag:s8] =	ssyncadd.s32 $0xFFFFC000  }
0x13e: {  	[hbm4b:s0+s2] =	stream.linear.scatter [tilespmem:s6], [sflag:$0x5], $0x4000, $0x38;
	[tilespmem:$0x10800] =	vst v63  }
0x13f: {  	_ =	swait.ge [sflag:s3], $0x4000  }
0x140: {  	s1 =	sadd.s32 $0xFFFFFFFF, s1;
	s0 =	rddreg [dreg:$0x3];
	[sflag:s3] =	ssyncset.done $0x0  }
.LBB2_3:
0x141: {  	[sflag:s3] =	ssyncadd.s32 @p0 $0xFFFFC000  }
0x142: {  	[tilespmem:s2], [sflag:$0x5] =	stream.linear.gather [hbm4b:s0+s2], $0x400, $0x38;
	[tilespmem:$0x10800] =	vst v63  }
0x143: {  	_ =	swait.ge [sflag:s3], $0x400  }
0x144: {  	[sflag:s3] =	ssyncset.done $0x0  }
0x145: {  	s1 =	rddreg [dreg:$0x4];
	[sflag:s3] =	ssyncadd.s32 $0xFFFFFC00  }
0x146: {  	[tilespmem:s30], [sflag:$0x5] =	stream.linear.gather [hbm4b:s1+s2], $0x400, $0x38;
	[tilespmem:$0x10800] =	vst v63  }
0x147: {  	_ =	swait.ge [sflag:s3], $0x400  }
0x148: {  	[sflag:s3] =	ssyncset.done $0x0  }
0x149: {  	[sflag:s3] =	ssyncadd.s32 $0xFFFFFC00  }
0x14a: {  	[tilespmem:s12], [sflag:$0x1] =	stream.indirect.gather [hbm4b:s4+s13], $0x80, s2, s13, $0xb8;
	[tilespmem:$0x10800] =	vst v63  }
0x14b: {  	_ = 	snop  }
0x14c: {  	[tilespmem:s9], [sflag:$0x2] =	stream.indirect.gather [hbm4b:s5+s13], $0x80, s30, s13, $0xb8;
	[tilespmem:$0x10800] =	vst v63  }
0x14d: {  	_ = 	snop  }
0x14e: {  	[tilespmem:s7], [sflag:$0x3] =	stream.indirect.gather [hbm4b:s4+s13], $0x80, s13, s13, $0xb8;
	[tilespmem:$0x10800] =	vst v63  }
0x14f: {  	_ = 	snop  }
0x150: {  	[tilespmem:s6], [sflag:$0x4] =	stream.indirect.gather [hbm4b:s5+s13], $0x80, s31, s13, $0xb8;
	[tilespmem:$0x10800] =	vst v63  }
0x151: {  	_ =	swait.ge [sflag:s15], $0x4000  }
0x152: {  	[sflag:s15] =	ssyncset.done $0x0  }
0x153: {  	s31 =	rddreg [dreg:$0x9];
	[sflag:s15] =	ssyncadd.s32 $0xFFFFC000  }
0x154: {  	[hbm4b:s31+s2] =	stream.linear.scatter [tilespmem:s12], [sflag:$0x5], $0x4000, $0x38;
	[tilespmem:$0x10800] =	vst v63  }
0x155: {  	_ =	swait.ge [sflag:s3], $0x4000  }
0x156: {  	[sflag:s3] =	ssyncset.done $0x0  }
0x157: {  	[sflag:s3] =	ssyncadd.s32 $0xFFFFC000  }
0x158: {  	_ =	swait.ge [sflag:s11], $0x4000  }
0x159: {  	[sflag:s11] =	ssyncset.done $0x0  }
0x15a: {  	s1 =	rddreg [dreg:$0xa];
	[sflag:s11] =	ssyncadd.s32 $0xFFFFC000  }
0x15b: {  	[hbm4b:s1+s2] =	stream.linear.scatter [tilespmem:s9], [sflag:$0x5], $0x4000, $0x38;
	[tilespmem:$0x10800] =	vst v63  }
0x15c: {  	_ =	swait.ge [sflag:s3], $0x4000  }
0x15d: {  	[sflag:s3] =	ssyncset.done $0x0  }
0x15e: {  	[sflag:s3] =	ssyncadd.s32 $0xFFFFC000  }
0x15f: {  	[tilespmem:s12], [sflag:$0x1] =	stream.indirect.gather [hbm4b:s4+s13], $0x80, s28, s13, $0xb8;
	[tilespmem:$0x10800] =	vst v63  }
0x160: {  	_ = 	snop  }
0x161: {  	[tilespmem:s9], [sflag:$0x2] =	stream.indirect.gather [hbm4b:s5+s13], $0x80, s29, s13, $0xb8;
	[tilespmem:$0x10800] =	vst v63  }
0x162: {  	_ =	swait.ge [sflag:s10], $0x4000  }
0x163: {  	[sflag:s10] =	ssyncset.done $0x0  }
0x164: {  	s28 =	rddreg [dreg:$0xb];
	[sflag:s10] =	ssyncadd.s32 $0xFFFFC000  }
0x165: {  	[hbm4b:s28+s2] =	stream.linear.scatter [tilespmem:s7], [sflag:$0x5], $0x4000, $0x38;
	[tilespmem:$0x10800] =	vst v63  }
0x166: {  	_ =	swait.ge [sflag:s3], $0x4000  }
0x167: {  	[sflag:s3] =	ssyncset.done $0x0  }
0x168: {  	[sflag:s3] =	ssyncadd.s32 $0xFFFFC000  }
0x169: {  	_ =	swait.ge [sflag:s8], $0x4000  }
0x16a: {  	[sflag:s8] =	ssyncset.done $0x0  }
0x16b: {  	s29 =	rddreg [dreg:$0xc];
	[sflag:s8] =	ssyncadd.s32 $0xFFFFC000  }
0x16c: {  	[hbm4b:s29+s2] =	stream.linear.scatter [tilespmem:s6], [sflag:$0x5], $0x4000, $0x38;
	[tilespmem:$0x10800] =	vst v63  }
0x16d: {  	_ =	swait.ge [sflag:s3], $0x4000  }
0x16e: {  	[sflag:s3] =	ssyncset.done $0x0  }
0x16f: {  	[sflag:s3] =	ssyncadd.s32 $0xFFFFC000  }
0x170: {  	[tilespmem:s7], [sflag:$0x3] =	stream.indirect.gather [hbm4b:s4+s13], $0x80, s25, s13, $0xb8;
	[tilespmem:$0x10800] =	vst v63  }
0x171: {  	_ = 	snop  }
0x172: {  	[tilespmem:s6], [sflag:$0x4] =	stream.indirect.gather [hbm4b:s5+s13], $0x80, s26, s13, $0xb8;
	[tilespmem:$0x10800] =	vst v63  }
0x173: {  	_ =	swait.ge [sflag:s15], $0x4000  }
0x174: {  	[sflag:s15] =	ssyncset.done $0x0  }
0x175: {  	s30 =	rddreg [dreg:$0xd];
	[sflag:s15] =	ssyncadd.s32 $0xFFFFC000  }
0x176: {  	[hbm4b:s30+s2] =	stream.linear.scatter [tilespmem:s12], [sflag:$0x5], $0x4000, $0x38;
	[tilespmem:$0x10800] =	vst v63  }
0x177: {  	_ =	swait.ge [sflag:s3], $0x4000  }
0x178: {  	[sflag:s3] =	ssyncset.done $0x0  }
0x179: {  	[sflag:s3] =	ssyncadd.s32 $0xFFFFC000  }
0x17a: {  	_ =	swait.ge [sflag:s11], $0x4000  }
0x17b: {  	[sflag:s11] =	ssyncset.done $0x0  }
0x17c: {  	s31 =	rddreg [dreg:$0xe];
	[sflag:s11] =	ssyncadd.s32 $0xFFFFC000  }
0x17d: {  	[hbm4b:s31+s2] =	stream.linear.scatter [tilespmem:s9], [sflag:$0x5], $0x4000, $0x38;
	[tilespmem:$0x10800] =	vst v63  }
0x17e: {  	_ =	swait.ge [sflag:s3], $0x4000  }
0x17f: {  	[sflag:s3] =	ssyncset.done $0x0  }
0x180: {  	[sflag:s3] =	ssyncadd.s32 $0xFFFFC000  }
0x181: {  	[tilespmem:s12], [sflag:$0x1] =	stream.indirect.gather [hbm4b:s4+s13], $0x80, s23, s13, $0xb8;
	[tilespmem:$0x10800] =	vst v63  }
0x182: {  	_ = 	snop  }
0x183: {  	[tilespmem:s9], [sflag:$0x2] =	stream.indirect.gather [hbm4b:s5+s13], $0x80, s24, s13, $0xb8;
	[tilespmem:$0x10800] =	vst v63  }
0x184: {  	_ =	swait.ge [sflag:s10], $0x4000  }
0x185: {  	[sflag:s10] =	ssyncset.done $0x0  }
0x186: {  	s1 =	rddreg [dreg:$0xf];
	[sflag:s10] =	ssyncadd.s32 $0xFFFFC000  }
0x187: {  	[hbm4b:s1+s2] =	stream.linear.scatter [tilespmem:s7], [sflag:$0x5], $0x4000, $0x38;
	[tilespmem:$0x10800] =	vst v63  }
0x188: {  	_ =	swait.ge [sflag:s3], $0x4000  }
0x189: {  	[sflag:s3] =	ssyncset.done $0x0  }
0x18a: {  	[sflag:s3] =	ssyncadd.s32 $0xFFFFC000  }
0x18b: {  	_ =	swait.ge [sflag:s8], $0x4000  }
0x18c: {  	[sflag:s8] =	ssyncset.done $0x0  }
0x18d: {  	s23 =	rddreg [dreg:$0x10];
	[sflag:s8] =	ssyncadd.s32 $0xFFFFC000  }
0x18e: {  	[hbm4b:s23+s2] =	stream.linear.scatter [tilespmem:s6], [sflag:$0x5], $0x4000, $0x38;
	[tilespmem:$0x10800] =	vst v63  }
0x18f: {  	_ =	swait.ge [sflag:s3], $0x4000  }
0x190: {  	[sflag:s3] =	ssyncset.done $0x0  }
0x191: {  	[sflag:s3] =	ssyncadd.s32 $0xFFFFC000  }
0x192: {  	[tilespmem:s7], [sflag:$0x3] =	stream.indirect.gather [hbm4b:s4+s13], $0x80, s21, s13, $0xb8;
	[tilespmem:$0x10800] =	vst v63  }
0x193: {  	_ = 	snop  }
0x194: {  	[tilespmem:s6], [sflag:$0x4] =	stream.indirect.gather [hbm4b:s5+s13], $0x80, s22, s13, $0xb8;
	[tilespmem:$0x10800] =	vst v63  }
0x195: {  	_ =	swait.ge [sflag:s15], $0x4000  }
0x196: {  	[sflag:s15] =	ssyncset.done $0x0  }
0x197: {  	s24 =	rddreg [dreg:$0x11];
	[sflag:s15] =	ssyncadd.s32 $0xFFFFC000  }
0x198: {  	[hbm4b:s24+s2] =	stream.linear.scatter [tilespmem:s12], [sflag:$0x5], $0x4000, $0x38;
	[tilespmem:$0x10800] =	vst v63  }
0x199: {  	_ =	swait.ge [sflag:s3], $0x4000  }
0x19a: {  	[sflag:s3] =	ssyncset.done $0x0  }
0x19b: {  	[sflag:s3] =	ssyncadd.s32 $0xFFFFC000  }
0x19c: {  	_ =	swait.ge [sflag:s11], $0x4000  }
0x19d: {  	[sflag:s11] =	ssyncset.done $0x0  }
0x19e: {  	s25 =	rddreg [dreg:$0x12];
	[sflag:s11] =	ssyncadd.s32 $0xFFFFC000  }
0x19f: {  	[hbm4b:s25+s2] =	stream.linear.scatter [tilespmem:s9], [sflag:$0x5], $0x4000, $0x38;
	[tilespmem:$0x10800] =	vst v63  }
0x1a0: {  	_ =	swait.ge [sflag:s3], $0x4000  }
0x1a1: {  	[sflag:s3] =	ssyncset.done $0x0  }
0x1a2: {  	[sflag:s3] =	ssyncadd.s32 $0xFFFFC000  }
0x1a3: {  	[tilespmem:s12], [sflag:$0x1] =	stream.indirect.gather [hbm4b:s4+s13], $0x80, s19, s13, $0xb8;
	[tilespmem:$0x10800] =	vst v63  }
0x1a4: {  	_ = 	snop  }
0x1a5: {  	[tilespmem:s9], [sflag:$0x2] =	stream.indirect.gather [hbm4b:s5+s13], $0x80, s20, s13, $0xb8;
	[tilespmem:$0x10800] =	vst v63  }
0x1a6: {  	_ =	swait.ge [sflag:s10], $0x4000  }
0x1a7: {  	[sflag:s10] =	ssyncset.done $0x0  }
0x1a8: {  	[sflag:s10] =	ssyncadd.s32 $0xFFFFC000  }
0x1a9: {  	[hbm4b:s16+s2] =	stream.linear.scatter [tilespmem:s7], [sflag:$0x5], $0x4000, $0x38;
	[tilespmem:$0x10800] =	vst v63  }
0x1aa: {  	_ =	swait.ge [sflag:s3], $0x4000  }
0x1ab: {  	[sflag:s3] =	ssyncset.done $0x0  }
0x1ac: {  	[sflag:s3] =	ssyncadd.s32 $0xFFFFC000  }
0x1ad: {  	_ =	swait.ge [sflag:s8], $0x4000  }
0x1ae: {  	[sflag:s8] =	ssyncset.done $0x0  }
0x1af: {  	[sflag:s8] =	ssyncadd.s32 $0xFFFFC000  }
0x1b0: {  	[hbm4b:s14+s2] =	stream.linear.scatter [tilespmem:s6], [sflag:$0x5], $0x4000, $0x38;
	[tilespmem:$0x10800] =	vst v63  }
0x1b1: {  	_ =	swait.ge [sflag:s3], $0x4000  }
0x1b2: {  	[sflag:s3] =	ssyncset.done $0x0  }
0x1b3: {  	[sflag:s3] =	ssyncadd.s32 $0xFFFFC000  }
0x1b4: {  	[tilespmem:s7], [sflag:$0x3] =	stream.indirect.gather [hbm4b:s4+s13], $0x80, s17, s13, $0xb8;
	[tilespmem:$0x10800] =	vst v63  }
0x1b5: {  	_ = 	snop  }
0x1b6: {  	[tilespmem:s6], [sflag:$0x4] =	stream.indirect.gather [hbm4b:s5+s13], $0x80, s18, s13, $0xb8;
	[tilespmem:$0x10800] =	vst v63  }
0x1b7: {  	_ =	swait.ge [sflag:s15], $0x4000  }
0x1b8: {  	[sflag:s15] =	ssyncset.done $0x0  }
0x1b9: {  	s26 =	rddreg [dreg:$0x5];
	[sflag:s15] =	ssyncadd.s32 $0xFFFFC000  }
0x1ba: {  	[hbm4b:s26+s2] =	stream.linear.scatter [tilespmem:s12], [sflag:$0x5], $0x4000, $0x38;
	[tilespmem:$0x10800] =	vst v63  }
0x1bb: {  	_ =	swait.ge [sflag:s3], $0x4000  }
0x1bc: {  	[sflag:s3] =	ssyncset.done $0x0  }
0x1bd: {  	[sflag:s3] =	ssyncadd.s32 $0xFFFFC000  }
0x1be: {  	_ =	swait.ge [sflag:s11], $0x4000  }
0x1bf: {  	[sflag:s11] =	ssyncset.done $0x0  }
0x1c0: {  	s28 =	rddreg [dreg:$0x6];
	[sflag:s11] =	ssyncadd.s32 $0xFFFFC000  }
0x1c1: {  	[hbm4b:s28+s2] =	stream.linear.scatter [tilespmem:s9], [sflag:$0x5], $0x4000, $0x38;
	[tilespmem:$0x10800] =	vst v63  }
0x1c2: {  	_ =	swait.ge [sflag:s3], $0x4000  }
0x1c3: {  	[sflag:s3] =	ssyncset.done $0x0  }
0x1c4: {  	[sflag:s3] =	ssyncadd.s32 $0xFFFFC000  }
0x1c5: {  	_ =	swait.ge [sflag:s10], $0x4000  }
0x1c6: {  	[sflag:s10] =	ssyncset.done $0x0  }
0x1c7: {  	s29 =	rddreg [dreg:$0x7];
	[sflag:s10] =	ssyncadd.s32 $0xFFFFC000  }
0x1c8: {  	[hbm4b:s29+s2] =	stream.linear.scatter [tilespmem:s7], [sflag:$0x5], $0x4000, $0x38;
	[tilespmem:$0x10800] =	vst v63  }
0x1c9: {  	_ =	swait.ge [sflag:s3], $0x4000  }
0x1ca: {  	[sflag:s3] =	ssyncset.done $0x0  }
0x1cb: {  	[sflag:s3] =	ssyncadd.s32 $0xFFFFC000  }
0x1cc: {  	_ =	swait.ge [sflag:s8], $0x4000  }
0x1cd: {  	[sflag:s8] =	ssyncset.done $0x0  }
0x1ce: {  	s30 =	rddreg [dreg:$0x8];
	[sflag:s8] =	ssyncadd.s32 $0xFFFFC000  }
0x1cf: {  	[hbm4b:s30+s2] =	stream.linear.scatter [tilespmem:s6], [sflag:$0x5], $0x4000, $0x38;
	[tilespmem:$0x10800] =	vst v63  }
0x1d0: {  	_ =	swait.ge [sflag:s3], $0x4000  }
0x1d1: {  	[sflag:s3] =	ssyncset.done $0x0  }
0x1d2: {  	[sflag:s3] =	ssyncadd.s32 $0xFFFFC000  }
0x1d3: {  	_ =	sfence.sel $0x180000  }
0x1d4: {  	[bflag:$0x0] =	sbarrier.arrive $0xFFFF  }
0x1d5: {  	_ =	strace $0x90000056  }
0x1d6: {  	s31 =	stileid.u32;
	[bflag:$0x2] =	sbarrier.arrive $0xFFFF  }
0x1d7: {  	p0 =	sne.s32 s31, $0x0;
	s0 =	rddreg [dreg:$0x2]  }
0x1d8: {  	s0 =	sadd.s32 @!p0 $0x100000, s0  }
0x1d9: {  	[sflag:s0] =	ssyncadd.tile.s32 @!p0 $0x1;
	_ =	shalt  }
.Lfunc_end2:
_tile_overlayer_lowered:
.L_overlay_start_2:
0x1da: {  	(tag) =	ssettag $0x2  }
0x1db: {  	s0 =	rddreg [dreg:$0x0];
	s2 =	stileid.u32  }
0x1dc: {  	s1 =	rddreg [dreg:$0x1];
	p0 =	sne.s32 s2, $0x0  }
0x1dd: {  	s3 =	rddreg [dreg:$0x2];
	[bflag:$0x3] =	sbarrier.arrive $0xFFFF;
	s2 =	simm.s32 @!p0 $0x1C05  }
0x1de: {  	[timem:s3], [sflag:s2] =	dma.local @!p0 [hbm:s0], s1  }
0x1df: {  	s0 =	simm.s32 @!p0 $0x5  }
0x1e0: {  	_ =	swait.ge @!p0 [sflag:s0], s1  }
0x1e1: {  	s1 =	ssub.s32 @!p0 $0x0, s1;
	[sflag:s0] =	ssyncset.done @!p0 $0x0  }
0x1e2: {  	[sflag:s0] =	ssyncadd.s32 @!p0 s1  }
0x1e3: {  	[bflag:$0x3] =	sbarrier.arrive $0xFFFF  }
0x1e4: {  	_ =	shalt  }

</sc_bundles>
